<compile_context>
chip_gen: v7x
topology: tpu7x:2x2x1
jax: 0.10.2.dev20260603
libtpu: 0.0.44.dev20260713+nightly
codegen_flags: <defaults>
</compile_context>

<pallas_src>
import functools

import jax
import jax.numpy as jnp
from jax import lax
from jax.experimental import pallas as pl
from jax.experimental.pallas import tpu as pltpu
from jax.experimental.pallas import tpu_sc as plsc

NA = 10000
NE = 320000
F = 128
F2 = F // 2
G = 50
CUTOFF = 5.0
LOG2 = 0.6931471805599453
GWIDTH = CUTOFF / (G - 1)
GCOEFF = -0.5 / (GWIDTH * GWIDTH)

KTAB = 8192
DELTA = CUTOFF / KTAB
INV_DELTA = KTAB / CUTOFF
TROWS = KTAB + 8

NC = 2
NS = 16
NW = NC * NS
CH = 40
EPW = NE // NW
NCHUNK = EPW // CH
NROWS_IDX = NE // CH
PADC = 4
RPT = 624
TAIL = NA - RPT * NS


def _pre_body(r_ref, wa_ref, wd2_ref, bd2_ref, rf_ref, tab_ref):
    rf_ref[...] = jnp.dot(r_ref[...], wa_ref[...],
                          preferred_element_type=jnp.float32)
    dist = lax.broadcasted_iota(jnp.int32, (TROWS, 64), 0).astype(jnp.float32) * DELTA
    gpos = lax.broadcasted_iota(jnp.int32, (TROWS, 64), 1).astype(jnp.float32) * GWIDTH
    eexp = jnp.exp(GCOEFF * (dist - gpos) ** 2)
    tab_ref[...] = jnp.dot(eexp, wd2_ref[...],
                           preferred_element_type=jnp.float32) + bd2_ref[...]


_tc_pre = pl.pallas_call(
    _pre_body,
    out_shape=[
        jax.ShapeDtypeStruct((NA, F), jnp.float32),
        jax.ShapeDtypeStruct((TROWS, F), jnp.float32),
    ],
)


def _post_body(p0_ref, p1_ref, w1_ref, b1_ref, w2_ref, b2_ref, o_ref):
    y = p0_ref[...] + p1_ref[...]
    h = jnp.dot(y, w1_ref[...], preferred_element_type=jnp.float32) + b1_ref[...]
    h = jnp.maximum(h, 0.0) + jnp.log(1.0 + jnp.exp(-jnp.abs(h))) - LOG2
    o_ref[...] = jnp.dot(h, w2_ref[...],
                         preferred_element_type=jnp.float32) + b2_ref[...]


_tc_post = pl.pallas_call(
    _post_body,
    out_shape=jax.ShapeDtypeStruct((NA, F), jnp.float32),
)


@functools.cache
def _build_sc_main():
  mesh = plsc.VectorSubcoreMesh(core_axis_name="c", subcore_axis_name="s",
                                num_cores=NC, num_subcores=NS)

  @functools.partial(
      pl.kernel,
      out_type=jax.ShapeDtypeStruct((NC, NA, F), jnp.float32),
      mesh=mesh,
      scratch_types=[
          pltpu.VMEM((4, 3, CH), jnp.int32),
          pltpu.VMEM((4, CH), jnp.int32),
          pltpu.VMEM((4, CH), jnp.int32),
          pltpu.VMEM((4, CH, F), jnp.float32),
          pltpu.VMEM((4, CH, F), jnp.float32),
          pltpu.VMEM_SHARED((NA, F), jnp.float32),
      ] + [pltpu.SemaphoreType.DMA] * 12,
  )
  def _sc_main(idx3_hbm, tab_hbm, rf_hbm, zero_hbm, out_hbm,
               idx3_v, k_v, dst_v, rows_v, trows_v, acc_sh, *sems):
    c = lax.axis_index("c")
    s = lax.axis_index("s")
    sems_g = sems[0:4]
    sems_s = sems[4:8]
    sems_i = sems[8:12]

    pltpu.sync_copy(zero_hbm.at[pl.ds(s * RPT, RPT)],
                    acc_sh.at[pl.ds(s * RPT, RPT)])

    @pl.when(s == NS - 1)
    def _zero_tail():
      pltpu.sync_copy(zero_hbm.at[pl.ds(RPT * NS, TAIL)],
                      acc_sh.at[pl.ds(RPT * NS, TAIL)])

    plsc.subcore_barrier()

    wid = s * NC + c
    cbase = wid * NCHUNK
    tabc = tab_hbm
    rfc = rf_hbm

    def idx_fire(i, b):
      pltpu.async_copy(idx3_hbm.at[cbase + i], idx3_v.at[b], sems_i[b])

    def drain_i(b):
      pltpu.make_async_copy(idx3_hbm.at[cbase], idx3_v.at[b],
                            sems_i[b]).wait()

    def drain_s(b):
      pltpu.make_async_copy(rows_v.at[b], acc_sh.at[pl.ds(0, CH)],
                            sems_s[b]).wait()

    def drain_g(b):
      pltpu.make_async_copy(zero_hbm.at[pl.ds(0, CH)], rows_v.at[b],
                            sems_g[b]).wait()
      pltpu.make_async_copy(zero_hbm.at[pl.ds(0, CH)], trows_v.at[b],
                            sems_g[b]).wait()

    def prep(b):
      for off in (0, 16, CH - 16):
        sl = pl.ds(off, 16)
        t = lax.bitcast_convert_type(idx3_v[b, 2, sl],
                                     jnp.float32) * INV_DELTA + 0.5
        k_v[b, sl] = jnp.minimum(t.astype(jnp.int32), TROWS - 1)
        dst_v[b, sl] = idx3_v[b, 1, sl]
      pltpu.async_copy(rfc.at[idx3_v.at[b].at[0]], rows_v.at[b], sems_g[b])
      pltpu.async_copy(tabc.at[k_v.at[b]], trows_v.at[b], sems_g[b])

    def finish(b, next_i):
      drain_g(b)
      if next_i is not None:
        idx_fire(next_i, b)

      @pl.loop(0, CH)
      def _mul(e2):
        for l in range(F // 16):
          sl = pl.ds(l * 16, 16)
          rows_v[b, e2, sl] = rows_v[b, e2, sl] * trows_v[b, e2, sl]

      pltpu.async_copy(rows_v.at[b], acc_sh.at[dst_v.at[b]],
                       sems_s[b], add=True)

    idx_fire(0, 0)
    idx_fire(1, 1)
    idx_fire(2, 2)
    idx_fire(3, 3)
    drain_i(0)
    prep(0)
    drain_i(1)
    prep(1)
    drain_i(2)
    prep(2)
    drain_i(3)
    prep(3)
    finish(0, 4)
    finish(1, 5)

    @pl.loop(2, 2 * (NCHUNK // 2) - 2, step=4)
    def _chunk(t):
      drain_i(0)
      drain_s(0)
      prep(0)
      drain_i(1)
      drain_s(1)
      prep(1)
      finish(2, t + 4)
      finish(3, t + 5)
      drain_i(2)
      drain_s(2)
      prep(2)
      drain_i(3)
      drain_s(3)
      prep(3)
      finish(0, t + 6)
      finish(1, t + 7)

    drain_g(2)
    drain_g(3)
    drain_i(0)
    drain_i(1)
    drain_s(0)
    drain_s(1)

    plsc.subcore_barrier()
    pltpu.sync_copy(acc_sh.at[pl.ds(s * RPT, RPT)],
                    out_hbm.at[c, pl.ds(s * RPT, RPT)])

    @pl.when(s == NS - 1)
    def _out_tail():
      pltpu.sync_copy(acc_sh.at[pl.ds(RPT * NS, TAIL)],
                      out_hbm.at[c, pl.ds(RPT * NS, TAIL)])

  return _sc_main


def kernel(r, e, a, Wd1, bd1, Wd2, bd2, Wa, W1, b1, W2, b2):
    del Wd1, bd1
    a = a.astype(jnp.int32)
    dbits = lax.bitcast_convert_type(e[:, 0], jnp.int32)
    idx3 = jnp.stack([a[:, 1].reshape(-1, CH), a[:, 0].reshape(-1, CH),
                      dbits.reshape(-1, CH)], axis=1)
    idx3 = jnp.concatenate(
        [idx3, jnp.zeros((PADC, 3, CH), jnp.int32)], axis=0)
    wd2p = jnp.zeros((64, F), jnp.float32).at[:G].set(Wd2)
    rf2, tab2 = _tc_pre(r, Wa, wd2p, bd2.reshape(1, F))
    zeros = jnp.zeros((NA, F), jnp.float32)
    part = _build_sc_main()(idx3, tab2, rf2, zeros)
    return _tc_post(part[0], part[1], W1, b1.reshape(1, F),
                    W2, b2.reshape(1, F))

# --- scband reference (transcript-rebuilt; emitter-appended) ---
"""Pipeline reference for scband-interaction-block-48902497632897 (READ-ONLY COPY).

The authoritative reference and input builder live on the scoring server;
editing this copy changes nothing except your own understanding.
"""

import jax, jax.numpy as jnp
import numpy as np

N_ATOMS = 10000
N_EDGES = 320000
N_ATOM_BASIS = 128
N_FILTERS = 128
N_GAUSSIANS = 50
CUTOFF = 5.0
LOG2 = float(np.log(2.0))


def shifted_softplus(x):
    return jax.nn.softplus(x) - LOG2


def gaussian_smearing_graph(e):
    # e: [E, 1] distances -> [E, n_gaussians]
    offset = jnp.linspace(0.0, CUTOFF, N_GAUSSIANS)
    width = offset[1] - offset[0]
    coeff = -0.5 / (width ** 2)
    diff = e - offset[None, :]  # [E,1] - [G] -> [E,G]
    return jnp.exp(coeff * diff ** 2)


def setup_inputs(seed: int = 0) -> dict:
    key = jax.random.key(seed)
    ks = jax.random.split(key, 12)
    r = jax.random.normal(ks[0], (N_ATOMS, N_ATOM_BASIS), dtype=jnp.float32)
    e = jax.random.uniform(ks[1], (N_EDGES, 1), dtype=jnp.float32) * CUTOFF
    a = jax.random.randint(ks[2], (N_EDGES, 2), 0, N_ATOMS, dtype=jnp.int64)
    s = 1.0 / np.sqrt(N_GAUSSIANS)
    Wd1 = jax.random.normal(ks[3], (N_GAUSSIANS, N_GAUSSIANS), dtype=jnp.float32) * s
    bd1 = jnp.zeros((N_GAUSSIANS,), dtype=jnp.float32)
    Wd2 = jax.random.normal(ks[4], (N_GAUSSIANS, N_FILTERS), dtype=jnp.float32) * s
    bd2 = jnp.zeros((N_FILTERS,), dtype=jnp.float32)
    sa = 1.0 / np.sqrt(N_ATOM_BASIS)
    Wa = jax.random.normal(ks[5], (N_ATOM_BASIS, N_FILTERS), dtype=jnp.float32) * sa
    W1 = jax.random.normal(ks[6], (N_FILTERS, N_ATOM_BASIS), dtype=jnp.float32) * sa
    b1 = jnp.zeros((N_ATOM_BASIS,), dtype=jnp.float32)
    W2 = jax.random.normal(ks[7], (N_ATOM_BASIS, N_ATOM_BASIS), dtype=jnp.float32) * sa
    b2 = jnp.zeros((N_ATOM_BASIS,), dtype=jnp.float32)
    return {"r": r, "e": e, "a": a, "Wd1": Wd1, "bd1": bd1, "Wd2": Wd2, "bd2": bd2,
            "Wa": Wa, "W1": W1, "b1": b1, "W2": W2, "b2": b2}


def reference(r, e, a, Wd1, bd1, Wd2, bd2, Wa, W1, b1, W2, b2):
    # graph branch (a is not None) of InteractionBlock.forward
    e_exp = gaussian_smearing_graph(e)                       # [E, G]
    W_ = shifted_softplus(e_exp @ Wd1 + bd1)                 # dead (overwritten in original)
    W_ = e_exp @ Wd2 + bd2                                   # [E, F] -- original bug: Filter2 applied to e, not W
    r_f = r @ Wa                                             # [N, F] (no bias)
    y = r_f[a[:, 1]]                                         # gather src node features [E, F]
    y = y * W_                                               # [E, F]
    y = jax.ops.segment_sum(y, a[:, 0], num_segments=N_ATOMS)  # scatter_add -> [N, F]
    y = shifted_softplus(y @ W1 + b1)                        # Dense1
    y = y @ W2 + b2                                          # Dense2 (no activation)
    return y

if __name__ == "__main__":
    import jax
    _d = setup_inputs()
    print(jax.jit(kernel)(*tuple(_d.values())))

</pallas_src>

<mosaic_0001>
#map = affine_map<(d0, d1) -> (0, 0, 0)>
#map1 = affine_map<(d0, d1) -> (0, 0)>
module attributes {stable_mosaic.version = 14 : i64} {
  func.func @_sc_main(%arg0: i32, %arg1: i32, %arg2: memref<8004x3x40xi32, #tpu.memory_space<hbm>>, %arg3: memref<8200x128xf32, #tpu.memory_space<hbm>>, %arg4: memref<10000x128xf32, #tpu.memory_space<hbm>>, %arg5: memref<10000x128xf32, #tpu.memory_space<hbm>>, %arg6: memref<2x10000x128xf32, #tpu.memory_space<hbm>>, %arg7: memref<4x3x40xi32, #tpu.memory_space<vmem>>, %arg8: memref<4x40xi32, #tpu.memory_space<vmem>>, %arg9: memref<4x40xi32, #tpu.memory_space<vmem>>, %arg10: memref<4x40x128xf32, #tpu.memory_space<vmem>>, %arg11: memref<4x40x128xf32, #tpu.memory_space<vmem>>, %arg12: memref<10000x128xf32, #tpu.memory_space<vmem_shared>>, %arg13: memref<!tpu.dma_semaphore, #tpu.memory_space<semaphore_mem>>, %arg14: memref<!tpu.dma_semaphore, #tpu.memory_space<semaphore_mem>>, %arg15: memref<!tpu.dma_semaphore, #tpu.memory_space<semaphore_mem>>, %arg16: memref<!tpu.dma_semaphore, #tpu.memory_space<semaphore_mem>>, %arg17: memref<!tpu.dma_semaphore, #tpu.memory_space<semaphore_mem>>, %arg18: memref<!tpu.dma_semaphore, #tpu.memory_space<semaphore_mem>>, %arg19: memref<!tpu.dma_semaphore, #tpu.memory_space<semaphore_mem>>, %arg20: memref<!tpu.dma_semaphore, #tpu.memory_space<semaphore_mem>>, %arg21: memref<!tpu.dma_semaphore, #tpu.memory_space<semaphore_mem>>, %arg22: memref<!tpu.dma_semaphore, #tpu.memory_space<semaphore_mem>>, %arg23: memref<!tpu.dma_semaphore, #tpu.memory_space<semaphore_mem>>, %arg24: memref<!tpu.dma_semaphore, #tpu.memory_space<semaphore_mem>>) attributes {dimension_semantics = [#tpu.dimension_semantics<core_parallel>, #tpu.dimension_semantics<subcore_parallel>], iteration_bounds = array<i64: 2, 16>, scalar_prefetch = 0 : i64, scratch_operands = 18 : i64, tpu.core_type = #tpu.core_type<sc_vector_subcore>, window_params = [{transform_indices = #map}, {transform_indices = #map1}, {transform_indices = #map1}, {transform_indices = #map1}, {transform_indices = #map}]} {
    %mul3A = arith.constant 624 : i32
    %mul3A_0 = arith.muli %arg1, %mul3A : i32
    %mul3A_1 = arith.constant 624 : i32
    %mul3A_2 = arith.muli %arg1, %mul3A_1 : i32
    "tpu.region"() ({
      %run_scoped3A = tpu.sem_alloc : memref<!tpu.dma_semaphore, #tpu.memory_space<semaphore_mem>>
      %dma_start3A_977 = arith.constant 0 : i32
      %dma_start3A_978 = tpu.memref_slice %arg12[%mul3A_2, %dma_start3A_977] : memref<10000x128xf32, #tpu.memory_space<vmem_shared>> -> memref<624x128xf32, #tpu.memory_space<vmem_shared>>
      %dma_start3A_979 = arith.constant 0 : i32
      %dma_start3A_980 = tpu.memref_slice %arg5[%mul3A_0, %dma_start3A_979] : memref<10000x128xf32, #tpu.memory_space<hbm>> -> memref<624x128xf32, #tpu.memory_space<hbm>>
      tpu.enqueue_dma source(%dma_start3A_980 : memref<624x128xf32, #tpu.memory_space<hbm>>) target(%dma_start3A_978 : memref<624x128xf32, #tpu.memory_space<vmem_shared>>) target_semaphore(%run_scoped3A : memref<!tpu.dma_semaphore, #tpu.memory_space<semaphore_mem>>)
      %dma_wait3A_981 = arith.constant 0 : i32
      %dma_wait3A_982 = tpu.memref_slice %arg12[%mul3A_2, %dma_wait3A_981] : memref<10000x128xf32, #tpu.memory_space<vmem_shared>> -> memref<624x128xf32, #tpu.memory_space<vmem_shared>>
      %dma_wait3A_983 = arith.constant 0 : i32
      %dma_wait3A_984 = tpu.memref_slice %arg5[%mul3A_0, %dma_wait3A_983] : memref<10000x128xf32, #tpu.memory_space<hbm>> -> memref<624x128xf32, #tpu.memory_space<hbm>>
      tpu.wait_dma2 semaphore(%run_scoped3A : memref<!tpu.dma_semaphore, #tpu.memory_space<semaphore_mem>>) src(%dma_wait3A_984 : memref<624x128xf32, #tpu.memory_space<hbm>>) dst(%dma_wait3A_982 : memref<624x128xf32, #tpu.memory_space<vmem_shared>>)
      tpu.yield
    }) : () -> ()
    %eq3A = arith.constant 15 : i32
    %eq3A_3 = arith.cmpi eq, %arg1, %eq3A : i32
    %convert_element_type3A = arith.extui %eq3A_3 : i1 to i32
    %cond3A = arith.constant 0 : i32
    %cond3A_4 = arith.cmpi ne, %convert_element_type3A, %cond3A : i32
    scf.if %cond3A_4 {
      "tpu.region"() ({
        %run_scoped3A = tpu.sem_alloc : memref<!tpu.dma_semaphore, #tpu.memory_space<semaphore_mem>>
        %dma_start3A_977 = arith.constant 9984 : i32
        %dma_start3A_978 = arith.constant 0 : i32
        %dma_start3A_979 = tpu.memref_slice %arg12[%dma_start3A_977, %dma_start3A_978] : memref<10000x128xf32, #tpu.memory_space<vmem_shared>> -> memref<16x128xf32, #tpu.memory_space<vmem_shared>>
        %dma_start3A_980 = arith.constant 9984 : i32
        %dma_start3A_981 = arith.constant 0 : i32
        %dma_start3A_982 = tpu.memref_slice %arg5[%dma_start3A_980, %dma_start3A_981] : memref<10000x128xf32, #tpu.memory_space<hbm>> -> memref<16x128xf32, #tpu.memory_space<hbm>>
        tpu.enqueue_dma source(%dma_start3A_982 : memref<16x128xf32, #tpu.memory_space<hbm>>) target(%dma_start3A_979 : memref<16x128xf32, #tpu.memory_space<vmem_shared>>) target_semaphore(%run_scoped3A : memref<!tpu.dma_semaphore, #tpu.memory_space<semaphore_mem>>)
        %dma_wait3A_983 = arith.constant 9984 : i32
        %dma_wait3A_984 = arith.constant 0 : i32
        %dma_wait3A_985 = tpu.memref_slice %arg12[%dma_wait3A_983, %dma_wait3A_984] : memref<10000x128xf32, #tpu.memory_space<vmem_shared>> -> memref<16x128xf32, #tpu.memory_space<vmem_shared>>
        %dma_wait3A_986 = arith.constant 9984 : i32
        %dma_wait3A_987 = arith.constant 0 : i32
        %dma_wait3A_988 = tpu.memref_slice %arg5[%dma_wait3A_986, %dma_wait3A_987] : memref<10000x128xf32, #tpu.memory_space<hbm>> -> memref<16x128xf32, #tpu.memory_space<hbm>>
        tpu.wait_dma2 semaphore(%run_scoped3A : memref<!tpu.dma_semaphore, #tpu.memory_space<semaphore_mem>>) src(%dma_wait3A_988 : memref<16x128xf32, #tpu.memory_space<hbm>>) dst(%dma_wait3A_985 : memref<16x128xf32, #tpu.memory_space<vmem_shared>>)
        tpu.yield
      }) : () -> ()
    } else {
    }
    %barrier3A = arith.constant 0 : index
    tpu.barrier barrier_id(%barrier3A)
    %mul3A_5 = arith.constant 2 : i32
    %mul3A_6 = arith.muli %arg1, %mul3A_5 : i32
    %add3A = arith.addi %mul3A_6, %arg0 : i32
    %mul3A_7 = arith.constant 250 : i32
    %mul3A_8 = arith.muli %add3A, %mul3A_7 : i32
    %add3A_9 = arith.constant 0 : i32
    %add3A_10 = arith.addi %mul3A_8, %add3A_9 : i32
    %dma_start3A = arith.constant 0 : i32
    %dma_start3A_11 = arith.constant 0 : i32
    %dma_start3A_12 = arith.constant 0 : i32
    %dma_start3A_13 = tpu.memref_slice %arg7[%dma_start3A, %dma_start3A_11, %dma_start3A_12] : memref<4x3x40xi32, #tpu.memory_space<vmem>> -> memref<1x3x40xi32, #tpu.memory_space<vmem>>
    %dma_start3A_14 = tpu.memref_squeeze %dma_start3A_13 : memref<1x3x40xi32, #tpu.memory_space<vmem>> -> memref<3x40xi32, #tpu.memory_space<vmem>>
    %dma_start3A_15 = arith.constant 0 : i32
    %dma_start3A_16 = arith.constant 0 : i32
    %dma_start3A_17 = tpu.memref_slice %arg2[%add3A_10, %dma_start3A_15, %dma_start3A_16] : memref<8004x3x40xi32, #tpu.memory_space<hbm>> -> memref<1x3x40xi32, #tpu.memory_space<hbm>>
    %dma_start3A_18 = tpu.memref_squeeze %dma_start3A_17 : memref<1x3x40xi32, #tpu.memory_space<hbm>> -> memref<3x40xi32, #tpu.memory_space<hbm>>
    %dma_start3A_19 = arith.constant 0 : i32
    %dma_start3A_20 = arith.constant 0 : i32
    %dma_start3A_21 = tpu.memref_slice %arg7[%dma_start3A, %dma_start3A_19, %dma_start3A_20] : memref<4x3x40xi32, #tpu.memory_space<vmem>> -> memref<1x3x40xi32, #tpu.memory_space<vmem>>
    %dma_start3A_22 = tpu.memref_squeeze %dma_start3A_21 : memref<1x3x40xi32, #tpu.memory_space<vmem>> -> memref<3x40xi32, #tpu.memory_space<vmem>>
    %dma_start3A_23 = arith.constant 0 : i32
    %dma_start3A_24 = arith.constant 0 : i32
    %dma_start3A_25 = tpu.memref_slice %arg2[%add3A_10, %dma_start3A_23, %dma_start3A_24] : memref<8004x3x40xi32, #tpu.memory_space<hbm>> -> memref<1x3x40xi32, #tpu.memory_space<hbm>>
    %dma_start3A_26 = tpu.memref_squeeze %dma_start3A_25 : memref<1x3x40xi32, #tpu.memory_space<hbm>> -> memref<3x40xi32, #tpu.memory_space<hbm>>
    tpu.enqueue_dma source(%dma_start3A_26 : memref<3x40xi32, #tpu.memory_space<hbm>>) target(%dma_start3A_22 : memref<3x40xi32, #tpu.memory_space<vmem>>) target_semaphore(%arg21 : memref<!tpu.dma_semaphore, #tpu.memory_space<semaphore_mem>>)
    %add3A_27 = arith.constant 1 : i32
    %add3A_28 = arith.addi %mul3A_8, %add3A_27 : i32
    %dma_start3A_29 = arith.constant 1 : i32
    %dma_start3A_30 = arith.constant 0 : i32
    %dma_start3A_31 = arith.constant 0 : i32
    %dma_start3A_32 = tpu.memref_slice %arg7[%dma_start3A_29, %dma_start3A_30, %dma_start3A_31] : memref<4x3x40xi32, #tpu.memory_space<vmem>> -> memref<1x3x40xi32, #tpu.memory_space<vmem>>
    %dma_start3A_33 = tpu.memref_squeeze %dma_start3A_32 : memref<1x3x40xi32, #tpu.memory_space<vmem>> -> memref<3x40xi32, #tpu.memory_space<vmem>>
    %dma_start3A_34 = arith.constant 0 : i32
    %dma_start3A_35 = arith.constant 0 : i32
    %dma_start3A_36 = tpu.memref_slice %arg2[%add3A_28, %dma_start3A_34, %dma_start3A_35] : memref<8004x3x40xi32, #tpu.memory_space<hbm>> -> memref<1x3x40xi32, #tpu.memory_space<hbm>>
    %dma_start3A_37 = tpu.memref_squeeze %dma_start3A_36 : memref<1x3x40xi32, #tpu.memory_space<hbm>> -> memref<3x40xi32, #tpu.memory_space<hbm>>
    %dma_start3A_38 = arith.constant 0 : i32
    %dma_start3A_39 = arith.constant 0 : i32
    %dma_start3A_40 = tpu.memref_slice %arg7[%dma_start3A_29, %dma_start3A_38, %dma_start3A_39] : memref<4x3x40xi32, #tpu.memory_space<vmem>> -> memref<1x3x40xi32, #tpu.memory_space<vmem>>
    %dma_start3A_41 = tpu.memref_squeeze %dma_start3A_40 : memref<1x3x40xi32, #tpu.memory_space<vmem>> -> memref<3x40xi32, #tpu.memory_space<vmem>>
    %dma_start3A_42 = arith.constant 0 : i32
    %dma_start3A_43 = arith.constant 0 : i32
    %dma_start3A_44 = tpu.memref_slice %arg2[%add3A_28, %dma_start3A_42, %dma_start3A_43] : memref<8004x3x40xi32, #tpu.memory_space<hbm>> -> memref<1x3x40xi32, #tpu.memory_space<hbm>>
    %dma_start3A_45 = tpu.memref_squeeze %dma_start3A_44 : memref<1x3x40xi32, #tpu.memory_space<hbm>> -> memref<3x40xi32, #tpu.memory_space<hbm>>
    tpu.enqueue_dma source(%dma_start3A_45 : memref<3x40xi32, #tpu.memory_space<hbm>>) target(%dma_start3A_41 : memref<3x40xi32, #tpu.memory_space<vmem>>) target_semaphore(%arg22 : memref<!tpu.dma_semaphore, #tpu.memory_space<semaphore_mem>>)
    %add3A_46 = arith.constant 2 : i32
    %add3A_47 = arith.addi %mul3A_8, %add3A_46 : i32
    %dma_start3A_48 = arith.constant 2 : i32
    %dma_start3A_49 = arith.constant 0 : i32
    %dma_start3A_50 = arith.constant 0 : i32
    %dma_start3A_51 = tpu.memref_slice %arg7[%dma_start3A_48, %dma_start3A_49, %dma_start3A_50] : memref<4x3x40xi32, #tpu.memory_space<vmem>> -> memref<1x3x40xi32, #tpu.memory_space<vmem>>
    %dma_start3A_52 = tpu.memref_squeeze %dma_start3A_51 : memref<1x3x40xi32, #tpu.memory_space<vmem>> -> memref<3x40xi32, #tpu.memory_space<vmem>>
    %dma_start3A_53 = arith.constant 0 : i32
    %dma_start3A_54 = arith.constant 0 : i32
    %dma_start3A_55 = tpu.memref_slice %arg2[%add3A_47, %dma_start3A_53, %dma_start3A_54] : memref<8004x3x40xi32, #tpu.memory_space<hbm>> -> memref<1x3x40xi32, #tpu.memory_space<hbm>>
    %dma_start3A_56 = tpu.memref_squeeze %dma_start3A_55 : memref<1x3x40xi32, #tpu.memory_space<hbm>> -> memref<3x40xi32, #tpu.memory_space<hbm>>
    %dma_start3A_57 = arith.constant 0 : i32
    %dma_start3A_58 = arith.constant 0 : i32
    %dma_start3A_59 = tpu.memref_slice %arg7[%dma_start3A_48, %dma_start3A_57, %dma_start3A_58] : memref<4x3x40xi32, #tpu.memory_space<vmem>> -> memref<1x3x40xi32, #tpu.memory_space<vmem>>
    %dma_start3A_60 = tpu.memref_squeeze %dma_start3A_59 : memref<1x3x40xi32, #tpu.memory_space<vmem>> -> memref<3x40xi32, #tpu.memory_space<vmem>>
    %dma_start3A_61 = arith.constant 0 : i32
    %dma_start3A_62 = arith.constant 0 : i32
    %dma_start3A_63 = tpu.memref_slice %arg2[%add3A_47, %dma_start3A_61, %dma_start3A_62] : memref<8004x3x40xi32, #tpu.memory_space<hbm>> -> memref<1x3x40xi32, #tpu.memory_space<hbm>>
    %dma_start3A_64 = tpu.memref_squeeze %dma_start3A_63 : memref<1x3x40xi32, #tpu.memory_space<hbm>> -> memref<3x40xi32, #tpu.memory_space<hbm>>
    tpu.enqueue_dma source(%dma_start3A_64 : memref<3x40xi32, #tpu.memory_space<hbm>>) target(%dma_start3A_60 : memref<3x40xi32, #tpu.memory_space<vmem>>) target_semaphore(%arg23 : memref<!tpu.dma_semaphore, #tpu.memory_space<semaphore_mem>>)
    %add3A_65 = arith.constant 3 : i32
    %add3A_66 = arith.addi %mul3A_8, %add3A_65 : i32
    %dma_start3A_67 = arith.constant 3 : i32
    %dma_start3A_68 = arith.constant 0 : i32
    %dma_start3A_69 = arith.constant 0 : i32
    %dma_start3A_70 = tpu.memref_slice %arg7[%dma_start3A_67, %dma_start3A_68, %dma_start3A_69] : memref<4x3x40xi32, #tpu.memory_space<vmem>> -> memref<1x3x40xi32, #tpu.memory_space<vmem>>
    %dma_start3A_71 = tpu.memref_squeeze %dma_start3A_70 : memref<1x3x40xi32, #tpu.memory_space<vmem>> -> memref<3x40xi32, #tpu.memory_space<vmem>>
    %dma_start3A_72 = arith.constant 0 : i32
    %dma_start3A_73 = arith.constant 0 : i32
    %dma_start3A_74 = tpu.memref_slice %arg2[%add3A_66, %dma_start3A_72, %dma_start3A_73] : memref<8004x3x40xi32, #tpu.memory_space<hbm>> -> memref<1x3x40xi32, #tpu.memory_space<hbm>>
    %dma_start3A_75 = tpu.memref_squeeze %dma_start3A_74 : memref<1x3x40xi32, #tpu.memory_space<hbm>> -> memref<3x40xi32, #tpu.memory_space<hbm>>
    %dma_start3A_76 = arith.constant 0 : i32
    %dma_start3A_77 = arith.constant 0 : i32
    %dma_start3A_78 = tpu.memref_slice %arg7[%dma_start3A_67, %dma_start3A_76, %dma_start3A_77] : memref<4x3x40xi32, #tpu.memory_space<vmem>> -> memref<1x3x40xi32, #tpu.memory_space<vmem>>
    %dma_start3A_79 = tpu.memref_squeeze %dma_start3A_78 : memref<1x3x40xi32, #tpu.memory_space<vmem>> -> memref<3x40xi32, #tpu.memory_space<vmem>>
    %dma_start3A_80 = arith.constant 0 : i32
    %dma_start3A_81 = arith.constant 0 : i32
    %dma_start3A_82 = tpu.memref_slice %arg2[%add3A_66, %dma_start3A_80, %dma_start3A_81] : memref<8004x3x40xi32, #tpu.memory_space<hbm>> -> memref<1x3x40xi32, #tpu.memory_space<hbm>>
    %dma_start3A_83 = tpu.memref_squeeze %dma_start3A_82 : memref<1x3x40xi32, #tpu.memory_space<hbm>> -> memref<3x40xi32, #tpu.memory_space<hbm>>
    tpu.enqueue_dma source(%dma_start3A_83 : memref<3x40xi32, #tpu.memory_space<hbm>>) target(%dma_start3A_79 : memref<3x40xi32, #tpu.memory_space<vmem>>) target_semaphore(%arg24 : memref<!tpu.dma_semaphore, #tpu.memory_space<semaphore_mem>>)
    %dma_wait3A = arith.constant 0 : i32
    %dma_wait3A_84 = arith.constant 0 : i32
    %dma_wait3A_85 = arith.constant 0 : i32
    %dma_wait3A_86 = tpu.memref_slice %arg7[%dma_wait3A, %dma_wait3A_84, %dma_wait3A_85] : memref<4x3x40xi32, #tpu.memory_space<vmem>> -> memref<1x3x40xi32, #tpu.memory_space<vmem>>
    %dma_wait3A_87 = tpu.memref_squeeze %dma_wait3A_86 : memref<1x3x40xi32, #tpu.memory_space<vmem>> -> memref<3x40xi32, #tpu.memory_space<vmem>>
    %dma_wait3A_88 = arith.constant 0 : i32
    %dma_wait3A_89 = arith.constant 0 : i32
    %dma_wait3A_90 = tpu.memref_slice %arg2[%mul3A_8, %dma_wait3A_88, %dma_wait3A_89] : memref<8004x3x40xi32, #tpu.memory_space<hbm>> -> memref<1x3x40xi32, #tpu.memory_space<hbm>>
    %dma_wait3A_91 = tpu.memref_squeeze %dma_wait3A_90 : memref<1x3x40xi32, #tpu.memory_space<hbm>> -> memref<3x40xi32, #tpu.memory_space<hbm>>
    %dma_wait3A_92 = arith.constant 0 : i32
    %dma_wait3A_93 = arith.constant 0 : i32
    %dma_wait3A_94 = tpu.memref_slice %arg7[%dma_wait3A, %dma_wait3A_92, %dma_wait3A_93] : memref<4x3x40xi32, #tpu.memory_space<vmem>> -> memref<1x3x40xi32, #tpu.memory_space<vmem>>
    %dma_wait3A_95 = tpu.memref_squeeze %dma_wait3A_94 : memref<1x3x40xi32, #tpu.memory_space<vmem>> -> memref<3x40xi32, #tpu.memory_space<vmem>>
    %dma_wait3A_96 = arith.constant 0 : i32
    %dma_wait3A_97 = arith.constant 0 : i32
    %dma_wait3A_98 = tpu.memref_slice %arg2[%mul3A_8, %dma_wait3A_96, %dma_wait3A_97] : memref<8004x3x40xi32, #tpu.memory_space<hbm>> -> memref<1x3x40xi32, #tpu.memory_space<hbm>>
    %dma_wait3A_99 = tpu.memref_squeeze %dma_wait3A_98 : memref<1x3x40xi32, #tpu.memory_space<hbm>> -> memref<3x40xi32, #tpu.memory_space<hbm>>
    tpu.wait_dma2 semaphore(%arg21 : memref<!tpu.dma_semaphore, #tpu.memory_space<semaphore_mem>>) src(%dma_wait3A_99 : memref<3x40xi32, #tpu.memory_space<hbm>>) dst(%dma_wait3A_95 : memref<3x40xi32, #tpu.memory_space<vmem>>)
    %get3A = arith.constant 0 : i32
    %get3A_100 = arith.constant 2 : i32
    %get3A_101 = arith.index_cast %get3A : i32 to index
    %get3A_102 = arith.index_cast %get3A_100 : i32 to index
    %get3A_103 = arith.constant 0 : index
    %get3A_104 = tpu.vector_load %arg7[%get3A_101, %get3A_102, %get3A_103] {strides = array<i32>} : memref<4x3x40xi32, #tpu.memory_space<vmem>>, vector<1x1x16xi32>,
    %get3A_105 = vector.shape_cast %get3A_104 : vector<1x1x16xi32> to vector<16xi32>
    %bitcast_convert_type3A = tpu.bitcast %get3A_105 : vector<16xi32> -> vector<16xf32>
    %mul3A_106 = arith.constant 1.638400e+03 : f32
    %mul3A_107 = vector.broadcast %mul3A_106 : f32 to vector<16xf32>
    %mul3A_108 = arith.mulf %bitcast_convert_type3A, %mul3A_107 : vector<16xf32>
    %add3A_109 = arith.constant 5.000000e-01 : f32
    %add3A_110 = vector.broadcast %add3A_109 : f32 to vector<16xf32>
    %add3A_111 = arith.addf %mul3A_108, %add3A_110 : vector<16xf32>
    %convert_element_type3A_112 = arith.fptosi %add3A_111 : vector<16xf32> to vector<16xi32>
    %min3A = arith.constant 8199 : i32
    %min3A_113 = vector.broadcast %min3A : i32 to vector<16xi32>
    %min3A_114 = arith.minsi %convert_element_type3A_112, %min3A_113 : vector<16xi32>
    %swap3A = arith.constant 0 : i32
    %swap3A_115 = arith.index_cast %swap3A : i32 to index
    %swap3A_116 = arith.constant 0 : index
    %swap3A_117 = tpu.vector_load %arg8[%swap3A_115, %swap3A_116] {strides = array<i32>} : memref<4x40xi32, #tpu.memory_space<vmem>>, vector<1x16xi32>,
    %swap3A_118 = vector.shape_cast %swap3A_117 : vector<1x16xi32> to vector<16xi32>
    %swap3A_119 = vector.shape_cast %min3A_114 : vector<16xi32> to vector<1x16xi32>
    tpu.vector_store %arg8[%swap3A_115, %swap3A_116], %swap3A_119 {strides = array<i32>} : memref<4x40xi32, #tpu.memory_space<vmem>>, vector<1x16xi32>,
    %get3A_120 = arith.constant 0 : i32
    %get3A_121 = arith.constant 1 : i32
    %get3A_122 = arith.index_cast %get3A_120 : i32 to index
    %get3A_123 = arith.index_cast %get3A_121 : i32 to index
    %get3A_124 = arith.constant 0 : index
    %get3A_125 = tpu.vector_load %arg7[%get3A_122, %get3A_123, %get3A_124] {strides = array<i32>} : memref<4x3x40xi32, #tpu.memory_space<vmem>>, vector<1x1x16xi32>,
    %get3A_126 = vector.shape_cast %get3A_125 : vector<1x1x16xi32> to vector<16xi32>
    %swap3A_127 = arith.constant 0 : i32
    %swap3A_128 = arith.index_cast %swap3A_127 : i32 to index
    %swap3A_129 = arith.constant 0 : index
    %swap3A_130 = tpu.vector_load %arg9[%swap3A_128, %swap3A_129] {strides = array<i32>} : memref<4x40xi32, #tpu.memory_space<vmem>>, vector<1x16xi32>,
    %swap3A_131 = vector.shape_cast %swap3A_130 : vector<1x16xi32> to vector<16xi32>
    %swap3A_132 = vector.shape_cast %get3A_126 : vector<16xi32> to vector<1x16xi32>
    tpu.vector_store %arg9[%swap3A_128, %swap3A_129], %swap3A_132 {strides = array<i32>} : memref<4x40xi32, #tpu.memory_space<vmem>>, vector<1x16xi32>,
    %get3A_133 = arith.constant 0 : i32
    %get3A_134 = arith.constant 2 : i32
    %get3A_135 = arith.index_cast %get3A_133 : i32 to index
    %get3A_136 = arith.index_cast %get3A_134 : i32 to index
    %get3A_137 = arith.constant 16 : index
    %get3A_138 = tpu.vector_load %arg7[%get3A_135, %get3A_136, %get3A_137] {strides = array<i32>} : memref<4x3x40xi32, #tpu.memory_space<vmem>>, vector<1x1x16xi32>,
    %get3A_139 = vector.shape_cast %get3A_138 : vector<1x1x16xi32> to vector<16xi32>
    %bitcast_convert_type3A_140 = tpu.bitcast %get3A_139 : vector<16xi32> -> vector<16xf32>
    %mul3A_141 = arith.constant 1.638400e+03 : f32
    %mul3A_142 = vector.broadcast %mul3A_141 : f32 to vector<16xf32>
    %mul3A_143 = arith.mulf %bitcast_convert_type3A_140, %mul3A_142 : vector<16xf32>
    %add3A_144 = arith.constant 5.000000e-01 : f32
    %add3A_145 = vector.broadcast %add3A_144 : f32 to vector<16xf32>
    %add3A_146 = arith.addf %mul3A_143, %add3A_145 : vector<16xf32>
    %convert_element_type3A_147 = arith.fptosi %add3A_146 : vector<16xf32> to vector<16xi32>
    %min3A_148 = arith.constant 8199 : i32
    %min3A_149 = vector.broadcast %min3A_148 : i32 to vector<16xi32>
    %min3A_150 = arith.minsi %convert_element_type3A_147, %min3A_149 : vector<16xi32>
    %swap3A_151 = arith.constant 0 : i32
    %swap3A_152 = arith.index_cast %swap3A_151 : i32 to index
    %swap3A_153 = arith.constant 16 : index
    %swap3A_154 = tpu.vector_load %arg8[%swap3A_152, %swap3A_153] {strides = array<i32>} : memref<4x40xi32, #tpu.memory_space<vmem>>, vector<1x16xi32>,
    %swap3A_155 = vector.shape_cast %swap3A_154 : vector<1x16xi32> to vector<16xi32>
    %swap3A_156 = vector.shape_cast %min3A_150 : vector<16xi32> to vector<1x16xi32>
    tpu.vector_store %arg8[%swap3A_152, %swap3A_153], %swap3A_156 {strides = array<i32>} : memref<4x40xi32, #tpu.memory_space<vmem>>, vector<1x16xi32>,
    %get3A_157 = arith.constant 0 : i32
    %get3A_158 = arith.constant 1 : i32
    %get3A_159 = arith.index_cast %get3A_157 : i32 to index
    %get3A_160 = arith.index_cast %get3A_158 : i32 to index
    %get3A_161 = arith.constant 16 : index
    %get3A_162 = tpu.vector_load %arg7[%get3A_159, %get3A_160, %get3A_161] {strides = array<i32>} : memref<4x3x40xi32, #tpu.memory_space<vmem>>, vector<1x1x16xi32>,
    %get3A_163 = vector.shape_cast %get3A_162 : vector<1x1x16xi32> to vector<16xi32>
    %swap3A_164 = arith.constant 0 : i32
    %swap3A_165 = arith.index_cast %swap3A_164 : i32 to index
    %swap3A_166 = arith.constant 16 : index
    %swap3A_167 = tpu.vector_load %arg9[%swap3A_165, %swap3A_166] {strides = array<i32>} : memref<4x40xi32, #tpu.memory_space<vmem>>, vector<1x16xi32>,
    %swap3A_168 = vector.shape_cast %swap3A_167 : vector<1x16xi32> to vector<16xi32>
    %swap3A_169 = vector.shape_cast %get3A_163 : vector<16xi32> to vector<1x16xi32>
    tpu.vector_store %arg9[%swap3A_165, %swap3A_166], %swap3A_169 {strides = array<i32>} : memref<4x40xi32, #tpu.memory_space<vmem>>, vector<1x16xi32>,
    %get3A_170 = arith.constant 0 : i32
    %get3A_171 = arith.constant 2 : i32
    %get3A_172 = arith.index_cast %get3A_170 : i32 to index
    %get3A_173 = arith.index_cast %get3A_171 : i32 to index
    %get3A_174 = arith.constant 24 : index
    %get3A_175 = tpu.vector_load %arg7[%get3A_172, %get3A_173, %get3A_174] {strides = array<i32>} : memref<4x3x40xi32, #tpu.memory_space<vmem>>, vector<1x1x16xi32>,
    %get3A_176 = vector.shape_cast %get3A_175 : vector<1x1x16xi32> to vector<16xi32>
    %bitcast_convert_type3A_177 = tpu.bitcast %get3A_176 : vector<16xi32> -> vector<16xf32>
    %mul3A_178 = arith.constant 1.638400e+03 : f32
    %mul3A_179 = vector.broadcast %mul3A_178 : f32 to vector<16xf32>
    %mul3A_180 = arith.mulf %bitcast_convert_type3A_177, %mul3A_179 : vector<16xf32>
    %add3A_181 = arith.constant 5.000000e-01 : f32
    %add3A_182 = vector.broadcast %add3A_181 : f32 to vector<16xf32>
    %add3A_183 = arith.addf %mul3A_180, %add3A_182 : vector<16xf32>
    %convert_element_type3A_184 = arith.fptosi %add3A_183 : vector<16xf32> to vector<16xi32>
    %min3A_185 = arith.constant 8199 : i32
    %min3A_186 = vector.broadcast %min3A_185 : i32 to vector<16xi32>
    %min3A_187 = arith.minsi %convert_element_type3A_184, %min3A_186 : vector<16xi32>
    %swap3A_188 = arith.constant 0 : i32
    %swap3A_189 = arith.index_cast %swap3A_188 : i32 to index
    %swap3A_190 = arith.constant 24 : index
    %swap3A_191 = tpu.vector_load %arg8[%swap3A_189, %swap3A_190] {strides = array<i32>} : memref<4x40xi32, #tpu.memory_space<vmem>>, vector<1x16xi32>,
    %swap3A_192 = vector.shape_cast %swap3A_191 : vector<1x16xi32> to vector<16xi32>
    %swap3A_193 = vector.shape_cast %min3A_187 : vector<16xi32> to vector<1x16xi32>
    tpu.vector_store %arg8[%swap3A_189, %swap3A_190], %swap3A_193 {strides = array<i32>} : memref<4x40xi32, #tpu.memory_space<vmem>>, vector<1x16xi32>,
    %get3A_194 = arith.constant 0 : i32
    %get3A_195 = arith.constant 1 : i32
    %get3A_196 = arith.index_cast %get3A_194 : i32 to index
    %get3A_197 = arith.index_cast %get3A_195 : i32 to index
    %get3A_198 = arith.constant 24 : index
    %get3A_199 = tpu.vector_load %arg7[%get3A_196, %get3A_197, %get3A_198] {strides = array<i32>} : memref<4x3x40xi32, #tpu.memory_space<vmem>>, vector<1x1x16xi32>,
    %get3A_200 = vector.shape_cast %get3A_199 : vector<1x1x16xi32> to vector<16xi32>
    %swap3A_201 = arith.constant 0 : i32
    %swap3A_202 = arith.index_cast %swap3A_201 : i32 to index
    %swap3A_203 = arith.constant 24 : index
    %swap3A_204 = tpu.vector_load %arg9[%swap3A_202, %swap3A_203] {strides = array<i32>} : memref<4x40xi32, #tpu.memory_space<vmem>>, vector<1x16xi32>,
    %swap3A_205 = vector.shape_cast %swap3A_204 : vector<1x16xi32> to vector<16xi32>
    %swap3A_206 = vector.shape_cast %get3A_200 : vector<16xi32> to vector<1x16xi32>
    tpu.vector_store %arg9[%swap3A_202, %swap3A_203], %swap3A_206 {strides = array<i32>} : memref<4x40xi32, #tpu.memory_space<vmem>>, vector<1x16xi32>,
    %dma_start3A_207 = arith.constant 0 : i32
    %dma_start3A_208 = arith.constant 0 : i32
    %dma_start3A_209 = arith.constant 0 : i32
    %dma_start3A_210 = arith.constant 0 : i32
    %dma_start3A_211 = arith.constant 0 : i32
    %dma_start3A_212 = tpu.memref_slice %arg10[%dma_start3A_209, %dma_start3A_210, %dma_start3A_211] : memref<4x40x128xf32, #tpu.memory_space<vmem>> -> memref<1x40x128xf32, #tpu.memory_space<vmem>>
    %dma_start3A_213 = tpu.memref_squeeze %dma_start3A_212 : memref<1x40x128xf32, #tpu.memory_space<vmem>> -> memref<40x128xf32, #tpu.memory_space<vmem>>
    %dma_start3A_214 = arith.constant 0 : i32
    %dma_start3A_215 = arith.constant 0 : i32
    %dma_start3A_216 = tpu.memref_slice %arg7[%dma_start3A_207, %dma_start3A_214, %dma_start3A_215] : memref<4x3x40xi32, #tpu.memory_space<vmem>> -> memref<1x3x40xi32, #tpu.memory_space<vmem>>
    %dma_start3A_217 = tpu.memref_squeeze %dma_start3A_216 : memref<1x3x40xi32, #tpu.memory_space<vmem>> -> memref<3x40xi32, #tpu.memory_space<vmem>>
    %dma_start3A_218 = arith.constant 0 : i32
    %dma_start3A_219 = tpu.memref_slice %dma_start3A_217[%dma_start3A_208, %dma_start3A_218] : memref<3x40xi32, #tpu.memory_space<vmem>> -> memref<1x40xi32, #tpu.memory_space<vmem>>
    %dma_start3A_220 = tpu.memref_squeeze %dma_start3A_219 : memref<1x40xi32, #tpu.memory_space<vmem>> -> memref<40xi32, #tpu.memory_space<vmem>>
    %dma_start3A_221 = arith.constant 0 : i32
    %dma_start3A_222 = arith.constant 0 : i32
    %dma_start3A_223 = tpu.memref_slice %arg4[%dma_start3A_221, %dma_start3A_222] : memref<10000x128xf32, #tpu.memory_space<hbm>> -> memref<10000x128xf32, #tpu.memory_space<hbm>>
    tpu.enqueue_indirect_dma source(%dma_start3A_223 : memref<10000x128xf32, #tpu.memory_space<hbm>>) target(%dma_start3A_213 : memref<40x128xf32, #tpu.memory_space<vmem>>) offsets(%dma_start3A_220 : memref<40xi32, #tpu.memory_space<vmem>>) semaphore(%arg13 : memref<!tpu.dma_semaphore, #tpu.memory_space<semaphore_mem>>)
    %dma_start3A_224 = arith.constant 0 : i32
    %dma_start3A_225 = arith.constant 0 : i32
    %dma_start3A_226 = arith.constant 0 : i32
    %dma_start3A_227 = arith.constant 0 : i32
    %dma_start3A_228 = tpu.memref_slice %arg11[%dma_start3A_225, %dma_start3A_226, %dma_start3A_227] : memref<4x40x128xf32, #tpu.memory_space<vmem>> -> memref<1x40x128xf32, #tpu.memory_space<vmem>>
    %dma_start3A_229 = tpu.memref_squeeze %dma_start3A_228 : memref<1x40x128xf32, #tpu.memory_space<vmem>> -> memref<40x128xf32, #tpu.memory_space<vmem>>
    %dma_start3A_230 = arith.constant 0 : i32
    %dma_start3A_231 = tpu.memref_slice %arg8[%dma_start3A_224, %dma_start3A_230] : memref<4x40xi32, #tpu.memory_space<vmem>> -> memref<1x40xi32, #tpu.memory_space<vmem>>
    %dma_start3A_232 = tpu.memref_squeeze %dma_start3A_231 : memref<1x40xi32, #tpu.memory_space<vmem>> -> memref<40xi32, #tpu.memory_space<vmem>>
    %dma_start3A_233 = arith.constant 0 : i32
    %dma_start3A_234 = arith.constant 0 : i32
    %dma_start3A_235 = tpu.memref_slice %arg3[%dma_start3A_233, %dma_start3A_234] : memref<8200x128xf32, #tpu.memory_space<hbm>> -> memref<8200x128xf32, #tpu.memory_space<hbm>>
    tpu.enqueue_indirect_dma source(%dma_start3A_235 : memref<8200x128xf32, #tpu.memory_space<hbm>>) target(%dma_start3A_229 : memref<40x128xf32, #tpu.memory_space<vmem>>) offsets(%dma_start3A_232 : memref<40xi32, #tpu.memory_space<vmem>>) semaphore(%arg13 : memref<!tpu.dma_semaphore, #tpu.memory_space<semaphore_mem>>)
    %dma_wait3A_236 = arith.constant 1 : i32
    %dma_wait3A_237 = arith.constant 0 : i32
    %dma_wait3A_238 = arith.constant 0 : i32
    %dma_wait3A_239 = tpu.memref_slice %arg7[%dma_wait3A_236, %dma_wait3A_237, %dma_wait3A_238] : memref<4x3x40xi32, #tpu.memory_space<vmem>> -> memref<1x3x40xi32, #tpu.memory_space<vmem>>
    %dma_wait3A_240 = tpu.memref_squeeze %dma_wait3A_239 : memref<1x3x40xi32, #tpu.memory_space<vmem>> -> memref<3x40xi32, #tpu.memory_space<vmem>>
    %dma_wait3A_241 = arith.constant 0 : i32
    %dma_wait3A_242 = arith.constant 0 : i32
    %dma_wait3A_243 = tpu.memref_slice %arg2[%mul3A_8, %dma_wait3A_241, %dma_wait3A_242] : memref<8004x3x40xi32, #tpu.memory_space<hbm>> -> memref<1x3x40xi32, #tpu.memory_space<hbm>>
    %dma_wait3A_244 = tpu.memref_squeeze %dma_wait3A_243 : memref<1x3x40xi32, #tpu.memory_space<hbm>> -> memref<3x40xi32, #tpu.memory_space<hbm>>
    %dma_wait3A_245 = arith.constant 0 : i32
    %dma_wait3A_246 = arith.constant 0 : i32
    %dma_wait3A_247 = tpu.memref_slice %arg7[%dma_wait3A_236, %dma_wait3A_245, %dma_wait3A_246] : memref<4x3x40xi32, #tpu.memory_space<vmem>> -> memref<1x3x40xi32, #tpu.memory_space<vmem>>
    %dma_wait3A_248 = tpu.memref_squeeze %dma_wait3A_247 : memref<1x3x40xi32, #tpu.memory_space<vmem>> -> memref<3x40xi32, #tpu.memory_space<vmem>>
    %dma_wait3A_249 = arith.constant 0 : i32
    %dma_wait3A_250 = arith.constant 0 : i32
    %dma_wait3A_251 = tpu.memref_slice %arg2[%mul3A_8, %dma_wait3A_249, %dma_wait3A_250] : memref<8004x3x40xi32, #tpu.memory_space<hbm>> -> memref<1x3x40xi32, #tpu.memory_space<hbm>>
    %dma_wait3A_252 = tpu.memref_squeeze %dma_wait3A_251 : memref<1x3x40xi32, #tpu.memory_space<hbm>> -> memref<3x40xi32, #tpu.memory_space<hbm>>
    tpu.wait_dma2 semaphore(%arg22 : memref<!tpu.dma_semaphore, #tpu.memory_space<semaphore_mem>>) src(%dma_wait3A_252 : memref<3x40xi32, #tpu.memory_space<hbm>>) dst(%dma_wait3A_248 : memref<3x40xi32, #tpu.memory_space<vmem>>)
    %get3A_253 = arith.constant 1 : i32
    %get3A_254 = arith.constant 2 : i32
    %get3A_255 = arith.index_cast %get3A_253 : i32 to index
    %get3A_256 = arith.index_cast %get3A_254 : i32 to index
    %get3A_257 = arith.constant 0 : index
    %get3A_258 = tpu.vector_load %arg7[%get3A_255, %get3A_256, %get3A_257] {strides = array<i32>} : memref<4x3x40xi32, #tpu.memory_space<vmem>>, vector<1x1x16xi32>,
    %get3A_259 = vector.shape_cast %get3A_258 : vector<1x1x16xi32> to vector<16xi32>
    %bitcast_convert_type3A_260 = tpu.bitcast %get3A_259 : vector<16xi32> -> vector<16xf32>
    %mul3A_261 = arith.constant 1.638400e+03 : f32
    %mul3A_262 = vector.broadcast %mul3A_261 : f32 to vector<16xf32>
    %mul3A_263 = arith.mulf %bitcast_convert_type3A_260, %mul3A_262 : vector<16xf32>
    %add3A_264 = arith.constant 5.000000e-01 : f32
    %add3A_265 = vector.broadcast %add3A_264 : f32 to vector<16xf32>
    %add3A_266 = arith.addf %mul3A_263, %add3A_265 : vector<16xf32>
    %convert_element_type3A_267 = arith.fptosi %add3A_266 : vector<16xf32> to vector<16xi32>
    %min3A_268 = arith.constant 8199 : i32
    %min3A_269 = vector.broadcast %min3A_268 : i32 to vector<16xi32>
    %min3A_270 = arith.minsi %convert_element_type3A_267, %min3A_269 : vector<16xi32>
    %swap3A_271 = arith.constant 1 : i32
    %swap3A_272 = arith.index_cast %swap3A_271 : i32 to index
    %swap3A_273 = arith.constant 0 : index
    %swap3A_274 = tpu.vector_load %arg8[%swap3A_272, %swap3A_273] {strides = array<i32>} : memref<4x40xi32, #tpu.memory_space<vmem>>, vector<1x16xi32>,
    %swap3A_275 = vector.shape_cast %swap3A_274 : vector<1x16xi32> to vector<16xi32>
    %swap3A_276 = vector.shape_cast %min3A_270 : vector<16xi32> to vector<1x16xi32>
    tpu.vector_store %arg8[%swap3A_272, %swap3A_273], %swap3A_276 {strides = array<i32>} : memref<4x40xi32, #tpu.memory_space<vmem>>, vector<1x16xi32>,
    %get3A_277 = arith.constant 1 : i32
    %get3A_278 = arith.constant 1 : i32
    %get3A_279 = arith.index_cast %get3A_277 : i32 to index
    %get3A_280 = arith.index_cast %get3A_278 : i32 to index
    %get3A_281 = arith.constant 0 : index
    %get3A_282 = tpu.vector_load %arg7[%get3A_279, %get3A_280, %get3A_281] {strides = array<i32>} : memref<4x3x40xi32, #tpu.memory_space<vmem>>, vector<1x1x16xi32>,
    %get3A_283 = vector.shape_cast %get3A_282 : vector<1x1x16xi32> to vector<16xi32>
    %swap3A_284 = arith.constant 1 : i32
    %swap3A_285 = arith.index_cast %swap3A_284 : i32 to index
    %swap3A_286 = arith.constant 0 : index
    %swap3A_287 = tpu.vector_load %arg9[%swap3A_285, %swap3A_286] {strides = array<i32>} : memref<4x40xi32, #tpu.memory_space<vmem>>, vector<1x16xi32>,
    %swap3A_288 = vector.shape_cast %swap3A_287 : vector<1x16xi32> to vector<16xi32>
    %swap3A_289 = vector.shape_cast %get3A_283 : vector<16xi32> to vector<1x16xi32>
    tpu.vector_store %arg9[%swap3A_285, %swap3A_286], %swap3A_289 {strides = array<i32>} : memref<4x40xi32, #tpu.memory_space<vmem>>, vector<1x16xi32>,
    %get3A_290 = arith.constant 1 : i32
    %get3A_291 = arith.constant 2 : i32
    %get3A_292 = arith.index_cast %get3A_290 : i32 to index
    %get3A_293 = arith.index_cast %get3A_291 : i32 to index
    %get3A_294 = arith.constant 16 : index
    %get3A_295 = tpu.vector_load %arg7[%get3A_292, %get3A_293, %get3A_294] {strides = array<i32>} : memref<4x3x40xi32, #tpu.memory_space<vmem>>, vector<1x1x16xi32>,
    %get3A_296 = vector.shape_cast %get3A_295 : vector<1x1x16xi32> to vector<16xi32>
    %bitcast_convert_type3A_297 = tpu.bitcast %get3A_296 : vector<16xi32> -> vector<16xf32>
    %mul3A_298 = arith.constant 1.638400e+03 : f32
    %mul3A_299 = vector.broadcast %mul3A_298 : f32 to vector<16xf32>
    %mul3A_300 = arith.mulf %bitcast_convert_type3A_297, %mul3A_299 : vector<16xf32>
    %add3A_301 = arith.constant 5.000000e-01 : f32
    %add3A_302 = vector.broadcast %add3A_301 : f32 to vector<16xf32>
    %add3A_303 = arith.addf %mul3A_300, %add3A_302 : vector<16xf32>
    %convert_element_type3A_304 = arith.fptosi %add3A_303 : vector<16xf32> to vector<16xi32>
    %min3A_305 = arith.constant 8199 : i32
    %min3A_306 = vector.broadcast %min3A_305 : i32 to vector<16xi32>
    %min3A_307 = arith.minsi %convert_element_type3A_304, %min3A_306 : vector<16xi32>
    %swap3A_308 = arith.constant 1 : i32
    %swap3A_309 = arith.index_cast %swap3A_308 : i32 to index
    %swap3A_310 = arith.constant 16 : index
    %swap3A_311 = tpu.vector_load %arg8[%swap3A_309, %swap3A_310] {strides = array<i32>} : memref<4x40xi32, #tpu.memory_space<vmem>>, vector<1x16xi32>,
    %swap3A_312 = vector.shape_cast %swap3A_311 : vector<1x16xi32> to vector<16xi32>
    %swap3A_313 = vector.shape_cast %min3A_307 : vector<16xi32> to vector<1x16xi32>
    tpu.vector_store %arg8[%swap3A_309, %swap3A_310], %swap3A_313 {strides = array<i32>} : memref<4x40xi32, #tpu.memory_space<vmem>>, vector<1x16xi32>,
    %get3A_314 = arith.constant 1 : i32
    %get3A_315 = arith.constant 1 : i32
    %get3A_316 = arith.index_cast %get3A_314 : i32 to index
    %get3A_317 = arith.index_cast %get3A_315 : i32 to index
    %get3A_318 = arith.constant 16 : index
    %get3A_319 = tpu.vector_load %arg7[%get3A_316, %get3A_317, %get3A_318] {strides = array<i32>} : memref<4x3x40xi32, #tpu.memory_space<vmem>>, vector<1x1x16xi32>,
    %get3A_320 = vector.shape_cast %get3A_319 : vector<1x1x16xi32> to vector<16xi32>
    %swap3A_321 = arith.constant 1 : i32
    %swap3A_322 = arith.index_cast %swap3A_321 : i32 to index
    %swap3A_323 = arith.constant 16 : index
    %swap3A_324 = tpu.vector_load %arg9[%swap3A_322, %swap3A_323] {strides = array<i32>} : memref<4x40xi32, #tpu.memory_space<vmem>>, vector<1x16xi32>,
    %swap3A_325 = vector.shape_cast %swap3A_324 : vector<1x16xi32> to vector<16xi32>
    %swap3A_326 = vector.shape_cast %get3A_320 : vector<16xi32> to vector<1x16xi32>
    tpu.vector_store %arg9[%swap3A_322, %swap3A_323], %swap3A_326 {strides = array<i32>} : memref<4x40xi32, #tpu.memory_space<vmem>>, vector<1x16xi32>,
    %get3A_327 = arith.constant 1 : i32
    %get3A_328 = arith.constant 2 : i32
    %get3A_329 = arith.index_cast %get3A_327 : i32 to index
    %get3A_330 = arith.index_cast %get3A_328 : i32 to index
    %get3A_331 = arith.constant 24 : index
    %get3A_332 = tpu.vector_load %arg7[%get3A_329, %get3A_330, %get3A_331] {strides = array<i32>} : memref<4x3x40xi32, #tpu.memory_space<vmem>>, vector<1x1x16xi32>,
    %get3A_333 = vector.shape_cast %get3A_332 : vector<1x1x16xi32> to vector<16xi32>
    %bitcast_convert_type3A_334 = tpu.bitcast %get3A_333 : vector<16xi32> -> vector<16xf32>
    %mul3A_335 = arith.constant 1.638400e+03 : f32
    %mul3A_336 = vector.broadcast %mul3A_335 : f32 to vector<16xf32>
    %mul3A_337 = arith.mulf %bitcast_convert_type3A_334, %mul3A_336 : vector<16xf32>
    %add3A_338 = arith.constant 5.000000e-01 : f32
    %add3A_339 = vector.broadcast %add3A_338 : f32 to vector<16xf32>
    %add3A_340 = arith.addf %mul3A_337, %add3A_339 : vector<16xf32>
    %convert_element_type3A_341 = arith.fptosi %add3A_340 : vector<16xf32> to vector<16xi32>
    %min3A_342 = arith.constant 8199 : i32
    %min3A_343 = vector.broadcast %min3A_342 : i32 to vector<16xi32>
    %min3A_344 = arith.minsi %convert_element_type3A_341, %min3A_343 : vector<16xi32>
    %swap3A_345 = arith.constant 1 : i32
    %swap3A_346 = arith.index_cast %swap3A_345 : i32 to index
    %swap3A_347 = arith.constant 24 : index
    %swap3A_348 = tpu.vector_load %arg8[%swap3A_346, %swap3A_347] {strides = array<i32>} : memref<4x40xi32, #tpu.memory_space<vmem>>, vector<1x16xi32>,
    %swap3A_349 = vector.shape_cast %swap3A_348 : vector<1x16xi32> to vector<16xi32>
    %swap3A_350 = vector.shape_cast %min3A_344 : vector<16xi32> to vector<1x16xi32>
    tpu.vector_store %arg8[%swap3A_346, %swap3A_347], %swap3A_350 {strides = array<i32>} : memref<4x40xi32, #tpu.memory_space<vmem>>, vector<1x16xi32>,
    %get3A_351 = arith.constant 1 : i32
    %get3A_352 = arith.constant 1 : i32
    %get3A_353 = arith.index_cast %get3A_351 : i32 to index
    %get3A_354 = arith.index_cast %get3A_352 : i32 to index
    %get3A_355 = arith.constant 24 : index
    %get3A_356 = tpu.vector_load %arg7[%get3A_353, %get3A_354, %get3A_355] {strides = array<i32>} : memref<4x3x40xi32, #tpu.memory_space<vmem>>, vector<1x1x16xi32>,
    %get3A_357 = vector.shape_cast %get3A_356 : vector<1x1x16xi32> to vector<16xi32>
    %swap3A_358 = arith.constant 1 : i32
    %swap3A_359 = arith.index_cast %swap3A_358 : i32 to index
    %swap3A_360 = arith.constant 24 : index
    %swap3A_361 = tpu.vector_load %arg9[%swap3A_359, %swap3A_360] {strides = array<i32>} : memref<4x40xi32, #tpu.memory_space<vmem>>, vector<1x16xi32>,
    %swap3A_362 = vector.shape_cast %swap3A_361 : vector<1x16xi32> to vector<16xi32>
    %swap3A_363 = vector.shape_cast %get3A_357 : vector<16xi32> to vector<1x16xi32>
    tpu.vector_store %arg9[%swap3A_359, %swap3A_360], %swap3A_363 {strides = array<i32>} : memref<4x40xi32, #tpu.memory_space<vmem>>, vector<1x16xi32>,
    %dma_start3A_364 = arith.constant 1 : i32
    %dma_start3A_365 = arith.constant 0 : i32
    %dma_start3A_366 = arith.constant 1 : i32
    %dma_start3A_367 = arith.constant 0 : i32
    %dma_start3A_368 = arith.constant 0 : i32
    %dma_start3A_369 = tpu.memref_slice %arg10[%dma_start3A_366, %dma_start3A_367, %dma_start3A_368] : memref<4x40x128xf32, #tpu.memory_space<vmem>> -> memref<1x40x128xf32, #tpu.memory_space<vmem>>
    %dma_start3A_370 = tpu.memref_squeeze %dma_start3A_369 : memref<1x40x128xf32, #tpu.memory_space<vmem>> -> memref<40x128xf32, #tpu.memory_space<vmem>>
    %dma_start3A_371 = arith.constant 0 : i32
    %dma_start3A_372 = arith.constant 0 : i32
    %dma_start3A_373 = tpu.memref_slice %arg7[%dma_start3A_364, %dma_start3A_371, %dma_start3A_372] : memref<4x3x40xi32, #tpu.memory_space<vmem>> -> memref<1x3x40xi32, #tpu.memory_space<vmem>>
    %dma_start3A_374 = tpu.memref_squeeze %dma_start3A_373 : memref<1x3x40xi32, #tpu.memory_space<vmem>> -> memref<3x40xi32, #tpu.memory_space<vmem>>
    %dma_start3A_375 = arith.constant 0 : i32
    %dma_start3A_376 = tpu.memref_slice %dma_start3A_374[%dma_start3A_365, %dma_start3A_375] : memref<3x40xi32, #tpu.memory_space<vmem>> -> memref<1x40xi32, #tpu.memory_space<vmem>>
    %dma_start3A_377 = tpu.memref_squeeze %dma_start3A_376 : memref<1x40xi32, #tpu.memory_space<vmem>> -> memref<40xi32, #tpu.memory_space<vmem>>
    %dma_start3A_378 = arith.constant 0 : i32
    %dma_start3A_379 = arith.constant 0 : i32
    %dma_start3A_380 = tpu.memref_slice %arg4[%dma_start3A_378, %dma_start3A_379] : memref<10000x128xf32, #tpu.memory_space<hbm>> -> memref<10000x128xf32, #tpu.memory_space<hbm>>
    tpu.enqueue_indirect_dma source(%dma_start3A_380 : memref<10000x128xf32, #tpu.memory_space<hbm>>) target(%dma_start3A_370 : memref<40x128xf32, #tpu.memory_space<vmem>>) offsets(%dma_start3A_377 : memref<40xi32, #tpu.memory_space<vmem>>) semaphore(%arg14 : memref<!tpu.dma_semaphore, #tpu.memory_space<semaphore_mem>>)
    %dma_start3A_381 = arith.constant 1 : i32
    %dma_start3A_382 = arith.constant 1 : i32
    %dma_start3A_383 = arith.constant 0 : i32
    %dma_start3A_384 = arith.constant 0 : i32
    %dma_start3A_385 = tpu.memref_slice %arg11[%dma_start3A_382, %dma_start3A_383, %dma_start3A_384] : memref<4x40x128xf32, #tpu.memory_space<vmem>> -> memref<1x40x128xf32, #tpu.memory_space<vmem>>
    %dma_start3A_386 = tpu.memref_squeeze %dma_start3A_385 : memref<1x40x128xf32, #tpu.memory_space<vmem>> -> memref<40x128xf32, #tpu.memory_space<vmem>>
    %dma_start3A_387 = arith.constant 0 : i32
    %dma_start3A_388 = tpu.memref_slice %arg8[%dma_start3A_381, %dma_start3A_387] : memref<4x40xi32, #tpu.memory_space<vmem>> -> memref<1x40xi32, #tpu.memory_space<vmem>>
    %dma_start3A_389 = tpu.memref_squeeze %dma_start3A_388 : memref<1x40xi32, #tpu.memory_space<vmem>> -> memref<40xi32, #tpu.memory_space<vmem>>
    %dma_start3A_390 = arith.constant 0 : i32
    %dma_start3A_391 = arith.constant 0 : i32
    %dma_start3A_392 = tpu.memref_slice %arg3[%dma_start3A_390, %dma_start3A_391] : memref<8200x128xf32, #tpu.memory_space<hbm>> -> memref<8200x128xf32, #tpu.memory_space<hbm>>
    tpu.enqueue_indirect_dma source(%dma_start3A_392 : memref<8200x128xf32, #tpu.memory_space<hbm>>) target(%dma_start3A_386 : memref<40x128xf32, #tpu.memory_space<vmem>>) offsets(%dma_start3A_389 : memref<40xi32, #tpu.memory_space<vmem>>) semaphore(%arg14 : memref<!tpu.dma_semaphore, #tpu.memory_space<semaphore_mem>>)
    %dma_wait3A_393 = arith.constant 2 : i32
    %dma_wait3A_394 = arith.constant 0 : i32
    %dma_wait3A_395 = arith.constant 0 : i32
    %dma_wait3A_396 = tpu.memref_slice %arg7[%dma_wait3A_393, %dma_wait3A_394, %dma_wait3A_395] : memref<4x3x40xi32, #tpu.memory_space<vmem>> -> memref<1x3x40xi32, #tpu.memory_space<vmem>>
    %dma_wait3A_397 = tpu.memref_squeeze %dma_wait3A_396 : memref<1x3x40xi32, #tpu.memory_space<vmem>> -> memref<3x40xi32, #tpu.memory_space<vmem>>
    %dma_wait3A_398 = arith.constant 0 : i32
    %dma_wait3A_399 = arith.constant 0 : i32
    %dma_wait3A_400 = tpu.memref_slice %arg2[%mul3A_8, %dma_wait3A_398, %dma_wait3A_399] : memref<8004x3x40xi32, #tpu.memory_space<hbm>> -> memref<1x3x40xi32, #tpu.memory_space<hbm>>
    %dma_wait3A_401 = tpu.memref_squeeze %dma_wait3A_400 : memref<1x3x40xi32, #tpu.memory_space<hbm>> -> memref<3x40xi32, #tpu.memory_space<hbm>>
    %dma_wait3A_402 = arith.constant 0 : i32
    %dma_wait3A_403 = arith.constant 0 : i32
    %dma_wait3A_404 = tpu.memref_slice %arg7[%dma_wait3A_393, %dma_wait3A_402, %dma_wait3A_403] : memref<4x3x40xi32, #tpu.memory_space<vmem>> -> memref<1x3x40xi32, #tpu.memory_space<vmem>>
    %dma_wait3A_405 = tpu.memref_squeeze %dma_wait3A_404 : memref<1x3x40xi32, #tpu.memory_space<vmem>> -> memref<3x40xi32, #tpu.memory_space<vmem>>
    %dma_wait3A_406 = arith.constant 0 : i32
    %dma_wait3A_407 = arith.constant 0 : i32
    %dma_wait3A_408 = tpu.memref_slice %arg2[%mul3A_8, %dma_wait3A_406, %dma_wait3A_407] : memref<8004x3x40xi32, #tpu.memory_space<hbm>> -> memref<1x3x40xi32, #tpu.memory_space<hbm>>
    %dma_wait3A_409 = tpu.memref_squeeze %dma_wait3A_408 : memref<1x3x40xi32, #tpu.memory_space<hbm>> -> memref<3x40xi32, #tpu.memory_space<hbm>>
    tpu.wait_dma2 semaphore(%arg23 : memref<!tpu.dma_semaphore, #tpu.memory_space<semaphore_mem>>) src(%dma_wait3A_409 : memref<3x40xi32, #tpu.memory_space<hbm>>) dst(%dma_wait3A_405 : memref<3x40xi32, #tpu.memory_space<vmem>>)
    %get3A_410 = arith.constant 2 : i32
    %get3A_411 = arith.constant 2 : i32
    %get3A_412 = arith.index_cast %get3A_410 : i32 to index
    %get3A_413 = arith.index_cast %get3A_411 : i32 to index
    %get3A_414 = arith.constant 0 : index
    %get3A_415 = tpu.vector_load %arg7[%get3A_412, %get3A_413, %get3A_414] {strides = array<i32>} : memref<4x3x40xi32, #tpu.memory_space<vmem>>, vector<1x1x16xi32>,
    %get3A_416 = vector.shape_cast %get3A_415 : vector<1x1x16xi32> to vector<16xi32>
    %bitcast_convert_type3A_417 = tpu.bitcast %get3A_416 : vector<16xi32> -> vector<16xf32>
    %mul3A_418 = arith.constant 1.638400e+03 : f32
    %mul3A_419 = vector.broadcast %mul3A_418 : f32 to vector<16xf32>
    %mul3A_420 = arith.mulf %bitcast_convert_type3A_417, %mul3A_419 : vector<16xf32>
    %add3A_421 = arith.constant 5.000000e-01 : f32
    %add3A_422 = vector.broadcast %add3A_421 : f32 to vector<16xf32>
    %add3A_423 = arith.addf %mul3A_420, %add3A_422 : vector<16xf32>
    %convert_element_type3A_424 = arith.fptosi %add3A_423 : vector<16xf32> to vector<16xi32>
    %min3A_425 = arith.constant 8199 : i32
    %min3A_426 = vector.broadcast %min3A_425 : i32 to vector<16xi32>
    %min3A_427 = arith.minsi %convert_element_type3A_424, %min3A_426 : vector<16xi32>
    %swap3A_428 = arith.constant 2 : i32
    %swap3A_429 = arith.index_cast %swap3A_428 : i32 to index
    %swap3A_430 = arith.constant 0 : index
    %swap3A_431 = tpu.vector_load %arg8[%swap3A_429, %swap3A_430] {strides = array<i32>} : memref<4x40xi32, #tpu.memory_space<vmem>>, vector<1x16xi32>,
    %swap3A_432 = vector.shape_cast %swap3A_431 : vector<1x16xi32> to vector<16xi32>
    %swap3A_433 = vector.shape_cast %min3A_427 : vector<16xi32> to vector<1x16xi32>
    tpu.vector_store %arg8[%swap3A_429, %swap3A_430], %swap3A_433 {strides = array<i32>} : memref<4x40xi32, #tpu.memory_space<vmem>>, vector<1x16xi32>,
    %get3A_434 = arith.constant 2 : i32
    %get3A_435 = arith.constant 1 : i32
    %get3A_436 = arith.index_cast %get3A_434 : i32 to index
    %get3A_437 = arith.index_cast %get3A_435 : i32 to index
    %get3A_438 = arith.constant 0 : index
    %get3A_439 = tpu.vector_load %arg7[%get3A_436, %get3A_437, %get3A_438] {strides = array<i32>} : memref<4x3x40xi32, #tpu.memory_space<vmem>>, vector<1x1x16xi32>,
    %get3A_440 = vector.shape_cast %get3A_439 : vector<1x1x16xi32> to vector<16xi32>
    %swap3A_441 = arith.constant 2 : i32
    %swap3A_442 = arith.index_cast %swap3A_441 : i32 to index
    %swap3A_443 = arith.constant 0 : index
    %swap3A_444 = tpu.vector_load %arg9[%swap3A_442, %swap3A_443] {strides = array<i32>} : memref<4x40xi32, #tpu.memory_space<vmem>>, vector<1x16xi32>,
    %swap3A_445 = vector.shape_cast %swap3A_444 : vector<1x16xi32> to vector<16xi32>
    %swap3A_446 = vector.shape_cast %get3A_440 : vector<16xi32> to vector<1x16xi32>
    tpu.vector_store %arg9[%swap3A_442, %swap3A_443], %swap3A_446 {strides = array<i32>} : memref<4x40xi32, #tpu.memory_space<vmem>>, vector<1x16xi32>,
    %get3A_447 = arith.constant 2 : i32
    %get3A_448 = arith.constant 2 : i32
    %get3A_449 = arith.index_cast %get3A_447 : i32 to index
    %get3A_450 = arith.index_cast %get3A_448 : i32 to index
    %get3A_451 = arith.constant 16 : index
    %get3A_452 = tpu.vector_load %arg7[%get3A_449, %get3A_450, %get3A_451] {strides = array<i32>} : memref<4x3x40xi32, #tpu.memory_space<vmem>>, vector<1x1x16xi32>,
    %get3A_453 = vector.shape_cast %get3A_452 : vector<1x1x16xi32> to vector<16xi32>
    %bitcast_convert_type3A_454 = tpu.bitcast %get3A_453 : vector<16xi32> -> vector<16xf32>
    %mul3A_455 = arith.constant 1.638400e+03 : f32
    %mul3A_456 = vector.broadcast %mul3A_455 : f32 to vector<16xf32>
    %mul3A_457 = arith.mulf %bitcast_convert_type3A_454, %mul3A_456 : vector<16xf32>
    %add3A_458 = arith.constant 5.000000e-01 : f32
    %add3A_459 = vector.broadcast %add3A_458 : f32 to vector<16xf32>
    %add3A_460 = arith.addf %mul3A_457, %add3A_459 : vector<16xf32>
    %convert_element_type3A_461 = arith.fptosi %add3A_460 : vector<16xf32> to vector<16xi32>
    %min3A_462 = arith.constant 8199 : i32
    %min3A_463 = vector.broadcast %min3A_462 : i32 to vector<16xi32>
    %min3A_464 = arith.minsi %convert_element_type3A_461, %min3A_463 : vector<16xi32>
    %swap3A_465 = arith.constant 2 : i32
    %swap3A_466 = arith.index_cast %swap3A_465 : i32 to index
    %swap3A_467 = arith.constant 16 : index
    %swap3A_468 = tpu.vector_load %arg8[%swap3A_466, %swap3A_467] {strides = array<i32>} : memref<4x40xi32, #tpu.memory_space<vmem>>, vector<1x16xi32>,
    %swap3A_469 = vector.shape_cast %swap3A_468 : vector<1x16xi32> to vector<16xi32>
    %swap3A_470 = vector.shape_cast %min3A_464 : vector<16xi32> to vector<1x16xi32>
    tpu.vector_store %arg8[%swap3A_466, %swap3A_467], %swap3A_470 {strides = array<i32>} : memref<4x40xi32, #tpu.memory_space<vmem>>, vector<1x16xi32>,
    %get3A_471 = arith.constant 2 : i32
    %get3A_472 = arith.constant 1 : i32
    %get3A_473 = arith.index_cast %get3A_471 : i32 to index
    %get3A_474 = arith.index_cast %get3A_472 : i32 to index
    %get3A_475 = arith.constant 16 : index
    %get3A_476 = tpu.vector_load %arg7[%get3A_473, %get3A_474, %get3A_475] {strides = array<i32>} : memref<4x3x40xi32, #tpu.memory_space<vmem>>, vector<1x1x16xi32>,
    %get3A_477 = vector.shape_cast %get3A_476 : vector<1x1x16xi32> to vector<16xi32>
    %swap3A_478 = arith.constant 2 : i32
    %swap3A_479 = arith.index_cast %swap3A_478 : i32 to index
    %swap3A_480 = arith.constant 16 : index
    %swap3A_481 = tpu.vector_load %arg9[%swap3A_479, %swap3A_480] {strides = array<i32>} : memref<4x40xi32, #tpu.memory_space<vmem>>, vector<1x16xi32>,
    %swap3A_482 = vector.shape_cast %swap3A_481 : vector<1x16xi32> to vector<16xi32>
    %swap3A_483 = vector.shape_cast %get3A_477 : vector<16xi32> to vector<1x16xi32>
    tpu.vector_store %arg9[%swap3A_479, %swap3A_480], %swap3A_483 {strides = array<i32>} : memref<4x40xi32, #tpu.memory_space<vmem>>, vector<1x16xi32>,
    %get3A_484 = arith.constant 2 : i32
    %get3A_485 = arith.constant 2 : i32
    %get3A_486 = arith.index_cast %get3A_484 : i32 to index
    %get3A_487 = arith.index_cast %get3A_485 : i32 to index
    %get3A_488 = arith.constant 24 : index
    %get3A_489 = tpu.vector_load %arg7[%get3A_486, %get3A_487, %get3A_488] {strides = array<i32>} : memref<4x3x40xi32, #tpu.memory_space<vmem>>, vector<1x1x16xi32>,
    %get3A_490 = vector.shape_cast %get3A_489 : vector<1x1x16xi32> to vector<16xi32>
    %bitcast_convert_type3A_491 = tpu.bitcast %get3A_490 : vector<16xi32> -> vector<16xf32>
    %mul3A_492 = arith.constant 1.638400e+03 : f32
    %mul3A_493 = vector.broadcast %mul3A_492 : f32 to vector<16xf32>
    %mul3A_494 = arith.mulf %bitcast_convert_type3A_491, %mul3A_493 : vector<16xf32>
    %add3A_495 = arith.constant 5.000000e-01 : f32
    %add3A_496 = vector.broadcast %add3A_495 : f32 to vector<16xf32>
    %add3A_497 = arith.addf %mul3A_494, %add3A_496 : vector<16xf32>
    %convert_element_type3A_498 = arith.fptosi %add3A_497 : vector<16xf32> to vector<16xi32>
    %min3A_499 = arith.constant 8199 : i32
    %min3A_500 = vector.broadcast %min3A_499 : i32 to vector<16xi32>
    %min3A_501 = arith.minsi %convert_element_type3A_498, %min3A_500 : vector<16xi32>
    %swap3A_502 = arith.constant 2 : i32
    %swap3A_503 = arith.index_cast %swap3A_502 : i32 to index
    %swap3A_504 = arith.constant 24 : index
    %swap3A_505 = tpu.vector_load %arg8[%swap3A_503, %swap3A_504] {strides = array<i32>} : memref<4x40xi32, #tpu.memory_space<vmem>>, vector<1x16xi32>,
    %swap3A_506 = vector.shape_cast %swap3A_505 : vector<1x16xi32> to vector<16xi32>
    %swap3A_507 = vector.shape_cast %min3A_501 : vector<16xi32> to vector<1x16xi32>
    tpu.vector_store %arg8[%swap3A_503, %swap3A_504], %swap3A_507 {strides = array<i32>} : memref<4x40xi32, #tpu.memory_space<vmem>>, vector<1x16xi32>,
    %get3A_508 = arith.constant 2 : i32
    %get3A_509 = arith.constant 1 : i32
    %get3A_510 = arith.index_cast %get3A_508 : i32 to index
    %get3A_511 = arith.index_cast %get3A_509 : i32 to index
    %get3A_512 = arith.constant 24 : index
    %get3A_513 = tpu.vector_load %arg7[%get3A_510, %get3A_511, %get3A_512] {strides = array<i32>} : memref<4x3x40xi32, #tpu.memory_space<vmem>>, vector<1x1x16xi32>,
    %get3A_514 = vector.shape_cast %get3A_513 : vector<1x1x16xi32> to vector<16xi32>
    %swap3A_515 = arith.constant 2 : i32
    %swap3A_516 = arith.index_cast %swap3A_515 : i32 to index
    %swap3A_517 = arith.constant 24 : index
    %swap3A_518 = tpu.vector_load %arg9[%swap3A_516, %swap3A_517] {strides = array<i32>} : memref<4x40xi32, #tpu.memory_space<vmem>>, vector<1x16xi32>,
    %swap3A_519 = vector.shape_cast %swap3A_518 : vector<1x16xi32> to vector<16xi32>
    %swap3A_520 = vector.shape_cast %get3A_514 : vector<16xi32> to vector<1x16xi32>
    tpu.vector_store %arg9[%swap3A_516, %swap3A_517], %swap3A_520 {strides = array<i32>} : memref<4x40xi32, #tpu.memory_space<vmem>>, vector<1x16xi32>,
    %dma_start3A_521 = arith.constant 2 : i32
    %dma_start3A_522 = arith.constant 0 : i32
    %dma_start3A_523 = arith.constant 2 : i32
    %dma_start3A_524 = arith.constant 0 : i32
    %dma_start3A_525 = arith.constant 0 : i32
    %dma_start3A_526 = tpu.memref_slice %arg10[%dma_start3A_523, %dma_start3A_524, %dma_start3A_525] : memref<4x40x128xf32, #tpu.memory_space<vmem>> -> memref<1x40x128xf32, #tpu.memory_space<vmem>>
    %dma_start3A_527 = tpu.memref_squeeze %dma_start3A_526 : memref<1x40x128xf32, #tpu.memory_space<vmem>> -> memref<40x128xf32, #tpu.memory_space<vmem>>
    %dma_start3A_528 = arith.constant 0 : i32
    %dma_start3A_529 = arith.constant 0 : i32
    %dma_start3A_530 = tpu.memref_slice %arg7[%dma_start3A_521, %dma_start3A_528, %dma_start3A_529] : memref<4x3x40xi32, #tpu.memory_space<vmem>> -> memref<1x3x40xi32, #tpu.memory_space<vmem>>
    %dma_start3A_531 = tpu.memref_squeeze %dma_start3A_530 : memref<1x3x40xi32, #tpu.memory_space<vmem>> -> memref<3x40xi32, #tpu.memory_space<vmem>>
    %dma_start3A_532 = arith.constant 0 : i32
    %dma_start3A_533 = tpu.memref_slice %dma_start3A_531[%dma_start3A_522, %dma_start3A_532] : memref<3x40xi32, #tpu.memory_space<vmem>> -> memref<1x40xi32, #tpu.memory_space<vmem>>
    %dma_start3A_534 = tpu.memref_squeeze %dma_start3A_533 : memref<1x40xi32, #tpu.memory_space<vmem>> -> memref<40xi32, #tpu.memory_space<vmem>>
    %dma_start3A_535 = arith.constant 0 : i32
    %dma_start3A_536 = arith.constant 0 : i32
    %dma_start3A_537 = tpu.memref_slice %arg4[%dma_start3A_535, %dma_start3A_536] : memref<10000x128xf32, #tpu.memory_space<hbm>> -> memref<10000x128xf32, #tpu.memory_space<hbm>>
    tpu.enqueue_indirect_dma source(%dma_start3A_537 : memref<10000x128xf32, #tpu.memory_space<hbm>>) target(%dma_start3A_527 : memref<40x128xf32, #tpu.memory_space<vmem>>) offsets(%dma_start3A_534 : memref<40xi32, #tpu.memory_space<vmem>>) semaphore(%arg15 : memref<!tpu.dma_semaphore, #tpu.memory_space<semaphore_mem>>)
    %dma_start3A_538 = arith.constant 2 : i32
    %dma_start3A_539 = arith.constant 2 : i32
    %dma_start3A_540 = arith.constant 0 : i32
    %dma_start3A_541 = arith.constant 0 : i32
    %dma_start3A_542 = tpu.memref_slice %arg11[%dma_start3A_539, %dma_start3A_540, %dma_start3A_541] : memref<4x40x128xf32, #tpu.memory_space<vmem>> -> memref<1x40x128xf32, #tpu.memory_space<vmem>>
    %dma_start3A_543 = tpu.memref_squeeze %dma_start3A_542 : memref<1x40x128xf32, #tpu.memory_space<vmem>> -> memref<40x128xf32, #tpu.memory_space<vmem>>
    %dma_start3A_544 = arith.constant 0 : i32
    %dma_start3A_545 = tpu.memref_slice %arg8[%dma_start3A_538, %dma_start3A_544] : memref<4x40xi32, #tpu.memory_space<vmem>> -> memref<1x40xi32, #tpu.memory_space<vmem>>
    %dma_start3A_546 = tpu.memref_squeeze %dma_start3A_545 : memref<1x40xi32, #tpu.memory_space<vmem>> -> memref<40xi32, #tpu.memory_space<vmem>>
    %dma_start3A_547 = arith.constant 0 : i32
    %dma_start3A_548 = arith.constant 0 : i32
    %dma_start3A_549 = tpu.memref_slice %arg3[%dma_start3A_547, %dma_start3A_548] : memref<8200x128xf32, #tpu.memory_space<hbm>> -> memref<8200x128xf32, #tpu.memory_space<hbm>>
    tpu.enqueue_indirect_dma source(%dma_start3A_549 : memref<8200x128xf32, #tpu.memory_space<hbm>>) target(%dma_start3A_543 : memref<40x128xf32, #tpu.memory_space<vmem>>) offsets(%dma_start3A_546 : memref<40xi32, #tpu.memory_space<vmem>>) semaphore(%arg15 : memref<!tpu.dma_semaphore, #tpu.memory_space<semaphore_mem>>)
    %dma_wait3A_550 = arith.constant 3 : i32
    %dma_wait3A_551 = arith.constant 0 : i32
    %dma_wait3A_552 = arith.constant 0 : i32
    %dma_wait3A_553 = tpu.memref_slice %arg7[%dma_wait3A_550, %dma_wait3A_551, %dma_wait3A_552] : memref<4x3x40xi32, #tpu.memory_space<vmem>> -> memref<1x3x40xi32, #tpu.memory_space<vmem>>
    %dma_wait3A_554 = tpu.memref_squeeze %dma_wait3A_553 : memref<1x3x40xi32, #tpu.memory_space<vmem>> -> memref<3x40xi32, #tpu.memory_space<vmem>>
    %dma_wait3A_555 = arith.constant 0 : i32
    %dma_wait3A_556 = arith.constant 0 : i32
    %dma_wait3A_557 = tpu.memref_slice %arg2[%mul3A_8, %dma_wait3A_555, %dma_wait3A_556] : memref<8004x3x40xi32, #tpu.memory_space<hbm>> -> memref<1x3x40xi32, #tpu.memory_space<hbm>>
    %dma_wait3A_558 = tpu.memref_squeeze %dma_wait3A_557 : memref<1x3x40xi32, #tpu.memory_space<hbm>> -> memref<3x40xi32, #tpu.memory_space<hbm>>
    %dma_wait3A_559 = arith.constant 0 : i32
    %dma_wait3A_560 = arith.constant 0 : i32
    %dma_wait3A_561 = tpu.memref_slice %arg7[%dma_wait3A_550, %dma_wait3A_559, %dma_wait3A_560] : memref<4x3x40xi32, #tpu.memory_space<vmem>> -> memref<1x3x40xi32, #tpu.memory_space<vmem>>
    %dma_wait3A_562 = tpu.memref_squeeze %dma_wait3A_561 : memref<1x3x40xi32, #tpu.memory_space<vmem>> -> memref<3x40xi32, #tpu.memory_space<vmem>>
    %dma_wait3A_563 = arith.constant 0 : i32
    %dma_wait3A_564 = arith.constant 0 : i32
    %dma_wait3A_565 = tpu.memref_slice %arg2[%mul3A_8, %dma_wait3A_563, %dma_wait3A_564] : memref<8004x3x40xi32, #tpu.memory_space<hbm>> -> memref<1x3x40xi32, #tpu.memory_space<hbm>>
    %dma_wait3A_566 = tpu.memref_squeeze %dma_wait3A_565 : memref<1x3x40xi32, #tpu.memory_space<hbm>> -> memref<3x40xi32, #tpu.memory_space<hbm>>
    tpu.wait_dma2 semaphore(%arg24 : memref<!tpu.dma_semaphore, #tpu.memory_space<semaphore_mem>>) src(%dma_wait3A_566 : memref<3x40xi32, #tpu.memory_space<hbm>>) dst(%dma_wait3A_562 : memref<3x40xi32, #tpu.memory_space<vmem>>)
    %get3A_567 = arith.constant 3 : i32
    %get3A_568 = arith.constant 2 : i32
    %get3A_569 = arith.index_cast %get3A_567 : i32 to index
    %get3A_570 = arith.index_cast %get3A_568 : i32 to index
    %get3A_571 = arith.constant 0 : index
    %get3A_572 = tpu.vector_load %arg7[%get3A_569, %get3A_570, %get3A_571] {strides = array<i32>} : memref<4x3x40xi32, #tpu.memory_space<vmem>>, vector<1x1x16xi32>,
    %get3A_573 = vector.shape_cast %get3A_572 : vector<1x1x16xi32> to vector<16xi32>
    %bitcast_convert_type3A_574 = tpu.bitcast %get3A_573 : vector<16xi32> -> vector<16xf32>
    %mul3A_575 = arith.constant 1.638400e+03 : f32
    %mul3A_576 = vector.broadcast %mul3A_575 : f32 to vector<16xf32>
    %mul3A_577 = arith.mulf %bitcast_convert_type3A_574, %mul3A_576 : vector<16xf32>
    %add3A_578 = arith.constant 5.000000e-01 : f32
    %add3A_579 = vector.broadcast %add3A_578 : f32 to vector<16xf32>
    %add3A_580 = arith.addf %mul3A_577, %add3A_579 : vector<16xf32>
    %convert_element_type3A_581 = arith.fptosi %add3A_580 : vector<16xf32> to vector<16xi32>
    %min3A_582 = arith.constant 8199 : i32
    %min3A_583 = vector.broadcast %min3A_582 : i32 to vector<16xi32>
    %min3A_584 = arith.minsi %convert_element_type3A_581, %min3A_583 : vector<16xi32>
    %swap3A_585 = arith.constant 3 : i32
    %swap3A_586 = arith.index_cast %swap3A_585 : i32 to index
    %swap3A_587 = arith.constant 0 : index
    %swap3A_588 = tpu.vector_load %arg8[%swap3A_586, %swap3A_587] {strides = array<i32>} : memref<4x40xi32, #tpu.memory_space<vmem>>, vector<1x16xi32>,
    %swap3A_589 = vector.shape_cast %swap3A_588 : vector<1x16xi32> to vector<16xi32>
    %swap3A_590 = vector.shape_cast %min3A_584 : vector<16xi32> to vector<1x16xi32>
    tpu.vector_store %arg8[%swap3A_586, %swap3A_587], %swap3A_590 {strides = array<i32>} : memref<4x40xi32, #tpu.memory_space<vmem>>, vector<1x16xi32>,
    %get3A_591 = arith.constant 3 : i32
    %get3A_592 = arith.constant 1 : i32
    %get3A_593 = arith.index_cast %get3A_591 : i32 to index
    %get3A_594 = arith.index_cast %get3A_592 : i32 to index
    %get3A_595 = arith.constant 0 : index
    %get3A_596 = tpu.vector_load %arg7[%get3A_593, %get3A_594, %get3A_595] {strides = array<i32>} : memref<4x3x40xi32, #tpu.memory_space<vmem>>, vector<1x1x16xi32>,
    %get3A_597 = vector.shape_cast %get3A_596 : vector<1x1x16xi32> to vector<16xi32>
    %swap3A_598 = arith.constant 3 : i32
    %swap3A_599 = arith.index_cast %swap3A_598 : i32 to index
    %swap3A_600 = arith.constant 0 : index
    %swap3A_601 = tpu.vector_load %arg9[%swap3A_599, %swap3A_600] {strides = array<i32>} : memref<4x40xi32, #tpu.memory_space<vmem>>, vector<1x16xi32>,
    %swap3A_602 = vector.shape_cast %swap3A_601 : vector<1x16xi32> to vector<16xi32>
    %swap3A_603 = vector.shape_cast %get3A_597 : vector<16xi32> to vector<1x16xi32>
    tpu.vector_store %arg9[%swap3A_599, %swap3A_600], %swap3A_603 {strides = array<i32>} : memref<4x40xi32, #tpu.memory_space<vmem>>, vector<1x16xi32>,
    %get3A_604 = arith.constant 3 : i32
    %get3A_605 = arith.constant 2 : i32
    %get3A_606 = arith.index_cast %get3A_604 : i32 to index
    %get3A_607 = arith.index_cast %get3A_605 : i32 to index
    %get3A_608 = arith.constant 16 : index
    %get3A_609 = tpu.vector_load %arg7[%get3A_606, %get3A_607, %get3A_608] {strides = array<i32>} : memref<4x3x40xi32, #tpu.memory_space<vmem>>, vector<1x1x16xi32>,
    %get3A_610 = vector.shape_cast %get3A_609 : vector<1x1x16xi32> to vector<16xi32>
    %bitcast_convert_type3A_611 = tpu.bitcast %get3A_610 : vector<16xi32> -> vector<16xf32>
    %mul3A_612 = arith.constant 1.638400e+03 : f32
    %mul3A_613 = vector.broadcast %mul3A_612 : f32 to vector<16xf32>
    %mul3A_614 = arith.mulf %bitcast_convert_type3A_611, %mul3A_613 : vector<16xf32>
    %add3A_615 = arith.constant 5.000000e-01 : f32
    %add3A_616 = vector.broadcast %add3A_615 : f32 to vector<16xf32>
    %add3A_617 = arith.addf %mul3A_614, %add3A_616 : vector<16xf32>
    %convert_element_type3A_618 = arith.fptosi %add3A_617 : vector<16xf32> to vector<16xi32>
    %min3A_619 = arith.constant 8199 : i32
    %min3A_620 = vector.broadcast %min3A_619 : i32 to vector<16xi32>
    %min3A_621 = arith.minsi %convert_element_type3A_618, %min3A_620 : vector<16xi32>
    %swap3A_622 = arith.constant 3 : i32
    %swap3A_623 = arith.index_cast %swap3A_622 : i32 to index
    %swap3A_624 = arith.constant 16 : index
    %swap3A_625 = tpu.vector_load %arg8[%swap3A_623, %swap3A_624] {strides = array<i32>} : memref<4x40xi32, #tpu.memory_space<vmem>>, vector<1x16xi32>,
    %swap3A_626 = vector.shape_cast %swap3A_625 : vector<1x16xi32> to vector<16xi32>
    %swap3A_627 = vector.shape_cast %min3A_621 : vector<16xi32> to vector<1x16xi32>
    tpu.vector_store %arg8[%swap3A_623, %swap3A_624], %swap3A_627 {strides = array<i32>} : memref<4x40xi32, #tpu.memory_space<vmem>>, vector<1x16xi32>,
    %get3A_628 = arith.constant 3 : i32
    %get3A_629 = arith.constant 1 : i32
    %get3A_630 = arith.index_cast %get3A_628 : i32 to index
    %get3A_631 = arith.index_cast %get3A_629 : i32 to index
    %get3A_632 = arith.constant 16 : index
    %get3A_633 = tpu.vector_load %arg7[%get3A_630, %get3A_631, %get3A_632] {strides = array<i32>} : memref<4x3x40xi32, #tpu.memory_space<vmem>>, vector<1x1x16xi32>,
    %get3A_634 = vector.shape_cast %get3A_633 : vector<1x1x16xi32> to vector<16xi32>
    %swap3A_635 = arith.constant 3 : i32
    %swap3A_636 = arith.index_cast %swap3A_635 : i32 to index
    %swap3A_637 = arith.constant 16 : index
    %swap3A_638 = tpu.vector_load %arg9[%swap3A_636, %swap3A_637] {strides = array<i32>} : memref<4x40xi32, #tpu.memory_space<vmem>>, vector<1x16xi32>,
    %swap3A_639 = vector.shape_cast %swap3A_638 : vector<1x16xi32> to vector<16xi32>
    %swap3A_640 = vector.shape_cast %get3A_634 : vector<16xi32> to vector<1x16xi32>
    tpu.vector_store %arg9[%swap3A_636, %swap3A_637], %swap3A_640 {strides = array<i32>} : memref<4x40xi32, #tpu.memory_space<vmem>>, vector<1x16xi32>,
    %get3A_641 = arith.constant 3 : i32
    %get3A_642 = arith.constant 2 : i32
    %get3A_643 = arith.index_cast %get3A_641 : i32 to index
    %get3A_644 = arith.index_cast %get3A_642 : i32 to index
    %get3A_645 = arith.constant 24 : index
    %get3A_646 = tpu.vector_load %arg7[%get3A_643, %get3A_644, %get3A_645] {strides = array<i32>} : memref<4x3x40xi32, #tpu.memory_space<vmem>>, vector<1x1x16xi32>,
    %get3A_647 = vector.shape_cast %get3A_646 : vector<1x1x16xi32> to vector<16xi32>
    %bitcast_convert_type3A_648 = tpu.bitcast %get3A_647 : vector<16xi32> -> vector<16xf32>
    %mul3A_649 = arith.constant 1.638400e+03 : f32
    %mul3A_650 = vector.broadcast %mul3A_649 : f32 to vector<16xf32>
    %mul3A_651 = arith.mulf %bitcast_convert_type3A_648, %mul3A_650 : vector<16xf32>
    %add3A_652 = arith.constant 5.000000e-01 : f32
    %add3A_653 = vector.broadcast %add3A_652 : f32 to vector<16xf32>
    %add3A_654 = arith.addf %mul3A_651, %add3A_653 : vector<16xf32>
    %convert_element_type3A_655 = arith.fptosi %add3A_654 : vector<16xf32> to vector<16xi32>
    %min3A_656 = arith.constant 8199 : i32
    %min3A_657 = vector.broadcast %min3A_656 : i32 to vector<16xi32>
    %min3A_658 = arith.minsi %convert_element_type3A_655, %min3A_657 : vector<16xi32>
    %swap3A_659 = arith.constant 3 : i32
    %swap3A_660 = arith.index_cast %swap3A_659 : i32 to index
    %swap3A_661 = arith.constant 24 : index
    %swap3A_662 = tpu.vector_load %arg8[%swap3A_660, %swap3A_661] {strides = array<i32>} : memref<4x40xi32, #tpu.memory_space<vmem>>, vector<1x16xi32>,
    %swap3A_663 = vector.shape_cast %swap3A_662 : vector<1x16xi32> to vector<16xi32>
    %swap3A_664 = vector.shape_cast %min3A_658 : vector<16xi32> to vector<1x16xi32>
    tpu.vector_store %arg8[%swap3A_660, %swap3A_661], %swap3A_664 {strides = array<i32>} : memref<4x40xi32, #tpu.memory_space<vmem>>, vector<1x16xi32>,
    %get3A_665 = arith.constant 3 : i32
    %get3A_666 = arith.constant 1 : i32
    %get3A_667 = arith.index_cast %get3A_665 : i32 to index
    %get3A_668 = arith.index_cast %get3A_666 : i32 to index
    %get3A_669 = arith.constant 24 : index
    %get3A_670 = tpu.vector_load %arg7[%get3A_667, %get3A_668, %get3A_669] {strides = array<i32>} : memref<4x3x40xi32, #tpu.memory_space<vmem>>, vector<1x1x16xi32>,
    %get3A_671 = vector.shape_cast %get3A_670 : vector<1x1x16xi32> to vector<16xi32>
    %swap3A_672 = arith.constant 3 : i32
    %swap3A_673 = arith.index_cast %swap3A_672 : i32 to index
    %swap3A_674 = arith.constant 24 : index
    %swap3A_675 = tpu.vector_load %arg9[%swap3A_673, %swap3A_674] {strides = array<i32>} : memref<4x40xi32, #tpu.memory_space<vmem>>, vector<1x16xi32>,
    %swap3A_676 = vector.shape_cast %swap3A_675 : vector<1x16xi32> to vector<16xi32>
    %swap3A_677 = vector.shape_cast %get3A_671 : vector<16xi32> to vector<1x16xi32>
    tpu.vector_store %arg9[%swap3A_673, %swap3A_674], %swap3A_677 {strides = array<i32>} : memref<4x40xi32, #tpu.memory_space<vmem>>, vector<1x16xi32>,
    %dma_start3A_678 = arith.constant 3 : i32
    %dma_start3A_679 = arith.constant 0 : i32
    %dma_start3A_680 = arith.constant 3 : i32
    %dma_start3A_681 = arith.constant 0 : i32
    %dma_start3A_682 = arith.constant 0 : i32
    %dma_start3A_683 = tpu.memref_slice %arg10[%dma_start3A_680, %dma_start3A_681, %dma_start3A_682] : memref<4x40x128xf32, #tpu.memory_space<vmem>> -> memref<1x40x128xf32, #tpu.memory_space<vmem>>
    %dma_start3A_684 = tpu.memref_squeeze %dma_start3A_683 : memref<1x40x128xf32, #tpu.memory_space<vmem>> -> memref<40x128xf32, #tpu.memory_space<vmem>>
    %dma_start3A_685 = arith.constant 0 : i32
    %dma_start3A_686 = arith.constant 0 : i32
    %dma_start3A_687 = tpu.memref_slice %arg7[%dma_start3A_678, %dma_start3A_685, %dma_start3A_686] : memref<4x3x40xi32, #tpu.memory_space<vmem>> -> memref<1x3x40xi32, #tpu.memory_space<vmem>>
    %dma_start3A_688 = tpu.memref_squeeze %dma_start3A_687 : memref<1x3x40xi32, #tpu.memory_space<vmem>> -> memref<3x40xi32, #tpu.memory_space<vmem>>
    %dma_start3A_689 = arith.constant 0 : i32
    %dma_start3A_690 = tpu.memref_slice %dma_start3A_688[%dma_start3A_679, %dma_start3A_689] : memref<3x40xi32, #tpu.memory_space<vmem>> -> memref<1x40xi32, #tpu.memory_space<vmem>>
    %dma_start3A_691 = tpu.memref_squeeze %dma_start3A_690 : memref<1x40xi32, #tpu.memory_space<vmem>> -> memref<40xi32, #tpu.memory_space<vmem>>
    %dma_start3A_692 = arith.constant 0 : i32
    %dma_start3A_693 = arith.constant 0 : i32
    %dma_start3A_694 = tpu.memref_slice %arg4[%dma_start3A_692, %dma_start3A_693] : memref<10000x128xf32, #tpu.memory_space<hbm>> -> memref<10000x128xf32, #tpu.memory_space<hbm>>
    tpu.enqueue_indirect_dma source(%dma_start3A_694 : memref<10000x128xf32, #tpu.memory_space<hbm>>) target(%dma_start3A_684 : memref<40x128xf32, #tpu.memory_space<vmem>>) offsets(%dma_start3A_691 : memref<40xi32, #tpu.memory_space<vmem>>) semaphore(%arg16 : memref<!tpu.dma_semaphore, #tpu.memory_space<semaphore_mem>>)
    %dma_start3A_695 = arith.constant 3 : i32
    %dma_start3A_696 = arith.constant 3 : i32
    %dma_start3A_697 = arith.constant 0 : i32
    %dma_start3A_698 = arith.constant 0 : i32
    %dma_start3A_699 = tpu.memref_slice %arg11[%dma_start3A_696, %dma_start3A_697, %dma_start3A_698] : memref<4x40x128xf32, #tpu.memory_space<vmem>> -> memref<1x40x128xf32, #tpu.memory_space<vmem>>
    %dma_start3A_700 = tpu.memref_squeeze %dma_start3A_699 : memref<1x40x128xf32, #tpu.memory_space<vmem>> -> memref<40x128xf32, #tpu.memory_space<vmem>>
    %dma_start3A_701 = arith.constant 0 : i32
    %dma_start3A_702 = tpu.memref_slice %arg8[%dma_start3A_695, %dma_start3A_701] : memref<4x40xi32, #tpu.memory_space<vmem>> -> memref<1x40xi32, #tpu.memory_space<vmem>>
    %dma_start3A_703 = tpu.memref_squeeze %dma_start3A_702 : memref<1x40xi32, #tpu.memory_space<vmem>> -> memref<40xi32, #tpu.memory_space<vmem>>
    %dma_start3A_704 = arith.constant 0 : i32
    %dma_start3A_705 = arith.constant 0 : i32
    %dma_start3A_706 = tpu.memref_slice %arg3[%dma_start3A_704, %dma_start3A_705] : memref<8200x128xf32, #tpu.memory_space<hbm>> -> memref<8200x128xf32, #tpu.memory_space<hbm>>
    tpu.enqueue_indirect_dma source(%dma_start3A_706 : memref<8200x128xf32, #tpu.memory_space<hbm>>) target(%dma_start3A_700 : memref<40x128xf32, #tpu.memory_space<vmem>>) offsets(%dma_start3A_703 : memref<40xi32, #tpu.memory_space<vmem>>) semaphore(%arg16 : memref<!tpu.dma_semaphore, #tpu.memory_space<semaphore_mem>>)
    %dma_wait3A_707 = arith.constant 0 : i32
    %dma_wait3A_708 = arith.constant 0 : i32
    %dma_wait3A_709 = arith.constant 0 : i32
    %dma_wait3A_710 = tpu.memref_slice %arg10[%dma_wait3A_707, %dma_wait3A_708, %dma_wait3A_709] : memref<4x40x128xf32, #tpu.memory_space<vmem>> -> memref<1x40x128xf32, #tpu.memory_space<vmem>>
    %dma_wait3A_711 = tpu.memref_squeeze %dma_wait3A_710 : memref<1x40x128xf32, #tpu.memory_space<vmem>> -> memref<40x128xf32, #tpu.memory_space<vmem>>
    %dma_wait3A_712 = arith.constant 0 : i32
    %dma_wait3A_713 = arith.constant 0 : i32
    %dma_wait3A_714 = tpu.memref_slice %arg5[%dma_wait3A_712, %dma_wait3A_713] : memref<10000x128xf32, #tpu.memory_space<hbm>> -> memref<40x128xf32, #tpu.memory_space<hbm>>
    %dma_wait3A_715 = arith.constant 0 : i32
    %dma_wait3A_716 = arith.constant 0 : i32
    %dma_wait3A_717 = tpu.memref_slice %arg10[%dma_wait3A_707, %dma_wait3A_715, %dma_wait3A_716] : memref<4x40x128xf32, #tpu.memory_space<vmem>> -> memref<1x40x128xf32, #tpu.memory_space<vmem>>
    %dma_wait3A_718 = tpu.memref_squeeze %dma_wait3A_717 : memref<1x40x128xf32, #tpu.memory_space<vmem>> -> memref<40x128xf32, #tpu.memory_space<vmem>>
    %dma_wait3A_719 = arith.constant 0 : i32
    %dma_wait3A_720 = arith.constant 0 : i32
    %dma_wait3A_721 = tpu.memref_slice %arg5[%dma_wait3A_719, %dma_wait3A_720] : memref<10000x128xf32, #tpu.memory_space<hbm>> -> memref<40x128xf32, #tpu.memory_space<hbm>>
    tpu.wait_dma2 semaphore(%arg13 : memref<!tpu.dma_semaphore, #tpu.memory_space<semaphore_mem>>) src(%dma_wait3A_721 : memref<40x128xf32, #tpu.memory_space<hbm>>) dst(%dma_wait3A_718 : memref<40x128xf32, #tpu.memory_space<vmem>>)
    %dma_wait3A_722 = arith.constant 0 : i32
    %dma_wait3A_723 = arith.constant 0 : i32
    %dma_wait3A_724 = arith.constant 0 : i32
    %dma_wait3A_725 = tpu.memref_slice %arg11[%dma_wait3A_722, %dma_wait3A_723, %dma_wait3A_724] : memref<4x40x128xf32, #tpu.memory_space<vmem>> -> memref<1x40x128xf32, #tpu.memory_space<vmem>>
    %dma_wait3A_726 = tpu.memref_squeeze %dma_wait3A_725 : memref<1x40x128xf32, #tpu.memory_space<vmem>> -> memref<40x128xf32, #tpu.memory_space<vmem>>
    %dma_wait3A_727 = arith.constant 0 : i32
    %dma_wait3A_728 = arith.constant 0 : i32
    %dma_wait3A_729 = tpu.memref_slice %arg5[%dma_wait3A_727, %dma_wait3A_728] : memref<10000x128xf32, #tpu.memory_space<hbm>> -> memref<40x128xf32, #tpu.memory_space<hbm>>
    %dma_wait3A_730 = arith.constant 0 : i32
    %dma_wait3A_731 = arith.constant 0 : i32
    %dma_wait3A_732 = tpu.memref_slice %arg11[%dma_wait3A_722, %dma_wait3A_730, %dma_wait3A_731] : memref<4x40x128xf32, #tpu.memory_space<vmem>> -> memref<1x40x128xf32, #tpu.memory_space<vmem>>
    %dma_wait3A_733 = tpu.memref_squeeze %dma_wait3A_732 : memref<1x40x128xf32, #tpu.memory_space<vmem>> -> memref<40x128xf32, #tpu.memory_space<vmem>>
    %dma_wait3A_734 = arith.constant 0 : i32
    %dma_wait3A_735 = arith.constant 0 : i32
    %dma_wait3A_736 = tpu.memref_slice %arg5[%dma_wait3A_734, %dma_wait3A_735] : memref<10000x128xf32, #tpu.memory_space<hbm>> -> memref<40x128xf32, #tpu.memory_space<hbm>>
    tpu.wait_dma2 semaphore(%arg13 : memref<!tpu.dma_semaphore, #tpu.memory_space<semaphore_mem>>) src(%dma_wait3A_736 : memref<40x128xf32, #tpu.memory_space<hbm>>) dst(%dma_wait3A_733 : memref<40x128xf32, #tpu.memory_space<vmem>>)
    %add3A_737 = arith.constant 4 : i32
    %add3A_738 = arith.addi %mul3A_8, %add3A_737 : i32
    %dma_start3A_739 = arith.constant 0 : i32
    %dma_start3A_740 = arith.constant 0 : i32
    %dma_start3A_741 = arith.constant 0 : i32
    %dma_start3A_742 = tpu.memref_slice %arg7[%dma_start3A_739, %dma_start3A_740, %dma_start3A_741] : memref<4x3x40xi32, #tpu.memory_space<vmem>> -> memref<1x3x40xi32, #tpu.memory_space<vmem>>
    %dma_start3A_743 = tpu.memref_squeeze %dma_start3A_742 : memref<1x3x40xi32, #tpu.memory_space<vmem>> -> memref<3x40xi32, #tpu.memory_space<vmem>>
    %dma_start3A_744 = arith.constant 0 : i32
    %dma_start3A_745 = arith.constant 0 : i32
    %dma_start3A_746 = tpu.memref_slice %arg2[%add3A_738, %dma_start3A_744, %dma_start3A_745] : memref<8004x3x40xi32, #tpu.memory_space<hbm>> -> memref<1x3x40xi32, #tpu.memory_space<hbm>>
    %dma_start3A_747 = tpu.memref_squeeze %dma_start3A_746 : memref<1x3x40xi32, #tpu.memory_space<hbm>> -> memref<3x40xi32, #tpu.memory_space<hbm>>
    %dma_start3A_748 = arith.constant 0 : i32
    %dma_start3A_749 = arith.constant 0 : i32
    %dma_start3A_750 = tpu.memref_slice %arg7[%dma_start3A_739, %dma_start3A_748, %dma_start3A_749] : memref<4x3x40xi32, #tpu.memory_space<vmem>> -> memref<1x3x40xi32, #tpu.memory_space<vmem>>
    %dma_start3A_751 = tpu.memref_squeeze %dma_start3A_750 : memref<1x3x40xi32, #tpu.memory_space<vmem>> -> memref<3x40xi32, #tpu.memory_space<vmem>>
    %dma_start3A_752 = arith.constant 0 : i32
    %dma_start3A_753 = arith.constant 0 : i32
    %dma_start3A_754 = tpu.memref_slice %arg2[%add3A_738, %dma_start3A_752, %dma_start3A_753] : memref<8004x3x40xi32, #tpu.memory_space<hbm>> -> memref<1x3x40xi32, #tpu.memory_space<hbm>>
    %dma_start3A_755 = tpu.memref_squeeze %dma_start3A_754 : memref<1x3x40xi32, #tpu.memory_space<hbm>> -> memref<3x40xi32, #tpu.memory_space<hbm>>
    tpu.enqueue_dma source(%dma_start3A_755 : memref<3x40xi32, #tpu.memory_space<hbm>>) target(%dma_start3A_751 : memref<3x40xi32, #tpu.memory_space<vmem>>) target_semaphore(%arg21 : memref<!tpu.dma_semaphore, #tpu.memory_space<semaphore_mem>>)
    %scan3A = arith.constant 0 : i32
    %scan3A_756 = arith.constant 40 : i32
    %scan3A_757 = arith.addi %scan3A, %scan3A_756 : i32
    %scan3A_758 = arith.constant 1 : i32
    scf.for %scan3A_977 = %scan3A to %scan3A_757 step %scan3A_758  : i32 {
      %mul3A_978 = arith.constant 1 : i32
      %mul3A_979 = arith.muli %scan3A_977, %mul3A_978 : i32
      %add3A_980 = arith.constant 0 : i32
      %add3A_981 = arith.addi %add3A_980, %mul3A_979 : i32
      %get3A_982 = arith.constant 0 : i32
      %get3A_983 = arith.index_cast %get3A_982 : i32 to index
      %get3A_984 = arith.index_cast %add3A_981 : i32 to index
      %get3A_985 = arith.constant 0 : index
      %get3A_986 = tpu.vector_load %arg10[%get3A_983, %get3A_984, %get3A_985] {strides = array<i32>} : memref<4x40x128xf32, #tpu.memory_space<vmem>>, vector<1x1x16xf32>,
      %get3A_987 = vector.shape_cast %get3A_986 : vector<1x1x16xf32> to vector<16xf32>
      %get3A_988 = arith.constant 0 : i32
      %get3A_989 = arith.index_cast %get3A_988 : i32 to index
      %get3A_990 = arith.index_cast %add3A_981 : i32 to index
      %get3A_991 = arith.constant 0 : index
      %get3A_992 = tpu.vector_load %arg11[%get3A_989, %get3A_990, %get3A_991] {strides = array<i32>} : memref<4x40x128xf32, #tpu.memory_space<vmem>>, vector<1x1x16xf32>,
      %get3A_993 = vector.shape_cast %get3A_992 : vector<1x1x16xf32> to vector<16xf32>
      %mul3A_994 = arith.mulf %get3A_987, %get3A_993 : vector<16xf32>
      %swap3A_995 = arith.constant 0 : i32
      %swap3A_996 = arith.index_cast %swap3A_995 : i32 to index
      %swap3A_997 = arith.index_cast %add3A_981 : i32 to index
      %swap3A_998 = arith.constant 0 : index
      %swap3A_999 = tpu.vector_load %arg10[%swap3A_996, %swap3A_997, %swap3A_998] {strides = array<i32>} : memref<4x40x128xf32, #tpu.memory_space<vmem>>, vector<1x1x16xf32>,
      %swap3A_1000 = vector.shape_cast %swap3A_999 : vector<1x1x16xf32> to vector<16xf32>
      %swap3A_1001 = vector.shape_cast %mul3A_994 : vector<16xf32> to vector<1x1x16xf32>
      tpu.vector_store %arg10[%swap3A_996, %swap3A_997, %swap3A_998], %swap3A_1001 {strides = array<i32>} : memref<4x40x128xf32, #tpu.memory_space<vmem>>, vector<1x1x16xf32>,
      %get3A_1002 = arith.constant 0 : i32
      %get3A_1003 = arith.index_cast %get3A_1002 : i32 to index
      %get3A_1004 = arith.index_cast %add3A_981 : i32 to index
      %get3A_1005 = arith.constant 16 : index
      %get3A_1006 = tpu.vector_load %arg10[%get3A_1003, %get3A_1004, %get3A_1005] {strides = array<i32>} : memref<4x40x128xf32, #tpu.memory_space<vmem>>, vector<1x1x16xf32>,
      %get3A_1007 = vector.shape_cast %get3A_1006 : vector<1x1x16xf32> to vector<16xf32>
      %get3A_1008 = arith.constant 0 : i32
      %get3A_1009 = arith.index_cast %get3A_1008 : i32 to index
      %get3A_1010 = arith.index_cast %add3A_981 : i32 to index
      %get3A_1011 = arith.constant 16 : index
      %get3A_1012 = tpu.vector_load %arg11[%get3A_1009, %get3A_1010, %get3A_1011] {strides = array<i32>} : memref<4x40x128xf32, #tpu.memory_space<vmem>>, vector<1x1x16xf32>,
      %get3A_1013 = vector.shape_cast %get3A_1012 : vector<1x1x16xf32> to vector<16xf32>
      %mul3A_1014 = arith.mulf %get3A_1007, %get3A_1013 : vector<16xf32>
      %swap3A_1015 = arith.constant 0 : i32
      %swap3A_1016 = arith.index_cast %swap3A_1015 : i32 to index
      %swap3A_1017 = arith.index_cast %add3A_981 : i32 to index
      %swap3A_1018 = arith.constant 16 : index
      %swap3A_1019 = tpu.vector_load %arg10[%swap3A_1016, %swap3A_1017, %swap3A_1018] {strides = array<i32>} : memref<4x40x128xf32, #tpu.memory_space<vmem>>, vector<1x1x16xf32>,
      %swap3A_1020 = vector.shape_cast %swap3A_1019 : vector<1x1x16xf32> to vector<16xf32>
      %swap3A_1021 = vector.shape_cast %mul3A_1014 : vector<16xf32> to vector<1x1x16xf32>
      tpu.vector_store %arg10[%swap3A_1016, %swap3A_1017, %swap3A_1018], %swap3A_1021 {strides = array<i32>} : memref<4x40x128xf32, #tpu.memory_space<vmem>>, vector<1x1x16xf32>,
      %get3A_1022 = arith.constant 0 : i32
      %get3A_1023 = arith.index_cast %get3A_1022 : i32 to index
      %get3A_1024 = arith.index_cast %add3A_981 : i32 to index
      %get3A_1025 = arith.constant 32 : index
      %get3A_1026 = tpu.vector_load %arg10[%get3A_1023, %get3A_1024, %get3A_1025] {strides = array<i32>} : memref<4x40x128xf32, #tpu.memory_space<vmem>>, vector<1x1x16xf32>,
      %get3A_1027 = vector.shape_cast %get3A_1026 : vector<1x1x16xf32> to vector<16xf32>
      %get3A_1028 = arith.constant 0 : i32
      %get3A_1029 = arith.index_cast %get3A_1028 : i32 to index
      %get3A_1030 = arith.index_cast %add3A_981 : i32 to index
      %get3A_1031 = arith.constant 32 : index
      %get3A_1032 = tpu.vector_load %arg11[%get3A_1029, %get3A_1030, %get3A_1031] {strides = array<i32>} : memref<4x40x128xf32, #tpu.memory_space<vmem>>, vector<1x1x16xf32>,
      %get3A_1033 = vector.shape_cast %get3A_1032 : vector<1x1x16xf32> to vector<16xf32>
      %mul3A_1034 = arith.mulf %get3A_1027, %get3A_1033 : vector<16xf32>
      %swap3A_1035 = arith.constant 0 : i32
      %swap3A_1036 = arith.index_cast %swap3A_1035 : i32 to index
      %swap3A_1037 = arith.index_cast %add3A_981 : i32 to index
      %swap3A_1038 = arith.constant 32 : index
      %swap3A_1039 = tpu.vector_load %arg10[%swap3A_1036, %swap3A_1037, %swap3A_1038] {strides = array<i32>} : memref<4x40x128xf32, #tpu.memory_space<vmem>>, vector<1x1x16xf32>,
      %swap3A_1040 = vector.shape_cast %swap3A_1039 : vector<1x1x16xf32> to vector<16xf32>
      %swap3A_1041 = vector.shape_cast %mul3A_1034 : vector<16xf32> to vector<1x1x16xf32>
      tpu.vector_store %arg10[%swap3A_1036, %swap3A_1037, %swap3A_1038], %swap3A_1041 {strides = array<i32>} : memref<4x40x128xf32, #tpu.memory_space<vmem>>, vector<1x1x16xf32>,
      %get3A_1042 = arith.constant 0 : i32
      %get3A_1043 = arith.index_cast %get3A_1042 : i32 to index
      %get3A_1044 = arith.index_cast %add3A_981 : i32 to index
      %get3A_1045 = arith.constant 48 : index
      %get3A_1046 = tpu.vector_load %arg10[%get3A_1043, %get3A_1044, %get3A_1045] {strides = array<i32>} : memref<4x40x128xf32, #tpu.memory_space<vmem>>, vector<1x1x16xf32>,
      %get3A_1047 = vector.shape_cast %get3A_1046 : vector<1x1x16xf32> to vector<16xf32>
      %get3A_1048 = arith.constant 0 : i32
      %get3A_1049 = arith.index_cast %get3A_1048 : i32 to index
      %get3A_1050 = arith.index_cast %add3A_981 : i32 to index
      %get3A_1051 = arith.constant 48 : index
      %get3A_1052 = tpu.vector_load %arg11[%get3A_1049, %get3A_1050, %get3A_1051] {strides = array<i32>} : memref<4x40x128xf32, #tpu.memory_space<vmem>>, vector<1x1x16xf32>,
      %get3A_1053 = vector.shape_cast %get3A_1052 : vector<1x1x16xf32> to vector<16xf32>
      %mul3A_1054 = arith.mulf %get3A_1047, %get3A_1053 : vector<16xf32>
      %swap3A_1055 = arith.constant 0 : i32
      %swap3A_1056 = arith.index_cast %swap3A_1055 : i32 to index
      %swap3A_1057 = arith.index_cast %add3A_981 : i32 to index
      %swap3A_1058 = arith.constant 48 : index
      %swap3A_1059 = tpu.vector_load %arg10[%swap3A_1056, %swap3A_1057, %swap3A_1058] {strides = array<i32>} : memref<4x40x128xf32, #tpu.memory_space<vmem>>, vector<1x1x16xf32>,
      %swap3A_1060 = vector.shape_cast %swap3A_1059 : vector<1x1x16xf32> to vector<16xf32>
      %swap3A_1061 = vector.shape_cast %mul3A_1054 : vector<16xf32> to vector<1x1x16xf32>
      tpu.vector_store %arg10[%swap3A_1056, %swap3A_1057, %swap3A_1058], %swap3A_1061 {strides = array<i32>} : memref<4x40x128xf32, #tpu.memory_space<vmem>>, vector<1x1x16xf32>,
      %get3A_1062 = arith.constant 0 : i32
      %get3A_1063 = arith.index_cast %get3A_1062 : i32 to index
      %get3A_1064 = arith.index_cast %add3A_981 : i32 to index
      %get3A_1065 = arith.constant 64 : index
      %get3A_1066 = tpu.vector_load %arg10[%get3A_1063, %get3A_1064, %get3A_1065] {strides = array<i32>} : memref<4x40x128xf32, #tpu.memory_space<vmem>>, vector<1x1x16xf32>,
      %get3A_1067 = vector.shape_cast %get3A_1066 : vector<1x1x16xf32> to vector<16xf32>
      %get3A_1068 = arith.constant 0 : i32
      %get3A_1069 = arith.index_cast %get3A_1068 : i32 to index
      %get3A_1070 = arith.index_cast %add3A_981 : i32 to index
      %get3A_1071 = arith.constant 64 : index
      %get3A_1072 = tpu.vector_load %arg11[%get3A_1069, %get3A_1070, %get3A_1071] {strides = array<i32>} : memref<4x40x128xf32, #tpu.memory_space<vmem>>, vector<1x1x16xf32>,
      %get3A_1073 = vector.shape_cast %get3A_1072 : vector<1x1x16xf32> to vector<16xf32>
      %mul3A_1074 = arith.mulf %get3A_1067, %get3A_1073 : vector<16xf32>
      %swap3A_1075 = arith.constant 0 : i32
      %swap3A_1076 = arith.index_cast %swap3A_1075 : i32 to index
      %swap3A_1077 = arith.index_cast %add3A_981 : i32 to index
      %swap3A_1078 = arith.constant 64 : index
      %swap3A_1079 = tpu.vector_load %arg10[%swap3A_1076, %swap3A_1077, %swap3A_1078] {strides = array<i32>} : memref<4x40x128xf32, #tpu.memory_space<vmem>>, vector<1x1x16xf32>,
      %swap3A_1080 = vector.shape_cast %swap3A_1079 : vector<1x1x16xf32> to vector<16xf32>
      %swap3A_1081 = vector.shape_cast %mul3A_1074 : vector<16xf32> to vector<1x1x16xf32>
      tpu.vector_store %arg10[%swap3A_1076, %swap3A_1077, %swap3A_1078], %swap3A_1081 {strides = array<i32>} : memref<4x40x128xf32, #tpu.memory_space<vmem>>, vector<1x1x16xf32>,
      %get3A_1082 = arith.constant 0 : i32
      %get3A_1083 = arith.index_cast %get3A_1082 : i32 to index
      %get3A_1084 = arith.index_cast %add3A_981 : i32 to index
      %get3A_1085 = arith.constant 80 : index
      %get3A_1086 = tpu.vector_load %arg10[%get3A_1083, %get3A_1084, %get3A_1085] {strides = array<i32>} : memref<4x40x128xf32, #tpu.memory_space<vmem>>, vector<1x1x16xf32>,
      %get3A_1087 = vector.shape_cast %get3A_1086 : vector<1x1x16xf32> to vector<16xf32>
      %get3A_1088 = arith.constant 0 : i32
      %get3A_1089 = arith.index_cast %get3A_1088 : i32 to index
      %get3A_1090 = arith.index_cast %add3A_981 : i32 to index
      %get3A_1091 = arith.constant 80 : index
      %get3A_1092 = tpu.vector_load %arg11[%get3A_1089, %get3A_1090, %get3A_1091] {strides = array<i32>} : memref<4x40x128xf32, #tpu.memory_space<vmem>>, vector<1x1x16xf32>,
      %get3A_1093 = vector.shape_cast %get3A_1092 : vector<1x1x16xf32> to vector<16xf32>
      %mul3A_1094 = arith.mulf %get3A_1087, %get3A_1093 : vector<16xf32>
      %swap3A_1095 = arith.constant 0 : i32
      %swap3A_1096 = arith.index_cast %swap3A_1095 : i32 to index
      %swap3A_1097 = arith.index_cast %add3A_981 : i32 to index
      %swap3A_1098 = arith.constant 80 : index
      %swap3A_1099 = tpu.vector_load %arg10[%swap3A_1096, %swap3A_1097, %swap3A_1098] {strides = array<i32>} : memref<4x40x128xf32, #tpu.memory_space<vmem>>, vector<1x1x16xf32>,
      %swap3A_1100 = vector.shape_cast %swap3A_1099 : vector<1x1x16xf32> to vector<16xf32>
      %swap3A_1101 = vector.shape_cast %mul3A_1094 : vector<16xf32> to vector<1x1x16xf32>
      tpu.vector_store %arg10[%swap3A_1096, %swap3A_1097, %swap3A_1098], %swap3A_1101 {strides = array<i32>} : memref<4x40x128xf32, #tpu.memory_space<vmem>>, vector<1x1x16xf32>,
      %get3A_1102 = arith.constant 0 : i32
      %get3A_1103 = arith.index_cast %get3A_1102 : i32 to index
      %get3A_1104 = arith.index_cast %add3A_981 : i32 to index
      %get3A_1105 = arith.constant 96 : index
      %get3A_1106 = tpu.vector_load %arg10[%get3A_1103, %get3A_1104, %get3A_1105] {strides = array<i32>} : memref<4x40x128xf32, #tpu.memory_space<vmem>>, vector<1x1x16xf32>,
      %get3A_1107 = vector.shape_cast %get3A_1106 : vector<1x1x16xf32> to vector<16xf32>
      %get3A_1108 = arith.constant 0 : i32
      %get3A_1109 = arith.index_cast %get3A_1108 : i32 to index
      %get3A_1110 = arith.index_cast %add3A_981 : i32 to index
      %get3A_1111 = arith.constant 96 : index
      %get3A_1112 = tpu.vector_load %arg11[%get3A_1109, %get3A_1110, %get3A_1111] {strides = array<i32>} : memref<4x40x128xf32, #tpu.memory_space<vmem>>, vector<1x1x16xf32>,
      %get3A_1113 = vector.shape_cast %get3A_1112 : vector<1x1x16xf32> to vector<16xf32>
      %mul3A_1114 = arith.mulf %get3A_1107, %get3A_1113 : vector<16xf32>
      %swap3A_1115 = arith.constant 0 : i32
      %swap3A_1116 = arith.index_cast %swap3A_1115 : i32 to index
      %swap3A_1117 = arith.index_cast %add3A_981 : i32 to index
      %swap3A_1118 = arith.constant 96 : index
      %swap3A_1119 = tpu.vector_load %arg10[%swap3A_1116, %swap3A_1117, %swap3A_1118] {strides = array<i32>} : memref<4x40x128xf32, #tpu.memory_space<vmem>>, vector<1x1x16xf32>,
      %swap3A_1120 = vector.shape_cast %swap3A_1119 : vector<1x1x16xf32> to vector<16xf32>
      %swap3A_1121 = vector.shape_cast %mul3A_1114 : vector<16xf32> to vector<1x1x16xf32>
      tpu.vector_store %arg10[%swap3A_1116, %swap3A_1117, %swap3A_1118], %swap3A_1121 {strides = array<i32>} : memref<4x40x128xf32, #tpu.memory_space<vmem>>, vector<1x1x16xf32>,
      %get3A_1122 = arith.constant 0 : i32
      %get3A_1123 = arith.index_cast %get3A_1122 : i32 to index
      %get3A_1124 = arith.index_cast %add3A_981 : i32 to index
      %get3A_1125 = arith.constant 112 : index
      %get3A_1126 = tpu.vector_load %arg10[%get3A_1123, %get3A_1124, %get3A_1125] {strides = array<i32>} : memref<4x40x128xf32, #tpu.memory_space<vmem>>, vector<1x1x16xf32>,
      %get3A_1127 = vector.shape_cast %get3A_1126 : vector<1x1x16xf32> to vector<16xf32>
      %get3A_1128 = arith.constant 0 : i32
      %get3A_1129 = arith.index_cast %get3A_1128 : i32 to index
      %get3A_1130 = arith.index_cast %add3A_981 : i32 to index
      %get3A_1131 = arith.constant 112 : index
      %get3A_1132 = tpu.vector_load %arg11[%get3A_1129, %get3A_1130, %get3A_1131] {strides = array<i32>} : memref<4x40x128xf32, #tpu.memory_space<vmem>>, vector<1x1x16xf32>,
      %get3A_1133 = vector.shape_cast %get3A_1132 : vector<1x1x16xf32> to vector<16xf32>
      %mul3A_1134 = arith.mulf %get3A_1127, %get3A_1133 : vector<16xf32>
      %swap3A_1135 = arith.constant 0 : i32
      %swap3A_1136 = arith.index_cast %swap3A_1135 : i32 to index
      %swap3A_1137 = arith.index_cast %add3A_981 : i32 to index
      %swap3A_1138 = arith.constant 112 : index
      %swap3A_1139 = tpu.vector_load %arg10[%swap3A_1136, %swap3A_1137, %swap3A_1138] {strides = array<i32>} : memref<4x40x128xf32, #tpu.memory_space<vmem>>, vector<1x1x16xf32>,
      %swap3A_1140 = vector.shape_cast %swap3A_1139 : vector<1x1x16xf32> to vector<16xf32>
      %swap3A_1141 = vector.shape_cast %mul3A_1134 : vector<16xf32> to vector<1x1x16xf32>
      tpu.vector_store %arg10[%swap3A_1136, %swap3A_1137, %swap3A_1138], %swap3A_1141 {strides = array<i32>} : memref<4x40x128xf32, #tpu.memory_space<vmem>>, vector<1x1x16xf32>,
    }
    %scan3A_759 = arith.constant 40 : i32
    %dma_start3A_760 = arith.constant 0 : i32
    %dma_start3A_761 = arith.constant 0 : i32
    %dma_start3A_762 = arith.constant 0 : i32
    %dma_start3A_763 = arith.constant 0 : i32
    %dma_start3A_764 = tpu.memref_slice %arg10[%dma_start3A_760, %dma_start3A_762, %dma_start3A_763] : memref<4x40x128xf32, #tpu.memory_space<vmem>> -> memref<1x40x128xf32, #tpu.memory_space<vmem>>
    %dma_start3A_765 = tpu.memref_squeeze %dma_start3A_764 : memref<1x40x128xf32, #tpu.memory_space<vmem>> -> memref<40x128xf32, #tpu.memory_space<vmem>>
    %dma_start3A_766 = arith.constant 0 : i32
    %dma_start3A_767 = tpu.memref_slice %arg9[%dma_start3A_761, %dma_start3A_766] : memref<4x40xi32, #tpu.memory_space<vmem>> -> memref<1x40xi32, #tpu.memory_space<vmem>>
    %dma_start3A_768 = tpu.memref_squeeze %dma_start3A_767 : memref<1x40xi32, #tpu.memory_space<vmem>> -> memref<40xi32, #tpu.memory_space<vmem>>
    %dma_start3A_769 = arith.constant 0 : i32
    %dma_start3A_770 = arith.constant 0 : i32
    %dma_start3A_771 = tpu.memref_slice %arg12[%dma_start3A_769, %dma_start3A_770] : memref<10000x128xf32, #tpu.memory_space<vmem_shared>> -> memref<10000x128xf32, #tpu.memory_space<vmem_shared>>
    tpu.enqueue_indirect_dma source(%dma_start3A_765 : memref<40x128xf32, #tpu.memory_space<vmem>>) target(%dma_start3A_771 : memref<10000x128xf32, #tpu.memory_space<vmem_shared>>) offsets(%dma_start3A_768 : memref<40xi32, #tpu.memory_space<vmem>>) semaphore(%arg17 : memref<!tpu.dma_semaphore, #tpu.memory_space<semaphore_mem>>) {add = true}
    %dma_wait3A_772 = arith.constant 1 : i32
    %dma_wait3A_773 = arith.constant 0 : i32
    %dma_wait3A_774 = arith.constant 0 : i32
    %dma_wait3A_775 = tpu.memref_slice %arg10[%dma_wait3A_772, %dma_wait3A_773, %dma_wait3A_774] : memref<4x40x128xf32, #tpu.memory_space<vmem>> -> memref<1x40x128xf32, #tpu.memory_space<vmem>>
    %dma_wait3A_776 = tpu.memref_squeeze %dma_wait3A_775 : memref<1x40x128xf32, #tpu.memory_space<vmem>> -> memref<40x128xf32, #tpu.memory_space<vmem>>
    %dma_wait3A_777 = arith.constant 0 : i32
    %dma_wait3A_778 = arith.constant 0 : i32
    %dma_wait3A_779 = tpu.memref_slice %arg5[%dma_wait3A_777, %dma_wait3A_778] : memref<10000x128xf32, #tpu.memory_space<hbm>> -> memref<40x128xf32, #tpu.memory_space<hbm>>
    %dma_wait3A_780 = arith.constant 0 : i32
    %dma_wait3A_781 = arith.constant 0 : i32
    %dma_wait3A_782 = tpu.memref_slice %arg10[%dma_wait3A_772, %dma_wait3A_780, %dma_wait3A_781] : memref<4x40x128xf32, #tpu.memory_space<vmem>> -> memref<1x40x128xf32, #tpu.memory_space<vmem>>
    %dma_wait3A_783 = tpu.memref_squeeze %dma_wait3A_782 : memref<1x40x128xf32, #tpu.memory_space<vmem>> -> memref<40x128xf32, #tpu.memory_space<vmem>>
    %dma_wait3A_784 = arith.constant 0 : i32
    %dma_wait3A_785 = arith.constant 0 : i32
    %dma_wait3A_786 = tpu.memref_slice %arg5[%dma_wait3A_784, %dma_wait3A_785] : memref<10000x128xf32, #tpu.memory_space<hbm>> -> memref<40x128xf32, #tpu.memory_space<hbm>>
    tpu.wait_dma2 semaphore(%arg14 : memref<!tpu.dma_semaphore, #tpu.memory_space<semaphore_mem>>) src(%dma_wait3A_786 : memref<40x128xf32, #tpu.memory_space<hbm>>) dst(%dma_wait3A_783 : memref<40x128xf32, #tpu.memory_space<vmem>>)
    %dma_wait3A_787 = arith.constant 1 : i32
    %dma_wait3A_788 = arith.constant 0 : i32
    %dma_wait3A_789 = arith.constant 0 : i32
    %dma_wait3A_790 = tpu.memref_slice %arg11[%dma_wait3A_787, %dma_wait3A_788, %dma_wait3A_789] : memref<4x40x128xf32, #tpu.memory_space<vmem>> -> memref<1x40x128xf32, #tpu.memory_space<vmem>>
    %dma_wait3A_791 = tpu.memref_squeeze %dma_wait3A_790 : memref<1x40x128xf32, #tpu.memory_space<vmem>> -> memref<40x128xf32, #tpu.memory_space<vmem>>
    %dma_wait3A_792 = arith.constant 0 : i32
    %dma_wait3A_793 = arith.constant 0 : i32
    %dma_wait3A_794 = tpu.memref_slice %arg5[%dma_wait3A_792, %dma_wait3A_793] : memref<10000x128xf32, #tpu.memory_space<hbm>> -> memref<40x128xf32, #tpu.memory_space<hbm>>
    %dma_wait3A_795 = arith.constant 0 : i32
    %dma_wait3A_796 = arith.constant 0 : i32
    %dma_wait3A_797 = tpu.memref_slice %arg11[%dma_wait3A_787, %dma_wait3A_795, %dma_wait3A_796] : memref<4x40x128xf32, #tpu.memory_space<vmem>> -> memref<1x40x128xf32, #tpu.memory_space<vmem>>
    %dma_wait3A_798 = tpu.memref_squeeze %dma_wait3A_797 : memref<1x40x128xf32, #tpu.memory_space<vmem>> -> memref<40x128xf32, #tpu.memory_space<vmem>>
    %dma_wait3A_799 = arith.constant 0 : i32
    %dma_wait3A_800 = arith.constant 0 : i32
    %dma_wait3A_801 = tpu.memref_slice %arg5[%dma_wait3A_799, %dma_wait3A_800] : memref<10000x128xf32, #tpu.memory_space<hbm>> -> memref<40x128xf32, #tpu.memory_space<hbm>>
    tpu.wait_dma2 semaphore(%arg14 : memref<!tpu.dma_semaphore, #tpu.memory_space<semaphore_mem>>) src(%dma_wait3A_801 : memref<40x128xf32, #tpu.memory_space<hbm>>) dst(%dma_wait3A_798 : memref<40x128xf32, #tpu.memory_space<vmem>>)
    %add3A_802 = arith.constant 5 : i32
    %add3A_803 = arith.addi %mul3A_8, %add3A_802 : i32
    %dma_start3A_804 = arith.constant 1 : i32
    %dma_start3A_805 = arith.constant 0 : i32
    %dma_start3A_806 = arith.constant 0 : i32
    %dma_start3A_807 = tpu.memref_slice %arg7[%dma_start3A_804, %dma_start3A_805, %dma_start3A_806] : memref<4x3x40xi32, #tpu.memory_space<vmem>> -> memref<1x3x40xi32, #tpu.memory_space<vmem>>
    %dma_start3A_808 = tpu.memref_squeeze %dma_start3A_807 : memref<1x3x40xi32, #tpu.memory_space<vmem>> -> memref<3x40xi32, #tpu.memory_space<vmem>>
    %dma_start3A_809 = arith.constant 0 : i32
    %dma_start3A_810 = arith.constant 0 : i32
    %dma_start3A_811 = tpu.memref_slice %arg2[%add3A_803, %dma_start3A_809, %dma_start3A_810] : memref<8004x3x40xi32, #tpu.memory_space<hbm>> -> memref<1x3x40xi32, #tpu.memory_space<hbm>>
    %dma_start3A_812 = tpu.memref_squeeze %dma_start3A_811 : memref<1x3x40xi32, #tpu.memory_space<hbm>> -> memref<3x40xi32, #tpu.memory_space<hbm>>
    %dma_start3A_813 = arith.constant 0 : i32
    %dma_start3A_814 = arith.constant 0 : i32
    %dma_start3A_815 = tpu.memref_slice %arg7[%dma_start3A_804, %dma_start3A_813, %dma_start3A_814] : memref<4x3x40xi32, #tpu.memory_space<vmem>> -> memref<1x3x40xi32, #tpu.memory_space<vmem>>
    %dma_start3A_816 = tpu.memref_squeeze %dma_start3A_815 : memref<1x3x40xi32, #tpu.memory_space<vmem>> -> memref<3x40xi32, #tpu.memory_space<vmem>>
    %dma_start3A_817 = arith.constant 0 : i32
    %dma_start3A_818 = arith.constant 0 : i32
    %dma_start3A_819 = tpu.memref_slice %arg2[%add3A_803, %dma_start3A_817, %dma_start3A_818] : memref<8004x3x40xi32, #tpu.memory_space<hbm>> -> memref<1x3x40xi32, #tpu.memory_space<hbm>>
    %dma_start3A_820 = tpu.memref_squeeze %dma_start3A_819 : memref<1x3x40xi32, #tpu.memory_space<hbm>> -> memref<3x40xi32, #tpu.memory_space<hbm>>
    tpu.enqueue_dma source(%dma_start3A_820 : memref<3x40xi32, #tpu.memory_space<hbm>>) target(%dma_start3A_816 : memref<3x40xi32, #tpu.memory_space<vmem>>) target_semaphore(%arg22 : memref<!tpu.dma_semaphore, #tpu.memory_space<semaphore_mem>>)
    %scan3A_821 = arith.constant 0 : i32
    %scan3A_822 = arith.constant 40 : i32
    %scan3A_823 = arith.addi %scan3A_821, %scan3A_822 : i32
    %scan3A_824 = arith.constant 1 : i32
    scf.for %scan3A_977 = %scan3A_821 to %scan3A_823 step %scan3A_824  : i32 {
      %mul3A_978 = arith.constant 1 : i32
      %mul3A_979 = arith.muli %scan3A_977, %mul3A_978 : i32
      %add3A_980 = arith.constant 0 : i32
      %add3A_981 = arith.addi %add3A_980, %mul3A_979 : i32
      %get3A_982 = arith.constant 1 : i32
      %get3A_983 = arith.index_cast %get3A_982 : i32 to index
      %get3A_984 = arith.index_cast %add3A_981 : i32 to index
      %get3A_985 = arith.constant 0 : index
      %get3A_986 = tpu.vector_load %arg10[%get3A_983, %get3A_984, %get3A_985] {strides = array<i32>} : memref<4x40x128xf32, #tpu.memory_space<vmem>>, vector<1x1x16xf32>,
      %get3A_987 = vector.shape_cast %get3A_986 : vector<1x1x16xf32> to vector<16xf32>
      %get3A_988 = arith.constant 1 : i32
      %get3A_989 = arith.index_cast %get3A_988 : i32 to index
      %get3A_990 = arith.index_cast %add3A_981 : i32 to index
      %get3A_991 = arith.constant 0 : index
      %get3A_992 = tpu.vector_load %arg11[%get3A_989, %get3A_990, %get3A_991] {strides = array<i32>} : memref<4x40x128xf32, #tpu.memory_space<vmem>>, vector<1x1x16xf32>,
      %get3A_993 = vector.shape_cast %get3A_992 : vector<1x1x16xf32> to vector<16xf32>
      %mul3A_994 = arith.mulf %get3A_987, %get3A_993 : vector<16xf32>
      %swap3A_995 = arith.constant 1 : i32
      %swap3A_996 = arith.index_cast %swap3A_995 : i32 to index
      %swap3A_997 = arith.index_cast %add3A_981 : i32 to index
      %swap3A_998 = arith.constant 0 : index
      %swap3A_999 = tpu.vector_load %arg10[%swap3A_996, %swap3A_997, %swap3A_998] {strides = array<i32>} : memref<4x40x128xf32, #tpu.memory_space<vmem>>, vector<1x1x16xf32>,
      %swap3A_1000 = vector.shape_cast %swap3A_999 : vector<1x1x16xf32> to vector<16xf32>
      %swap3A_1001 = vector.shape_cast %mul3A_994 : vector<16xf32> to vector<1x1x16xf32>
      tpu.vector_store %arg10[%swap3A_996, %swap3A_997, %swap3A_998], %swap3A_1001 {strides = array<i32>} : memref<4x40x128xf32, #tpu.memory_space<vmem>>, vector<1x1x16xf32>,
      %get3A_1002 = arith.constant 1 : i32
      %get3A_1003 = arith.index_cast %get3A_1002 : i32 to index
      %get3A_1004 = arith.index_cast %add3A_981 : i32 to index
      %get3A_1005 = arith.constant 16 : index
      %get3A_1006 = tpu.vector_load %arg10[%get3A_1003, %get3A_1004, %get3A_1005] {strides = array<i32>} : memref<4x40x128xf32, #tpu.memory_space<vmem>>, vector<1x1x16xf32>,
      %get3A_1007 = vector.shape_cast %get3A_1006 : vector<1x1x16xf32> to vector<16xf32>
      %get3A_1008 = arith.constant 1 : i32
      %get3A_1009 = arith.index_cast %get3A_1008 : i32 to index
      %get3A_1010 = arith.index_cast %add3A_981 : i32 to index
      %get3A_1011 = arith.constant 16 : index
      %get3A_1012 = tpu.vector_load %arg11[%get3A_1009, %get3A_1010, %get3A_1011] {strides = array<i32>} : memref<4x40x128xf32, #tpu.memory_space<vmem>>, vector<1x1x16xf32>,
      %get3A_1013 = vector.shape_cast %get3A_1012 : vector<1x1x16xf32> to vector<16xf32>
      %mul3A_1014 = arith.mulf %get3A_1007, %get3A_1013 : vector<16xf32>
      %swap3A_1015 = arith.constant 1 : i32
      %swap3A_1016 = arith.index_cast %swap3A_1015 : i32 to index
      %swap3A_1017 = arith.index_cast %add3A_981 : i32 to index
      %swap3A_1018 = arith.constant 16 : index
      %swap3A_1019 = tpu.vector_load %arg10[%swap3A_1016, %swap3A_1017, %swap3A_1018] {strides = array<i32>} : memref<4x40x128xf32, #tpu.memory_space<vmem>>, vector<1x1x16xf32>,
      %swap3A_1020 = vector.shape_cast %swap3A_1019 : vector<1x1x16xf32> to vector<16xf32>
      %swap3A_1021 = vector.shape_cast %mul3A_1014 : vector<16xf32> to vector<1x1x16xf32>
      tpu.vector_store %arg10[%swap3A_1016, %swap3A_1017, %swap3A_1018], %swap3A_1021 {strides = array<i32>} : memref<4x40x128xf32, #tpu.memory_space<vmem>>, vector<1x1x16xf32>,
      %get3A_1022 = arith.constant 1 : i32
      %get3A_1023 = arith.index_cast %get3A_1022 : i32 to index
      %get3A_1024 = arith.index_cast %add3A_981 : i32 to index
      %get3A_1025 = arith.constant 32 : index
      %get3A_1026 = tpu.vector_load %arg10[%get3A_1023, %get3A_1024, %get3A_1025] {strides = array<i32>} : memref<4x40x128xf32, #tpu.memory_space<vmem>>, vector<1x1x16xf32>,
      %get3A_1027 = vector.shape_cast %get3A_1026 : vector<1x1x16xf32> to vector<16xf32>
      %get3A_1028 = arith.constant 1 : i32
      %get3A_1029 = arith.index_cast %get3A_1028 : i32 to index
      %get3A_1030 = arith.index_cast %add3A_981 : i32 to index
      %get3A_1031 = arith.constant 32 : index
      %get3A_1032 = tpu.vector_load %arg11[%get3A_1029, %get3A_1030, %get3A_1031] {strides = array<i32>} : memref<4x40x128xf32, #tpu.memory_space<vmem>>, vector<1x1x16xf32>,
      %get3A_1033 = vector.shape_cast %get3A_1032 : vector<1x1x16xf32> to vector<16xf32>
      %mul3A_1034 = arith.mulf %get3A_1027, %get3A_1033 : vector<16xf32>
      %swap3A_1035 = arith.constant 1 : i32
      %swap3A_1036 = arith.index_cast %swap3A_1035 : i32 to index
      %swap3A_1037 = arith.index_cast %add3A_981 : i32 to index
      %swap3A_1038 = arith.constant 32 : index
      %swap3A_1039 = tpu.vector_load %arg10[%swap3A_1036, %swap3A_1037, %swap3A_1038] {strides = array<i32>} : memref<4x40x128xf32, #tpu.memory_space<vmem>>, vector<1x1x16xf32>,
      %swap3A_1040 = vector.shape_cast %swap3A_1039 : vector<1x1x16xf32> to vector<16xf32>
      %swap3A_1041 = vector.shape_cast %mul3A_1034 : vector<16xf32> to vector<1x1x16xf32>
      tpu.vector_store %arg10[%swap3A_1036, %swap3A_1037, %swap3A_1038], %swap3A_1041 {strides = array<i32>} : memref<4x40x128xf32, #tpu.memory_space<vmem>>, vector<1x1x16xf32>,
      %get3A_1042 = arith.constant 1 : i32
      %get3A_1043 = arith.index_cast %get3A_1042 : i32 to index
      %get3A_1044 = arith.index_cast %add3A_981 : i32 to index
      %get3A_1045 = arith.constant 48 : index
      %get3A_1046 = tpu.vector_load %arg10[%get3A_1043, %get3A_1044, %get3A_1045] {strides = array<i32>} : memref<4x40x128xf32, #tpu.memory_space<vmem>>, vector<1x1x16xf32>,
      %get3A_1047 = vector.shape_cast %get3A_1046 : vector<1x1x16xf32> to vector<16xf32>
      %get3A_1048 = arith.constant 1 : i32
      %get3A_1049 = arith.index_cast %get3A_1048 : i32 to index
      %get3A_1050 = arith.index_cast %add3A_981 : i32 to index
      %get3A_1051 = arith.constant 48 : index
      %get3A_1052 = tpu.vector_load %arg11[%get3A_1049, %get3A_1050, %get3A_1051] {strides = array<i32>} : memref<4x40x128xf32, #tpu.memory_space<vmem>>, vector<1x1x16xf32>,
      %get3A_1053 = vector.shape_cast %get3A_1052 : vector<1x1x16xf32> to vector<16xf32>
      %mul3A_1054 = arith.mulf %get3A_1047, %get3A_1053 : vector<16xf32>
      %swap3A_1055 = arith.constant 1 : i32
      %swap3A_1056 = arith.index_cast %swap3A_1055 : i32 to index
      %swap3A_1057 = arith.index_cast %add3A_981 : i32 to index
      %swap3A_1058 = arith.constant 48 : index
      %swap3A_1059 = tpu.vector_load %arg10[%swap3A_1056, %swap3A_1057, %swap3A_1058] {strides = array<i32>} : memref<4x40x128xf32, #tpu.memory_space<vmem>>, vector<1x1x16xf32>,
      %swap3A_1060 = vector.shape_cast %swap3A_1059 : vector<1x1x16xf32> to vector<16xf32>
      %swap3A_1061 = vector.shape_cast %mul3A_1054 : vector<16xf32> to vector<1x1x16xf32>
      tpu.vector_store %arg10[%swap3A_1056, %swap3A_1057, %swap3A_1058], %swap3A_1061 {strides = array<i32>} : memref<4x40x128xf32, #tpu.memory_space<vmem>>, vector<1x1x16xf32>,
      %get3A_1062 = arith.constant 1 : i32
      %get3A_1063 = arith.index_cast %get3A_1062 : i32 to index
      %get3A_1064 = arith.index_cast %add3A_981 : i32 to index
      %get3A_1065 = arith.constant 64 : index
      %get3A_1066 = tpu.vector_load %arg10[%get3A_1063, %get3A_1064, %get3A_1065] {strides = array<i32>} : memref<4x40x128xf32, #tpu.memory_space<vmem>>, vector<1x1x16xf32>,
      %get3A_1067 = vector.shape_cast %get3A_1066 : vector<1x1x16xf32> to vector<16xf32>
      %get3A_1068 = arith.constant 1 : i32
      %get3A_1069 = arith.index_cast %get3A_1068 : i32 to index
      %get3A_1070 = arith.index_cast %add3A_981 : i32 to index
      %get3A_1071 = arith.constant 64 : index
      %get3A_1072 = tpu.vector_load %arg11[%get3A_1069, %get3A_1070, %get3A_1071] {strides = array<i32>} : memref<4x40x128xf32, #tpu.memory_space<vmem>>, vector<1x1x16xf32>,
      %get3A_1073 = vector.shape_cast %get3A_1072 : vector<1x1x16xf32> to vector<16xf32>
      %mul3A_1074 = arith.mulf %get3A_1067, %get3A_1073 : vector<16xf32>
      %swap3A_1075 = arith.constant 1 : i32
      %swap3A_1076 = arith.index_cast %swap3A_1075 : i32 to index
      %swap3A_1077 = arith.index_cast %add3A_981 : i32 to index
      %swap3A_1078 = arith.constant 64 : index
      %swap3A_1079 = tpu.vector_load %arg10[%swap3A_1076, %swap3A_1077, %swap3A_1078] {strides = array<i32>} : memref<4x40x128xf32, #tpu.memory_space<vmem>>, vector<1x1x16xf32>,
      %swap3A_1080 = vector.shape_cast %swap3A_1079 : vector<1x1x16xf32> to vector<16xf32>
      %swap3A_1081 = vector.shape_cast %mul3A_1074 : vector<16xf32> to vector<1x1x16xf32>
      tpu.vector_store %arg10[%swap3A_1076, %swap3A_1077, %swap3A_1078], %swap3A_1081 {strides = array<i32>} : memref<4x40x128xf32, #tpu.memory_space<vmem>>, vector<1x1x16xf32>,
      %get3A_1082 = arith.constant 1 : i32
      %get3A_1083 = arith.index_cast %get3A_1082 : i32 to index
      %get3A_1084 = arith.index_cast %add3A_981 : i32 to index
      %get3A_1085 = arith.constant 80 : index
      %get3A_1086 = tpu.vector_load %arg10[%get3A_1083, %get3A_1084, %get3A_1085] {strides = array<i32>} : memref<4x40x128xf32, #tpu.memory_space<vmem>>, vector<1x1x16xf32>,
      %get3A_1087 = vector.shape_cast %get3A_1086 : vector<1x1x16xf32> to vector<16xf32>
      %get3A_1088 = arith.constant 1 : i32
      %get3A_1089 = arith.index_cast %get3A_1088 : i32 to index
      %get3A_1090 = arith.index_cast %add3A_981 : i32 to index
      %get3A_1091 = arith.constant 80 : index
      %get3A_1092 = tpu.vector_load %arg11[%get3A_1089, %get3A_1090, %get3A_1091] {strides = array<i32>} : memref<4x40x128xf32, #tpu.memory_space<vmem>>, vector<1x1x16xf32>,
      %get3A_1093 = vector.shape_cast %get3A_1092 : vector<1x1x16xf32> to vector<16xf32>
      %mul3A_1094 = arith.mulf %get3A_1087, %get3A_1093 : vector<16xf32>
      %swap3A_1095 = arith.constant 1 : i32
      %swap3A_1096 = arith.index_cast %swap3A_1095 : i32 to index
      %swap3A_1097 = arith.index_cast %add3A_981 : i32 to index
      %swap3A_1098 = arith.constant 80 : index
      %swap3A_1099 = tpu.vector_load %arg10[%swap3A_1096, %swap3A_1097, %swap3A_1098] {strides = array<i32>} : memref<4x40x128xf32, #tpu.memory_space<vmem>>, vector<1x1x16xf32>,
      %swap3A_1100 = vector.shape_cast %swap3A_1099 : vector<1x1x16xf32> to vector<16xf32>
      %swap3A_1101 = vector.shape_cast %mul3A_1094 : vector<16xf32> to vector<1x1x16xf32>
      tpu.vector_store %arg10[%swap3A_1096, %swap3A_1097, %swap3A_1098], %swap3A_1101 {strides = array<i32>} : memref<4x40x128xf32, #tpu.memory_space<vmem>>, vector<1x1x16xf32>,
      %get3A_1102 = arith.constant 1 : i32
      %get3A_1103 = arith.index_cast %get3A_1102 : i32 to index
      %get3A_1104 = arith.index_cast %add3A_981 : i32 to index
      %get3A_1105 = arith.constant 96 : index
      %get3A_1106 = tpu.vector_load %arg10[%get3A_1103, %get3A_1104, %get3A_1105] {strides = array<i32>} : memref<4x40x128xf32, #tpu.memory_space<vmem>>, vector<1x1x16xf32>,
      %get3A_1107 = vector.shape_cast %get3A_1106 : vector<1x1x16xf32> to vector<16xf32>
      %get3A_1108 = arith.constant 1 : i32
      %get3A_1109 = arith.index_cast %get3A_1108 : i32 to index
      %get3A_1110 = arith.index_cast %add3A_981 : i32 to index
      %get3A_1111 = arith.constant 96 : index
      %get3A_1112 = tpu.vector_load %arg11[%get3A_1109, %get3A_1110, %get3A_1111] {strides = array<i32>} : memref<4x40x128xf32, #tpu.memory_space<vmem>>, vector<1x1x16xf32>,
      %get3A_1113 = vector.shape_cast %get3A_1112 : vector<1x1x16xf32> to vector<16xf32>
      %mul3A_1114 = arith.mulf %get3A_1107, %get3A_1113 : vector<16xf32>
      %swap3A_1115 = arith.constant 1 : i32
      %swap3A_1116 = arith.index_cast %swap3A_1115 : i32 to index
      %swap3A_1117 = arith.index_cast %add3A_981 : i32 to index
      %swap3A_1118 = arith.constant 96 : index
      %swap3A_1119 = tpu.vector_load %arg10[%swap3A_1116, %swap3A_1117, %swap3A_1118] {strides = array<i32>} : memref<4x40x128xf32, #tpu.memory_space<vmem>>, vector<1x1x16xf32>,
      %swap3A_1120 = vector.shape_cast %swap3A_1119 : vector<1x1x16xf32> to vector<16xf32>
      %swap3A_1121 = vector.shape_cast %mul3A_1114 : vector<16xf32> to vector<1x1x16xf32>
      tpu.vector_store %arg10[%swap3A_1116, %swap3A_1117, %swap3A_1118], %swap3A_1121 {strides = array<i32>} : memref<4x40x128xf32, #tpu.memory_space<vmem>>, vector<1x1x16xf32>,
      %get3A_1122 = arith.constant 1 : i32
      %get3A_1123 = arith.index_cast %get3A_1122 : i32 to index
      %get3A_1124 = arith.index_cast %add3A_981 : i32 to index
      %get3A_1125 = arith.constant 112 : index
      %get3A_1126 = tpu.vector_load %arg10[%get3A_1123, %get3A_1124, %get3A_1125] {strides = array<i32>} : memref<4x40x128xf32, #tpu.memory_space<vmem>>, vector<1x1x16xf32>,
      %get3A_1127 = vector.shape_cast %get3A_1126 : vector<1x1x16xf32> to vector<16xf32>
      %get3A_1128 = arith.constant 1 : i32
      %get3A_1129 = arith.index_cast %get3A_1128 : i32 to index
      %get3A_1130 = arith.index_cast %add3A_981 : i32 to index
      %get3A_1131 = arith.constant 112 : index
      %get3A_1132 = tpu.vector_load %arg11[%get3A_1129, %get3A_1130, %get3A_1131] {strides = array<i32>} : memref<4x40x128xf32, #tpu.memory_space<vmem>>, vector<1x1x16xf32>,
      %get3A_1133 = vector.shape_cast %get3A_1132 : vector<1x1x16xf32> to vector<16xf32>
      %mul3A_1134 = arith.mulf %get3A_1127, %get3A_1133 : vector<16xf32>
      %swap3A_1135 = arith.constant 1 : i32
      %swap3A_1136 = arith.index_cast %swap3A_1135 : i32 to index
      %swap3A_1137 = arith.index_cast %add3A_981 : i32 to index
      %swap3A_1138 = arith.constant 112 : index
      %swap3A_1139 = tpu.vector_load %arg10[%swap3A_1136, %swap3A_1137, %swap3A_1138] {strides = array<i32>} : memref<4x40x128xf32, #tpu.memory_space<vmem>>, vector<1x1x16xf32>,
      %swap3A_1140 = vector.shape_cast %swap3A_1139 : vector<1x1x16xf32> to vector<16xf32>
      %swap3A_1141 = vector.shape_cast %mul3A_1134 : vector<16xf32> to vector<1x1x16xf32>
      tpu.vector_store %arg10[%swap3A_1136, %swap3A_1137, %swap3A_1138], %swap3A_1141 {strides = array<i32>} : memref<4x40x128xf32, #tpu.memory_space<vmem>>, vector<1x1x16xf32>,
    }
    %scan3A_825 = arith.constant 40 : i32
    %dma_start3A_826 = arith.constant 1 : i32
    %dma_start3A_827 = arith.constant 1 : i32
    %dma_start3A_828 = arith.constant 0 : i32
    %dma_start3A_829 = arith.constant 0 : i32
    %dma_start3A_830 = tpu.memref_slice %arg10[%dma_start3A_826, %dma_start3A_828, %dma_start3A_829] : memref<4x40x128xf32, #tpu.memory_space<vmem>> -> memref<1x40x128xf32, #tpu.memory_space<vmem>>
    %dma_start3A_831 = tpu.memref_squeeze %dma_start3A_830 : memref<1x40x128xf32, #tpu.memory_space<vmem>> -> memref<40x128xf32, #tpu.memory_space<vmem>>
    %dma_start3A_832 = arith.constant 0 : i32
    %dma_start3A_833 = tpu.memref_slice %arg9[%dma_start3A_827, %dma_start3A_832] : memref<4x40xi32, #tpu.memory_space<vmem>> -> memref<1x40xi32, #tpu.memory_space<vmem>>
    %dma_start3A_834 = tpu.memref_squeeze %dma_start3A_833 : memref<1x40xi32, #tpu.memory_space<vmem>> -> memref<40xi32, #tpu.memory_space<vmem>>
    %dma_start3A_835 = arith.constant 0 : i32
    %dma_start3A_836 = arith.constant 0 : i32
    %dma_start3A_837 = tpu.memref_slice %arg12[%dma_start3A_835, %dma_start3A_836] : memref<10000x128xf32, #tpu.memory_space<vmem_shared>> -> memref<10000x128xf32, #tpu.memory_space<vmem_shared>>
    tpu.enqueue_indirect_dma source(%dma_start3A_831 : memref<40x128xf32, #tpu.memory_space<vmem>>) target(%dma_start3A_837 : memref<10000x128xf32, #tpu.memory_space<vmem_shared>>) offsets(%dma_start3A_834 : memref<40xi32, #tpu.memory_space<vmem>>) semaphore(%arg18 : memref<!tpu.dma_semaphore, #tpu.memory_space<semaphore_mem>>) {add = true}
    %scan3A_838 = arith.constant 0 : i32
    %scan3A_839 = arith.constant 62 : i32
    %scan3A_840 = arith.addi %scan3A_838, %scan3A_839 : i32
    %scan3A_841 = arith.constant 1 : i32
    scf.for %scan3A_977 = %scan3A_838 to %scan3A_840 step %scan3A_841  : i32 {
      %mul3A_978 = arith.constant 4 : i32
      %mul3A_979 = arith.muli %scan3A_977, %mul3A_978 : i32
      %add3A_980 = arith.constant 2 : i32
      %add3A_981 = arith.addi %add3A_980, %mul3A_979 : i32
      %dma_wait3A_982 = arith.constant 0 : i32
      %dma_wait3A_983 = arith.constant 0 : i32
      %dma_wait3A_984 = arith.constant 0 : i32
      %dma_wait3A_985 = tpu.memref_slice %arg7[%dma_wait3A_982, %dma_wait3A_983, %dma_wait3A_984] : memref<4x3x40xi32, #tpu.memory_space<vmem>> -> memref<1x3x40xi32, #tpu.memory_space<vmem>>
      %dma_wait3A_986 = tpu.memref_squeeze %dma_wait3A_985 : memref<1x3x40xi32, #tpu.memory_space<vmem>> -> memref<3x40xi32, #tpu.memory_space<vmem>>
      %dma_wait3A_987 = arith.constant 0 : i32
      %dma_wait3A_988 = arith.constant 0 : i32
      %dma_wait3A_989 = tpu.memref_slice %arg2[%mul3A_8, %dma_wait3A_987, %dma_wait3A_988] : memref<8004x3x40xi32, #tpu.memory_space<hbm>> -> memref<1x3x40xi32, #tpu.memory_space<hbm>>
      %dma_wait3A_990 = tpu.memref_squeeze %dma_wait3A_989 : memref<1x3x40xi32, #tpu.memory_space<hbm>> -> memref<3x40xi32, #tpu.memory_space<hbm>>
      %dma_wait3A_991 = arith.constant 0 : i32
      %dma_wait3A_992 = arith.constant 0 : i32
      %dma_wait3A_993 = tpu.memref_slice %arg7[%dma_wait3A_982, %dma_wait3A_991, %dma_wait3A_992] : memref<4x3x40xi32, #tpu.memory_space<vmem>> -> memref<1x3x40xi32, #tpu.memory_space<vmem>>
      %dma_wait3A_994 = tpu.memref_squeeze %dma_wait3A_993 : memref<1x3x40xi32, #tpu.memory_space<vmem>> -> memref<3x40xi32, #tpu.memory_space<vmem>>
      %dma_wait3A_995 = arith.constant 0 : i32
      %dma_wait3A_996 = arith.constant 0 : i32
      %dma_wait3A_997 = tpu.memref_slice %arg2[%mul3A_8, %dma_wait3A_995, %dma_wait3A_996] : memref<8004x3x40xi32, #tpu.memory_space<hbm>> -> memref<1x3x40xi32, #tpu.memory_space<hbm>>
      %dma_wait3A_998 = tpu.memref_squeeze %dma_wait3A_997 : memref<1x3x40xi32, #tpu.memory_space<hbm>> -> memref<3x40xi32, #tpu.memory_space<hbm>>
      tpu.wait_dma2 semaphore(%arg21 : memref<!tpu.dma_semaphore, #tpu.memory_space<semaphore_mem>>) src(%dma_wait3A_998 : memref<3x40xi32, #tpu.memory_space<hbm>>) dst(%dma_wait3A_994 : memref<3x40xi32, #tpu.memory_space<vmem>>)
      %dma_wait3A_999 = arith.constant 0 : i32
      %dma_wait3A_1000 = arith.constant 0 : i32
      %dma_wait3A_1001 = arith.constant 0 : i32
      %dma_wait3A_1002 = tpu.memref_slice %arg10[%dma_wait3A_999, %dma_wait3A_1000, %dma_wait3A_1001] : memref<4x40x128xf32, #tpu.memory_space<vmem>> -> memref<1x40x128xf32, #tpu.memory_space<vmem>>
      %dma_wait3A_1003 = tpu.memref_squeeze %dma_wait3A_1002 : memref<1x40x128xf32, #tpu.memory_space<vmem>> -> memref<40x128xf32, #tpu.memory_space<vmem>>
      %dma_wait3A_1004 = arith.constant 0 : i32
      %dma_wait3A_1005 = arith.constant 0 : i32
      %dma_wait3A_1006 = tpu.memref_slice %arg12[%dma_wait3A_1004, %dma_wait3A_1005] : memref<10000x128xf32, #tpu.memory_space<vmem_shared>> -> memref<40x128xf32, #tpu.memory_space<vmem_shared>>
      %dma_wait3A_1007 = arith.constant 0 : i32
      %dma_wait3A_1008 = arith.constant 0 : i32
      %dma_wait3A_1009 = tpu.memref_slice %arg12[%dma_wait3A_1007, %dma_wait3A_1008] : memref<10000x128xf32, #tpu.memory_space<vmem_shared>> -> memref<40x128xf32, #tpu.memory_space<vmem_shared>>
      %dma_wait3A_1010 = arith.constant 0 : i32
      %dma_wait3A_1011 = arith.constant 0 : i32
      %dma_wait3A_1012 = tpu.memref_slice %arg10[%dma_wait3A_999, %dma_wait3A_1010, %dma_wait3A_1011] : memref<4x40x128xf32, #tpu.memory_space<vmem>> -> memref<1x40x128xf32, #tpu.memory_space<vmem>>
      %dma_wait3A_1013 = tpu.memref_squeeze %dma_wait3A_1012 : memref<1x40x128xf32, #tpu.memory_space<vmem>> -> memref<40x128xf32, #tpu.memory_space<vmem>>
      tpu.wait_dma2 semaphore(%arg17 : memref<!tpu.dma_semaphore, #tpu.memory_space<semaphore_mem>>) src(%dma_wait3A_1013 : memref<40x128xf32, #tpu.memory_space<vmem>>) dst(%dma_wait3A_1009 : memref<40x128xf32, #tpu.memory_space<vmem_shared>>)
      %get3A_1014 = arith.constant 0 : i32
      %get3A_1015 = arith.constant 2 : i32
      %get3A_1016 = arith.index_cast %get3A_1014 : i32 to index
      %get3A_1017 = arith.index_cast %get3A_1015 : i32 to index
      %get3A_1018 = arith.constant 0 : index
      %get3A_1019 = tpu.vector_load %arg7[%get3A_1016, %get3A_1017, %get3A_1018] {strides = array<i32>} : memref<4x3x40xi32, #tpu.memory_space<vmem>>, vector<1x1x16xi32>,
      %get3A_1020 = vector.shape_cast %get3A_1019 : vector<1x1x16xi32> to vector<16xi32>
      %bitcast_convert_type3A_1021 = tpu.bitcast %get3A_1020 : vector<16xi32> -> vector<16xf32>
      %mul3A_1022 = arith.constant 1.638400e+03 : f32
      %mul3A_1023 = vector.broadcast %mul3A_1022 : f32 to vector<16xf32>
      %mul3A_1024 = arith.mulf %bitcast_convert_type3A_1021, %mul3A_1023 : vector<16xf32>
      %add3A_1025 = arith.constant 5.000000e-01 : f32
      %add3A_1026 = vector.broadcast %add3A_1025 : f32 to vector<16xf32>
      %add3A_1027 = arith.addf %mul3A_1024, %add3A_1026 : vector<16xf32>
      %convert_element_type3A_1028 = arith.fptosi %add3A_1027 : vector<16xf32> to vector<16xi32>
      %min3A_1029 = arith.constant 8199 : i32
      %min3A_1030 = vector.broadcast %min3A_1029 : i32 to vector<16xi32>
      %min3A_1031 = arith.minsi %convert_element_type3A_1028, %min3A_1030 : vector<16xi32>
      %swap3A_1032 = arith.constant 0 : i32
      %swap3A_1033 = arith.index_cast %swap3A_1032 : i32 to index
      %swap3A_1034 = arith.constant 0 : index
      %swap3A_1035 = tpu.vector_load %arg8[%swap3A_1033, %swap3A_1034] {strides = array<i32>} : memref<4x40xi32, #tpu.memory_space<vmem>>, vector<1x16xi32>,
      %swap3A_1036 = vector.shape_cast %swap3A_1035 : vector<1x16xi32> to vector<16xi32>
      %swap3A_1037 = vector.shape_cast %min3A_1031 : vector<16xi32> to vector<1x16xi32>
      tpu.vector_store %arg8[%swap3A_1033, %swap3A_1034], %swap3A_1037 {strides = array<i32>} : memref<4x40xi32, #tpu.memory_space<vmem>>, vector<1x16xi32>,
      %get3A_1038 = arith.constant 0 : i32
      %get3A_1039 = arith.constant 1 : i32
      %get3A_1040 = arith.index_cast %get3A_1038 : i32 to index
      %get3A_1041 = arith.index_cast %get3A_1039 : i32 to index
      %get3A_1042 = arith.constant 0 : index
      %get3A_1043 = tpu.vector_load %arg7[%get3A_1040, %get3A_1041, %get3A_1042] {strides = array<i32>} : memref<4x3x40xi32, #tpu.memory_space<vmem>>, vector<1x1x16xi32>,
      %get3A_1044 = vector.shape_cast %get3A_1043 : vector<1x1x16xi32> to vector<16xi32>
      %swap3A_1045 = arith.constant 0 : i32
      %swap3A_1046 = arith.index_cast %swap3A_1045 : i32 to index
      %swap3A_1047 = arith.constant 0 : index
      %swap3A_1048 = tpu.vector_load %arg9[%swap3A_1046, %swap3A_1047] {strides = array<i32>} : memref<4x40xi32, #tpu.memory_space<vmem>>, vector<1x16xi32>,
      %swap3A_1049 = vector.shape_cast %swap3A_1048 : vector<1x16xi32> to vector<16xi32>
      %swap3A_1050 = vector.shape_cast %get3A_1044 : vector<16xi32> to vector<1x16xi32>
      tpu.vector_store %arg9[%swap3A_1046, %swap3A_1047], %swap3A_1050 {strides = array<i32>} : memref<4x40xi32, #tpu.memory_space<vmem>>, vector<1x16xi32>,
      %get3A_1051 = arith.constant 0 : i32
      %get3A_1052 = arith.constant 2 : i32
      %get3A_1053 = arith.index_cast %get3A_1051 : i32 to index
      %get3A_1054 = arith.index_cast %get3A_1052 : i32 to index
      %get3A_1055 = arith.constant 16 : index
      %get3A_1056 = tpu.vector_load %arg7[%get3A_1053, %get3A_1054, %get3A_1055] {strides = array<i32>} : memref<4x3x40xi32, #tpu.memory_space<vmem>>, vector<1x1x16xi32>,
      %get3A_1057 = vector.shape_cast %get3A_1056 : vector<1x1x16xi32> to vector<16xi32>
      %bitcast_convert_type3A_1058 = tpu.bitcast %get3A_1057 : vector<16xi32> -> vector<16xf32>
      %mul3A_1059 = arith.constant 1.638400e+03 : f32
      %mul3A_1060 = vector.broadcast %mul3A_1059 : f32 to vector<16xf32>
      %mul3A_1061 = arith.mulf %bitcast_convert_type3A_1058, %mul3A_1060 : vector<16xf32>
      %add3A_1062 = arith.constant 5.000000e-01 : f32
      %add3A_1063 = vector.broadcast %add3A_1062 : f32 to vector<16xf32>
      %add3A_1064 = arith.addf %mul3A_1061, %add3A_1063 : vector<16xf32>
      %convert_element_type3A_1065 = arith.fptosi %add3A_1064 : vector<16xf32> to vector<16xi32>
      %min3A_1066 = arith.constant 8199 : i32
      %min3A_1067 = vector.broadcast %min3A_1066 : i32 to vector<16xi32>
      %min3A_1068 = arith.minsi %convert_element_type3A_1065, %min3A_1067 : vector<16xi32>
      %swap3A_1069 = arith.constant 0 : i32
      %swap3A_1070 = arith.index_cast %swap3A_1069 : i32 to index
      %swap3A_1071 = arith.constant 16 : index
      %swap3A_1072 = tpu.vector_load %arg8[%swap3A_1070, %swap3A_1071] {strides = array<i32>} : memref<4x40xi32, #tpu.memory_space<vmem>>, vector<1x16xi32>,
      %swap3A_1073 = vector.shape_cast %swap3A_1072 : vector<1x16xi32> to vector<16xi32>
      %swap3A_1074 = vector.shape_cast %min3A_1068 : vector<16xi32> to vector<1x16xi32>
      tpu.vector_store %arg8[%swap3A_1070, %swap3A_1071], %swap3A_1074 {strides = array<i32>} : memref<4x40xi32, #tpu.memory_space<vmem>>, vector<1x16xi32>,
      %get3A_1075 = arith.constant 0 : i32
      %get3A_1076 = arith.constant 1 : i32
      %get3A_1077 = arith.index_cast %get3A_1075 : i32 to index
      %get3A_1078 = arith.index_cast %get3A_1076 : i32 to index
      %get3A_1079 = arith.constant 16 : index
      %get3A_1080 = tpu.vector_load %arg7[%get3A_1077, %get3A_1078, %get3A_1079] {strides = array<i32>} : memref<4x3x40xi32, #tpu.memory_space<vmem>>, vector<1x1x16xi32>,
      %get3A_1081 = vector.shape_cast %get3A_1080 : vector<1x1x16xi32> to vector<16xi32>
      %swap3A_1082 = arith.constant 0 : i32
      %swap3A_1083 = arith.index_cast %swap3A_1082 : i32 to index
      %swap3A_1084 = arith.constant 16 : index
      %swap3A_1085 = tpu.vector_load %arg9[%swap3A_1083, %swap3A_1084] {strides = array<i32>} : memref<4x40xi32, #tpu.memory_space<vmem>>, vector<1x16xi32>,
      %swap3A_1086 = vector.shape_cast %swap3A_1085 : vector<1x16xi32> to vector<16xi32>
      %swap3A_1087 = vector.shape_cast %get3A_1081 : vector<16xi32> to vector<1x16xi32>
      tpu.vector_store %arg9[%swap3A_1083, %swap3A_1084], %swap3A_1087 {strides = array<i32>} : memref<4x40xi32, #tpu.memory_space<vmem>>, vector<1x16xi32>,
      %get3A_1088 = arith.constant 0 : i32
      %get3A_1089 = arith.constant 2 : i32
      %get3A_1090 = arith.index_cast %get3A_1088 : i32 to index
      %get3A_1091 = arith.index_cast %get3A_1089 : i32 to index
      %get3A_1092 = arith.constant 24 : index
      %get3A_1093 = tpu.vector_load %arg7[%get3A_1090, %get3A_1091, %get3A_1092] {strides = array<i32>} : memref<4x3x40xi32, #tpu.memory_space<vmem>>, vector<1x1x16xi32>,
      %get3A_1094 = vector.shape_cast %get3A_1093 : vector<1x1x16xi32> to vector<16xi32>
      %bitcast_convert_type3A_1095 = tpu.bitcast %get3A_1094 : vector<16xi32> -> vector<16xf32>
      %mul3A_1096 = arith.constant 1.638400e+03 : f32
      %mul3A_1097 = vector.broadcast %mul3A_1096 : f32 to vector<16xf32>
      %mul3A_1098 = arith.mulf %bitcast_convert_type3A_1095, %mul3A_1097 : vector<16xf32>
      %add3A_1099 = arith.constant 5.000000e-01 : f32
      %add3A_1100 = vector.broadcast %add3A_1099 : f32 to vector<16xf32>
      %add3A_1101 = arith.addf %mul3A_1098, %add3A_1100 : vector<16xf32>
      %convert_element_type3A_1102 = arith.fptosi %add3A_1101 : vector<16xf32> to vector<16xi32>
      %min3A_1103 = arith.constant 8199 : i32
      %min3A_1104 = vector.broadcast %min3A_1103 : i32 to vector<16xi32>
      %min3A_1105 = arith.minsi %convert_element_type3A_1102, %min3A_1104 : vector<16xi32>
      %swap3A_1106 = arith.constant 0 : i32
      %swap3A_1107 = arith.index_cast %swap3A_1106 : i32 to index
      %swap3A_1108 = arith.constant 24 : index
      %swap3A_1109 = tpu.vector_load %arg8[%swap3A_1107, %swap3A_1108] {strides = array<i32>} : memref<4x40xi32, #tpu.memory_space<vmem>>, vector<1x16xi32>,
      %swap3A_1110 = vector.shape_cast %swap3A_1109 : vector<1x16xi32> to vector<16xi32>
      %swap3A_1111 = vector.shape_cast %min3A_1105 : vector<16xi32> to vector<1x16xi32>
      tpu.vector_store %arg8[%swap3A_1107, %swap3A_1108], %swap3A_1111 {strides = array<i32>} : memref<4x40xi32, #tpu.memory_space<vmem>>, vector<1x16xi32>,
      %get3A_1112 = arith.constant 0 : i32
      %get3A_1113 = arith.constant 1 : i32
      %get3A_1114 = arith.index_cast %get3A_1112 : i32 to index
      %get3A_1115 = arith.index_cast %get3A_1113 : i32 to index
      %get3A_1116 = arith.constant 24 : index
      %get3A_1117 = tpu.vector_load %arg7[%get3A_1114, %get3A_1115, %get3A_1116] {strides = array<i32>} : memref<4x3x40xi32, #tpu.memory_space<vmem>>, vector<1x1x16xi32>,
      %get3A_1118 = vector.shape_cast %get3A_1117 : vector<1x1x16xi32> to vector<16xi32>
      %swap3A_1119 = arith.constant 0 : i32
      %swap3A_1120 = arith.index_cast %swap3A_1119 : i32 to index
      %swap3A_1121 = arith.constant 24 : index
      %swap3A_1122 = tpu.vector_load %arg9[%swap3A_1120, %swap3A_1121] {strides = array<i32>} : memref<4x40xi32, #tpu.memory_space<vmem>>, vector<1x16xi32>,
      %swap3A_1123 = vector.shape_cast %swap3A_1122 : vector<1x16xi32> to vector<16xi32>
      %swap3A_1124 = vector.shape_cast %get3A_1118 : vector<16xi32> to vector<1x16xi32>
      tpu.vector_store %arg9[%swap3A_1120, %swap3A_1121], %swap3A_1124 {strides = array<i32>} : memref<4x40xi32, #tpu.memory_space<vmem>>, vector<1x16xi32>,
      %dma_start3A_1125 = arith.constant 0 : i32
      %dma_start3A_1126 = arith.constant 0 : i32
      %dma_start3A_1127 = arith.constant 0 : i32
      %dma_start3A_1128 = arith.constant 0 : i32
      %dma_start3A_1129 = arith.constant 0 : i32
      %dma_start3A_1130 = tpu.memref_slice %arg10[%dma_start3A_1127, %dma_start3A_1128, %dma_start3A_1129] : memref<4x40x128xf32, #tpu.memory_space<vmem>> -> memref<1x40x128xf32, #tpu.memory_space<vmem>>
      %dma_start3A_1131 = tpu.memref_squeeze %dma_start3A_1130 : memref<1x40x128xf32, #tpu.memory_space<vmem>> -> memref<40x128xf32, #tpu.memory_space<vmem>>
      %dma_start3A_1132 = arith.constant 0 : i32
      %dma_start3A_1133 = arith.constant 0 : i32
      %dma_start3A_1134 = tpu.memref_slice %arg7[%dma_start3A_1125, %dma_start3A_1132, %dma_start3A_1133] : memref<4x3x40xi32, #tpu.memory_space<vmem>> -> memref<1x3x40xi32, #tpu.memory_space<vmem>>
      %dma_start3A_1135 = tpu.memref_squeeze %dma_start3A_1134 : memref<1x3x40xi32, #tpu.memory_space<vmem>> -> memref<3x40xi32, #tpu.memory_space<vmem>>
      %dma_start3A_1136 = arith.constant 0 : i32
      %dma_start3A_1137 = tpu.memref_slice %dma_start3A_1135[%dma_start3A_1126, %dma_start3A_1136] : memref<3x40xi32, #tpu.memory_space<vmem>> -> memref<1x40xi32, #tpu.memory_space<vmem>>
      %dma_start3A_1138 = tpu.memref_squeeze %dma_start3A_1137 : memref<1x40xi32, #tpu.memory_space<vmem>> -> memref<40xi32, #tpu.memory_space<vmem>>
      %dma_start3A_1139 = arith.constant 0 : i32
      %dma_start3A_1140 = arith.constant 0 : i32
      %dma_start3A_1141 = tpu.memref_slice %arg4[%dma_start3A_1139, %dma_start3A_1140] : memref<10000x128xf32, #tpu.memory_space<hbm>> -> memref<10000x128xf32, #tpu.memory_space<hbm>>
      tpu.enqueue_indirect_dma source(%dma_start3A_1141 : memref<10000x128xf32, #tpu.memory_space<hbm>>) target(%dma_start3A_1131 : memref<40x128xf32, #tpu.memory_space<vmem>>) offsets(%dma_start3A_1138 : memref<40xi32, #tpu.memory_space<vmem>>) semaphore(%arg13 : memref<!tpu.dma_semaphore, #tpu.memory_space<semaphore_mem>>)
      %dma_start3A_1142 = arith.constant 0 : i32
      %dma_start3A_1143 = arith.constant 0 : i32
      %dma_start3A_1144 = arith.constant 0 : i32
      %dma_start3A_1145 = arith.constant 0 : i32
      %dma_start3A_1146 = tpu.memref_slice %arg11[%dma_start3A_1143, %dma_start3A_1144, %dma_start3A_1145] : memref<4x40x128xf32, #tpu.memory_space<vmem>> -> memref<1x40x128xf32, #tpu.memory_space<vmem>>
      %dma_start3A_1147 = tpu.memref_squeeze %dma_start3A_1146 : memref<1x40x128xf32, #tpu.memory_space<vmem>> -> memref<40x128xf32, #tpu.memory_space<vmem>>
      %dma_start3A_1148 = arith.constant 0 : i32
      %dma_start3A_1149 = tpu.memref_slice %arg8[%dma_start3A_1142, %dma_start3A_1148] : memref<4x40xi32, #tpu.memory_space<vmem>> -> memref<1x40xi32, #tpu.memory_space<vmem>>
      %dma_start3A_1150 = tpu.memref_squeeze %dma_start3A_1149 : memref<1x40xi32, #tpu.memory_space<vmem>> -> memref<40xi32, #tpu.memory_space<vmem>>
      %dma_start3A_1151 = arith.constant 0 : i32
      %dma_start3A_1152 = arith.constant 0 : i32
      %dma_start3A_1153 = tpu.memref_slice %arg3[%dma_start3A_1151, %dma_start3A_1152] : memref<8200x128xf32, #tpu.memory_space<hbm>> -> memref<8200x128xf32, #tpu.memory_space<hbm>>
      tpu.enqueue_indirect_dma source(%dma_start3A_1153 : memref<8200x128xf32, #tpu.memory_space<hbm>>) target(%dma_start3A_1147 : memref<40x128xf32, #tpu.memory_space<vmem>>) offsets(%dma_start3A_1150 : memref<40xi32, #tpu.memory_space<vmem>>) semaphore(%arg13 : memref<!tpu.dma_semaphore, #tpu.memory_space<semaphore_mem>>)
      %dma_wait3A_1154 = arith.constant 1 : i32
      %dma_wait3A_1155 = arith.constant 0 : i32
      %dma_wait3A_1156 = arith.constant 0 : i32
      %dma_wait3A_1157 = tpu.memref_slice %arg7[%dma_wait3A_1154, %dma_wait3A_1155, %dma_wait3A_1156] : memref<4x3x40xi32, #tpu.memory_space<vmem>> -> memref<1x3x40xi32, #tpu.memory_space<vmem>>
      %dma_wait3A_1158 = tpu.memref_squeeze %dma_wait3A_1157 : memref<1x3x40xi32, #tpu.memory_space<vmem>> -> memref<3x40xi32, #tpu.memory_space<vmem>>
      %dma_wait3A_1159 = arith.constant 0 : i32
      %dma_wait3A_1160 = arith.constant 0 : i32
      %dma_wait3A_1161 = tpu.memref_slice %arg2[%mul3A_8, %dma_wait3A_1159, %dma_wait3A_1160] : memref<8004x3x40xi32, #tpu.memory_space<hbm>> -> memref<1x3x40xi32, #tpu.memory_space<hbm>>
      %dma_wait3A_1162 = tpu.memref_squeeze %dma_wait3A_1161 : memref<1x3x40xi32, #tpu.memory_space<hbm>> -> memref<3x40xi32, #tpu.memory_space<hbm>>
      %dma_wait3A_1163 = arith.constant 0 : i32
      %dma_wait3A_1164 = arith.constant 0 : i32
      %dma_wait3A_1165 = tpu.memref_slice %arg7[%dma_wait3A_1154, %dma_wait3A_1163, %dma_wait3A_1164] : memref<4x3x40xi32, #tpu.memory_space<vmem>> -> memref<1x3x40xi32, #tpu.memory_space<vmem>>
      %dma_wait3A_1166 = tpu.memref_squeeze %dma_wait3A_1165 : memref<1x3x40xi32, #tpu.memory_space<vmem>> -> memref<3x40xi32, #tpu.memory_space<vmem>>
      %dma_wait3A_1167 = arith.constant 0 : i32
      %dma_wait3A_1168 = arith.constant 0 : i32
      %dma_wait3A_1169 = tpu.memref_slice %arg2[%mul3A_8, %dma_wait3A_1167, %dma_wait3A_1168] : memref<8004x3x40xi32, #tpu.memory_space<hbm>> -> memref<1x3x40xi32, #tpu.memory_space<hbm>>
      %dma_wait3A_1170 = tpu.memref_squeeze %dma_wait3A_1169 : memref<1x3x40xi32, #tpu.memory_space<hbm>> -> memref<3x40xi32, #tpu.memory_space<hbm>>
      tpu.wait_dma2 semaphore(%arg22 : memref<!tpu.dma_semaphore, #tpu.memory_space<semaphore_mem>>) src(%dma_wait3A_1170 : memref<3x40xi32, #tpu.memory_space<hbm>>) dst(%dma_wait3A_1166 : memref<3x40xi32, #tpu.memory_space<vmem>>)
      %dma_wait3A_1171 = arith.constant 1 : i32
      %dma_wait3A_1172 = arith.constant 0 : i32
      %dma_wait3A_1173 = arith.constant 0 : i32
      %dma_wait3A_1174 = tpu.memref_slice %arg10[%dma_wait3A_1171, %dma_wait3A_1172, %dma_wait3A_1173] : memref<4x40x128xf32, #tpu.memory_space<vmem>> -> memref<1x40x128xf32, #tpu.memory_space<vmem>>
      %dma_wait3A_1175 = tpu.memref_squeeze %dma_wait3A_1174 : memref<1x40x128xf32, #tpu.memory_space<vmem>> -> memref<40x128xf32, #tpu.memory_space<vmem>>
      %dma_wait3A_1176 = arith.constant 0 : i32
      %dma_wait3A_1177 = arith.constant 0 : i32
      %dma_wait3A_1178 = tpu.memref_slice %arg12[%dma_wait3A_1176, %dma_wait3A_1177] : memref<10000x128xf32, #tpu.memory_space<vmem_shared>> -> memref<40x128xf32, #tpu.memory_space<vmem_shared>>
      %dma_wait3A_1179 = arith.constant 0 : i32
      %dma_wait3A_1180 = arith.constant 0 : i32
      %dma_wait3A_1181 = tpu.memref_slice %arg12[%dma_wait3A_1179, %dma_wait3A_1180] : memref<10000x128xf32, #tpu.memory_space<vmem_shared>> -> memref<40x128xf32, #tpu.memory_space<vmem_shared>>
      %dma_wait3A_1182 = arith.constant 0 : i32
      %dma_wait3A_1183 = arith.constant 0 : i32
      %dma_wait3A_1184 = tpu.memref_slice %arg10[%dma_wait3A_1171, %dma_wait3A_1182, %dma_wait3A_1183] : memref<4x40x128xf32, #tpu.memory_space<vmem>> -> memref<1x40x128xf32, #tpu.memory_space<vmem>>
      %dma_wait3A_1185 = tpu.memref_squeeze %dma_wait3A_1184 : memref<1x40x128xf32, #tpu.memory_space<vmem>> -> memref<40x128xf32, #tpu.memory_space<vmem>>
      tpu.wait_dma2 semaphore(%arg18 : memref<!tpu.dma_semaphore, #tpu.memory_space<semaphore_mem>>) src(%dma_wait3A_1185 : memref<40x128xf32, #tpu.memory_space<vmem>>) dst(%dma_wait3A_1181 : memref<40x128xf32, #tpu.memory_space<vmem_shared>>)
      %get3A_1186 = arith.constant 1 : i32
      %get3A_1187 = arith.constant 2 : i32
      %get3A_1188 = arith.index_cast %get3A_1186 : i32 to index
      %get3A_1189 = arith.index_cast %get3A_1187 : i32 to index
      %get3A_1190 = arith.constant 0 : index
      %get3A_1191 = tpu.vector_load %arg7[%get3A_1188, %get3A_1189, %get3A_1190] {strides = array<i32>} : memref<4x3x40xi32, #tpu.memory_space<vmem>>, vector<1x1x16xi32>,
      %get3A_1192 = vector.shape_cast %get3A_1191 : vector<1x1x16xi32> to vector<16xi32>
      %bitcast_convert_type3A_1193 = tpu.bitcast %get3A_1192 : vector<16xi32> -> vector<16xf32>
      %mul3A_1194 = arith.constant 1.638400e+03 : f32
      %mul3A_1195 = vector.broadcast %mul3A_1194 : f32 to vector<16xf32>
      %mul3A_1196 = arith.mulf %bitcast_convert_type3A_1193, %mul3A_1195 : vector<16xf32>
      %add3A_1197 = arith.constant 5.000000e-01 : f32
      %add3A_1198 = vector.broadcast %add3A_1197 : f32 to vector<16xf32>
      %add3A_1199 = arith.addf %mul3A_1196, %add3A_1198 : vector<16xf32>
      %convert_element_type3A_1200 = arith.fptosi %add3A_1199 : vector<16xf32> to vector<16xi32>
      %min3A_1201 = arith.constant 8199 : i32
      %min3A_1202 = vector.broadcast %min3A_1201 : i32 to vector<16xi32>
      %min3A_1203 = arith.minsi %convert_element_type3A_1200, %min3A_1202 : vector<16xi32>
      %swap3A_1204 = arith.constant 1 : i32
      %swap3A_1205 = arith.index_cast %swap3A_1204 : i32 to index
      %swap3A_1206 = arith.constant 0 : index
      %swap3A_1207 = tpu.vector_load %arg8[%swap3A_1205, %swap3A_1206] {strides = array<i32>} : memref<4x40xi32, #tpu.memory_space<vmem>>, vector<1x16xi32>,
      %swap3A_1208 = vector.shape_cast %swap3A_1207 : vector<1x16xi32> to vector<16xi32>
      %swap3A_1209 = vector.shape_cast %min3A_1203 : vector<16xi32> to vector<1x16xi32>
      tpu.vector_store %arg8[%swap3A_1205, %swap3A_1206], %swap3A_1209 {strides = array<i32>} : memref<4x40xi32, #tpu.memory_space<vmem>>, vector<1x16xi32>,
      %get3A_1210 = arith.constant 1 : i32
      %get3A_1211 = arith.constant 1 : i32
      %get3A_1212 = arith.index_cast %get3A_1210 : i32 to index
      %get3A_1213 = arith.index_cast %get3A_1211 : i32 to index
      %get3A_1214 = arith.constant 0 : index
      %get3A_1215 = tpu.vector_load %arg7[%get3A_1212, %get3A_1213, %get3A_1214] {strides = array<i32>} : memref<4x3x40xi32, #tpu.memory_space<vmem>>, vector<1x1x16xi32>,
      %get3A_1216 = vector.shape_cast %get3A_1215 : vector<1x1x16xi32> to vector<16xi32>
      %swap3A_1217 = arith.constant 1 : i32
      %swap3A_1218 = arith.index_cast %swap3A_1217 : i32 to index
      %swap3A_1219 = arith.constant 0 : index
      %swap3A_1220 = tpu.vector_load %arg9[%swap3A_1218, %swap3A_1219] {strides = array<i32>} : memref<4x40xi32, #tpu.memory_space<vmem>>, vector<1x16xi32>,
      %swap3A_1221 = vector.shape_cast %swap3A_1220 : vector<1x16xi32> to vector<16xi32>
      %swap3A_1222 = vector.shape_cast %get3A_1216 : vector<16xi32> to vector<1x16xi32>
      tpu.vector_store %arg9[%swap3A_1218, %swap3A_1219], %swap3A_1222 {strides = array<i32>} : memref<4x40xi32, #tpu.memory_space<vmem>>, vector<1x16xi32>,
      %get3A_1223 = arith.constant 1 : i32
      %get3A_1224 = arith.constant 2 : i32
      %get3A_1225 = arith.index_cast %get3A_1223 : i32 to index
      %get3A_1226 = arith.index_cast %get3A_1224 : i32 to index
      %get3A_1227 = arith.constant 16 : index
      %get3A_1228 = tpu.vector_load %arg7[%get3A_1225, %get3A_1226, %get3A_1227] {strides = array<i32>} : memref<4x3x40xi32, #tpu.memory_space<vmem>>, vector<1x1x16xi32>,
      %get3A_1229 = vector.shape_cast %get3A_1228 : vector<1x1x16xi32> to vector<16xi32>
      %bitcast_convert_type3A_1230 = tpu.bitcast %get3A_1229 : vector<16xi32> -> vector<16xf32>
      %mul3A_1231 = arith.constant 1.638400e+03 : f32
      %mul3A_1232 = vector.broadcast %mul3A_1231 : f32 to vector<16xf32>
      %mul3A_1233 = arith.mulf %bitcast_convert_type3A_1230, %mul3A_1232 : vector<16xf32>
      %add3A_1234 = arith.constant 5.000000e-01 : f32
      %add3A_1235 = vector.broadcast %add3A_1234 : f32 to vector<16xf32>
      %add3A_1236 = arith.addf %mul3A_1233, %add3A_1235 : vector<16xf32>
      %convert_element_type3A_1237 = arith.fptosi %add3A_1236 : vector<16xf32> to vector<16xi32>
      %min3A_1238 = arith.constant 8199 : i32
      %min3A_1239 = vector.broadcast %min3A_1238 : i32 to vector<16xi32>
      %min3A_1240 = arith.minsi %convert_element_type3A_1237, %min3A_1239 : vector<16xi32>
      %swap3A_1241 = arith.constant 1 : i32
      %swap3A_1242 = arith.index_cast %swap3A_1241 : i32 to index
      %swap3A_1243 = arith.constant 16 : index
      %swap3A_1244 = tpu.vector_load %arg8[%swap3A_1242, %swap3A_1243] {strides = array<i32>} : memref<4x40xi32, #tpu.memory_space<vmem>>, vector<1x16xi32>,
      %swap3A_1245 = vector.shape_cast %swap3A_1244 : vector<1x16xi32> to vector<16xi32>
      %swap3A_1246 = vector.shape_cast %min3A_1240 : vector<16xi32> to vector<1x16xi32>
      tpu.vector_store %arg8[%swap3A_1242, %swap3A_1243], %swap3A_1246 {strides = array<i32>} : memref<4x40xi32, #tpu.memory_space<vmem>>, vector<1x16xi32>,
      %get3A_1247 = arith.constant 1 : i32
      %get3A_1248 = arith.constant 1 : i32
      %get3A_1249 = arith.index_cast %get3A_1247 : i32 to index
      %get3A_1250 = arith.index_cast %get3A_1248 : i32 to index
      %get3A_1251 = arith.constant 16 : index
      %get3A_1252 = tpu.vector_load %arg7[%get3A_1249, %get3A_1250, %get3A_1251] {strides = array<i32>} : memref<4x3x40xi32, #tpu.memory_space<vmem>>, vector<1x1x16xi32>,
      %get3A_1253 = vector.shape_cast %get3A_1252 : vector<1x1x16xi32> to vector<16xi32>
      %swap3A_1254 = arith.constant 1 : i32
      %swap3A_1255 = arith.index_cast %swap3A_1254 : i32 to index
      %swap3A_1256 = arith.constant 16 : index
      %swap3A_1257 = tpu.vector_load %arg9[%swap3A_1255, %swap3A_1256] {strides = array<i32>} : memref<4x40xi32, #tpu.memory_space<vmem>>, vector<1x16xi32>,
      %swap3A_1258 = vector.shape_cast %swap3A_1257 : vector<1x16xi32> to vector<16xi32>
      %swap3A_1259 = vector.shape_cast %get3A_1253 : vector<16xi32> to vector<1x16xi32>
      tpu.vector_store %arg9[%swap3A_1255, %swap3A_1256], %swap3A_1259 {strides = array<i32>} : memref<4x40xi32, #tpu.memory_space<vmem>>, vector<1x16xi32>,
      %get3A_1260 = arith.constant 1 : i32
      %get3A_1261 = arith.constant 2 : i32
      %get3A_1262 = arith.index_cast %get3A_1260 : i32 to index
      %get3A_1263 = arith.index_cast %get3A_1261 : i32 to index
      %get3A_1264 = arith.constant 24 : index
      %get3A_1265 = tpu.vector_load %arg7[%get3A_1262, %get3A_1263, %get3A_1264] {strides = array<i32>} : memref<4x3x40xi32, #tpu.memory_space<vmem>>, vector<1x1x16xi32>,
      %get3A_1266 = vector.shape_cast %get3A_1265 : vector<1x1x16xi32> to vector<16xi32>
      %bitcast_convert_type3A_1267 = tpu.bitcast %get3A_1266 : vector<16xi32> -> vector<16xf32>
      %mul3A_1268 = arith.constant 1.638400e+03 : f32
      %mul3A_1269 = vector.broadcast %mul3A_1268 : f32 to vector<16xf32>
      %mul3A_1270 = arith.mulf %bitcast_convert_type3A_1267, %mul3A_1269 : vector<16xf32>
      %add3A_1271 = arith.constant 5.000000e-01 : f32
      %add3A_1272 = vector.broadcast %add3A_1271 : f32 to vector<16xf32>
      %add3A_1273 = arith.addf %mul3A_1270, %add3A_1272 : vector<16xf32>
      %convert_element_type3A_1274 = arith.fptosi %add3A_1273 : vector<16xf32> to vector<16xi32>
      %min3A_1275 = arith.constant 8199 : i32
      %min3A_1276 = vector.broadcast %min3A_1275 : i32 to vector<16xi32>
      %min3A_1277 = arith.minsi %convert_element_type3A_1274, %min3A_1276 : vector<16xi32>
      %swap3A_1278 = arith.constant 1 : i32
      %swap3A_1279 = arith.index_cast %swap3A_1278 : i32 to index
      %swap3A_1280 = arith.constant 24 : index
      %swap3A_1281 = tpu.vector_load %arg8[%swap3A_1279, %swap3A_1280] {strides = array<i32>} : memref<4x40xi32, #tpu.memory_space<vmem>>, vector<1x16xi32>,
      %swap3A_1282 = vector.shape_cast %swap3A_1281 : vector<1x16xi32> to vector<16xi32>
      %swap3A_1283 = vector.shape_cast %min3A_1277 : vector<16xi32> to vector<1x16xi32>
      tpu.vector_store %arg8[%swap3A_1279, %swap3A_1280], %swap3A_1283 {strides = array<i32>} : memref<4x40xi32, #tpu.memory_space<vmem>>, vector<1x16xi32>,
      %get3A_1284 = arith.constant 1 : i32
      %get3A_1285 = arith.constant 1 : i32
      %get3A_1286 = arith.index_cast %get3A_1284 : i32 to index
      %get3A_1287 = arith.index_cast %get3A_1285 : i32 to index
      %get3A_1288 = arith.constant 24 : index
      %get3A_1289 = tpu.vector_load %arg7[%get3A_1286, %get3A_1287, %get3A_1288] {strides = array<i32>} : memref<4x3x40xi32, #tpu.memory_space<vmem>>, vector<1x1x16xi32>,
      %get3A_1290 = vector.shape_cast %get3A_1289 : vector<1x1x16xi32> to vector<16xi32>
      %swap3A_1291 = arith.constant 1 : i32
      %swap3A_1292 = arith.index_cast %swap3A_1291 : i32 to index
      %swap3A_1293 = arith.constant 24 : index
      %swap3A_1294 = tpu.vector_load %arg9[%swap3A_1292, %swap3A_1293] {strides = array<i32>} : memref<4x40xi32, #tpu.memory_space<vmem>>, vector<1x16xi32>,
      %swap3A_1295 = vector.shape_cast %swap3A_1294 : vector<1x16xi32> to vector<16xi32>
      %swap3A_1296 = vector.shape_cast %get3A_1290 : vector<16xi32> to vector<1x16xi32>
      tpu.vector_store %arg9[%swap3A_1292, %swap3A_1293], %swap3A_1296 {strides = array<i32>} : memref<4x40xi32, #tpu.memory_space<vmem>>, vector<1x16xi32>,
      %dma_start3A_1297 = arith.constant 1 : i32
      %dma_start3A_1298 = arith.constant 0 : i32
      %dma_start3A_1299 = arith.constant 1 : i32
      %dma_start3A_1300 = arith.constant 0 : i32
      %dma_start3A_1301 = arith.constant 0 : i32
      %dma_start3A_1302 = tpu.memref_slice %arg10[%dma_start3A_1299, %dma_start3A_1300, %dma_start3A_1301] : memref<4x40x128xf32, #tpu.memory_space<vmem>> -> memref<1x40x128xf32, #tpu.memory_space<vmem>>
      %dma_start3A_1303 = tpu.memref_squeeze %dma_start3A_1302 : memref<1x40x128xf32, #tpu.memory_space<vmem>> -> memref<40x128xf32, #tpu.memory_space<vmem>>
      %dma_start3A_1304 = arith.constant 0 : i32
      %dma_start3A_1305 = arith.constant 0 : i32
      %dma_start3A_1306 = tpu.memref_slice %arg7[%dma_start3A_1297, %dma_start3A_1304, %dma_start3A_1305] : memref<4x3x40xi32, #tpu.memory_space<vmem>> -> memref<1x3x40xi32, #tpu.memory_space<vmem>>
      %dma_start3A_1307 = tpu.memref_squeeze %dma_start3A_1306 : memref<1x3x40xi32, #tpu.memory_space<vmem>> -> memref<3x40xi32, #tpu.memory_space<vmem>>
      %dma_start3A_1308 = arith.constant 0 : i32
      %dma_start3A_1309 = tpu.memref_slice %dma_start3A_1307[%dma_start3A_1298, %dma_start3A_1308] : memref<3x40xi32, #tpu.memory_space<vmem>> -> memref<1x40xi32, #tpu.memory_space<vmem>>
      %dma_start3A_1310 = tpu.memref_squeeze %dma_start3A_1309 : memref<1x40xi32, #tpu.memory_space<vmem>> -> memref<40xi32, #tpu.memory_space<vmem>>
      %dma_start3A_1311 = arith.constant 0 : i32
      %dma_start3A_1312 = arith.constant 0 : i32
      %dma_start3A_1313 = tpu.memref_slice %arg4[%dma_start3A_1311, %dma_start3A_1312] : memref<10000x128xf32, #tpu.memory_space<hbm>> -> memref<10000x128xf32, #tpu.memory_space<hbm>>
      tpu.enqueue_indirect_dma source(%dma_start3A_1313 : memref<10000x128xf32, #tpu.memory_space<hbm>>) target(%dma_start3A_1303 : memref<40x128xf32, #tpu.memory_space<vmem>>) offsets(%dma_start3A_1310 : memref<40xi32, #tpu.memory_space<vmem>>) semaphore(%arg14 : memref<!tpu.dma_semaphore, #tpu.memory_space<semaphore_mem>>)
      %dma_start3A_1314 = arith.constant 1 : i32
      %dma_start3A_1315 = arith.constant 1 : i32
      %dma_start3A_1316 = arith.constant 0 : i32
      %dma_start3A_1317 = arith.constant 0 : i32
      %dma_start3A_1318 = tpu.memref_slice %arg11[%dma_start3A_1315, %dma_start3A_1316, %dma_start3A_1317] : memref<4x40x128xf32, #tpu.memory_space<vmem>> -> memref<1x40x128xf32, #tpu.memory_space<vmem>>
      %dma_start3A_1319 = tpu.memref_squeeze %dma_start3A_1318 : memref<1x40x128xf32, #tpu.memory_space<vmem>> -> memref<40x128xf32, #tpu.memory_space<vmem>>
      %dma_start3A_1320 = arith.constant 0 : i32
      %dma_start3A_1321 = tpu.memref_slice %arg8[%dma_start3A_1314, %dma_start3A_1320] : memref<4x40xi32, #tpu.memory_space<vmem>> -> memref<1x40xi32, #tpu.memory_space<vmem>>
      %dma_start3A_1322 = tpu.memref_squeeze %dma_start3A_1321 : memref<1x40xi32, #tpu.memory_space<vmem>> -> memref<40xi32, #tpu.memory_space<vmem>>
      %dma_start3A_1323 = arith.constant 0 : i32
      %dma_start3A_1324 = arith.constant 0 : i32
      %dma_start3A_1325 = tpu.memref_slice %arg3[%dma_start3A_1323, %dma_start3A_1324] : memref<8200x128xf32, #tpu.memory_space<hbm>> -> memref<8200x128xf32, #tpu.memory_space<hbm>>
      tpu.enqueue_indirect_dma source(%dma_start3A_1325 : memref<8200x128xf32, #tpu.memory_space<hbm>>) target(%dma_start3A_1319 : memref<40x128xf32, #tpu.memory_space<vmem>>) offsets(%dma_start3A_1322 : memref<40xi32, #tpu.memory_space<vmem>>) semaphore(%arg14 : memref<!tpu.dma_semaphore, #tpu.memory_space<semaphore_mem>>)
      %add3A_1326 = arith.constant 4 : i32
      %add3A_1327 = arith.addi %add3A_981, %add3A_1326 : i32
      %dma_wait3A_1328 = arith.constant 2 : i32
      %dma_wait3A_1329 = arith.constant 0 : i32
      %dma_wait3A_1330 = arith.constant 0 : i32
      %dma_wait3A_1331 = tpu.memref_slice %arg10[%dma_wait3A_1328, %dma_wait3A_1329, %dma_wait3A_1330] : memref<4x40x128xf32, #tpu.memory_space<vmem>> -> memref<1x40x128xf32, #tpu.memory_space<vmem>>
      %dma_wait3A_1332 = tpu.memref_squeeze %dma_wait3A_1331 : memref<1x40x128xf32, #tpu.memory_space<vmem>> -> memref<40x128xf32, #tpu.memory_space<vmem>>
      %dma_wait3A_1333 = arith.constant 0 : i32
      %dma_wait3A_1334 = arith.constant 0 : i32
      %dma_wait3A_1335 = tpu.memref_slice %arg5[%dma_wait3A_1333, %dma_wait3A_1334] : memref<10000x128xf32, #tpu.memory_space<hbm>> -> memref<40x128xf32, #tpu.memory_space<hbm>>
      %dma_wait3A_1336 = arith.constant 0 : i32
      %dma_wait3A_1337 = arith.constant 0 : i32
      %dma_wait3A_1338 = tpu.memref_slice %arg10[%dma_wait3A_1328, %dma_wait3A_1336, %dma_wait3A_1337] : memref<4x40x128xf32, #tpu.memory_space<vmem>> -> memref<1x40x128xf32, #tpu.memory_space<vmem>>
      %dma_wait3A_1339 = tpu.memref_squeeze %dma_wait3A_1338 : memref<1x40x128xf32, #tpu.memory_space<vmem>> -> memref<40x128xf32, #tpu.memory_space<vmem>>
      %dma_wait3A_1340 = arith.constant 0 : i32
      %dma_wait3A_1341 = arith.constant 0 : i32
      %dma_wait3A_1342 = tpu.memref_slice %arg5[%dma_wait3A_1340, %dma_wait3A_1341] : memref<10000x128xf32, #tpu.memory_space<hbm>> -> memref<40x128xf32, #tpu.memory_space<hbm>>
      tpu.wait_dma2 semaphore(%arg15 : memref<!tpu.dma_semaphore, #tpu.memory_space<semaphore_mem>>) src(%dma_wait3A_1342 : memref<40x128xf32, #tpu.memory_space<hbm>>) dst(%dma_wait3A_1339 : memref<40x128xf32, #tpu.memory_space<vmem>>)
      %dma_wait3A_1343 = arith.constant 2 : i32
      %dma_wait3A_1344 = arith.constant 0 : i32
      %dma_wait3A_1345 = arith.constant 0 : i32
      %dma_wait3A_1346 = tpu.memref_slice %arg11[%dma_wait3A_1343, %dma_wait3A_1344, %dma_wait3A_1345] : memref<4x40x128xf32, #tpu.memory_space<vmem>> -> memref<1x40x128xf32, #tpu.memory_space<vmem>>
      %dma_wait3A_1347 = tpu.memref_squeeze %dma_wait3A_1346 : memref<1x40x128xf32, #tpu.memory_space<vmem>> -> memref<40x128xf32, #tpu.memory_space<vmem>>
      %dma_wait3A_1348 = arith.constant 0 : i32
      %dma_wait3A_1349 = arith.constant 0 : i32
      %dma_wait3A_1350 = tpu.memref_slice %arg5[%dma_wait3A_1348, %dma_wait3A_1349] : memref<10000x128xf32, #tpu.memory_space<hbm>> -> memref<40x128xf32, #tpu.memory_space<hbm>>
      %dma_wait3A_1351 = arith.constant 0 : i32
      %dma_wait3A_1352 = arith.constant 0 : i32
      %dma_wait3A_1353 = tpu.memref_slice %arg11[%dma_wait3A_1343, %dma_wait3A_1351, %dma_wait3A_1352] : memref<4x40x128xf32, #tpu.memory_space<vmem>> -> memref<1x40x128xf32, #tpu.memory_space<vmem>>
      %dma_wait3A_1354 = tpu.memref_squeeze %dma_wait3A_1353 : memref<1x40x128xf32, #tpu.memory_space<vmem>> -> memref<40x128xf32, #tpu.memory_space<vmem>>
      %dma_wait3A_1355 = arith.constant 0 : i32
      %dma_wait3A_1356 = arith.constant 0 : i32
      %dma_wait3A_1357 = tpu.memref_slice %arg5[%dma_wait3A_1355, %dma_wait3A_1356] : memref<10000x128xf32, #tpu.memory_space<hbm>> -> memref<40x128xf32, #tpu.memory_space<hbm>>
      tpu.wait_dma2 semaphore(%arg15 : memref<!tpu.dma_semaphore, #tpu.memory_space<semaphore_mem>>) src(%dma_wait3A_1357 : memref<40x128xf32, #tpu.memory_space<hbm>>) dst(%dma_wait3A_1354 : memref<40x128xf32, #tpu.memory_space<vmem>>)
      %add3A_1358 = arith.addi %mul3A_8, %add3A_1327 : i32
      %dma_start3A_1359 = arith.constant 2 : i32
      %dma_start3A_1360 = arith.constant 0 : i32
      %dma_start3A_1361 = arith.constant 0 : i32
      %dma_start3A_1362 = tpu.memref_slice %arg7[%dma_start3A_1359, %dma_start3A_1360, %dma_start3A_1361] : memref<4x3x40xi32, #tpu.memory_space<vmem>> -> memref<1x3x40xi32, #tpu.memory_space<vmem>>
      %dma_start3A_1363 = tpu.memref_squeeze %dma_start3A_1362 : memref<1x3x40xi32, #tpu.memory_space<vmem>> -> memref<3x40xi32, #tpu.memory_space<vmem>>
      %dma_start3A_1364 = arith.constant 0 : i32
      %dma_start3A_1365 = arith.constant 0 : i32
      %dma_start3A_1366 = tpu.memref_slice %arg2[%add3A_1358, %dma_start3A_1364, %dma_start3A_1365] : memref<8004x3x40xi32, #tpu.memory_space<hbm>> -> memref<1x3x40xi32, #tpu.memory_space<hbm>>
      %dma_start3A_1367 = tpu.memref_squeeze %dma_start3A_1366 : memref<1x3x40xi32, #tpu.memory_space<hbm>> -> memref<3x40xi32, #tpu.memory_space<hbm>>
      %dma_start3A_1368 = arith.constant 0 : i32
      %dma_start3A_1369 = arith.constant 0 : i32
      %dma_start3A_1370 = tpu.memref_slice %arg7[%dma_start3A_1359, %dma_start3A_1368, %dma_start3A_1369] : memref<4x3x40xi32, #tpu.memory_space<vmem>> -> memref<1x3x40xi32, #tpu.memory_space<vmem>>
      %dma_start3A_1371 = tpu.memref_squeeze %dma_start3A_1370 : memref<1x3x40xi32, #tpu.memory_space<vmem>> -> memref<3x40xi32, #tpu.memory_space<vmem>>
      %dma_start3A_1372 = arith.constant 0 : i32
      %dma_start3A_1373 = arith.constant 0 : i32
      %dma_start3A_1374 = tpu.memref_slice %arg2[%add3A_1358, %dma_start3A_1372, %dma_start3A_1373] : memref<8004x3x40xi32, #tpu.memory_space<hbm>> -> memref<1x3x40xi32, #tpu.memory_space<hbm>>
      %dma_start3A_1375 = tpu.memref_squeeze %dma_start3A_1374 : memref<1x3x40xi32, #tpu.memory_space<hbm>> -> memref<3x40xi32, #tpu.memory_space<hbm>>
      tpu.enqueue_dma source(%dma_start3A_1375 : memref<3x40xi32, #tpu.memory_space<hbm>>) target(%dma_start3A_1371 : memref<3x40xi32, #tpu.memory_space<vmem>>) target_semaphore(%arg23 : memref<!tpu.dma_semaphore, #tpu.memory_space<semaphore_mem>>)
      %scan3A_1376 = arith.constant 0 : i32
      %scan3A_1377 = arith.constant 40 : i32
      %scan3A_1378 = arith.addi %scan3A_1376, %scan3A_1377 : i32
      %scan3A_1379 = arith.constant 1 : i32
      scf.for %scan3A_1938 = %scan3A_1376 to %scan3A_1378 step %scan3A_1379  : i32 {
        %mul3A_1939 = arith.constant 1 : i32
        %mul3A_1940 = arith.muli %scan3A_1938, %mul3A_1939 : i32
        %add3A_1941 = arith.constant 0 : i32
        %add3A_1942 = arith.addi %add3A_1941, %mul3A_1940 : i32
        %get3A_1943 = arith.constant 2 : i32
        %get3A_1944 = arith.index_cast %get3A_1943 : i32 to index
        %get3A_1945 = arith.index_cast %add3A_1942 : i32 to index
        %get3A_1946 = arith.constant 0 : index
        %get3A_1947 = tpu.vector_load %arg10[%get3A_1944, %get3A_1945, %get3A_1946] {strides = array<i32>} : memref<4x40x128xf32, #tpu.memory_space<vmem>>, vector<1x1x16xf32>,
        %get3A_1948 = vector.shape_cast %get3A_1947 : vector<1x1x16xf32> to vector<16xf32>
        %get3A_1949 = arith.constant 2 : i32
        %get3A_1950 = arith.index_cast %get3A_1949 : i32 to index
        %get3A_1951 = arith.index_cast %add3A_1942 : i32 to index
        %get3A_1952 = arith.constant 0 : index
        %get3A_1953 = tpu.vector_load %arg11[%get3A_1950, %get3A_1951, %get3A_1952] {strides = array<i32>} : memref<4x40x128xf32, #tpu.memory_space<vmem>>, vector<1x1x16xf32>,
        %get3A_1954 = vector.shape_cast %get3A_1953 : vector<1x1x16xf32> to vector<16xf32>
        %mul3A_1955 = arith.mulf %get3A_1948, %get3A_1954 : vector<16xf32>
        %swap3A_1956 = arith.constant 2 : i32
        %swap3A_1957 = arith.index_cast %swap3A_1956 : i32 to index
        %swap3A_1958 = arith.index_cast %add3A_1942 : i32 to index
        %swap3A_1959 = arith.constant 0 : index
        %swap3A_1960 = tpu.vector_load %arg10[%swap3A_1957, %swap3A_1958, %swap3A_1959] {strides = array<i32>} : memref<4x40x128xf32, #tpu.memory_space<vmem>>, vector<1x1x16xf32>,
        %swap3A_1961 = vector.shape_cast %swap3A_1960 : vector<1x1x16xf32> to vector<16xf32>
        %swap3A_1962 = vector.shape_cast %mul3A_1955 : vector<16xf32> to vector<1x1x16xf32>
        tpu.vector_store %arg10[%swap3A_1957, %swap3A_1958, %swap3A_1959], %swap3A_1962 {strides = array<i32>} : memref<4x40x128xf32, #tpu.memory_space<vmem>>, vector<1x1x16xf32>,
        %get3A_1963 = arith.constant 2 : i32
        %get3A_1964 = arith.index_cast %get3A_1963 : i32 to index
        %get3A_1965 = arith.index_cast %add3A_1942 : i32 to index
        %get3A_1966 = arith.constant 16 : index
        %get3A_1967 = tpu.vector_load %arg10[%get3A_1964, %get3A_1965, %get3A_1966] {strides = array<i32>} : memref<4x40x128xf32, #tpu.memory_space<vmem>>, vector<1x1x16xf32>,
        %get3A_1968 = vector.shape_cast %get3A_1967 : vector<1x1x16xf32> to vector<16xf32>
        %get3A_1969 = arith.constant 2 : i32
        %get3A_1970 = arith.index_cast %get3A_1969 : i32 to index
        %get3A_1971 = arith.index_cast %add3A_1942 : i32 to index
        %get3A_1972 = arith.constant 16 : index
        %get3A_1973 = tpu.vector_load %arg11[%get3A_1970, %get3A_1971, %get3A_1972] {strides = array<i32>} : memref<4x40x128xf32, #tpu.memory_space<vmem>>, vector<1x1x16xf32>,
        %get3A_1974 = vector.shape_cast %get3A_1973 : vector<1x1x16xf32> to vector<16xf32>
        %mul3A_1975 = arith.mulf %get3A_1968, %get3A_1974 : vector<16xf32>
        %swap3A_1976 = arith.constant 2 : i32
        %swap3A_1977 = arith.index_cast %swap3A_1976 : i32 to index
        %swap3A_1978 = arith.index_cast %add3A_1942 : i32 to index
        %swap3A_1979 = arith.constant 16 : index
        %swap3A_1980 = tpu.vector_load %arg10[%swap3A_1977, %swap3A_1978, %swap3A_1979] {strides = array<i32>} : memref<4x40x128xf32, #tpu.memory_space<vmem>>, vector<1x1x16xf32>,
        %swap3A_1981 = vector.shape_cast %swap3A_1980 : vector<1x1x16xf32> to vector<16xf32>
        %swap3A_1982 = vector.shape_cast %mul3A_1975 : vector<16xf32> to vector<1x1x16xf32>
        tpu.vector_store %arg10[%swap3A_1977, %swap3A_1978, %swap3A_1979], %swap3A_1982 {strides = array<i32>} : memref<4x40x128xf32, #tpu.memory_space<vmem>>, vector<1x1x16xf32>,
        %get3A_1983 = arith.constant 2 : i32
        %get3A_1984 = arith.index_cast %get3A_1983 : i32 to index
        %get3A_1985 = arith.index_cast %add3A_1942 : i32 to index
        %get3A_1986 = arith.constant 32 : index
        %get3A_1987 = tpu.vector_load %arg10[%get3A_1984, %get3A_1985, %get3A_1986] {strides = array<i32>} : memref<4x40x128xf32, #tpu.memory_space<vmem>>, vector<1x1x16xf32>,
        %get3A_1988 = vector.shape_cast %get3A_1987 : vector<1x1x16xf32> to vector<16xf32>
        %get3A_1989 = arith.constant 2 : i32
        %get3A_1990 = arith.index_cast %get3A_1989 : i32 to index
        %get3A_1991 = arith.index_cast %add3A_1942 : i32 to index
        %get3A_1992 = arith.constant 32 : index
        %get3A_1993 = tpu.vector_load %arg11[%get3A_1990, %get3A_1991, %get3A_1992] {strides = array<i32>} : memref<4x40x128xf32, #tpu.memory_space<vmem>>, vector<1x1x16xf32>,
        %get3A_1994 = vector.shape_cast %get3A_1993 : vector<1x1x16xf32> to vector<16xf32>
        %mul3A_1995 = arith.mulf %get3A_1988, %get3A_1994 : vector<16xf32>
        %swap3A_1996 = arith.constant 2 : i32
        %swap3A_1997 = arith.index_cast %swap3A_1996 : i32 to index
        %swap3A_1998 = arith.index_cast %add3A_1942 : i32 to index
        %swap3A_1999 = arith.constant 32 : index
        %swap3A_2000 = tpu.vector_load %arg10[%swap3A_1997, %swap3A_1998, %swap3A_1999] {strides = array<i32>} : memref<4x40x128xf32, #tpu.memory_space<vmem>>, vector<1x1x16xf32>,
        %swap3A_2001 = vector.shape_cast %swap3A_2000 : vector<1x1x16xf32> to vector<16xf32>
        %swap3A_2002 = vector.shape_cast %mul3A_1995 : vector<16xf32> to vector<1x1x16xf32>
        tpu.vector_store %arg10[%swap3A_1997, %swap3A_1998, %swap3A_1999], %swap3A_2002 {strides = array<i32>} : memref<4x40x128xf32, #tpu.memory_space<vmem>>, vector<1x1x16xf32>,
        %get3A_2003 = arith.constant 2 : i32
        %get3A_2004 = arith.index_cast %get3A_2003 : i32 to index
        %get3A_2005 = arith.index_cast %add3A_1942 : i32 to index
        %get3A_2006 = arith.constant 48 : index
        %get3A_2007 = tpu.vector_load %arg10[%get3A_2004, %get3A_2005, %get3A_2006] {strides = array<i32>} : memref<4x40x128xf32, #tpu.memory_space<vmem>>, vector<1x1x16xf32>,
        %get3A_2008 = vector.shape_cast %get3A_2007 : vector<1x1x16xf32> to vector<16xf32>
        %get3A_2009 = arith.constant 2 : i32
        %get3A_2010 = arith.index_cast %get3A_2009 : i32 to index
        %get3A_2011 = arith.index_cast %add3A_1942 : i32 to index
        %get3A_2012 = arith.constant 48 : index
        %get3A_2013 = tpu.vector_load %arg11[%get3A_2010, %get3A_2011, %get3A_2012] {strides = array<i32>} : memref<4x40x128xf32, #tpu.memory_space<vmem>>, vector<1x1x16xf32>,
        %get3A_2014 = vector.shape_cast %get3A_2013 : vector<1x1x16xf32> to vector<16xf32>
        %mul3A_2015 = arith.mulf %get3A_2008, %get3A_2014 : vector<16xf32>
        %swap3A_2016 = arith.constant 2 : i32
        %swap3A_2017 = arith.index_cast %swap3A_2016 : i32 to index
        %swap3A_2018 = arith.index_cast %add3A_1942 : i32 to index
        %swap3A_2019 = arith.constant 48 : index
        %swap3A_2020 = tpu.vector_load %arg10[%swap3A_2017, %swap3A_2018, %swap3A_2019] {strides = array<i32>} : memref<4x40x128xf32, #tpu.memory_space<vmem>>, vector<1x1x16xf32>,
        %swap3A_2021 = vector.shape_cast %swap3A_2020 : vector<1x1x16xf32> to vector<16xf32>
        %swap3A_2022 = vector.shape_cast %mul3A_2015 : vector<16xf32> to vector<1x1x16xf32>
        tpu.vector_store %arg10[%swap3A_2017, %swap3A_2018, %swap3A_2019], %swap3A_2022 {strides = array<i32>} : memref<4x40x128xf32, #tpu.memory_space<vmem>>, vector<1x1x16xf32>,
        %get3A_2023 = arith.constant 2 : i32
        %get3A_2024 = arith.index_cast %get3A_2023 : i32 to index
        %get3A_2025 = arith.index_cast %add3A_1942 : i32 to index
        %get3A_2026 = arith.constant 64 : index
        %get3A_2027 = tpu.vector_load %arg10[%get3A_2024, %get3A_2025, %get3A_2026] {strides = array<i32>} : memref<4x40x128xf32, #tpu.memory_space<vmem>>, vector<1x1x16xf32>,
        %get3A_2028 = vector.shape_cast %get3A_2027 : vector<1x1x16xf32> to vector<16xf32>
        %get3A_2029 = arith.constant 2 : i32
        %get3A_2030 = arith.index_cast %get3A_2029 : i32 to index
        %get3A_2031 = arith.index_cast %add3A_1942 : i32 to index
        %get3A_2032 = arith.constant 64 : index
        %get3A_2033 = tpu.vector_load %arg11[%get3A_2030, %get3A_2031, %get3A_2032] {strides = array<i32>} : memref<4x40x128xf32, #tpu.memory_space<vmem>>, vector<1x1x16xf32>,
        %get3A_2034 = vector.shape_cast %get3A_2033 : vector<1x1x16xf32> to vector<16xf32>
        %mul3A_2035 = arith.mulf %get3A_2028, %get3A_2034 : vector<16xf32>
        %swap3A_2036 = arith.constant 2 : i32
        %swap3A_2037 = arith.index_cast %swap3A_2036 : i32 to index
        %swap3A_2038 = arith.index_cast %add3A_1942 : i32 to index
        %swap3A_2039 = arith.constant 64 : index
        %swap3A_2040 = tpu.vector_load %arg10[%swap3A_2037, %swap3A_2038, %swap3A_2039] {strides = array<i32>} : memref<4x40x128xf32, #tpu.memory_space<vmem>>, vector<1x1x16xf32>,
        %swap3A_2041 = vector.shape_cast %swap3A_2040 : vector<1x1x16xf32> to vector<16xf32>
        %swap3A_2042 = vector.shape_cast %mul3A_2035 : vector<16xf32> to vector<1x1x16xf32>
        tpu.vector_store %arg10[%swap3A_2037, %swap3A_2038, %swap3A_2039], %swap3A_2042 {strides = array<i32>} : memref<4x40x128xf32, #tpu.memory_space<vmem>>, vector<1x1x16xf32>,
        %get3A_2043 = arith.constant 2 : i32
        %get3A_2044 = arith.index_cast %get3A_2043 : i32 to index
        %get3A_2045 = arith.index_cast %add3A_1942 : i32 to index
        %get3A_2046 = arith.constant 80 : index
        %get3A_2047 = tpu.vector_load %arg10[%get3A_2044, %get3A_2045, %get3A_2046] {strides = array<i32>} : memref<4x40x128xf32, #tpu.memory_space<vmem>>, vector<1x1x16xf32>,
        %get3A_2048 = vector.shape_cast %get3A_2047 : vector<1x1x16xf32> to vector<16xf32>
        %get3A_2049 = arith.constant 2 : i32
        %get3A_2050 = arith.index_cast %get3A_2049 : i32 to index
        %get3A_2051 = arith.index_cast %add3A_1942 : i32 to index
        %get3A_2052 = arith.constant 80 : index
        %get3A_2053 = tpu.vector_load %arg11[%get3A_2050, %get3A_2051, %get3A_2052] {strides = array<i32>} : memref<4x40x128xf32, #tpu.memory_space<vmem>>, vector<1x1x16xf32>,
        %get3A_2054 = vector.shape_cast %get3A_2053 : vector<1x1x16xf32> to vector<16xf32>
        %mul3A_2055 = arith.mulf %get3A_2048, %get3A_2054 : vector<16xf32>
        %swap3A_2056 = arith.constant 2 : i32
        %swap3A_2057 = arith.index_cast %swap3A_2056 : i32 to index
        %swap3A_2058 = arith.index_cast %add3A_1942 : i32 to index
        %swap3A_2059 = arith.constant 80 : index
        %swap3A_2060 = tpu.vector_load %arg10[%swap3A_2057, %swap3A_2058, %swap3A_2059] {strides = array<i32>} : memref<4x40x128xf32, #tpu.memory_space<vmem>>, vector<1x1x16xf32>,
        %swap3A_2061 = vector.shape_cast %swap3A_2060 : vector<1x1x16xf32> to vector<16xf32>
        %swap3A_2062 = vector.shape_cast %mul3A_2055 : vector<16xf32> to vector<1x1x16xf32>
        tpu.vector_store %arg10[%swap3A_2057, %swap3A_2058, %swap3A_2059], %swap3A_2062 {strides = array<i32>} : memref<4x40x128xf32, #tpu.memory_space<vmem>>, vector<1x1x16xf32>,
        %get3A_2063 = arith.constant 2 : i32
        %get3A_2064 = arith.index_cast %get3A_2063 : i32 to index
        %get3A_2065 = arith.index_cast %add3A_1942 : i32 to index
        %get3A_2066 = arith.constant 96 : index
        %get3A_2067 = tpu.vector_load %arg10[%get3A_2064, %get3A_2065, %get3A_2066] {strides = array<i32>} : memref<4x40x128xf32, #tpu.memory_space<vmem>>, vector<1x1x16xf32>,
        %get3A_2068 = vector.shape_cast %get3A_2067 : vector<1x1x16xf32> to vector<16xf32>
        %get3A_2069 = arith.constant 2 : i32
        %get3A_2070 = arith.index_cast %get3A_2069 : i32 to index
        %get3A_2071 = arith.index_cast %add3A_1942 : i32 to index
        %get3A_2072 = arith.constant 96 : index
        %get3A_2073 = tpu.vector_load %arg11[%get3A_2070, %get3A_2071, %get3A_2072] {strides = array<i32>} : memref<4x40x128xf32, #tpu.memory_space<vmem>>, vector<1x1x16xf32>,
        %get3A_2074 = vector.shape_cast %get3A_2073 : vector<1x1x16xf32> to vector<16xf32>
        %mul3A_2075 = arith.mulf %get3A_2068, %get3A_2074 : vector<16xf32>
        %swap3A_2076 = arith.constant 2 : i32
        %swap3A_2077 = arith.index_cast %swap3A_2076 : i32 to index
        %swap3A_2078 = arith.index_cast %add3A_1942 : i32 to index
        %swap3A_2079 = arith.constant 96 : index
        %swap3A_2080 = tpu.vector_load %arg10[%swap3A_2077, %swap3A_2078, %swap3A_2079] {strides = array<i32>} : memref<4x40x128xf32, #tpu.memory_space<vmem>>, vector<1x1x16xf32>,
        %swap3A_2081 = vector.shape_cast %swap3A_2080 : vector<1x1x16xf32> to vector<16xf32>
        %swap3A_2082 = vector.shape_cast %mul3A_2075 : vector<16xf32> to vector<1x1x16xf32>
        tpu.vector_store %arg10[%swap3A_2077, %swap3A_2078, %swap3A_2079], %swap3A_2082 {strides = array<i32>} : memref<4x40x128xf32, #tpu.memory_space<vmem>>, vector<1x1x16xf32>,
        %get3A_2083 = arith.constant 2 : i32
        %get3A_2084 = arith.index_cast %get3A_2083 : i32 to index
        %get3A_2085 = arith.index_cast %add3A_1942 : i32 to index
        %get3A_2086 = arith.constant 112 : index
        %get3A_2087 = tpu.vector_load %arg10[%get3A_2084, %get3A_2085, %get3A_2086] {strides = array<i32>} : memref<4x40x128xf32, #tpu.memory_space<vmem>>, vector<1x1x16xf32>,
        %get3A_2088 = vector.shape_cast %get3A_2087 : vector<1x1x16xf32> to vector<16xf32>
        %get3A_2089 = arith.constant 2 : i32
        %get3A_2090 = arith.index_cast %get3A_2089 : i32 to index
        %get3A_2091 = arith.index_cast %add3A_1942 : i32 to index
        %get3A_2092 = arith.constant 112 : index
        %get3A_2093 = tpu.vector_load %arg11[%get3A_2090, %get3A_2091, %get3A_2092] {strides = array<i32>} : memref<4x40x128xf32, #tpu.memory_space<vmem>>, vector<1x1x16xf32>,
        %get3A_2094 = vector.shape_cast %get3A_2093 : vector<1x1x16xf32> to vector<16xf32>
        %mul3A_2095 = arith.mulf %get3A_2088, %get3A_2094 : vector<16xf32>
        %swap3A_2096 = arith.constant 2 : i32
        %swap3A_2097 = arith.index_cast %swap3A_2096 : i32 to index
        %swap3A_2098 = arith.index_cast %add3A_1942 : i32 to index
        %swap3A_2099 = arith.constant 112 : index
        %swap3A_2100 = tpu.vector_load %arg10[%swap3A_2097, %swap3A_2098, %swap3A_2099] {strides = array<i32>} : memref<4x40x128xf32, #tpu.memory_space<vmem>>, vector<1x1x16xf32>,
        %swap3A_2101 = vector.shape_cast %swap3A_2100 : vector<1x1x16xf32> to vector<16xf32>
        %swap3A_2102 = vector.shape_cast %mul3A_2095 : vector<16xf32> to vector<1x1x16xf32>
        tpu.vector_store %arg10[%swap3A_2097, %swap3A_2098, %swap3A_2099], %swap3A_2102 {strides = array<i32>} : memref<4x40x128xf32, #tpu.memory_space<vmem>>, vector<1x1x16xf32>,
      }
      %scan3A_1380 = arith.constant 40 : i32
      %dma_start3A_1381 = arith.constant 2 : i32
      %dma_start3A_1382 = arith.constant 2 : i32
      %dma_start3A_1383 = arith.constant 0 : i32
      %dma_start3A_1384 = arith.constant 0 : i32
      %dma_start3A_1385 = tpu.memref_slice %arg10[%dma_start3A_1381, %dma_start3A_1383, %dma_start3A_1384] : memref<4x40x128xf32, #tpu.memory_space<vmem>> -> memref<1x40x128xf32, #tpu.memory_space<vmem>>
      %dma_start3A_1386 = tpu.memref_squeeze %dma_start3A_1385 : memref<1x40x128xf32, #tpu.memory_space<vmem>> -> memref<40x128xf32, #tpu.memory_space<vmem>>
      %dma_start3A_1387 = arith.constant 0 : i32
      %dma_start3A_1388 = tpu.memref_slice %arg9[%dma_start3A_1382, %dma_start3A_1387] : memref<4x40xi32, #tpu.memory_space<vmem>> -> memref<1x40xi32, #tpu.memory_space<vmem>>
      %dma_start3A_1389 = tpu.memref_squeeze %dma_start3A_1388 : memref<1x40xi32, #tpu.memory_space<vmem>> -> memref<40xi32, #tpu.memory_space<vmem>>
      %dma_start3A_1390 = arith.constant 0 : i32
      %dma_start3A_1391 = arith.constant 0 : i32
      %dma_start3A_1392 = tpu.memref_slice %arg12[%dma_start3A_1390, %dma_start3A_1391] : memref<10000x128xf32, #tpu.memory_space<vmem_shared>> -> memref<10000x128xf32, #tpu.memory_space<vmem_shared>>
      tpu.enqueue_indirect_dma source(%dma_start3A_1386 : memref<40x128xf32, #tpu.memory_space<vmem>>) target(%dma_start3A_1392 : memref<10000x128xf32, #tpu.memory_space<vmem_shared>>) offsets(%dma_start3A_1389 : memref<40xi32, #tpu.memory_space<vmem>>) semaphore(%arg19 : memref<!tpu.dma_semaphore, #tpu.memory_space<semaphore_mem>>) {add = true}
      %add3A_1393 = arith.constant 5 : i32
      %add3A_1394 = arith.addi %add3A_981, %add3A_1393 : i32
      %dma_wait3A_1395 = arith.constant 3 : i32
      %dma_wait3A_1396 = arith.constant 0 : i32
      %dma_wait3A_1397 = arith.constant 0 : i32
      %dma_wait3A_1398 = tpu.memref_slice %arg10[%dma_wait3A_1395, %dma_wait3A_1396, %dma_wait3A_1397] : memref<4x40x128xf32, #tpu.memory_space<vmem>> -> memref<1x40x128xf32, #tpu.memory_space<vmem>>
      %dma_wait3A_1399 = tpu.memref_squeeze %dma_wait3A_1398 : memref<1x40x128xf32, #tpu.memory_space<vmem>> -> memref<40x128xf32, #tpu.memory_space<vmem>>
      %dma_wait3A_1400 = arith.constant 0 : i32
      %dma_wait3A_1401 = arith.constant 0 : i32
      %dma_wait3A_1402 = tpu.memref_slice %arg5[%dma_wait3A_1400, %dma_wait3A_1401] : memref<10000x128xf32, #tpu.memory_space<hbm>> -> memref<40x128xf32, #tpu.memory_space<hbm>>
      %dma_wait3A_1403 = arith.constant 0 : i32
      %dma_wait3A_1404 = arith.constant 0 : i32
      %dma_wait3A_1405 = tpu.memref_slice %arg10[%dma_wait3A_1395, %dma_wait3A_1403, %dma_wait3A_1404] : memref<4x40x128xf32, #tpu.memory_space<vmem>> -> memref<1x40x128xf32, #tpu.memory_space<vmem>>
      %dma_wait3A_1406 = tpu.memref_squeeze %dma_wait3A_1405 : memref<1x40x128xf32, #tpu.memory_space<vmem>> -> memref<40x128xf32, #tpu.memory_space<vmem>>
      %dma_wait3A_1407 = arith.constant 0 : i32
      %dma_wait3A_1408 = arith.constant 0 : i32
      %dma_wait3A_1409 = tpu.memref_slice %arg5[%dma_wait3A_1407, %dma_wait3A_1408] : memref<10000x128xf32, #tpu.memory_space<hbm>> -> memref<40x128xf32, #tpu.memory_space<hbm>>
      tpu.wait_dma2 semaphore(%arg16 : memref<!tpu.dma_semaphore, #tpu.memory_space<semaphore_mem>>) src(%dma_wait3A_1409 : memref<40x128xf32, #tpu.memory_space<hbm>>) dst(%dma_wait3A_1406 : memref<40x128xf32, #tpu.memory_space<vmem>>)
      %dma_wait3A_1410 = arith.constant 3 : i32
      %dma_wait3A_1411 = arith.constant 0 : i32
      %dma_wait3A_1412 = arith.constant 0 : i32
      %dma_wait3A_1413 = tpu.memref_slice %arg11[%dma_wait3A_1410, %dma_wait3A_1411, %dma_wait3A_1412] : memref<4x40x128xf32, #tpu.memory_space<vmem>> -> memref<1x40x128xf32, #tpu.memory_space<vmem>>
      %dma_wait3A_1414 = tpu.memref_squeeze %dma_wait3A_1413 : memref<1x40x128xf32, #tpu.memory_space<vmem>> -> memref<40x128xf32, #tpu.memory_space<vmem>>
      %dma_wait3A_1415 = arith.constant 0 : i32
      %dma_wait3A_1416 = arith.constant 0 : i32
      %dma_wait3A_1417 = tpu.memref_slice %arg5[%dma_wait3A_1415, %dma_wait3A_1416] : memref<10000x128xf32, #tpu.memory_space<hbm>> -> memref<40x128xf32, #tpu.memory_space<hbm>>
      %dma_wait3A_1418 = arith.constant 0 : i32
      %dma_wait3A_1419 = arith.constant 0 : i32
      %dma_wait3A_1420 = tpu.memref_slice %arg11[%dma_wait3A_1410, %dma_wait3A_1418, %dma_wait3A_1419] : memref<4x40x128xf32, #tpu.memory_space<vmem>> -> memref<1x40x128xf32, #tpu.memory_space<vmem>>
      %dma_wait3A_1421 = tpu.memref_squeeze %dma_wait3A_1420 : memref<1x40x128xf32, #tpu.memory_space<vmem>> -> memref<40x128xf32, #tpu.memory_space<vmem>>
      %dma_wait3A_1422 = arith.constant 0 : i32
      %dma_wait3A_1423 = arith.constant 0 : i32
      %dma_wait3A_1424 = tpu.memref_slice %arg5[%dma_wait3A_1422, %dma_wait3A_1423] : memref<10000x128xf32, #tpu.memory_space<hbm>> -> memref<40x128xf32, #tpu.memory_space<hbm>>
      tpu.wait_dma2 semaphore(%arg16 : memref<!tpu.dma_semaphore, #tpu.memory_space<semaphore_mem>>) src(%dma_wait3A_1424 : memref<40x128xf32, #tpu.memory_space<hbm>>) dst(%dma_wait3A_1421 : memref<40x128xf32, #tpu.memory_space<vmem>>)
      %add3A_1425 = arith.addi %mul3A_8, %add3A_1394 : i32
      %dma_start3A_1426 = arith.constant 3 : i32
      %dma_start3A_1427 = arith.constant 0 : i32
      %dma_start3A_1428 = arith.constant 0 : i32
      %dma_start3A_1429 = tpu.memref_slice %arg7[%dma_start3A_1426, %dma_start3A_1427, %dma_start3A_1428] : memref<4x3x40xi32, #tpu.memory_space<vmem>> -> memref<1x3x40xi32, #tpu.memory_space<vmem>>
      %dma_start3A_1430 = tpu.memref_squeeze %dma_start3A_1429 : memref<1x3x40xi32, #tpu.memory_space<vmem>> -> memref<3x40xi32, #tpu.memory_space<vmem>>
      %dma_start3A_1431 = arith.constant 0 : i32
      %dma_start3A_1432 = arith.constant 0 : i32
      %dma_start3A_1433 = tpu.memref_slice %arg2[%add3A_1425, %dma_start3A_1431, %dma_start3A_1432] : memref<8004x3x40xi32, #tpu.memory_space<hbm>> -> memref<1x3x40xi32, #tpu.memory_space<hbm>>
      %dma_start3A_1434 = tpu.memref_squeeze %dma_start3A_1433 : memref<1x3x40xi32, #tpu.memory_space<hbm>> -> memref<3x40xi32, #tpu.memory_space<hbm>>
      %dma_start3A_1435 = arith.constant 0 : i32
      %dma_start3A_1436 = arith.constant 0 : i32
      %dma_start3A_1437 = tpu.memref_slice %arg7[%dma_start3A_1426, %dma_start3A_1435, %dma_start3A_1436] : memref<4x3x40xi32, #tpu.memory_space<vmem>> -> memref<1x3x40xi32, #tpu.memory_space<vmem>>
      %dma_start3A_1438 = tpu.memref_squeeze %dma_start3A_1437 : memref<1x3x40xi32, #tpu.memory_space<vmem>> -> memref<3x40xi32, #tpu.memory_space<vmem>>
      %dma_start3A_1439 = arith.constant 0 : i32
      %dma_start3A_1440 = arith.constant 0 : i32
      %dma_start3A_1441 = tpu.memref_slice %arg2[%add3A_1425, %dma_start3A_1439, %dma_start3A_1440] : memref<8004x3x40xi32, #tpu.memory_space<hbm>> -> memref<1x3x40xi32, #tpu.memory_space<hbm>>
      %dma_start3A_1442 = tpu.memref_squeeze %dma_start3A_1441 : memref<1x3x40xi32, #tpu.memory_space<hbm>> -> memref<3x40xi32, #tpu.memory_space<hbm>>
      tpu.enqueue_dma source(%dma_start3A_1442 : memref<3x40xi32, #tpu.memory_space<hbm>>) target(%dma_start3A_1438 : memref<3x40xi32, #tpu.memory_space<vmem>>) target_semaphore(%arg24 : memref<!tpu.dma_semaphore, #tpu.memory_space<semaphore_mem>>)
      %scan3A_1443 = arith.constant 0 : i32
      %scan3A_1444 = arith.constant 40 : i32
      %scan3A_1445 = arith.addi %scan3A_1443, %scan3A_1444 : i32
      %scan3A_1446 = arith.constant 1 : i32
      scf.for %scan3A_1938 = %scan3A_1443 to %scan3A_1445 step %scan3A_1446  : i32 {
        %mul3A_1939 = arith.constant 1 : i32
        %mul3A_1940 = arith.muli %scan3A_1938, %mul3A_1939 : i32
        %add3A_1941 = arith.constant 0 : i32
        %add3A_1942 = arith.addi %add3A_1941, %mul3A_1940 : i32
        %get3A_1943 = arith.constant 3 : i32
        %get3A_1944 = arith.index_cast %get3A_1943 : i32 to index
        %get3A_1945 = arith.index_cast %add3A_1942 : i32 to index
        %get3A_1946 = arith.constant 0 : index
        %get3A_1947 = tpu.vector_load %arg10[%get3A_1944, %get3A_1945, %get3A_1946] {strides = array<i32>} : memref<4x40x128xf32, #tpu.memory_space<vmem>>, vector<1x1x16xf32>,
        %get3A_1948 = vector.shape_cast %get3A_1947 : vector<1x1x16xf32> to vector<16xf32>
        %get3A_1949 = arith.constant 3 : i32
        %get3A_1950 = arith.index_cast %get3A_1949 : i32 to index
        %get3A_1951 = arith.index_cast %add3A_1942 : i32 to index
        %get3A_1952 = arith.constant 0 : index
        %get3A_1953 = tpu.vector_load %arg11[%get3A_1950, %get3A_1951, %get3A_1952] {strides = array<i32>} : memref<4x40x128xf32, #tpu.memory_space<vmem>>, vector<1x1x16xf32>,
        %get3A_1954 = vector.shape_cast %get3A_1953 : vector<1x1x16xf32> to vector<16xf32>
        %mul3A_1955 = arith.mulf %get3A_1948, %get3A_1954 : vector<16xf32>
        %swap3A_1956 = arith.constant 3 : i32
        %swap3A_1957 = arith.index_cast %swap3A_1956 : i32 to index
        %swap3A_1958 = arith.index_cast %add3A_1942 : i32 to index
        %swap3A_1959 = arith.constant 0 : index
        %swap3A_1960 = tpu.vector_load %arg10[%swap3A_1957, %swap3A_1958, %swap3A_1959] {strides = array<i32>} : memref<4x40x128xf32, #tpu.memory_space<vmem>>, vector<1x1x16xf32>,
        %swap3A_1961 = vector.shape_cast %swap3A_1960 : vector<1x1x16xf32> to vector<16xf32>
        %swap3A_1962 = vector.shape_cast %mul3A_1955 : vector<16xf32> to vector<1x1x16xf32>
        tpu.vector_store %arg10[%swap3A_1957, %swap3A_1958, %swap3A_1959], %swap3A_1962 {strides = array<i32>} : memref<4x40x128xf32, #tpu.memory_space<vmem>>, vector<1x1x16xf32>,
        %get3A_1963 = arith.constant 3 : i32
        %get3A_1964 = arith.index_cast %get3A_1963 : i32 to index
        %get3A_1965 = arith.index_cast %add3A_1942 : i32 to index
        %get3A_1966 = arith.constant 16 : index
        %get3A_1967 = tpu.vector_load %arg10[%get3A_1964, %get3A_1965, %get3A_1966] {strides = array<i32>} : memref<4x40x128xf32, #tpu.memory_space<vmem>>, vector<1x1x16xf32>,
        %get3A_1968 = vector.shape_cast %get3A_1967 : vector<1x1x16xf32> to vector<16xf32>
        %get3A_1969 = arith.constant 3 : i32
        %get3A_1970 = arith.index_cast %get3A_1969 : i32 to index
        %get3A_1971 = arith.index_cast %add3A_1942 : i32 to index
        %get3A_1972 = arith.constant 16 : index
        %get3A_1973 = tpu.vector_load %arg11[%get3A_1970, %get3A_1971, %get3A_1972] {strides = array<i32>} : memref<4x40x128xf32, #tpu.memory_space<vmem>>, vector<1x1x16xf32>,
        %get3A_1974 = vector.shape_cast %get3A_1973 : vector<1x1x16xf32> to vector<16xf32>
        %mul3A_1975 = arith.mulf %get3A_1968, %get3A_1974 : vector<16xf32>
        %swap3A_1976 = arith.constant 3 : i32
        %swap3A_1977 = arith.index_cast %swap3A_1976 : i32 to index
        %swap3A_1978 = arith.index_cast %add3A_1942 : i32 to index
        %swap3A_1979 = arith.constant 16 : index
        %swap3A_1980 = tpu.vector_load %arg10[%swap3A_1977, %swap3A_1978, %swap3A_1979] {strides = array<i32>} : memref<4x40x128xf32, #tpu.memory_space<vmem>>, vector<1x1x16xf32>,
        %swap3A_1981 = vector.shape_cast %swap3A_1980 : vector<1x1x16xf32> to vector<16xf32>
        %swap3A_1982 = vector.shape_cast %mul3A_1975 : vector<16xf32> to vector<1x1x16xf32>
        tpu.vector_store %arg10[%swap3A_1977, %swap3A_1978, %swap3A_1979], %swap3A_1982 {strides = array<i32>} : memref<4x40x128xf32, #tpu.memory_space<vmem>>, vector<1x1x16xf32>,
        %get3A_1983 = arith.constant 3 : i32
        %get3A_1984 = arith.index_cast %get3A_1983 : i32 to index
        %get3A_1985 = arith.index_cast %add3A_1942 : i32 to index
        %get3A_1986 = arith.constant 32 : index
        %get3A_1987 = tpu.vector_load %arg10[%get3A_1984, %get3A_1985, %get3A_1986] {strides = array<i32>} : memref<4x40x128xf32, #tpu.memory_space<vmem>>, vector<1x1x16xf32>,
        %get3A_1988 = vector.shape_cast %get3A_1987 : vector<1x1x16xf32> to vector<16xf32>
        %get3A_1989 = arith.constant 3 : i32
        %get3A_1990 = arith.index_cast %get3A_1989 : i32 to index
        %get3A_1991 = arith.index_cast %add3A_1942 : i32 to index
        %get3A_1992 = arith.constant 32 : index
        %get3A_1993 = tpu.vector_load %arg11[%get3A_1990, %get3A_1991, %get3A_1992] {strides = array<i32>} : memref<4x40x128xf32, #tpu.memory_space<vmem>>, vector<1x1x16xf32>,
        %get3A_1994 = vector.shape_cast %get3A_1993 : vector<1x1x16xf32> to vector<16xf32>
        %mul3A_1995 = arith.mulf %get3A_1988, %get3A_1994 : vector<16xf32>
        %swap3A_1996 = arith.constant 3 : i32
        %swap3A_1997 = arith.index_cast %swap3A_1996 : i32 to index
        %swap3A_1998 = arith.index_cast %add3A_1942 : i32 to index
        %swap3A_1999 = arith.constant 32 : index
        %swap3A_2000 = tpu.vector_load %arg10[%swap3A_1997, %swap3A_1998, %swap3A_1999] {strides = array<i32>} : memref<4x40x128xf32, #tpu.memory_space<vmem>>, vector<1x1x16xf32>,
        %swap3A_2001 = vector.shape_cast %swap3A_2000 : vector<1x1x16xf32> to vector<16xf32>
        %swap3A_2002 = vector.shape_cast %mul3A_1995 : vector<16xf32> to vector<1x1x16xf32>
        tpu.vector_store %arg10[%swap3A_1997, %swap3A_1998, %swap3A_1999], %swap3A_2002 {strides = array<i32>} : memref<4x40x128xf32, #tpu.memory_space<vmem>>, vector<1x1x16xf32>,
        %get3A_2003 = arith.constant 3 : i32
        %get3A_2004 = arith.index_cast %get3A_2003 : i32 to index
        %get3A_2005 = arith.index_cast %add3A_1942 : i32 to index
        %get3A_2006 = arith.constant 48 : index
        %get3A_2007 = tpu.vector_load %arg10[%get3A_2004, %get3A_2005, %get3A_2006] {strides = array<i32>} : memref<4x40x128xf32, #tpu.memory_space<vmem>>, vector<1x1x16xf32>,
        %get3A_2008 = vector.shape_cast %get3A_2007 : vector<1x1x16xf32> to vector<16xf32>
        %get3A_2009 = arith.constant 3 : i32
        %get3A_2010 = arith.index_cast %get3A_2009 : i32 to index
        %get3A_2011 = arith.index_cast %add3A_1942 : i32 to index
        %get3A_2012 = arith.constant 48 : index
        %get3A_2013 = tpu.vector_load %arg11[%get3A_2010, %get3A_2011, %get3A_2012] {strides = array<i32>} : memref<4x40x128xf32, #tpu.memory_space<vmem>>, vector<1x1x16xf32>,
        %get3A_2014 = vector.shape_cast %get3A_2013 : vector<1x1x16xf32> to vector<16xf32>
        %mul3A_2015 = arith.mulf %get3A_2008, %get3A_2014 : vector<16xf32>
        %swap3A_2016 = arith.constant 3 : i32
        %swap3A_2017 = arith.index_cast %swap3A_2016 : i32 to index
        %swap3A_2018 = arith.index_cast %add3A_1942 : i32 to index
        %swap3A_2019 = arith.constant 48 : index
        %swap3A_2020 = tpu.vector_load %arg10[%swap3A_2017, %swap3A_2018, %swap3A_2019] {strides = array<i32>} : memref<4x40x128xf32, #tpu.memory_space<vmem>>, vector<1x1x16xf32>,
        %swap3A_2021 = vector.shape_cast %swap3A_2020 : vector<1x1x16xf32> to vector<16xf32>
        %swap3A_2022 = vector.shape_cast %mul3A_2015 : vector<16xf32> to vector<1x1x16xf32>
        tpu.vector_store %arg10[%swap3A_2017, %swap3A_2018, %swap3A_2019], %swap3A_2022 {strides = array<i32>} : memref<4x40x128xf32, #tpu.memory_space<vmem>>, vector<1x1x16xf32>,
        %get3A_2023 = arith.constant 3 : i32
        %get3A_2024 = arith.index_cast %get3A_2023 : i32 to index
        %get3A_2025 = arith.index_cast %add3A_1942 : i32 to index
        %get3A_2026 = arith.constant 64 : index
        %get3A_2027 = tpu.vector_load %arg10[%get3A_2024, %get3A_2025, %get3A_2026] {strides = array<i32>} : memref<4x40x128xf32, #tpu.memory_space<vmem>>, vector<1x1x16xf32>,
        %get3A_2028 = vector.shape_cast %get3A_2027 : vector<1x1x16xf32> to vector<16xf32>
        %get3A_2029 = arith.constant 3 : i32
        %get3A_2030 = arith.index_cast %get3A_2029 : i32 to index
        %get3A_2031 = arith.index_cast %add3A_1942 : i32 to index
        %get3A_2032 = arith.constant 64 : index
        %get3A_2033 = tpu.vector_load %arg11[%get3A_2030, %get3A_2031, %get3A_2032] {strides = array<i32>} : memref<4x40x128xf32, #tpu.memory_space<vmem>>, vector<1x1x16xf32>,
        %get3A_2034 = vector.shape_cast %get3A_2033 : vector<1x1x16xf32> to vector<16xf32>
        %mul3A_2035 = arith.mulf %get3A_2028, %get3A_2034 : vector<16xf32>
        %swap3A_2036 = arith.constant 3 : i32
        %swap3A_2037 = arith.index_cast %swap3A_2036 : i32 to index
        %swap3A_2038 = arith.index_cast %add3A_1942 : i32 to index
        %swap3A_2039 = arith.constant 64 : index
        %swap3A_2040 = tpu.vector_load %arg10[%swap3A_2037, %swap3A_2038, %swap3A_2039] {strides = array<i32>} : memref<4x40x128xf32, #tpu.memory_space<vmem>>, vector<1x1x16xf32>,
        %swap3A_2041 = vector.shape_cast %swap3A_2040 : vector<1x1x16xf32> to vector<16xf32>
        %swap3A_2042 = vector.shape_cast %mul3A_2035 : vector<16xf32> to vector<1x1x16xf32>
        tpu.vector_store %arg10[%swap3A_2037, %swap3A_2038, %swap3A_2039], %swap3A_2042 {strides = array<i32>} : memref<4x40x128xf32, #tpu.memory_space<vmem>>, vector<1x1x16xf32>,
        %get3A_2043 = arith.constant 3 : i32
        %get3A_2044 = arith.index_cast %get3A_2043 : i32 to index
        %get3A_2045 = arith.index_cast %add3A_1942 : i32 to index
        %get3A_2046 = arith.constant 80 : index
        %get3A_2047 = tpu.vector_load %arg10[%get3A_2044, %get3A_2045, %get3A_2046] {strides = array<i32>} : memref<4x40x128xf32, #tpu.memory_space<vmem>>, vector<1x1x16xf32>,
        %get3A_2048 = vector.shape_cast %get3A_2047 : vector<1x1x16xf32> to vector<16xf32>
        %get3A_2049 = arith.constant 3 : i32
        %get3A_2050 = arith.index_cast %get3A_2049 : i32 to index
        %get3A_2051 = arith.index_cast %add3A_1942 : i32 to index
        %get3A_2052 = arith.constant 80 : index
        %get3A_2053 = tpu.vector_load %arg11[%get3A_2050, %get3A_2051, %get3A_2052] {strides = array<i32>} : memref<4x40x128xf32, #tpu.memory_space<vmem>>, vector<1x1x16xf32>,
        %get3A_2054 = vector.shape_cast %get3A_2053 : vector<1x1x16xf32> to vector<16xf32>
        %mul3A_2055 = arith.mulf %get3A_2048, %get3A_2054 : vector<16xf32>
        %swap3A_2056 = arith.constant 3 : i32
        %swap3A_2057 = arith.index_cast %swap3A_2056 : i32 to index
        %swap3A_2058 = arith.index_cast %add3A_1942 : i32 to index
        %swap3A_2059 = arith.constant 80 : index
        %swap3A_2060 = tpu.vector_load %arg10[%swap3A_2057, %swap3A_2058, %swap3A_2059] {strides = array<i32>} : memref<4x40x128xf32, #tpu.memory_space<vmem>>, vector<1x1x16xf32>,
        %swap3A_2061 = vector.shape_cast %swap3A_2060 : vector<1x1x16xf32> to vector<16xf32>
        %swap3A_2062 = vector.shape_cast %mul3A_2055 : vector<16xf32> to vector<1x1x16xf32>
        tpu.vector_store %arg10[%swap3A_2057, %swap3A_2058, %swap3A_2059], %swap3A_2062 {strides = array<i32>} : memref<4x40x128xf32, #tpu.memory_space<vmem>>, vector<1x1x16xf32>,
        %get3A_2063 = arith.constant 3 : i32
        %get3A_2064 = arith.index_cast %get3A_2063 : i32 to index
        %get3A_2065 = arith.index_cast %add3A_1942 : i32 to index
        %get3A_2066 = arith.constant 96 : index
        %get3A_2067 = tpu.vector_load %arg10[%get3A_2064, %get3A_2065, %get3A_2066] {strides = array<i32>} : memref<4x40x128xf32, #tpu.memory_space<vmem>>, vector<1x1x16xf32>,
        %get3A_2068 = vector.shape_cast %get3A_2067 : vector<1x1x16xf32> to vector<16xf32>
        %get3A_2069 = arith.constant 3 : i32
        %get3A_2070 = arith.index_cast %get3A_2069 : i32 to index
        %get3A_2071 = arith.index_cast %add3A_1942 : i32 to index
        %get3A_2072 = arith.constant 96 : index
        %get3A_2073 = tpu.vector_load %arg11[%get3A_2070, %get3A_2071, %get3A_2072] {strides = array<i32>} : memref<4x40x128xf32, #tpu.memory_space<vmem>>, vector<1x1x16xf32>,
        %get3A_2074 = vector.shape_cast %get3A_2073 : vector<1x1x16xf32> to vector<16xf32>
        %mul3A_2075 = arith.mulf %get3A_2068, %get3A_2074 : vector<16xf32>
        %swap3A_2076 = arith.constant 3 : i32
        %swap3A_2077 = arith.index_cast %swap3A_2076 : i32 to index
        %swap3A_2078 = arith.index_cast %add3A_1942 : i32 to index
        %swap3A_2079 = arith.constant 96 : index
        %swap3A_2080 = tpu.vector_load %arg10[%swap3A_2077, %swap3A_2078, %swap3A_2079] {strides = array<i32>} : memref<4x40x128xf32, #tpu.memory_space<vmem>>, vector<1x1x16xf32>,
        %swap3A_2081 = vector.shape_cast %swap3A_2080 : vector<1x1x16xf32> to vector<16xf32>
        %swap3A_2082 = vector.shape_cast %mul3A_2075 : vector<16xf32> to vector<1x1x16xf32>
        tpu.vector_store %arg10[%swap3A_2077, %swap3A_2078, %swap3A_2079], %swap3A_2082 {strides = array<i32>} : memref<4x40x128xf32, #tpu.memory_space<vmem>>, vector<1x1x16xf32>,
        %get3A_2083 = arith.constant 3 : i32
        %get3A_2084 = arith.index_cast %get3A_2083 : i32 to index
        %get3A_2085 = arith.index_cast %add3A_1942 : i32 to index
        %get3A_2086 = arith.constant 112 : index
        %get3A_2087 = tpu.vector_load %arg10[%get3A_2084, %get3A_2085, %get3A_2086] {strides = array<i32>} : memref<4x40x128xf32, #tpu.memory_space<vmem>>, vector<1x1x16xf32>,
        %get3A_2088 = vector.shape_cast %get3A_2087 : vector<1x1x16xf32> to vector<16xf32>
        %get3A_2089 = arith.constant 3 : i32
        %get3A_2090 = arith.index_cast %get3A_2089 : i32 to index
        %get3A_2091 = arith.index_cast %add3A_1942 : i32 to index
        %get3A_2092 = arith.constant 112 : index
        %get3A_2093 = tpu.vector_load %arg11[%get3A_2090, %get3A_2091, %get3A_2092] {strides = array<i32>} : memref<4x40x128xf32, #tpu.memory_space<vmem>>, vector<1x1x16xf32>,
        %get3A_2094 = vector.shape_cast %get3A_2093 : vector<1x1x16xf32> to vector<16xf32>
        %mul3A_2095 = arith.mulf %get3A_2088, %get3A_2094 : vector<16xf32>
        %swap3A_2096 = arith.constant 3 : i32
        %swap3A_2097 = arith.index_cast %swap3A_2096 : i32 to index
        %swap3A_2098 = arith.index_cast %add3A_1942 : i32 to index
        %swap3A_2099 = arith.constant 112 : index
        %swap3A_2100 = tpu.vector_load %arg10[%swap3A_2097, %swap3A_2098, %swap3A_2099] {strides = array<i32>} : memref<4x40x128xf32, #tpu.memory_space<vmem>>, vector<1x1x16xf32>,
        %swap3A_2101 = vector.shape_cast %swap3A_2100 : vector<1x1x16xf32> to vector<16xf32>
        %swap3A_2102 = vector.shape_cast %mul3A_2095 : vector<16xf32> to vector<1x1x16xf32>
        tpu.vector_store %arg10[%swap3A_2097, %swap3A_2098, %swap3A_2099], %swap3A_2102 {strides = array<i32>} : memref<4x40x128xf32, #tpu.memory_space<vmem>>, vector<1x1x16xf32>,
      }
      %scan3A_1447 = arith.constant 40 : i32
      %dma_start3A_1448 = arith.constant 3 : i32
      %dma_start3A_1449 = arith.constant 3 : i32
      %dma_start3A_1450 = arith.constant 0 : i32
      %dma_start3A_1451 = arith.constant 0 : i32
      %dma_start3A_1452 = tpu.memref_slice %arg10[%dma_start3A_1448, %dma_start3A_1450, %dma_start3A_1451] : memref<4x40x128xf32, #tpu.memory_space<vmem>> -> memref<1x40x128xf32, #tpu.memory_space<vmem>>
      %dma_start3A_1453 = tpu.memref_squeeze %dma_start3A_1452 : memref<1x40x128xf32, #tpu.memory_space<vmem>> -> memref<40x128xf32, #tpu.memory_space<vmem>>
      %dma_start3A_1454 = arith.constant 0 : i32
      %dma_start3A_1455 = tpu.memref_slice %arg9[%dma_start3A_1449, %dma_start3A_1454] : memref<4x40xi32, #tpu.memory_space<vmem>> -> memref<1x40xi32, #tpu.memory_space<vmem>>
      %dma_start3A_1456 = tpu.memref_squeeze %dma_start3A_1455 : memref<1x40xi32, #tpu.memory_space<vmem>> -> memref<40xi32, #tpu.memory_space<vmem>>
      %dma_start3A_1457 = arith.constant 0 : i32
      %dma_start3A_1458 = arith.constant 0 : i32
      %dma_start3A_1459 = tpu.memref_slice %arg12[%dma_start3A_1457, %dma_start3A_1458] : memref<10000x128xf32, #tpu.memory_space<vmem_shared>> -> memref<10000x128xf32, #tpu.memory_space<vmem_shared>>
      tpu.enqueue_indirect_dma source(%dma_start3A_1453 : memref<40x128xf32, #tpu.memory_space<vmem>>) target(%dma_start3A_1459 : memref<10000x128xf32, #tpu.memory_space<vmem_shared>>) offsets(%dma_start3A_1456 : memref<40xi32, #tpu.memory_space<vmem>>) semaphore(%arg20 : memref<!tpu.dma_semaphore, #tpu.memory_space<semaphore_mem>>) {add = true}
      %dma_wait3A_1460 = arith.constant 2 : i32
      %dma_wait3A_1461 = arith.constant 0 : i32
      %dma_wait3A_1462 = arith.constant 0 : i32
      %dma_wait3A_1463 = tpu.memref_slice %arg7[%dma_wait3A_1460, %dma_wait3A_1461, %dma_wait3A_1462] : memref<4x3x40xi32, #tpu.memory_space<vmem>> -> memref<1x3x40xi32, #tpu.memory_space<vmem>>
      %dma_wait3A_1464 = tpu.memref_squeeze %dma_wait3A_1463 : memref<1x3x40xi32, #tpu.memory_space<vmem>> -> memref<3x40xi32, #tpu.memory_space<vmem>>
      %dma_wait3A_1465 = arith.constant 0 : i32
      %dma_wait3A_1466 = arith.constant 0 : i32
      %dma_wait3A_1467 = tpu.memref_slice %arg2[%mul3A_8, %dma_wait3A_1465, %dma_wait3A_1466] : memref<8004x3x40xi32, #tpu.memory_space<hbm>> -> memref<1x3x40xi32, #tpu.memory_space<hbm>>
      %dma_wait3A_1468 = tpu.memref_squeeze %dma_wait3A_1467 : memref<1x3x40xi32, #tpu.memory_space<hbm>> -> memref<3x40xi32, #tpu.memory_space<hbm>>
      %dma_wait3A_1469 = arith.constant 0 : i32
      %dma_wait3A_1470 = arith.constant 0 : i32
      %dma_wait3A_1471 = tpu.memref_slice %arg7[%dma_wait3A_1460, %dma_wait3A_1469, %dma_wait3A_1470] : memref<4x3x40xi32, #tpu.memory_space<vmem>> -> memref<1x3x40xi32, #tpu.memory_space<vmem>>
      %dma_wait3A_1472 = tpu.memref_squeeze %dma_wait3A_1471 : memref<1x3x40xi32, #tpu.memory_space<vmem>> -> memref<3x40xi32, #tpu.memory_space<vmem>>
      %dma_wait3A_1473 = arith.constant 0 : i32
      %dma_wait3A_1474 = arith.constant 0 : i32
      %dma_wait3A_1475 = tpu.memref_slice %arg2[%mul3A_8, %dma_wait3A_1473, %dma_wait3A_1474] : memref<8004x3x40xi32, #tpu.memory_space<hbm>> -> memref<1x3x40xi32, #tpu.memory_space<hbm>>
      %dma_wait3A_1476 = tpu.memref_squeeze %dma_wait3A_1475 : memref<1x3x40xi32, #tpu.memory_space<hbm>> -> memref<3x40xi32, #tpu.memory_space<hbm>>
      tpu.wait_dma2 semaphore(%arg23 : memref<!tpu.dma_semaphore, #tpu.memory_space<semaphore_mem>>) src(%dma_wait3A_1476 : memref<3x40xi32, #tpu.memory_space<hbm>>) dst(%dma_wait3A_1472 : memref<3x40xi32, #tpu.memory_space<vmem>>)
      %dma_wait3A_1477 = arith.constant 2 : i32
      %dma_wait3A_1478 = arith.constant 0 : i32
      %dma_wait3A_1479 = arith.constant 0 : i32
      %dma_wait3A_1480 = tpu.memref_slice %arg10[%dma_wait3A_1477, %dma_wait3A_1478, %dma_wait3A_1479] : memref<4x40x128xf32, #tpu.memory_space<vmem>> -> memref<1x40x128xf32, #tpu.memory_space<vmem>>
      %dma_wait3A_1481 = tpu.memref_squeeze %dma_wait3A_1480 : memref<1x40x128xf32, #tpu.memory_space<vmem>> -> memref<40x128xf32, #tpu.memory_space<vmem>>
      %dma_wait3A_1482 = arith.constant 0 : i32
      %dma_wait3A_1483 = arith.constant 0 : i32
      %dma_wait3A_1484 = tpu.memref_slice %arg12[%dma_wait3A_1482, %dma_wait3A_1483] : memref<10000x128xf32, #tpu.memory_space<vmem_shared>> -> memref<40x128xf32, #tpu.memory_space<vmem_shared>>
      %dma_wait3A_1485 = arith.constant 0 : i32
      %dma_wait3A_1486 = arith.constant 0 : i32
      %dma_wait3A_1487 = tpu.memref_slice %arg12[%dma_wait3A_1485, %dma_wait3A_1486] : memref<10000x128xf32, #tpu.memory_space<vmem_shared>> -> memref<40x128xf32, #tpu.memory_space<vmem_shared>>
      %dma_wait3A_1488 = arith.constant 0 : i32
      %dma_wait3A_1489 = arith.constant 0 : i32
      %dma_wait3A_1490 = tpu.memref_slice %arg10[%dma_wait3A_1477, %dma_wait3A_1488, %dma_wait3A_1489] : memref<4x40x128xf32, #tpu.memory_space<vmem>> -> memref<1x40x128xf32, #tpu.memory_space<vmem>>
      %dma_wait3A_1491 = tpu.memref_squeeze %dma_wait3A_1490 : memref<1x40x128xf32, #tpu.memory_space<vmem>> -> memref<40x128xf32, #tpu.memory_space<vmem>>
      tpu.wait_dma2 semaphore(%arg19 : memref<!tpu.dma_semaphore, #tpu.memory_space<semaphore_mem>>) src(%dma_wait3A_1491 : memref<40x128xf32, #tpu.memory_space<vmem>>) dst(%dma_wait3A_1487 : memref<40x128xf32, #tpu.memory_space<vmem_shared>>)
      %get3A_1492 = arith.constant 2 : i32
      %get3A_1493 = arith.constant 2 : i32
      %get3A_1494 = arith.index_cast %get3A_1492 : i32 to index
      %get3A_1495 = arith.index_cast %get3A_1493 : i32 to index
      %get3A_1496 = arith.constant 0 : index
      %get3A_1497 = tpu.vector_load %arg7[%get3A_1494, %get3A_1495, %get3A_1496] {strides = array<i32>} : memref<4x3x40xi32, #tpu.memory_space<vmem>>, vector<1x1x16xi32>,
      %get3A_1498 = vector.shape_cast %get3A_1497 : vector<1x1x16xi32> to vector<16xi32>
      %bitcast_convert_type3A_1499 = tpu.bitcast %get3A_1498 : vector<16xi32> -> vector<16xf32>
      %mul3A_1500 = arith.constant 1.638400e+03 : f32
      %mul3A_1501 = vector.broadcast %mul3A_1500 : f32 to vector<16xf32>
      %mul3A_1502 = arith.mulf %bitcast_convert_type3A_1499, %mul3A_1501 : vector<16xf32>
      %add3A_1503 = arith.constant 5.000000e-01 : f32
      %add3A_1504 = vector.broadcast %add3A_1503 : f32 to vector<16xf32>
      %add3A_1505 = arith.addf %mul3A_1502, %add3A_1504 : vector<16xf32>
      %convert_element_type3A_1506 = arith.fptosi %add3A_1505 : vector<16xf32> to vector<16xi32>
      %min3A_1507 = arith.constant 8199 : i32
      %min3A_1508 = vector.broadcast %min3A_1507 : i32 to vector<16xi32>
      %min3A_1509 = arith.minsi %convert_element_type3A_1506, %min3A_1508 : vector<16xi32>
      %swap3A_1510 = arith.constant 2 : i32
      %swap3A_1511 = arith.index_cast %swap3A_1510 : i32 to index
      %swap3A_1512 = arith.constant 0 : index
      %swap3A_1513 = tpu.vector_load %arg8[%swap3A_1511, %swap3A_1512] {strides = array<i32>} : memref<4x40xi32, #tpu.memory_space<vmem>>, vector<1x16xi32>,
      %swap3A_1514 = vector.shape_cast %swap3A_1513 : vector<1x16xi32> to vector<16xi32>
      %swap3A_1515 = vector.shape_cast %min3A_1509 : vector<16xi32> to vector<1x16xi32>
      tpu.vector_store %arg8[%swap3A_1511, %swap3A_1512], %swap3A_1515 {strides = array<i32>} : memref<4x40xi32, #tpu.memory_space<vmem>>, vector<1x16xi32>,
      %get3A_1516 = arith.constant 2 : i32
      %get3A_1517 = arith.constant 1 : i32
      %get3A_1518 = arith.index_cast %get3A_1516 : i32 to index
      %get3A_1519 = arith.index_cast %get3A_1517 : i32 to index
      %get3A_1520 = arith.constant 0 : index
      %get3A_1521 = tpu.vector_load %arg7[%get3A_1518, %get3A_1519, %get3A_1520] {strides = array<i32>} : memref<4x3x40xi32, #tpu.memory_space<vmem>>, vector<1x1x16xi32>,
      %get3A_1522 = vector.shape_cast %get3A_1521 : vector<1x1x16xi32> to vector<16xi32>
      %swap3A_1523 = arith.constant 2 : i32
      %swap3A_1524 = arith.index_cast %swap3A_1523 : i32 to index
      %swap3A_1525 = arith.constant 0 : index
      %swap3A_1526 = tpu.vector_load %arg9[%swap3A_1524, %swap3A_1525] {strides = array<i32>} : memref<4x40xi32, #tpu.memory_space<vmem>>, vector<1x16xi32>,
      %swap3A_1527 = vector.shape_cast %swap3A_1526 : vector<1x16xi32> to vector<16xi32>
      %swap3A_1528 = vector.shape_cast %get3A_1522 : vector<16xi32> to vector<1x16xi32>
      tpu.vector_store %arg9[%swap3A_1524, %swap3A_1525], %swap3A_1528 {strides = array<i32>} : memref<4x40xi32, #tpu.memory_space<vmem>>, vector<1x16xi32>,
      %get3A_1529 = arith.constant 2 : i32
      %get3A_1530 = arith.constant 2 : i32
      %get3A_1531 = arith.index_cast %get3A_1529 : i32 to index
      %get3A_1532 = arith.index_cast %get3A_1530 : i32 to index
      %get3A_1533 = arith.constant 16 : index
      %get3A_1534 = tpu.vector_load %arg7[%get3A_1531, %get3A_1532, %get3A_1533] {strides = array<i32>} : memref<4x3x40xi32, #tpu.memory_space<vmem>>, vector<1x1x16xi32>,
      %get3A_1535 = vector.shape_cast %get3A_1534 : vector<1x1x16xi32> to vector<16xi32>
      %bitcast_convert_type3A_1536 = tpu.bitcast %get3A_1535 : vector<16xi32> -> vector<16xf32>
      %mul3A_1537 = arith.constant 1.638400e+03 : f32
      %mul3A_1538 = vector.broadcast %mul3A_1537 : f32 to vector<16xf32>
      %mul3A_1539 = arith.mulf %bitcast_convert_type3A_1536, %mul3A_1538 : vector<16xf32>
      %add3A_1540 = arith.constant 5.000000e-01 : f32
      %add3A_1541 = vector.broadcast %add3A_1540 : f32 to vector<16xf32>
      %add3A_1542 = arith.addf %mul3A_1539, %add3A_1541 : vector<16xf32>
      %convert_element_type3A_1543 = arith.fptosi %add3A_1542 : vector<16xf32> to vector<16xi32>
      %min3A_1544 = arith.constant 8199 : i32
      %min3A_1545 = vector.broadcast %min3A_1544 : i32 to vector<16xi32>
      %min3A_1546 = arith.minsi %convert_element_type3A_1543, %min3A_1545 : vector<16xi32>
      %swap3A_1547 = arith.constant 2 : i32
      %swap3A_1548 = arith.index_cast %swap3A_1547 : i32 to index
      %swap3A_1549 = arith.constant 16 : index
      %swap3A_1550 = tpu.vector_load %arg8[%swap3A_1548, %swap3A_1549] {strides = array<i32>} : memref<4x40xi32, #tpu.memory_space<vmem>>, vector<1x16xi32>,
      %swap3A_1551 = vector.shape_cast %swap3A_1550 : vector<1x16xi32> to vector<16xi32>
      %swap3A_1552 = vector.shape_cast %min3A_1546 : vector<16xi32> to vector<1x16xi32>
      tpu.vector_store %arg8[%swap3A_1548, %swap3A_1549], %swap3A_1552 {strides = array<i32>} : memref<4x40xi32, #tpu.memory_space<vmem>>, vector<1x16xi32>,
      %get3A_1553 = arith.constant 2 : i32
      %get3A_1554 = arith.constant 1 : i32
      %get3A_1555 = arith.index_cast %get3A_1553 : i32 to index
      %get3A_1556 = arith.index_cast %get3A_1554 : i32 to index
      %get3A_1557 = arith.constant 16 : index
      %get3A_1558 = tpu.vector_load %arg7[%get3A_1555, %get3A_1556, %get3A_1557] {strides = array<i32>} : memref<4x3x40xi32, #tpu.memory_space<vmem>>, vector<1x1x16xi32>,
      %get3A_1559 = vector.shape_cast %get3A_1558 : vector<1x1x16xi32> to vector<16xi32>
      %swap3A_1560 = arith.constant 2 : i32
      %swap3A_1561 = arith.index_cast %swap3A_1560 : i32 to index
      %swap3A_1562 = arith.constant 16 : index
      %swap3A_1563 = tpu.vector_load %arg9[%swap3A_1561, %swap3A_1562] {strides = array<i32>} : memref<4x40xi32, #tpu.memory_space<vmem>>, vector<1x16xi32>,
      %swap3A_1564 = vector.shape_cast %swap3A_1563 : vector<1x16xi32> to vector<16xi32>
      %swap3A_1565 = vector.shape_cast %get3A_1559 : vector<16xi32> to vector<1x16xi32>
      tpu.vector_store %arg9[%swap3A_1561, %swap3A_1562], %swap3A_1565 {strides = array<i32>} : memref<4x40xi32, #tpu.memory_space<vmem>>, vector<1x16xi32>,
      %get3A_1566 = arith.constant 2 : i32
      %get3A_1567 = arith.constant 2 : i32
      %get3A_1568 = arith.index_cast %get3A_1566 : i32 to index
      %get3A_1569 = arith.index_cast %get3A_1567 : i32 to index
      %get3A_1570 = arith.constant 24 : index
      %get3A_1571 = tpu.vector_load %arg7[%get3A_1568, %get3A_1569, %get3A_1570] {strides = array<i32>} : memref<4x3x40xi32, #tpu.memory_space<vmem>>, vector<1x1x16xi32>,
      %get3A_1572 = vector.shape_cast %get3A_1571 : vector<1x1x16xi32> to vector<16xi32>
      %bitcast_convert_type3A_1573 = tpu.bitcast %get3A_1572 : vector<16xi32> -> vector<16xf32>
      %mul3A_1574 = arith.constant 1.638400e+03 : f32
      %mul3A_1575 = vector.broadcast %mul3A_1574 : f32 to vector<16xf32>
      %mul3A_1576 = arith.mulf %bitcast_convert_type3A_1573, %mul3A_1575 : vector<16xf32>
      %add3A_1577 = arith.constant 5.000000e-01 : f32
      %add3A_1578 = vector.broadcast %add3A_1577 : f32 to vector<16xf32>
      %add3A_1579 = arith.addf %mul3A_1576, %add3A_1578 : vector<16xf32>
      %convert_element_type3A_1580 = arith.fptosi %add3A_1579 : vector<16xf32> to vector<16xi32>
      %min3A_1581 = arith.constant 8199 : i32
      %min3A_1582 = vector.broadcast %min3A_1581 : i32 to vector<16xi32>
      %min3A_1583 = arith.minsi %convert_element_type3A_1580, %min3A_1582 : vector<16xi32>
      %swap3A_1584 = arith.constant 2 : i32
      %swap3A_1585 = arith.index_cast %swap3A_1584 : i32 to index
      %swap3A_1586 = arith.constant 24 : index
      %swap3A_1587 = tpu.vector_load %arg8[%swap3A_1585, %swap3A_1586] {strides = array<i32>} : memref<4x40xi32, #tpu.memory_space<vmem>>, vector<1x16xi32>,
      %swap3A_1588 = vector.shape_cast %swap3A_1587 : vector<1x16xi32> to vector<16xi32>
      %swap3A_1589 = vector.shape_cast %min3A_1583 : vector<16xi32> to vector<1x16xi32>
      tpu.vector_store %arg8[%swap3A_1585, %swap3A_1586], %swap3A_1589 {strides = array<i32>} : memref<4x40xi32, #tpu.memory_space<vmem>>, vector<1x16xi32>,
      %get3A_1590 = arith.constant 2 : i32
      %get3A_1591 = arith.constant 1 : i32
      %get3A_1592 = arith.index_cast %get3A_1590 : i32 to index
      %get3A_1593 = arith.index_cast %get3A_1591 : i32 to index
      %get3A_1594 = arith.constant 24 : index
      %get3A_1595 = tpu.vector_load %arg7[%get3A_1592, %get3A_1593, %get3A_1594] {strides = array<i32>} : memref<4x3x40xi32, #tpu.memory_space<vmem>>, vector<1x1x16xi32>,
      %get3A_1596 = vector.shape_cast %get3A_1595 : vector<1x1x16xi32> to vector<16xi32>
      %swap3A_1597 = arith.constant 2 : i32
      %swap3A_1598 = arith.index_cast %swap3A_1597 : i32 to index
      %swap3A_1599 = arith.constant 24 : index
      %swap3A_1600 = tpu.vector_load %arg9[%swap3A_1598, %swap3A_1599] {strides = array<i32>} : memref<4x40xi32, #tpu.memory_space<vmem>>, vector<1x16xi32>,
      %swap3A_1601 = vector.shape_cast %swap3A_1600 : vector<1x16xi32> to vector<16xi32>
      %swap3A_1602 = vector.shape_cast %get3A_1596 : vector<16xi32> to vector<1x16xi32>
      tpu.vector_store %arg9[%swap3A_1598, %swap3A_1599], %swap3A_1602 {strides = array<i32>} : memref<4x40xi32, #tpu.memory_space<vmem>>, vector<1x16xi32>,
      %dma_start3A_1603 = arith.constant 2 : i32
      %dma_start3A_1604 = arith.constant 0 : i32
      %dma_start3A_1605 = arith.constant 2 : i32
      %dma_start3A_1606 = arith.constant 0 : i32
      %dma_start3A_1607 = arith.constant 0 : i32
      %dma_start3A_1608 = tpu.memref_slice %arg10[%dma_start3A_1605, %dma_start3A_1606, %dma_start3A_1607] : memref<4x40x128xf32, #tpu.memory_space<vmem>> -> memref<1x40x128xf32, #tpu.memory_space<vmem>>
      %dma_start3A_1609 = tpu.memref_squeeze %dma_start3A_1608 : memref<1x40x128xf32, #tpu.memory_space<vmem>> -> memref<40x128xf32, #tpu.memory_space<vmem>>
      %dma_start3A_1610 = arith.constant 0 : i32
      %dma_start3A_1611 = arith.constant 0 : i32
      %dma_start3A_1612 = tpu.memref_slice %arg7[%dma_start3A_1603, %dma_start3A_1610, %dma_start3A_1611] : memref<4x3x40xi32, #tpu.memory_space<vmem>> -> memref<1x3x40xi32, #tpu.memory_space<vmem>>
      %dma_start3A_1613 = tpu.memref_squeeze %dma_start3A_1612 : memref<1x3x40xi32, #tpu.memory_space<vmem>> -> memref<3x40xi32, #tpu.memory_space<vmem>>
      %dma_start3A_1614 = arith.constant 0 : i32
      %dma_start3A_1615 = tpu.memref_slice %dma_start3A_1613[%dma_start3A_1604, %dma_start3A_1614] : memref<3x40xi32, #tpu.memory_space<vmem>> -> memref<1x40xi32, #tpu.memory_space<vmem>>
      %dma_start3A_1616 = tpu.memref_squeeze %dma_start3A_1615 : memref<1x40xi32, #tpu.memory_space<vmem>> -> memref<40xi32, #tpu.memory_space<vmem>>
      %dma_start3A_1617 = arith.constant 0 : i32
      %dma_start3A_1618 = arith.constant 0 : i32
      %dma_start3A_1619 = tpu.memref_slice %arg4[%dma_start3A_1617, %dma_start3A_1618] : memref<10000x128xf32, #tpu.memory_space<hbm>> -> memref<10000x128xf32, #tpu.memory_space<hbm>>
      tpu.enqueue_indirect_dma source(%dma_start3A_1619 : memref<10000x128xf32, #tpu.memory_space<hbm>>) target(%dma_start3A_1609 : memref<40x128xf32, #tpu.memory_space<vmem>>) offsets(%dma_start3A_1616 : memref<40xi32, #tpu.memory_space<vmem>>) semaphore(%arg15 : memref<!tpu.dma_semaphore, #tpu.memory_space<semaphore_mem>>)
      %dma_start3A_1620 = arith.constant 2 : i32
      %dma_start3A_1621 = arith.constant 2 : i32
      %dma_start3A_1622 = arith.constant 0 : i32
      %dma_start3A_1623 = arith.constant 0 : i32
      %dma_start3A_1624 = tpu.memref_slice %arg11[%dma_start3A_1621, %dma_start3A_1622, %dma_start3A_1623] : memref<4x40x128xf32, #tpu.memory_space<vmem>> -> memref<1x40x128xf32, #tpu.memory_space<vmem>>
      %dma_start3A_1625 = tpu.memref_squeeze %dma_start3A_1624 : memref<1x40x128xf32, #tpu.memory_space<vmem>> -> memref<40x128xf32, #tpu.memory_space<vmem>>
      %dma_start3A_1626 = arith.constant 0 : i32
      %dma_start3A_1627 = tpu.memref_slice %arg8[%dma_start3A_1620, %dma_start3A_1626] : memref<4x40xi32, #tpu.memory_space<vmem>> -> memref<1x40xi32, #tpu.memory_space<vmem>>
      %dma_start3A_1628 = tpu.memref_squeeze %dma_start3A_1627 : memref<1x40xi32, #tpu.memory_space<vmem>> -> memref<40xi32, #tpu.memory_space<vmem>>
      %dma_start3A_1629 = arith.constant 0 : i32
      %dma_start3A_1630 = arith.constant 0 : i32
      %dma_start3A_1631 = tpu.memref_slice %arg3[%dma_start3A_1629, %dma_start3A_1630] : memref<8200x128xf32, #tpu.memory_space<hbm>> -> memref<8200x128xf32, #tpu.memory_space<hbm>>
      tpu.enqueue_indirect_dma source(%dma_start3A_1631 : memref<8200x128xf32, #tpu.memory_space<hbm>>) target(%dma_start3A_1625 : memref<40x128xf32, #tpu.memory_space<vmem>>) offsets(%dma_start3A_1628 : memref<40xi32, #tpu.memory_space<vmem>>) semaphore(%arg15 : memref<!tpu.dma_semaphore, #tpu.memory_space<semaphore_mem>>)
      %dma_wait3A_1632 = arith.constant 3 : i32
      %dma_wait3A_1633 = arith.constant 0 : i32
      %dma_wait3A_1634 = arith.constant 0 : i32
      %dma_wait3A_1635 = tpu.memref_slice %arg7[%dma_wait3A_1632, %dma_wait3A_1633, %dma_wait3A_1634] : memref<4x3x40xi32, #tpu.memory_space<vmem>> -> memref<1x3x40xi32, #tpu.memory_space<vmem>>
      %dma_wait3A_1636 = tpu.memref_squeeze %dma_wait3A_1635 : memref<1x3x40xi32, #tpu.memory_space<vmem>> -> memref<3x40xi32, #tpu.memory_space<vmem>>
      %dma_wait3A_1637 = arith.constant 0 : i32
      %dma_wait3A_1638 = arith.constant 0 : i32
      %dma_wait3A_1639 = tpu.memref_slice %arg2[%mul3A_8, %dma_wait3A_1637, %dma_wait3A_1638] : memref<8004x3x40xi32, #tpu.memory_space<hbm>> -> memref<1x3x40xi32, #tpu.memory_space<hbm>>
      %dma_wait3A_1640 = tpu.memref_squeeze %dma_wait3A_1639 : memref<1x3x40xi32, #tpu.memory_space<hbm>> -> memref<3x40xi32, #tpu.memory_space<hbm>>
      %dma_wait3A_1641 = arith.constant 0 : i32
      %dma_wait3A_1642 = arith.constant 0 : i32
      %dma_wait3A_1643 = tpu.memref_slice %arg7[%dma_wait3A_1632, %dma_wait3A_1641, %dma_wait3A_1642] : memref<4x3x40xi32, #tpu.memory_space<vmem>> -> memref<1x3x40xi32, #tpu.memory_space<vmem>>
      %dma_wait3A_1644 = tpu.memref_squeeze %dma_wait3A_1643 : memref<1x3x40xi32, #tpu.memory_space<vmem>> -> memref<3x40xi32, #tpu.memory_space<vmem>>
      %dma_wait3A_1645 = arith.constant 0 : i32
      %dma_wait3A_1646 = arith.constant 0 : i32
      %dma_wait3A_1647 = tpu.memref_slice %arg2[%mul3A_8, %dma_wait3A_1645, %dma_wait3A_1646] : memref<8004x3x40xi32, #tpu.memory_space<hbm>> -> memref<1x3x40xi32, #tpu.memory_space<hbm>>
      %dma_wait3A_1648 = tpu.memref_squeeze %dma_wait3A_1647 : memref<1x3x40xi32, #tpu.memory_space<hbm>> -> memref<3x40xi32, #tpu.memory_space<hbm>>
      tpu.wait_dma2 semaphore(%arg24 : memref<!tpu.dma_semaphore, #tpu.memory_space<semaphore_mem>>) src(%dma_wait3A_1648 : memref<3x40xi32, #tpu.memory_space<hbm>>) dst(%dma_wait3A_1644 : memref<3x40xi32, #tpu.memory_space<vmem>>)
      %dma_wait3A_1649 = arith.constant 3 : i32
      %dma_wait3A_1650 = arith.constant 0 : i32
      %dma_wait3A_1651 = arith.constant 0 : i32
      %dma_wait3A_1652 = tpu.memref_slice %arg10[%dma_wait3A_1649, %dma_wait3A_1650, %dma_wait3A_1651] : memref<4x40x128xf32, #tpu.memory_space<vmem>> -> memref<1x40x128xf32, #tpu.memory_space<vmem>>
      %dma_wait3A_1653 = tpu.memref_squeeze %dma_wait3A_1652 : memref<1x40x128xf32, #tpu.memory_space<vmem>> -> memref<40x128xf32, #tpu.memory_space<vmem>>
      %dma_wait3A_1654 = arith.constant 0 : i32
      %dma_wait3A_1655 = arith.constant 0 : i32
      %dma_wait3A_1656 = tpu.memref_slice %arg12[%dma_wait3A_1654, %dma_wait3A_1655] : memref<10000x128xf32, #tpu.memory_space<vmem_shared>> -> memref<40x128xf32, #tpu.memory_space<vmem_shared>>
      %dma_wait3A_1657 = arith.constant 0 : i32
      %dma_wait3A_1658 = arith.constant 0 : i32
      %dma_wait3A_1659 = tpu.memref_slice %arg12[%dma_wait3A_1657, %dma_wait3A_1658] : memref<10000x128xf32, #tpu.memory_space<vmem_shared>> -> memref<40x128xf32, #tpu.memory_space<vmem_shared>>
      %dma_wait3A_1660 = arith.constant 0 : i32
      %dma_wait3A_1661 = arith.constant 0 : i32
      %dma_wait3A_1662 = tpu.memref_slice %arg10[%dma_wait3A_1649, %dma_wait3A_1660, %dma_wait3A_1661] : memref<4x40x128xf32, #tpu.memory_space<vmem>> -> memref<1x40x128xf32, #tpu.memory_space<vmem>>
      %dma_wait3A_1663 = tpu.memref_squeeze %dma_wait3A_1662 : memref<1x40x128xf32, #tpu.memory_space<vmem>> -> memref<40x128xf32, #tpu.memory_space<vmem>>
      tpu.wait_dma2 semaphore(%arg20 : memref<!tpu.dma_semaphore, #tpu.memory_space<semaphore_mem>>) src(%dma_wait3A_1663 : memref<40x128xf32, #tpu.memory_space<vmem>>) dst(%dma_wait3A_1659 : memref<40x128xf32, #tpu.memory_space<vmem_shared>>)
      %get3A_1664 = arith.constant 3 : i32
      %get3A_1665 = arith.constant 2 : i32
      %get3A_1666 = arith.index_cast %get3A_1664 : i32 to index
      %get3A_1667 = arith.index_cast %get3A_1665 : i32 to index
      %get3A_1668 = arith.constant 0 : index
      %get3A_1669 = tpu.vector_load %arg7[%get3A_1666, %get3A_1667, %get3A_1668] {strides = array<i32>} : memref<4x3x40xi32, #tpu.memory_space<vmem>>, vector<1x1x16xi32>,
      %get3A_1670 = vector.shape_cast %get3A_1669 : vector<1x1x16xi32> to vector<16xi32>
      %bitcast_convert_type3A_1671 = tpu.bitcast %get3A_1670 : vector<16xi32> -> vector<16xf32>
      %mul3A_1672 = arith.constant 1.638400e+03 : f32
      %mul3A_1673 = vector.broadcast %mul3A_1672 : f32 to vector<16xf32>
      %mul3A_1674 = arith.mulf %bitcast_convert_type3A_1671, %mul3A_1673 : vector<16xf32>
      %add3A_1675 = arith.constant 5.000000e-01 : f32
      %add3A_1676 = vector.broadcast %add3A_1675 : f32 to vector<16xf32>
      %add3A_1677 = arith.addf %mul3A_1674, %add3A_1676 : vector<16xf32>
      %convert_element_type3A_1678 = arith.fptosi %add3A_1677 : vector<16xf32> to vector<16xi32>
      %min3A_1679 = arith.constant 8199 : i32
      %min3A_1680 = vector.broadcast %min3A_1679 : i32 to vector<16xi32>
      %min3A_1681 = arith.minsi %convert_element_type3A_1678, %min3A_1680 : vector<16xi32>
      %swap3A_1682 = arith.constant 3 : i32
      %swap3A_1683 = arith.index_cast %swap3A_1682 : i32 to index
      %swap3A_1684 = arith.constant 0 : index
      %swap3A_1685 = tpu.vector_load %arg8[%swap3A_1683, %swap3A_1684] {strides = array<i32>} : memref<4x40xi32, #tpu.memory_space<vmem>>, vector<1x16xi32>,
      %swap3A_1686 = vector.shape_cast %swap3A_1685 : vector<1x16xi32> to vector<16xi32>
      %swap3A_1687 = vector.shape_cast %min3A_1681 : vector<16xi32> to vector<1x16xi32>
      tpu.vector_store %arg8[%swap3A_1683, %swap3A_1684], %swap3A_1687 {strides = array<i32>} : memref<4x40xi32, #tpu.memory_space<vmem>>, vector<1x16xi32>,
      %get3A_1688 = arith.constant 3 : i32
      %get3A_1689 = arith.constant 1 : i32
      %get3A_1690 = arith.index_cast %get3A_1688 : i32 to index
      %get3A_1691 = arith.index_cast %get3A_1689 : i32 to index
      %get3A_1692 = arith.constant 0 : index
      %get3A_1693 = tpu.vector_load %arg7[%get3A_1690, %get3A_1691, %get3A_1692] {strides = array<i32>} : memref<4x3x40xi32, #tpu.memory_space<vmem>>, vector<1x1x16xi32>,
      %get3A_1694 = vector.shape_cast %get3A_1693 : vector<1x1x16xi32> to vector<16xi32>
      %swap3A_1695 = arith.constant 3 : i32
      %swap3A_1696 = arith.index_cast %swap3A_1695 : i32 to index
      %swap3A_1697 = arith.constant 0 : index
      %swap3A_1698 = tpu.vector_load %arg9[%swap3A_1696, %swap3A_1697] {strides = array<i32>} : memref<4x40xi32, #tpu.memory_space<vmem>>, vector<1x16xi32>,
      %swap3A_1699 = vector.shape_cast %swap3A_1698 : vector<1x16xi32> to vector<16xi32>
      %swap3A_1700 = vector.shape_cast %get3A_1694 : vector<16xi32> to vector<1x16xi32>
      tpu.vector_store %arg9[%swap3A_1696, %swap3A_1697], %swap3A_1700 {strides = array<i32>} : memref<4x40xi32, #tpu.memory_space<vmem>>, vector<1x16xi32>,
      %get3A_1701 = arith.constant 3 : i32
      %get3A_1702 = arith.constant 2 : i32
      %get3A_1703 = arith.index_cast %get3A_1701 : i32 to index
      %get3A_1704 = arith.index_cast %get3A_1702 : i32 to index
      %get3A_1705 = arith.constant 16 : index
      %get3A_1706 = tpu.vector_load %arg7[%get3A_1703, %get3A_1704, %get3A_1705] {strides = array<i32>} : memref<4x3x40xi32, #tpu.memory_space<vmem>>, vector<1x1x16xi32>,
      %get3A_1707 = vector.shape_cast %get3A_1706 : vector<1x1x16xi32> to vector<16xi32>
      %bitcast_convert_type3A_1708 = tpu.bitcast %get3A_1707 : vector<16xi32> -> vector<16xf32>
      %mul3A_1709 = arith.constant 1.638400e+03 : f32
      %mul3A_1710 = vector.broadcast %mul3A_1709 : f32 to vector<16xf32>
      %mul3A_1711 = arith.mulf %bitcast_convert_type3A_1708, %mul3A_1710 : vector<16xf32>
      %add3A_1712 = arith.constant 5.000000e-01 : f32
      %add3A_1713 = vector.broadcast %add3A_1712 : f32 to vector<16xf32>
      %add3A_1714 = arith.addf %mul3A_1711, %add3A_1713 : vector<16xf32>
      %convert_element_type3A_1715 = arith.fptosi %add3A_1714 : vector<16xf32> to vector<16xi32>
      %min3A_1716 = arith.constant 8199 : i32
      %min3A_1717 = vector.broadcast %min3A_1716 : i32 to vector<16xi32>
      %min3A_1718 = arith.minsi %convert_element_type3A_1715, %min3A_1717 : vector<16xi32>
      %swap3A_1719 = arith.constant 3 : i32
      %swap3A_1720 = arith.index_cast %swap3A_1719 : i32 to index
      %swap3A_1721 = arith.constant 16 : index
      %swap3A_1722 = tpu.vector_load %arg8[%swap3A_1720, %swap3A_1721] {strides = array<i32>} : memref<4x40xi32, #tpu.memory_space<vmem>>, vector<1x16xi32>,
      %swap3A_1723 = vector.shape_cast %swap3A_1722 : vector<1x16xi32> to vector<16xi32>
      %swap3A_1724 = vector.shape_cast %min3A_1718 : vector<16xi32> to vector<1x16xi32>
      tpu.vector_store %arg8[%swap3A_1720, %swap3A_1721], %swap3A_1724 {strides = array<i32>} : memref<4x40xi32, #tpu.memory_space<vmem>>, vector<1x16xi32>,
      %get3A_1725 = arith.constant 3 : i32
      %get3A_1726 = arith.constant 1 : i32
      %get3A_1727 = arith.index_cast %get3A_1725 : i32 to index
      %get3A_1728 = arith.index_cast %get3A_1726 : i32 to index
      %get3A_1729 = arith.constant 16 : index
      %get3A_1730 = tpu.vector_load %arg7[%get3A_1727, %get3A_1728, %get3A_1729] {strides = array<i32>} : memref<4x3x40xi32, #tpu.memory_space<vmem>>, vector<1x1x16xi32>,
      %get3A_1731 = vector.shape_cast %get3A_1730 : vector<1x1x16xi32> to vector<16xi32>
      %swap3A_1732 = arith.constant 3 : i32
      %swap3A_1733 = arith.index_cast %swap3A_1732 : i32 to index
      %swap3A_1734 = arith.constant 16 : index
      %swap3A_1735 = tpu.vector_load %arg9[%swap3A_1733, %swap3A_1734] {strides = array<i32>} : memref<4x40xi32, #tpu.memory_space<vmem>>, vector<1x16xi32>,
      %swap3A_1736 = vector.shape_cast %swap3A_1735 : vector<1x16xi32> to vector<16xi32>
      %swap3A_1737 = vector.shape_cast %get3A_1731 : vector<16xi32> to vector<1x16xi32>
      tpu.vector_store %arg9[%swap3A_1733, %swap3A_1734], %swap3A_1737 {strides = array<i32>} : memref<4x40xi32, #tpu.memory_space<vmem>>, vector<1x16xi32>,
      %get3A_1738 = arith.constant 3 : i32
      %get3A_1739 = arith.constant 2 : i32
      %get3A_1740 = arith.index_cast %get3A_1738 : i32 to index
      %get3A_1741 = arith.index_cast %get3A_1739 : i32 to index
      %get3A_1742 = arith.constant 24 : index
      %get3A_1743 = tpu.vector_load %arg7[%get3A_1740, %get3A_1741, %get3A_1742] {strides = array<i32>} : memref<4x3x40xi32, #tpu.memory_space<vmem>>, vector<1x1x16xi32>,
      %get3A_1744 = vector.shape_cast %get3A_1743 : vector<1x1x16xi32> to vector<16xi32>
      %bitcast_convert_type3A_1745 = tpu.bitcast %get3A_1744 : vector<16xi32> -> vector<16xf32>
      %mul3A_1746 = arith.constant 1.638400e+03 : f32
      %mul3A_1747 = vector.broadcast %mul3A_1746 : f32 to vector<16xf32>
      %mul3A_1748 = arith.mulf %bitcast_convert_type3A_1745, %mul3A_1747 : vector<16xf32>
      %add3A_1749 = arith.constant 5.000000e-01 : f32
      %add3A_1750 = vector.broadcast %add3A_1749 : f32 to vector<16xf32>
      %add3A_1751 = arith.addf %mul3A_1748, %add3A_1750 : vector<16xf32>
      %convert_element_type3A_1752 = arith.fptosi %add3A_1751 : vector<16xf32> to vector<16xi32>
      %min3A_1753 = arith.constant 8199 : i32
      %min3A_1754 = vector.broadcast %min3A_1753 : i32 to vector<16xi32>
      %min3A_1755 = arith.minsi %convert_element_type3A_1752, %min3A_1754 : vector<16xi32>
      %swap3A_1756 = arith.constant 3 : i32
      %swap3A_1757 = arith.index_cast %swap3A_1756 : i32 to index
      %swap3A_1758 = arith.constant 24 : index
      %swap3A_1759 = tpu.vector_load %arg8[%swap3A_1757, %swap3A_1758] {strides = array<i32>} : memref<4x40xi32, #tpu.memory_space<vmem>>, vector<1x16xi32>,
      %swap3A_1760 = vector.shape_cast %swap3A_1759 : vector<1x16xi32> to vector<16xi32>
      %swap3A_1761 = vector.shape_cast %min3A_1755 : vector<16xi32> to vector<1x16xi32>
      tpu.vector_store %arg8[%swap3A_1757, %swap3A_1758], %swap3A_1761 {strides = array<i32>} : memref<4x40xi32, #tpu.memory_space<vmem>>, vector<1x16xi32>,
      %get3A_1762 = arith.constant 3 : i32
      %get3A_1763 = arith.constant 1 : i32
      %get3A_1764 = arith.index_cast %get3A_1762 : i32 to index
      %get3A_1765 = arith.index_cast %get3A_1763 : i32 to index
      %get3A_1766 = arith.constant 24 : index
      %get3A_1767 = tpu.vector_load %arg7[%get3A_1764, %get3A_1765, %get3A_1766] {strides = array<i32>} : memref<4x3x40xi32, #tpu.memory_space<vmem>>, vector<1x1x16xi32>,
      %get3A_1768 = vector.shape_cast %get3A_1767 : vector<1x1x16xi32> to vector<16xi32>
      %swap3A_1769 = arith.constant 3 : i32
      %swap3A_1770 = arith.index_cast %swap3A_1769 : i32 to index
      %swap3A_1771 = arith.constant 24 : index
      %swap3A_1772 = tpu.vector_load %arg9[%swap3A_1770, %swap3A_1771] {strides = array<i32>} : memref<4x40xi32, #tpu.memory_space<vmem>>, vector<1x16xi32>,
      %swap3A_1773 = vector.shape_cast %swap3A_1772 : vector<1x16xi32> to vector<16xi32>
      %swap3A_1774 = vector.shape_cast %get3A_1768 : vector<16xi32> to vector<1x16xi32>
      tpu.vector_store %arg9[%swap3A_1770, %swap3A_1771], %swap3A_1774 {strides = array<i32>} : memref<4x40xi32, #tpu.memory_space<vmem>>, vector<1x16xi32>,
      %dma_start3A_1775 = arith.constant 3 : i32
      %dma_start3A_1776 = arith.constant 0 : i32
      %dma_start3A_1777 = arith.constant 3 : i32
      %dma_start3A_1778 = arith.constant 0 : i32
      %dma_start3A_1779 = arith.constant 0 : i32
      %dma_start3A_1780 = tpu.memref_slice %arg10[%dma_start3A_1777, %dma_start3A_1778, %dma_start3A_1779] : memref<4x40x128xf32, #tpu.memory_space<vmem>> -> memref<1x40x128xf32, #tpu.memory_space<vmem>>
      %dma_start3A_1781 = tpu.memref_squeeze %dma_start3A_1780 : memref<1x40x128xf32, #tpu.memory_space<vmem>> -> memref<40x128xf32, #tpu.memory_space<vmem>>
      %dma_start3A_1782 = arith.constant 0 : i32
      %dma_start3A_1783 = arith.constant 0 : i32
      %dma_start3A_1784 = tpu.memref_slice %arg7[%dma_start3A_1775, %dma_start3A_1782, %dma_start3A_1783] : memref<4x3x40xi32, #tpu.memory_space<vmem>> -> memref<1x3x40xi32, #tpu.memory_space<vmem>>
      %dma_start3A_1785 = tpu.memref_squeeze %dma_start3A_1784 : memref<1x3x40xi32, #tpu.memory_space<vmem>> -> memref<3x40xi32, #tpu.memory_space<vmem>>
      %dma_start3A_1786 = arith.constant 0 : i32
      %dma_start3A_1787 = tpu.memref_slice %dma_start3A_1785[%dma_start3A_1776, %dma_start3A_1786] : memref<3x40xi32, #tpu.memory_space<vmem>> -> memref<1x40xi32, #tpu.memory_space<vmem>>
      %dma_start3A_1788 = tpu.memref_squeeze %dma_start3A_1787 : memref<1x40xi32, #tpu.memory_space<vmem>> -> memref<40xi32, #tpu.memory_space<vmem>>
      %dma_start3A_1789 = arith.constant 0 : i32
      %dma_start3A_1790 = arith.constant 0 : i32
      %dma_start3A_1791 = tpu.memref_slice %arg4[%dma_start3A_1789, %dma_start3A_1790] : memref<10000x128xf32, #tpu.memory_space<hbm>> -> memref<10000x128xf32, #tpu.memory_space<hbm>>
      tpu.enqueue_indirect_dma source(%dma_start3A_1791 : memref<10000x128xf32, #tpu.memory_space<hbm>>) target(%dma_start3A_1781 : memref<40x128xf32, #tpu.memory_space<vmem>>) offsets(%dma_start3A_1788 : memref<40xi32, #tpu.memory_space<vmem>>) semaphore(%arg16 : memref<!tpu.dma_semaphore, #tpu.memory_space<semaphore_mem>>)
      %dma_start3A_1792 = arith.constant 3 : i32
      %dma_start3A_1793 = arith.constant 3 : i32
      %dma_start3A_1794 = arith.constant 0 : i32
      %dma_start3A_1795 = arith.constant 0 : i32
      %dma_start3A_1796 = tpu.memref_slice %arg11[%dma_start3A_1793, %dma_start3A_1794, %dma_start3A_1795] : memref<4x40x128xf32, #tpu.memory_space<vmem>> -> memref<1x40x128xf32, #tpu.memory_space<vmem>>
      %dma_start3A_1797 = tpu.memref_squeeze %dma_start3A_1796 : memref<1x40x128xf32, #tpu.memory_space<vmem>> -> memref<40x128xf32, #tpu.memory_space<vmem>>
      %dma_start3A_1798 = arith.constant 0 : i32
      %dma_start3A_1799 = tpu.memref_slice %arg8[%dma_start3A_1792, %dma_start3A_1798] : memref<4x40xi32, #tpu.memory_space<vmem>> -> memref<1x40xi32, #tpu.memory_space<vmem>>
      %dma_start3A_1800 = tpu.memref_squeeze %dma_start3A_1799 : memref<1x40xi32, #tpu.memory_space<vmem>> -> memref<40xi32, #tpu.memory_space<vmem>>
      %dma_start3A_1801 = arith.constant 0 : i32
      %dma_start3A_1802 = arith.constant 0 : i32
      %dma_start3A_1803 = tpu.memref_slice %arg3[%dma_start3A_1801, %dma_start3A_1802] : memref<8200x128xf32, #tpu.memory_space<hbm>> -> memref<8200x128xf32, #tpu.memory_space<hbm>>
      tpu.enqueue_indirect_dma source(%dma_start3A_1803 : memref<8200x128xf32, #tpu.memory_space<hbm>>) target(%dma_start3A_1797 : memref<40x128xf32, #tpu.memory_space<vmem>>) offsets(%dma_start3A_1800 : memref<40xi32, #tpu.memory_space<vmem>>) semaphore(%arg16 : memref<!tpu.dma_semaphore, #tpu.memory_space<semaphore_mem>>)
      %add3A_1804 = arith.constant 6 : i32
      %add3A_1805 = arith.addi %add3A_981, %add3A_1804 : i32
      %dma_wait3A_1806 = arith.constant 0 : i32
      %dma_wait3A_1807 = arith.constant 0 : i32
      %dma_wait3A_1808 = arith.constant 0 : i32
      %dma_wait3A_1809 = tpu.memref_slice %arg10[%dma_wait3A_1806, %dma_wait3A_1807, %dma_wait3A_1808] : memref<4x40x128xf32, #tpu.memory_space<vmem>> -> memref<1x40x128xf32, #tpu.memory_space<vmem>>
      %dma_wait3A_1810 = tpu.memref_squeeze %dma_wait3A_1809 : memref<1x40x128xf32, #tpu.memory_space<vmem>> -> memref<40x128xf32, #tpu.memory_space<vmem>>
      %dma_wait3A_1811 = arith.constant 0 : i32
      %dma_wait3A_1812 = arith.constant 0 : i32
      %dma_wait3A_1813 = tpu.memref_slice %arg5[%dma_wait3A_1811, %dma_wait3A_1812] : memref<10000x128xf32, #tpu.memory_space<hbm>> -> memref<40x128xf32, #tpu.memory_space<hbm>>
      %dma_wait3A_1814 = arith.constant 0 : i32
      %dma_wait3A_1815 = arith.constant 0 : i32
      %dma_wait3A_1816 = tpu.memref_slice %arg10[%dma_wait3A_1806, %dma_wait3A_1814, %dma_wait3A_1815] : memref<4x40x128xf32, #tpu.memory_space<vmem>> -> memref<1x40x128xf32, #tpu.memory_space<vmem>>
      %dma_wait3A_1817 = tpu.memref_squeeze %dma_wait3A_1816 : memref<1x40x128xf32, #tpu.memory_space<vmem>> -> memref<40x128xf32, #tpu.memory_space<vmem>>
      %dma_wait3A_1818 = arith.constant 0 : i32
      %dma_wait3A_1819 = arith.constant 0 : i32
      %dma_wait3A_1820 = tpu.memref_slice %arg5[%dma_wait3A_1818, %dma_wait3A_1819] : memref<10000x128xf32, #tpu.memory_space<hbm>> -> memref<40x128xf32, #tpu.memory_space<hbm>>
      tpu.wait_dma2 semaphore(%arg13 : memref<!tpu.dma_semaphore, #tpu.memory_space<semaphore_mem>>) src(%dma_wait3A_1820 : memref<40x128xf32, #tpu.memory_space<hbm>>) dst(%dma_wait3A_1817 : memref<40x128xf32, #tpu.memory_space<vmem>>)
      %dma_wait3A_1821 = arith.constant 0 : i32
      %dma_wait3A_1822 = arith.constant 0 : i32
      %dma_wait3A_1823 = arith.constant 0 : i32
      %dma_wait3A_1824 = tpu.memref_slice %arg11[%dma_wait3A_1821, %dma_wait3A_1822, %dma_wait3A_1823] : memref<4x40x128xf32, #tpu.memory_space<vmem>> -> memref<1x40x128xf32, #tpu.memory_space<vmem>>
      %dma_wait3A_1825 = tpu.memref_squeeze %dma_wait3A_1824 : memref<1x40x128xf32, #tpu.memory_space<vmem>> -> memref<40x128xf32, #tpu.memory_space<vmem>>
      %dma_wait3A_1826 = arith.constant 0 : i32
      %dma_wait3A_1827 = arith.constant 0 : i32
      %dma_wait3A_1828 = tpu.memref_slice %arg5[%dma_wait3A_1826, %dma_wait3A_1827] : memref<10000x128xf32, #tpu.memory_space<hbm>> -> memref<40x128xf32, #tpu.memory_space<hbm>>
      %dma_wait3A_1829 = arith.constant 0 : i32
      %dma_wait3A_1830 = arith.constant 0 : i32
      %dma_wait3A_1831 = tpu.memref_slice %arg11[%dma_wait3A_1821, %dma_wait3A_1829, %dma_wait3A_1830] : memref<4x40x128xf32, #tpu.memory_space<vmem>> -> memref<1x40x128xf32, #tpu.memory_space<vmem>>
      %dma_wait3A_1832 = tpu.memref_squeeze %dma_wait3A_1831 : memref<1x40x128xf32, #tpu.memory_space<vmem>> -> memref<40x128xf32, #tpu.memory_space<vmem>>
      %dma_wait3A_1833 = arith.constant 0 : i32
      %dma_wait3A_1834 = arith.constant 0 : i32
      %dma_wait3A_1835 = tpu.memref_slice %arg5[%dma_wait3A_1833, %dma_wait3A_1834] : memref<10000x128xf32, #tpu.memory_space<hbm>> -> memref<40x128xf32, #tpu.memory_space<hbm>>
      tpu.wait_dma2 semaphore(%arg13 : memref<!tpu.dma_semaphore, #tpu.memory_space<semaphore_mem>>) src(%dma_wait3A_1835 : memref<40x128xf32, #tpu.memory_space<hbm>>) dst(%dma_wait3A_1832 : memref<40x128xf32, #tpu.memory_space<vmem>>)
      %add3A_1836 = arith.addi %mul3A_8, %add3A_1805 : i32
      %dma_start3A_1837 = arith.constant 0 : i32
      %dma_start3A_1838 = arith.constant 0 : i32
      %dma_start3A_1839 = arith.constant 0 : i32
      %dma_start3A_1840 = tpu.memref_slice %arg7[%dma_start3A_1837, %dma_start3A_1838, %dma_start3A_1839] : memref<4x3x40xi32, #tpu.memory_space<vmem>> -> memref<1x3x40xi32, #tpu.memory_space<vmem>>
      %dma_start3A_1841 = tpu.memref_squeeze %dma_start3A_1840 : memref<1x3x40xi32, #tpu.memory_space<vmem>> -> memref<3x40xi32, #tpu.memory_space<vmem>>
      %dma_start3A_1842 = arith.constant 0 : i32
      %dma_start3A_1843 = arith.constant 0 : i32
      %dma_start3A_1844 = tpu.memref_slice %arg2[%add3A_1836, %dma_start3A_1842, %dma_start3A_1843] : memref<8004x3x40xi32, #tpu.memory_space<hbm>> -> memref<1x3x40xi32, #tpu.memory_space<hbm>>
      %dma_start3A_1845 = tpu.memref_squeeze %dma_start3A_1844 : memref<1x3x40xi32, #tpu.memory_space<hbm>> -> memref<3x40xi32, #tpu.memory_space<hbm>>
      %dma_start3A_1846 = arith.constant 0 : i32
      %dma_start3A_1847 = arith.constant 0 : i32
      %dma_start3A_1848 = tpu.memref_slice %arg7[%dma_start3A_1837, %dma_start3A_1846, %dma_start3A_1847] : memref<4x3x40xi32, #tpu.memory_space<vmem>> -> memref<1x3x40xi32, #tpu.memory_space<vmem>>
      %dma_start3A_1849 = tpu.memref_squeeze %dma_start3A_1848 : memref<1x3x40xi32, #tpu.memory_space<vmem>> -> memref<3x40xi32, #tpu.memory_space<vmem>>
      %dma_start3A_1850 = arith.constant 0 : i32
      %dma_start3A_1851 = arith.constant 0 : i32
      %dma_start3A_1852 = tpu.memref_slice %arg2[%add3A_1836, %dma_start3A_1850, %dma_start3A_1851] : memref<8004x3x40xi32, #tpu.memory_space<hbm>> -> memref<1x3x40xi32, #tpu.memory_space<hbm>>
      %dma_start3A_1853 = tpu.memref_squeeze %dma_start3A_1852 : memref<1x3x40xi32, #tpu.memory_space<hbm>> -> memref<3x40xi32, #tpu.memory_space<hbm>>
      tpu.enqueue_dma source(%dma_start3A_1853 : memref<3x40xi32, #tpu.memory_space<hbm>>) target(%dma_start3A_1849 : memref<3x40xi32, #tpu.memory_space<vmem>>) target_semaphore(%arg21 : memref<!tpu.dma_semaphore, #tpu.memory_space<semaphore_mem>>)
      %scan3A_1854 = arith.constant 0 : i32
      %scan3A_1855 = arith.constant 40 : i32
      %scan3A_1856 = arith.addi %scan3A_1854, %scan3A_1855 : i32
      %scan3A_1857 = arith.constant 1 : i32
      scf.for %scan3A_1938 = %scan3A_1854 to %scan3A_1856 step %scan3A_1857  : i32 {
        %mul3A_1939 = arith.constant 1 : i32
        %mul3A_1940 = arith.muli %scan3A_1938, %mul3A_1939 : i32
        %add3A_1941 = arith.constant 0 : i32
        %add3A_1942 = arith.addi %add3A_1941, %mul3A_1940 : i32
        %get3A_1943 = arith.constant 0 : i32
        %get3A_1944 = arith.index_cast %get3A_1943 : i32 to index
        %get3A_1945 = arith.index_cast %add3A_1942 : i32 to index
        %get3A_1946 = arith.constant 0 : index
        %get3A_1947 = tpu.vector_load %arg10[%get3A_1944, %get3A_1945, %get3A_1946] {strides = array<i32>} : memref<4x40x128xf32, #tpu.memory_space<vmem>>, vector<1x1x16xf32>,
        %get3A_1948 = vector.shape_cast %get3A_1947 : vector<1x1x16xf32> to vector<16xf32>
        %get3A_1949 = arith.constant 0 : i32
        %get3A_1950 = arith.index_cast %get3A_1949 : i32 to index
        %get3A_1951 = arith.index_cast %add3A_1942 : i32 to index
        %get3A_1952 = arith.constant 0 : index
        %get3A_1953 = tpu.vector_load %arg11[%get3A_1950, %get3A_1951, %get3A_1952] {strides = array<i32>} : memref<4x40x128xf32, #tpu.memory_space<vmem>>, vector<1x1x16xf32>,
        %get3A_1954 = vector.shape_cast %get3A_1953 : vector<1x1x16xf32> to vector<16xf32>
        %mul3A_1955 = arith.mulf %get3A_1948, %get3A_1954 : vector<16xf32>
        %swap3A_1956 = arith.constant 0 : i32
        %swap3A_1957 = arith.index_cast %swap3A_1956 : i32 to index
        %swap3A_1958 = arith.index_cast %add3A_1942 : i32 to index
        %swap3A_1959 = arith.constant 0 : index
        %swap3A_1960 = tpu.vector_load %arg10[%swap3A_1957, %swap3A_1958, %swap3A_1959] {strides = array<i32>} : memref<4x40x128xf32, #tpu.memory_space<vmem>>, vector<1x1x16xf32>,
        %swap3A_1961 = vector.shape_cast %swap3A_1960 : vector<1x1x16xf32> to vector<16xf32>
        %swap3A_1962 = vector.shape_cast %mul3A_1955 : vector<16xf32> to vector<1x1x16xf32>
        tpu.vector_store %arg10[%swap3A_1957, %swap3A_1958, %swap3A_1959], %swap3A_1962 {strides = array<i32>} : memref<4x40x128xf32, #tpu.memory_space<vmem>>, vector<1x1x16xf32>,
        %get3A_1963 = arith.constant 0 : i32
        %get3A_1964 = arith.index_cast %get3A_1963 : i32 to index
        %get3A_1965 = arith.index_cast %add3A_1942 : i32 to index
        %get3A_1966 = arith.constant 16 : index
        %get3A_1967 = tpu.vector_load %arg10[%get3A_1964, %get3A_1965, %get3A_1966] {strides = array<i32>} : memref<4x40x128xf32, #tpu.memory_space<vmem>>, vector<1x1x16xf32>,
        %get3A_1968 = vector.shape_cast %get3A_1967 : vector<1x1x16xf32> to vector<16xf32>
        %get3A_1969 = arith.constant 0 : i32
        %get3A_1970 = arith.index_cast %get3A_1969 : i32 to index
        %get3A_1971 = arith.index_cast %add3A_1942 : i32 to index
        %get3A_1972 = arith.constant 16 : index
        %get3A_1973 = tpu.vector_load %arg11[%get3A_1970, %get3A_1971, %get3A_1972] {strides = array<i32>} : memref<4x40x128xf32, #tpu.memory_space<vmem>>, vector<1x1x16xf32>,
        %get3A_1974 = vector.shape_cast %get3A_1973 : vector<1x1x16xf32> to vector<16xf32>
        %mul3A_1975 = arith.mulf %get3A_1968, %get3A_1974 : vector<16xf32>
        %swap3A_1976 = arith.constant 0 : i32
        %swap3A_1977 = arith.index_cast %swap3A_1976 : i32 to index
        %swap3A_1978 = arith.index_cast %add3A_1942 : i32 to index
        %swap3A_1979 = arith.constant 16 : index
        %swap3A_1980 = tpu.vector_load %arg10[%swap3A_1977, %swap3A_1978, %swap3A_1979] {strides = array<i32>} : memref<4x40x128xf32, #tpu.memory_space<vmem>>, vector<1x1x16xf32>,
        %swap3A_1981 = vector.shape_cast %swap3A_1980 : vector<1x1x16xf32> to vector<16xf32>
        %swap3A_1982 = vector.shape_cast %mul3A_1975 : vector<16xf32> to vector<1x1x16xf32>
        tpu.vector_store %arg10[%swap3A_1977, %swap3A_1978, %swap3A_1979], %swap3A_1982 {strides = array<i32>} : memref<4x40x128xf32, #tpu.memory_space<vmem>>, vector<1x1x16xf32>,
        %get3A_1983 = arith.constant 0 : i32
        %get3A_1984 = arith.index_cast %get3A_1983 : i32 to index
        %get3A_1985 = arith.index_cast %add3A_1942 : i32 to index
        %get3A_1986 = arith.constant 32 : index
        %get3A_1987 = tpu.vector_load %arg10[%get3A_1984, %get3A_1985, %get3A_1986] {strides = array<i32>} : memref<4x40x128xf32, #tpu.memory_space<vmem>>, vector<1x1x16xf32>,
        %get3A_1988 = vector.shape_cast %get3A_1987 : vector<1x1x16xf32> to vector<16xf32>
        %get3A_1989 = arith.constant 0 : i32
        %get3A_1990 = arith.index_cast %get3A_1989 : i32 to index
        %get3A_1991 = arith.index_cast %add3A_1942 : i32 to index
        %get3A_1992 = arith.constant 32 : index
        %get3A_1993 = tpu.vector_load %arg11[%get3A_1990, %get3A_1991, %get3A_1992] {strides = array<i32>} : memref<4x40x128xf32, #tpu.memory_space<vmem>>, vector<1x1x16xf32>,
        %get3A_1994 = vector.shape_cast %get3A_1993 : vector<1x1x16xf32> to vector<16xf32>
        %mul3A_1995 = arith.mulf %get3A_1988, %get3A_1994 : vector<16xf32>
        %swap3A_1996 = arith.constant 0 : i32
        %swap3A_1997 = arith.index_cast %swap3A_1996 : i32 to index
        %swap3A_1998 = arith.index_cast %add3A_1942 : i32 to index
        %swap3A_1999 = arith.constant 32 : index
        %swap3A_2000 = tpu.vector_load %arg10[%swap3A_1997, %swap3A_1998, %swap3A_1999] {strides = array<i32>} : memref<4x40x128xf32, #tpu.memory_space<vmem>>, vector<1x1x16xf32>,
        %swap3A_2001 = vector.shape_cast %swap3A_2000 : vector<1x1x16xf32> to vector<16xf32>
        %swap3A_2002 = vector.shape_cast %mul3A_1995 : vector<16xf32> to vector<1x1x16xf32>
        tpu.vector_store %arg10[%swap3A_1997, %swap3A_1998, %swap3A_1999], %swap3A_2002 {strides = array<i32>} : memref<4x40x128xf32, #tpu.memory_space<vmem>>, vector<1x1x16xf32>,
        %get3A_2003 = arith.constant 0 : i32
        %get3A_2004 = arith.index_cast %get3A_2003 : i32 to index
        %get3A_2005 = arith.index_cast %add3A_1942 : i32 to index
        %get3A_2006 = arith.constant 48 : index
        %get3A_2007 = tpu.vector_load %arg10[%get3A_2004, %get3A_2005, %get3A_2006] {strides = array<i32>} : memref<4x40x128xf32, #tpu.memory_space<vmem>>, vector<1x1x16xf32>,
        %get3A_2008 = vector.shape_cast %get3A_2007 : vector<1x1x16xf32> to vector<16xf32>
        %get3A_2009 = arith.constant 0 : i32
        %get3A_2010 = arith.index_cast %get3A_2009 : i32 to index
        %get3A_2011 = arith.index_cast %add3A_1942 : i32 to index
        %get3A_2012 = arith.constant 48 : index
        %get3A_2013 = tpu.vector_load %arg11[%get3A_2010, %get3A_2011, %get3A_2012] {strides = array<i32>} : memref<4x40x128xf32, #tpu.memory_space<vmem>>, vector<1x1x16xf32>,
        %get3A_2014 = vector.shape_cast %get3A_2013 : vector<1x1x16xf32> to vector<16xf32>
        %mul3A_2015 = arith.mulf %get3A_2008, %get3A_2014 : vector<16xf32>
        %swap3A_2016 = arith.constant 0 : i32
        %swap3A_2017 = arith.index_cast %swap3A_2016 : i32 to index
        %swap3A_2018 = arith.index_cast %add3A_1942 : i32 to index
        %swap3A_2019 = arith.constant 48 : index
        %swap3A_2020 = tpu.vector_load %arg10[%swap3A_2017, %swap3A_2018, %swap3A_2019] {strides = array<i32>} : memref<4x40x128xf32, #tpu.memory_space<vmem>>, vector<1x1x16xf32>,
        %swap3A_2021 = vector.shape_cast %swap3A_2020 : vector<1x1x16xf32> to vector<16xf32>
        %swap3A_2022 = vector.shape_cast %mul3A_2015 : vector<16xf32> to vector<1x1x16xf32>
        tpu.vector_store %arg10[%swap3A_2017, %swap3A_2018, %swap3A_2019], %swap3A_2022 {strides = array<i32>} : memref<4x40x128xf32, #tpu.memory_space<vmem>>, vector<1x1x16xf32>,
        %get3A_2023 = arith.constant 0 : i32
        %get3A_2024 = arith.index_cast %get3A_2023 : i32 to index
        %get3A_2025 = arith.index_cast %add3A_1942 : i32 to index
        %get3A_2026 = arith.constant 64 : index
        %get3A_2027 = tpu.vector_load %arg10[%get3A_2024, %get3A_2025, %get3A_2026] {strides = array<i32>} : memref<4x40x128xf32, #tpu.memory_space<vmem>>, vector<1x1x16xf32>,
        %get3A_2028 = vector.shape_cast %get3A_2027 : vector<1x1x16xf32> to vector<16xf32>
        %get3A_2029 = arith.constant 0 : i32
        %get3A_2030 = arith.index_cast %get3A_2029 : i32 to index
        %get3A_2031 = arith.index_cast %add3A_1942 : i32 to index
        %get3A_2032 = arith.constant 64 : index
        %get3A_2033 = tpu.vector_load %arg11[%get3A_2030, %get3A_2031, %get3A_2032] {strides = array<i32>} : memref<4x40x128xf32, #tpu.memory_space<vmem>>, vector<1x1x16xf32>,
        %get3A_2034 = vector.shape_cast %get3A_2033 : vector<1x1x16xf32> to vector<16xf32>
        %mul3A_2035 = arith.mulf %get3A_2028, %get3A_2034 : vector<16xf32>
        %swap3A_2036 = arith.constant 0 : i32
        %swap3A_2037 = arith.index_cast %swap3A_2036 : i32 to index
        %swap3A_2038 = arith.index_cast %add3A_1942 : i32 to index
        %swap3A_2039 = arith.constant 64 : index
        %swap3A_2040 = tpu.vector_load %arg10[%swap3A_2037, %swap3A_2038, %swap3A_2039] {strides = array<i32>} : memref<4x40x128xf32, #tpu.memory_space<vmem>>, vector<1x1x16xf32>,
        %swap3A_2041 = vector.shape_cast %swap3A_2040 : vector<1x1x16xf32> to vector<16xf32>
        %swap3A_2042 = vector.shape_cast %mul3A_2035 : vector<16xf32> to vector<1x1x16xf32>
        tpu.vector_store %arg10[%swap3A_2037, %swap3A_2038, %swap3A_2039], %swap3A_2042 {strides = array<i32>} : memref<4x40x128xf32, #tpu.memory_space<vmem>>, vector<1x1x16xf32>,
        %get3A_2043 = arith.constant 0 : i32
        %get3A_2044 = arith.index_cast %get3A_2043 : i32 to index
        %get3A_2045 = arith.index_cast %add3A_1942 : i32 to index
        %get3A_2046 = arith.constant 80 : index
        %get3A_2047 = tpu.vector_load %arg10[%get3A_2044, %get3A_2045, %get3A_2046] {strides = array<i32>} : memref<4x40x128xf32, #tpu.memory_space<vmem>>, vector<1x1x16xf32>,
        %get3A_2048 = vector.shape_cast %get3A_2047 : vector<1x1x16xf32> to vector<16xf32>
        %get3A_2049 = arith.constant 0 : i32
        %get3A_2050 = arith.index_cast %get3A_2049 : i32 to index
        %get3A_2051 = arith.index_cast %add3A_1942 : i32 to index
        %get3A_2052 = arith.constant 80 : index
        %get3A_2053 = tpu.vector_load %arg11[%get3A_2050, %get3A_2051, %get3A_2052] {strides = array<i32>} : memref<4x40x128xf32, #tpu.memory_space<vmem>>, vector<1x1x16xf32>,
        %get3A_2054 = vector.shape_cast %get3A_2053 : vector<1x1x16xf32> to vector<16xf32>
        %mul3A_2055 = arith.mulf %get3A_2048, %get3A_2054 : vector<16xf32>
        %swap3A_2056 = arith.constant 0 : i32
        %swap3A_2057 = arith.index_cast %swap3A_2056 : i32 to index
        %swap3A_2058 = arith.index_cast %add3A_1942 : i32 to index
        %swap3A_2059 = arith.constant 80 : index
        %swap3A_2060 = tpu.vector_load %arg10[%swap3A_2057, %swap3A_2058, %swap3A_2059] {strides = array<i32>} : memref<4x40x128xf32, #tpu.memory_space<vmem>>, vector<1x1x16xf32>,
        %swap3A_2061 = vector.shape_cast %swap3A_2060 : vector<1x1x16xf32> to vector<16xf32>
        %swap3A_2062 = vector.shape_cast %mul3A_2055 : vector<16xf32> to vector<1x1x16xf32>
        tpu.vector_store %arg10[%swap3A_2057, %swap3A_2058, %swap3A_2059], %swap3A_2062 {strides = array<i32>} : memref<4x40x128xf32, #tpu.memory_space<vmem>>, vector<1x1x16xf32>,
        %get3A_2063 = arith.constant 0 : i32
        %get3A_2064 = arith.index_cast %get3A_2063 : i32 to index
        %get3A_2065 = arith.index_cast %add3A_1942 : i32 to index
        %get3A_2066 = arith.constant 96 : index
        %get3A_2067 = tpu.vector_load %arg10[%get3A_2064, %get3A_2065, %get3A_2066] {strides = array<i32>} : memref<4x40x128xf32, #tpu.memory_space<vmem>>, vector<1x1x16xf32>,
        %get3A_2068 = vector.shape_cast %get3A_2067 : vector<1x1x16xf32> to vector<16xf32>
        %get3A_2069 = arith.constant 0 : i32
        %get3A_2070 = arith.index_cast %get3A_2069 : i32 to index
        %get3A_2071 = arith.index_cast %add3A_1942 : i32 to index
        %get3A_2072 = arith.constant 96 : index
        %get3A_2073 = tpu.vector_load %arg11[%get3A_2070, %get3A_2071, %get3A_2072] {strides = array<i32>} : memref<4x40x128xf32, #tpu.memory_space<vmem>>, vector<1x1x16xf32>,
        %get3A_2074 = vector.shape_cast %get3A_2073 : vector<1x1x16xf32> to vector<16xf32>
        %mul3A_2075 = arith.mulf %get3A_2068, %get3A_2074 : vector<16xf32>
        %swap3A_2076 = arith.constant 0 : i32
        %swap3A_2077 = arith.index_cast %swap3A_2076 : i32 to index
        %swap3A_2078 = arith.index_cast %add3A_1942 : i32 to index
        %swap3A_2079 = arith.constant 96 : index
        %swap3A_2080 = tpu.vector_load %arg10[%swap3A_2077, %swap3A_2078, %swap3A_2079] {strides = array<i32>} : memref<4x40x128xf32, #tpu.memory_space<vmem>>, vector<1x1x16xf32>,
        %swap3A_2081 = vector.shape_cast %swap3A_2080 : vector<1x1x16xf32> to vector<16xf32>
        %swap3A_2082 = vector.shape_cast %mul3A_2075 : vector<16xf32> to vector<1x1x16xf32>
        tpu.vector_store %arg10[%swap3A_2077, %swap3A_2078, %swap3A_2079], %swap3A_2082 {strides = array<i32>} : memref<4x40x128xf32, #tpu.memory_space<vmem>>, vector<1x1x16xf32>,
        %get3A_2083 = arith.constant 0 : i32
        %get3A_2084 = arith.index_cast %get3A_2083 : i32 to index
        %get3A_2085 = arith.index_cast %add3A_1942 : i32 to index
        %get3A_2086 = arith.constant 112 : index
        %get3A_2087 = tpu.vector_load %arg10[%get3A_2084, %get3A_2085, %get3A_2086] {strides = array<i32>} : memref<4x40x128xf32, #tpu.memory_space<vmem>>, vector<1x1x16xf32>,
        %get3A_2088 = vector.shape_cast %get3A_2087 : vector<1x1x16xf32> to vector<16xf32>
        %get3A_2089 = arith.constant 0 : i32
        %get3A_2090 = arith.index_cast %get3A_2089 : i32 to index
        %get3A_2091 = arith.index_cast %add3A_1942 : i32 to index
        %get3A_2092 = arith.constant 112 : index
        %get3A_2093 = tpu.vector_load %arg11[%get3A_2090, %get3A_2091, %get3A_2092] {strides = array<i32>} : memref<4x40x128xf32, #tpu.memory_space<vmem>>, vector<1x1x16xf32>,
        %get3A_2094 = vector.shape_cast %get3A_2093 : vector<1x1x16xf32> to vector<16xf32>
        %mul3A_2095 = arith.mulf %get3A_2088, %get3A_2094 : vector<16xf32>
        %swap3A_2096 = arith.constant 0 : i32
        %swap3A_2097 = arith.index_cast %swap3A_2096 : i32 to index
        %swap3A_2098 = arith.index_cast %add3A_1942 : i32 to index
        %swap3A_2099 = arith.constant 112 : index
        %swap3A_2100 = tpu.vector_load %arg10[%swap3A_2097, %swap3A_2098, %swap3A_2099] {strides = array<i32>} : memref<4x40x128xf32, #tpu.memory_space<vmem>>, vector<1x1x16xf32>,
        %swap3A_2101 = vector.shape_cast %swap3A_2100 : vector<1x1x16xf32> to vector<16xf32>
        %swap3A_2102 = vector.shape_cast %mul3A_2095 : vector<16xf32> to vector<1x1x16xf32>
        tpu.vector_store %arg10[%swap3A_2097, %swap3A_2098, %swap3A_2099], %swap3A_2102 {strides = array<i32>} : memref<4x40x128xf32, #tpu.memory_space<vmem>>, vector<1x1x16xf32>,
      }
      %scan3A_1858 = arith.constant 40 : i32
      %dma_start3A_1859 = arith.constant 0 : i32
      %dma_start3A_1860 = arith.constant 0 : i32
      %dma_start3A_1861 = arith.constant 0 : i32
      %dma_start3A_1862 = arith.constant 0 : i32
      %dma_start3A_1863 = tpu.memref_slice %arg10[%dma_start3A_1859, %dma_start3A_1861, %dma_start3A_1862] : memref<4x40x128xf32, #tpu.memory_space<vmem>> -> memref<1x40x128xf32, #tpu.memory_space<vmem>>
      %dma_start3A_1864 = tpu.memref_squeeze %dma_start3A_1863 : memref<1x40x128xf32, #tpu.memory_space<vmem>> -> memref<40x128xf32, #tpu.memory_space<vmem>>
      %dma_start3A_1865 = arith.constant 0 : i32
      %dma_start3A_1866 = tpu.memref_slice %arg9[%dma_start3A_1860, %dma_start3A_1865] : memref<4x40xi32, #tpu.memory_space<vmem>> -> memref<1x40xi32, #tpu.memory_space<vmem>>
      %dma_start3A_1867 = tpu.memref_squeeze %dma_start3A_1866 : memref<1x40xi32, #tpu.memory_space<vmem>> -> memref<40xi32, #tpu.memory_space<vmem>>
      %dma_start3A_1868 = arith.constant 0 : i32
      %dma_start3A_1869 = arith.constant 0 : i32
      %dma_start3A_1870 = tpu.memref_slice %arg12[%dma_start3A_1868, %dma_start3A_1869] : memref<10000x128xf32, #tpu.memory_space<vmem_shared>> -> memref<10000x128xf32, #tpu.memory_space<vmem_shared>>
      tpu.enqueue_indirect_dma source(%dma_start3A_1864 : memref<40x128xf32, #tpu.memory_space<vmem>>) target(%dma_start3A_1870 : memref<10000x128xf32, #tpu.memory_space<vmem_shared>>) offsets(%dma_start3A_1867 : memref<40xi32, #tpu.memory_space<vmem>>) semaphore(%arg17 : memref<!tpu.dma_semaphore, #tpu.memory_space<semaphore_mem>>) {add = true}
      %add3A_1871 = arith.constant 7 : i32
      %add3A_1872 = arith.addi %add3A_981, %add3A_1871 : i32
      %dma_wait3A_1873 = arith.constant 1 : i32
      %dma_wait3A_1874 = arith.constant 0 : i32
      %dma_wait3A_1875 = arith.constant 0 : i32
      %dma_wait3A_1876 = tpu.memref_slice %arg10[%dma_wait3A_1873, %dma_wait3A_1874, %dma_wait3A_1875] : memref<4x40x128xf32, #tpu.memory_space<vmem>> -> memref<1x40x128xf32, #tpu.memory_space<vmem>>
      %dma_wait3A_1877 = tpu.memref_squeeze %dma_wait3A_1876 : memref<1x40x128xf32, #tpu.memory_space<vmem>> -> memref<40x128xf32, #tpu.memory_space<vmem>>
      %dma_wait3A_1878 = arith.constant 0 : i32
      %dma_wait3A_1879 = arith.constant 0 : i32
      %dma_wait3A_1880 = tpu.memref_slice %arg5[%dma_wait3A_1878, %dma_wait3A_1879] : memref<10000x128xf32, #tpu.memory_space<hbm>> -> memref<40x128xf32, #tpu.memory_space<hbm>>
      %dma_wait3A_1881 = arith.constant 0 : i32
      %dma_wait3A_1882 = arith.constant 0 : i32
      %dma_wait3A_1883 = tpu.memref_slice %arg10[%dma_wait3A_1873, %dma_wait3A_1881, %dma_wait3A_1882] : memref<4x40x128xf32, #tpu.memory_space<vmem>> -> memref<1x40x128xf32, #tpu.memory_space<vmem>>
      %dma_wait3A_1884 = tpu.memref_squeeze %dma_wait3A_1883 : memref<1x40x128xf32, #tpu.memory_space<vmem>> -> memref<40x128xf32, #tpu.memory_space<vmem>>
      %dma_wait3A_1885 = arith.constant 0 : i32
      %dma_wait3A_1886 = arith.constant 0 : i32
      %dma_wait3A_1887 = tpu.memref_slice %arg5[%dma_wait3A_1885, %dma_wait3A_1886] : memref<10000x128xf32, #tpu.memory_space<hbm>> -> memref<40x128xf32, #tpu.memory_space<hbm>>
      tpu.wait_dma2 semaphore(%arg14 : memref<!tpu.dma_semaphore, #tpu.memory_space<semaphore_mem>>) src(%dma_wait3A_1887 : memref<40x128xf32, #tpu.memory_space<hbm>>) dst(%dma_wait3A_1884 : memref<40x128xf32, #tpu.memory_space<vmem>>)
      %dma_wait3A_1888 = arith.constant 1 : i32
      %dma_wait3A_1889 = arith.constant 0 : i32
      %dma_wait3A_1890 = arith.constant 0 : i32
      %dma_wait3A_1891 = tpu.memref_slice %arg11[%dma_wait3A_1888, %dma_wait3A_1889, %dma_wait3A_1890] : memref<4x40x128xf32, #tpu.memory_space<vmem>> -> memref<1x40x128xf32, #tpu.memory_space<vmem>>
      %dma_wait3A_1892 = tpu.memref_squeeze %dma_wait3A_1891 : memref<1x40x128xf32, #tpu.memory_space<vmem>> -> memref<40x128xf32, #tpu.memory_space<vmem>>
      %dma_wait3A_1893 = arith.constant 0 : i32
      %dma_wait3A_1894 = arith.constant 0 : i32
      %dma_wait3A_1895 = tpu.memref_slice %arg5[%dma_wait3A_1893, %dma_wait3A_1894] : memref<10000x128xf32, #tpu.memory_space<hbm>> -> memref<40x128xf32, #tpu.memory_space<hbm>>
      %dma_wait3A_1896 = arith.constant 0 : i32
      %dma_wait3A_1897 = arith.constant 0 : i32
      %dma_wait3A_1898 = tpu.memref_slice %arg11[%dma_wait3A_1888, %dma_wait3A_1896, %dma_wait3A_1897] : memref<4x40x128xf32, #tpu.memory_space<vmem>> -> memref<1x40x128xf32, #tpu.memory_space<vmem>>
      %dma_wait3A_1899 = tpu.memref_squeeze %dma_wait3A_1898 : memref<1x40x128xf32, #tpu.memory_space<vmem>> -> memref<40x128xf32, #tpu.memory_space<vmem>>
      %dma_wait3A_1900 = arith.constant 0 : i32
      %dma_wait3A_1901 = arith.constant 0 : i32
      %dma_wait3A_1902 = tpu.memref_slice %arg5[%dma_wait3A_1900, %dma_wait3A_1901] : memref<10000x128xf32, #tpu.memory_space<hbm>> -> memref<40x128xf32, #tpu.memory_space<hbm>>
      tpu.wait_dma2 semaphore(%arg14 : memref<!tpu.dma_semaphore, #tpu.memory_space<semaphore_mem>>) src(%dma_wait3A_1902 : memref<40x128xf32, #tpu.memory_space<hbm>>) dst(%dma_wait3A_1899 : memref<40x128xf32, #tpu.memory_space<vmem>>)
      %add3A_1903 = arith.addi %mul3A_8, %add3A_1872 : i32
      %dma_start3A_1904 = arith.constant 1 : i32
      %dma_start3A_1905 = arith.constant 0 : i32
      %dma_start3A_1906 = arith.constant 0 : i32
      %dma_start3A_1907 = tpu.memref_slice %arg7[%dma_start3A_1904, %dma_start3A_1905, %dma_start3A_1906] : memref<4x3x40xi32, #tpu.memory_space<vmem>> -> memref<1x3x40xi32, #tpu.memory_space<vmem>>
      %dma_start3A_1908 = tpu.memref_squeeze %dma_start3A_1907 : memref<1x3x40xi32, #tpu.memory_space<vmem>> -> memref<3x40xi32, #tpu.memory_space<vmem>>
      %dma_start3A_1909 = arith.constant 0 : i32
      %dma_start3A_1910 = arith.constant 0 : i32
      %dma_start3A_1911 = tpu.memref_slice %arg2[%add3A_1903, %dma_start3A_1909, %dma_start3A_1910] : memref<8004x3x40xi32, #tpu.memory_space<hbm>> -> memref<1x3x40xi32, #tpu.memory_space<hbm>>
      %dma_start3A_1912 = tpu.memref_squeeze %dma_start3A_1911 : memref<1x3x40xi32, #tpu.memory_space<hbm>> -> memref<3x40xi32, #tpu.memory_space<hbm>>
      %dma_start3A_1913 = arith.constant 0 : i32
      %dma_start3A_1914 = arith.constant 0 : i32
      %dma_start3A_1915 = tpu.memref_slice %arg7[%dma_start3A_1904, %dma_start3A_1913, %dma_start3A_1914] : memref<4x3x40xi32, #tpu.memory_space<vmem>> -> memref<1x3x40xi32, #tpu.memory_space<vmem>>
      %dma_start3A_1916 = tpu.memref_squeeze %dma_start3A_1915 : memref<1x3x40xi32, #tpu.memory_space<vmem>> -> memref<3x40xi32, #tpu.memory_space<vmem>>
      %dma_start3A_1917 = arith.constant 0 : i32
      %dma_start3A_1918 = arith.constant 0 : i32
      %dma_start3A_1919 = tpu.memref_slice %arg2[%add3A_1903, %dma_start3A_1917, %dma_start3A_1918] : memref<8004x3x40xi32, #tpu.memory_space<hbm>> -> memref<1x3x40xi32, #tpu.memory_space<hbm>>
      %dma_start3A_1920 = tpu.memref_squeeze %dma_start3A_1919 : memref<1x3x40xi32, #tpu.memory_space<hbm>> -> memref<3x40xi32, #tpu.memory_space<hbm>>
      tpu.enqueue_dma source(%dma_start3A_1920 : memref<3x40xi32, #tpu.memory_space<hbm>>) target(%dma_start3A_1916 : memref<3x40xi32, #tpu.memory_space<vmem>>) target_semaphore(%arg22 : memref<!tpu.dma_semaphore, #tpu.memory_space<semaphore_mem>>)
      %scan3A_1921 = arith.constant 0 : i32
      %scan3A_1922 = arith.constant 40 : i32
      %scan3A_1923 = arith.addi %scan3A_1921, %scan3A_1922 : i32
      %scan3A_1924 = arith.constant 1 : i32
      scf.for %scan3A_1938 = %scan3A_1921 to %scan3A_1923 step %scan3A_1924  : i32 {
        %mul3A_1939 = arith.constant 1 : i32
        %mul3A_1940 = arith.muli %scan3A_1938, %mul3A_1939 : i32
        %add3A_1941 = arith.constant 0 : i32
        %add3A_1942 = arith.addi %add3A_1941, %mul3A_1940 : i32
        %get3A_1943 = arith.constant 1 : i32
        %get3A_1944 = arith.index_cast %get3A_1943 : i32 to index
        %get3A_1945 = arith.index_cast %add3A_1942 : i32 to index
        %get3A_1946 = arith.constant 0 : index
        %get3A_1947 = tpu.vector_load %arg10[%get3A_1944, %get3A_1945, %get3A_1946] {strides = array<i32>} : memref<4x40x128xf32, #tpu.memory_space<vmem>>, vector<1x1x16xf32>,
        %get3A_1948 = vector.shape_cast %get3A_1947 : vector<1x1x16xf32> to vector<16xf32>
        %get3A_1949 = arith.constant 1 : i32
        %get3A_1950 = arith.index_cast %get3A_1949 : i32 to index
        %get3A_1951 = arith.index_cast %add3A_1942 : i32 to index
        %get3A_1952 = arith.constant 0 : index
        %get3A_1953 = tpu.vector_load %arg11[%get3A_1950, %get3A_1951, %get3A_1952] {strides = array<i32>} : memref<4x40x128xf32, #tpu.memory_space<vmem>>, vector<1x1x16xf32>,
        %get3A_1954 = vector.shape_cast %get3A_1953 : vector<1x1x16xf32> to vector<16xf32>
        %mul3A_1955 = arith.mulf %get3A_1948, %get3A_1954 : vector<16xf32>
        %swap3A_1956 = arith.constant 1 : i32
        %swap3A_1957 = arith.index_cast %swap3A_1956 : i32 to index
        %swap3A_1958 = arith.index_cast %add3A_1942 : i32 to index
        %swap3A_1959 = arith.constant 0 : index
        %swap3A_1960 = tpu.vector_load %arg10[%swap3A_1957, %swap3A_1958, %swap3A_1959] {strides = array<i32>} : memref<4x40x128xf32, #tpu.memory_space<vmem>>, vector<1x1x16xf32>,
        %swap3A_1961 = vector.shape_cast %swap3A_1960 : vector<1x1x16xf32> to vector<16xf32>
        %swap3A_1962 = vector.shape_cast %mul3A_1955 : vector<16xf32> to vector<1x1x16xf32>
        tpu.vector_store %arg10[%swap3A_1957, %swap3A_1958, %swap3A_1959], %swap3A_1962 {strides = array<i32>} : memref<4x40x128xf32, #tpu.memory_space<vmem>>, vector<1x1x16xf32>,
        %get3A_1963 = arith.constant 1 : i32
        %get3A_1964 = arith.index_cast %get3A_1963 : i32 to index
        %get3A_1965 = arith.index_cast %add3A_1942 : i32 to index
        %get3A_1966 = arith.constant 16 : index
        %get3A_1967 = tpu.vector_load %arg10[%get3A_1964, %get3A_1965, %get3A_1966] {strides = array<i32>} : memref<4x40x128xf32, #tpu.memory_space<vmem>>, vector<1x1x16xf32>,
        %get3A_1968 = vector.shape_cast %get3A_1967 : vector<1x1x16xf32> to vector<16xf32>
        %get3A_1969 = arith.constant 1 : i32
        %get3A_1970 = arith.index_cast %get3A_1969 : i32 to index
        %get3A_1971 = arith.index_cast %add3A_1942 : i32 to index
        %get3A_1972 = arith.constant 16 : index
        %get3A_1973 = tpu.vector_load %arg11[%get3A_1970, %get3A_1971, %get3A_1972] {strides = array<i32>} : memref<4x40x128xf32, #tpu.memory_space<vmem>>, vector<1x1x16xf32>,
        %get3A_1974 = vector.shape_cast %get3A_1973 : vector<1x1x16xf32> to vector<16xf32>
        %mul3A_1975 = arith.mulf %get3A_1968, %get3A_1974 : vector<16xf32>
        %swap3A_1976 = arith.constant 1 : i32
        %swap3A_1977 = arith.index_cast %swap3A_1976 : i32 to index
        %swap3A_1978 = arith.index_cast %add3A_1942 : i32 to index
        %swap3A_1979 = arith.constant 16 : index
        %swap3A_1980 = tpu.vector_load %arg10[%swap3A_1977, %swap3A_1978, %swap3A_1979] {strides = array<i32>} : memref<4x40x128xf32, #tpu.memory_space<vmem>>, vector<1x1x16xf32>,
        %swap3A_1981 = vector.shape_cast %swap3A_1980 : vector<1x1x16xf32> to vector<16xf32>
        %swap3A_1982 = vector.shape_cast %mul3A_1975 : vector<16xf32> to vector<1x1x16xf32>
        tpu.vector_store %arg10[%swap3A_1977, %swap3A_1978, %swap3A_1979], %swap3A_1982 {strides = array<i32>} : memref<4x40x128xf32, #tpu.memory_space<vmem>>, vector<1x1x16xf32>,
        %get3A_1983 = arith.constant 1 : i32
        %get3A_1984 = arith.index_cast %get3A_1983 : i32 to index
        %get3A_1985 = arith.index_cast %add3A_1942 : i32 to index
        %get3A_1986 = arith.constant 32 : index
        %get3A_1987 = tpu.vector_load %arg10[%get3A_1984, %get3A_1985, %get3A_1986] {strides = array<i32>} : memref<4x40x128xf32, #tpu.memory_space<vmem>>, vector<1x1x16xf32>,
        %get3A_1988 = vector.shape_cast %get3A_1987 : vector<1x1x16xf32> to vector<16xf32>
        %get3A_1989 = arith.constant 1 : i32
        %get3A_1990 = arith.index_cast %get3A_1989 : i32 to index
        %get3A_1991 = arith.index_cast %add3A_1942 : i32 to index
        %get3A_1992 = arith.constant 32 : index
        %get3A_1993 = tpu.vector_load %arg11[%get3A_1990, %get3A_1991, %get3A_1992] {strides = array<i32>} : memref<4x40x128xf32, #tpu.memory_space<vmem>>, vector<1x1x16xf32>,
        %get3A_1994 = vector.shape_cast %get3A_1993 : vector<1x1x16xf32> to vector<16xf32>
        %mul3A_1995 = arith.mulf %get3A_1988, %get3A_1994 : vector<16xf32>
        %swap3A_1996 = arith.constant 1 : i32
        %swap3A_1997 = arith.index_cast %swap3A_1996 : i32 to index
        %swap3A_1998 = arith.index_cast %add3A_1942 : i32 to index
        %swap3A_1999 = arith.constant 32 : index
        %swap3A_2000 = tpu.vector_load %arg10[%swap3A_1997, %swap3A_1998, %swap3A_1999] {strides = array<i32>} : memref<4x40x128xf32, #tpu.memory_space<vmem>>, vector<1x1x16xf32>,
        %swap3A_2001 = vector.shape_cast %swap3A_2000 : vector<1x1x16xf32> to vector<16xf32>
        %swap3A_2002 = vector.shape_cast %mul3A_1995 : vector<16xf32> to vector<1x1x16xf32>
        tpu.vector_store %arg10[%swap3A_1997, %swap3A_1998, %swap3A_1999], %swap3A_2002 {strides = array<i32>} : memref<4x40x128xf32, #tpu.memory_space<vmem>>, vector<1x1x16xf32>,
        %get3A_2003 = arith.constant 1 : i32
        %get3A_2004 = arith.index_cast %get3A_2003 : i32 to index
        %get3A_2005 = arith.index_cast %add3A_1942 : i32 to index
        %get3A_2006 = arith.constant 48 : index
        %get3A_2007 = tpu.vector_load %arg10[%get3A_2004, %get3A_2005, %get3A_2006] {strides = array<i32>} : memref<4x40x128xf32, #tpu.memory_space<vmem>>, vector<1x1x16xf32>,
        %get3A_2008 = vector.shape_cast %get3A_2007 : vector<1x1x16xf32> to vector<16xf32>
        %get3A_2009 = arith.constant 1 : i32
        %get3A_2010 = arith.index_cast %get3A_2009 : i32 to index
        %get3A_2011 = arith.index_cast %add3A_1942 : i32 to index
        %get3A_2012 = arith.constant 48 : index
        %get3A_2013 = tpu.vector_load %arg11[%get3A_2010, %get3A_2011, %get3A_2012] {strides = array<i32>} : memref<4x40x128xf32, #tpu.memory_space<vmem>>, vector<1x1x16xf32>,
        %get3A_2014 = vector.shape_cast %get3A_2013 : vector<1x1x16xf32> to vector<16xf32>
        %mul3A_2015 = arith.mulf %get3A_2008, %get3A_2014 : vector<16xf32>
        %swap3A_2016 = arith.constant 1 : i32
        %swap3A_2017 = arith.index_cast %swap3A_2016 : i32 to index
        %swap3A_2018 = arith.index_cast %add3A_1942 : i32 to index
        %swap3A_2019 = arith.constant 48 : index
        %swap3A_2020 = tpu.vector_load %arg10[%swap3A_2017, %swap3A_2018, %swap3A_2019] {strides = array<i32>} : memref<4x40x128xf32, #tpu.memory_space<vmem>>, vector<1x1x16xf32>,
        %swap3A_2021 = vector.shape_cast %swap3A_2020 : vector<1x1x16xf32> to vector<16xf32>
        %swap3A_2022 = vector.shape_cast %mul3A_2015 : vector<16xf32> to vector<1x1x16xf32>
        tpu.vector_store %arg10[%swap3A_2017, %swap3A_2018, %swap3A_2019], %swap3A_2022 {strides = array<i32>} : memref<4x40x128xf32, #tpu.memory_space<vmem>>, vector<1x1x16xf32>,
        %get3A_2023 = arith.constant 1 : i32
        %get3A_2024 = arith.index_cast %get3A_2023 : i32 to index
        %get3A_2025 = arith.index_cast %add3A_1942 : i32 to index
        %get3A_2026 = arith.constant 64 : index
        %get3A_2027 = tpu.vector_load %arg10[%get3A_2024, %get3A_2025, %get3A_2026] {strides = array<i32>} : memref<4x40x128xf32, #tpu.memory_space<vmem>>, vector<1x1x16xf32>,
        %get3A_2028 = vector.shape_cast %get3A_2027 : vector<1x1x16xf32> to vector<16xf32>
        %get3A_2029 = arith.constant 1 : i32
        %get3A_2030 = arith.index_cast %get3A_2029 : i32 to index
        %get3A_2031 = arith.index_cast %add3A_1942 : i32 to index
        %get3A_2032 = arith.constant 64 : index
        %get3A_2033 = tpu.vector_load %arg11[%get3A_2030, %get3A_2031, %get3A_2032] {strides = array<i32>} : memref<4x40x128xf32, #tpu.memory_space<vmem>>, vector<1x1x16xf32>,
        %get3A_2034 = vector.shape_cast %get3A_2033 : vector<1x1x16xf32> to vector<16xf32>
        %mul3A_2035 = arith.mulf %get3A_2028, %get3A_2034 : vector<16xf32>
        %swap3A_2036 = arith.constant 1 : i32
        %swap3A_2037 = arith.index_cast %swap3A_2036 : i32 to index
        %swap3A_2038 = arith.index_cast %add3A_1942 : i32 to index
        %swap3A_2039 = arith.constant 64 : index
        %swap3A_2040 = tpu.vector_load %arg10[%swap3A_2037, %swap3A_2038, %swap3A_2039] {strides = array<i32>} : memref<4x40x128xf32, #tpu.memory_space<vmem>>, vector<1x1x16xf32>,
        %swap3A_2041 = vector.shape_cast %swap3A_2040 : vector<1x1x16xf32> to vector<16xf32>
        %swap3A_2042 = vector.shape_cast %mul3A_2035 : vector<16xf32> to vector<1x1x16xf32>
        tpu.vector_store %arg10[%swap3A_2037, %swap3A_2038, %swap3A_2039], %swap3A_2042 {strides = array<i32>} : memref<4x40x128xf32, #tpu.memory_space<vmem>>, vector<1x1x16xf32>,
        %get3A_2043 = arith.constant 1 : i32
        %get3A_2044 = arith.index_cast %get3A_2043 : i32 to index
        %get3A_2045 = arith.index_cast %add3A_1942 : i32 to index
        %get3A_2046 = arith.constant 80 : index
        %get3A_2047 = tpu.vector_load %arg10[%get3A_2044, %get3A_2045, %get3A_2046] {strides = array<i32>} : memref<4x40x128xf32, #tpu.memory_space<vmem>>, vector<1x1x16xf32>,
        %get3A_2048 = vector.shape_cast %get3A_2047 : vector<1x1x16xf32> to vector<16xf32>
        %get3A_2049 = arith.constant 1 : i32
        %get3A_2050 = arith.index_cast %get3A_2049 : i32 to index
        %get3A_2051 = arith.index_cast %add3A_1942 : i32 to index
        %get3A_2052 = arith.constant 80 : index
        %get3A_2053 = tpu.vector_load %arg11[%get3A_2050, %get3A_2051, %get3A_2052] {strides = array<i32>} : memref<4x40x128xf32, #tpu.memory_space<vmem>>, vector<1x1x16xf32>,
        %get3A_2054 = vector.shape_cast %get3A_2053 : vector<1x1x16xf32> to vector<16xf32>
        %mul3A_2055 = arith.mulf %get3A_2048, %get3A_2054 : vector<16xf32>
        %swap3A_2056 = arith.constant 1 : i32
        %swap3A_2057 = arith.index_cast %swap3A_2056 : i32 to index
        %swap3A_2058 = arith.index_cast %add3A_1942 : i32 to index
        %swap3A_2059 = arith.constant 80 : index
        %swap3A_2060 = tpu.vector_load %arg10[%swap3A_2057, %swap3A_2058, %swap3A_2059] {strides = array<i32>} : memref<4x40x128xf32, #tpu.memory_space<vmem>>, vector<1x1x16xf32>,
        %swap3A_2061 = vector.shape_cast %swap3A_2060 : vector<1x1x16xf32> to vector<16xf32>
        %swap3A_2062 = vector.shape_cast %mul3A_2055 : vector<16xf32> to vector<1x1x16xf32>
        tpu.vector_store %arg10[%swap3A_2057, %swap3A_2058, %swap3A_2059], %swap3A_2062 {strides = array<i32>} : memref<4x40x128xf32, #tpu.memory_space<vmem>>, vector<1x1x16xf32>,
        %get3A_2063 = arith.constant 1 : i32
        %get3A_2064 = arith.index_cast %get3A_2063 : i32 to index
        %get3A_2065 = arith.index_cast %add3A_1942 : i32 to index
        %get3A_2066 = arith.constant 96 : index
        %get3A_2067 = tpu.vector_load %arg10[%get3A_2064, %get3A_2065, %get3A_2066] {strides = array<i32>} : memref<4x40x128xf32, #tpu.memory_space<vmem>>, vector<1x1x16xf32>,
        %get3A_2068 = vector.shape_cast %get3A_2067 : vector<1x1x16xf32> to vector<16xf32>
        %get3A_2069 = arith.constant 1 : i32
        %get3A_2070 = arith.index_cast %get3A_2069 : i32 to index
        %get3A_2071 = arith.index_cast %add3A_1942 : i32 to index
        %get3A_2072 = arith.constant 96 : index
        %get3A_2073 = tpu.vector_load %arg11[%get3A_2070, %get3A_2071, %get3A_2072] {strides = array<i32>} : memref<4x40x128xf32, #tpu.memory_space<vmem>>, vector<1x1x16xf32>,
        %get3A_2074 = vector.shape_cast %get3A_2073 : vector<1x1x16xf32> to vector<16xf32>
        %mul3A_2075 = arith.mulf %get3A_2068, %get3A_2074 : vector<16xf32>
        %swap3A_2076 = arith.constant 1 : i32
        %swap3A_2077 = arith.index_cast %swap3A_2076 : i32 to index
        %swap3A_2078 = arith.index_cast %add3A_1942 : i32 to index
        %swap3A_2079 = arith.constant 96 : index
        %swap3A_2080 = tpu.vector_load %arg10[%swap3A_2077, %swap3A_2078, %swap3A_2079] {strides = array<i32>} : memref<4x40x128xf32, #tpu.memory_space<vmem>>, vector<1x1x16xf32>,
        %swap3A_2081 = vector.shape_cast %swap3A_2080 : vector<1x1x16xf32> to vector<16xf32>
        %swap3A_2082 = vector.shape_cast %mul3A_2075 : vector<16xf32> to vector<1x1x16xf32>
        tpu.vector_store %arg10[%swap3A_2077, %swap3A_2078, %swap3A_2079], %swap3A_2082 {strides = array<i32>} : memref<4x40x128xf32, #tpu.memory_space<vmem>>, vector<1x1x16xf32>,
        %get3A_2083 = arith.constant 1 : i32
        %get3A_2084 = arith.index_cast %get3A_2083 : i32 to index
        %get3A_2085 = arith.index_cast %add3A_1942 : i32 to index
        %get3A_2086 = arith.constant 112 : index
        %get3A_2087 = tpu.vector_load %arg10[%get3A_2084, %get3A_2085, %get3A_2086] {strides = array<i32>} : memref<4x40x128xf32, #tpu.memory_space<vmem>>, vector<1x1x16xf32>,
        %get3A_2088 = vector.shape_cast %get3A_2087 : vector<1x1x16xf32> to vector<16xf32>
        %get3A_2089 = arith.constant 1 : i32
        %get3A_2090 = arith.index_cast %get3A_2089 : i32 to index
        %get3A_2091 = arith.index_cast %add3A_1942 : i32 to index
        %get3A_2092 = arith.constant 112 : index
        %get3A_2093 = tpu.vector_load %arg11[%get3A_2090, %get3A_2091, %get3A_2092] {strides = array<i32>} : memref<4x40x128xf32, #tpu.memory_space<vmem>>, vector<1x1x16xf32>,
        %get3A_2094 = vector.shape_cast %get3A_2093 : vector<1x1x16xf32> to vector<16xf32>
        %mul3A_2095 = arith.mulf %get3A_2088, %get3A_2094 : vector<16xf32>
        %swap3A_2096 = arith.constant 1 : i32
        %swap3A_2097 = arith.index_cast %swap3A_2096 : i32 to index
        %swap3A_2098 = arith.index_cast %add3A_1942 : i32 to index
        %swap3A_2099 = arith.constant 112 : index
        %swap3A_2100 = tpu.vector_load %arg10[%swap3A_2097, %swap3A_2098, %swap3A_2099] {strides = array<i32>} : memref<4x40x128xf32, #tpu.memory_space<vmem>>, vector<1x1x16xf32>,
        %swap3A_2101 = vector.shape_cast %swap3A_2100 : vector<1x1x16xf32> to vector<16xf32>
        %swap3A_2102 = vector.shape_cast %mul3A_2095 : vector<16xf32> to vector<1x1x16xf32>
        tpu.vector_store %arg10[%swap3A_2097, %swap3A_2098, %swap3A_2099], %swap3A_2102 {strides = array<i32>} : memref<4x40x128xf32, #tpu.memory_space<vmem>>, vector<1x1x16xf32>,
      }
      %scan3A_1925 = arith.constant 40 : i32
      %dma_start3A_1926 = arith.constant 1 : i32
      %dma_start3A_1927 = arith.constant 1 : i32
      %dma_start3A_1928 = arith.constant 0 : i32
      %dma_start3A_1929 = arith.constant 0 : i32
      %dma_start3A_1930 = tpu.memref_slice %arg10[%dma_start3A_1926, %dma_start3A_1928, %dma_start3A_1929] : memref<4x40x128xf32, #tpu.memory_space<vmem>> -> memref<1x40x128xf32, #tpu.memory_space<vmem>>
      %dma_start3A_1931 = tpu.memref_squeeze %dma_start3A_1930 : memref<1x40x128xf32, #tpu.memory_space<vmem>> -> memref<40x128xf32, #tpu.memory_space<vmem>>
      %dma_start3A_1932 = arith.constant 0 : i32
      %dma_start3A_1933 = tpu.memref_slice %arg9[%dma_start3A_1927, %dma_start3A_1932] : memref<4x40xi32, #tpu.memory_space<vmem>> -> memref<1x40xi32, #tpu.memory_space<vmem>>
      %dma_start3A_1934 = tpu.memref_squeeze %dma_start3A_1933 : memref<1x40xi32, #tpu.memory_space<vmem>> -> memref<40xi32, #tpu.memory_space<vmem>>
      %dma_start3A_1935 = arith.constant 0 : i32
      %dma_start3A_1936 = arith.constant 0 : i32
      %dma_start3A_1937 = tpu.memref_slice %arg12[%dma_start3A_1935, %dma_start3A_1936] : memref<10000x128xf32, #tpu.memory_space<vmem_shared>> -> memref<10000x128xf32, #tpu.memory_space<vmem_shared>>
      tpu.enqueue_indirect_dma source(%dma_start3A_1931 : memref<40x128xf32, #tpu.memory_space<vmem>>) target(%dma_start3A_1937 : memref<10000x128xf32, #tpu.memory_space<vmem_shared>>) offsets(%dma_start3A_1934 : memref<40xi32, #tpu.memory_space<vmem>>) semaphore(%arg18 : memref<!tpu.dma_semaphore, #tpu.memory_space<semaphore_mem>>) {add = true}
    }
    %scan3A_842 = arith.constant 62 : i32
    %dma_wait3A_843 = arith.constant 2 : i32
    %dma_wait3A_844 = arith.constant 0 : i32
    %dma_wait3A_845 = arith.constant 0 : i32
    %dma_wait3A_846 = tpu.memref_slice %arg10[%dma_wait3A_843, %dma_wait3A_844, %dma_wait3A_845] : memref<4x40x128xf32, #tpu.memory_space<vmem>> -> memref<1x40x128xf32, #tpu.memory_space<vmem>>
    %dma_wait3A_847 = tpu.memref_squeeze %dma_wait3A_846 : memref<1x40x128xf32, #tpu.memory_space<vmem>> -> memref<40x128xf32, #tpu.memory_space<vmem>>
    %dma_wait3A_848 = arith.constant 0 : i32
    %dma_wait3A_849 = arith.constant 0 : i32
    %dma_wait3A_850 = tpu.memref_slice %arg5[%dma_wait3A_848, %dma_wait3A_849] : memref<10000x128xf32, #tpu.memory_space<hbm>> -> memref<40x128xf32, #tpu.memory_space<hbm>>
    %dma_wait3A_851 = arith.constant 0 : i32
    %dma_wait3A_852 = arith.constant 0 : i32
    %dma_wait3A_853 = tpu.memref_slice %arg10[%dma_wait3A_843, %dma_wait3A_851, %dma_wait3A_852] : memref<4x40x128xf32, #tpu.memory_space<vmem>> -> memref<1x40x128xf32, #tpu.memory_space<vmem>>
    %dma_wait3A_854 = tpu.memref_squeeze %dma_wait3A_853 : memref<1x40x128xf32, #tpu.memory_space<vmem>> -> memref<40x128xf32, #tpu.memory_space<vmem>>
    %dma_wait3A_855 = arith.constant 0 : i32
    %dma_wait3A_856 = arith.constant 0 : i32
    %dma_wait3A_857 = tpu.memref_slice %arg5[%dma_wait3A_855, %dma_wait3A_856] : memref<10000x128xf32, #tpu.memory_space<hbm>> -> memref<40x128xf32, #tpu.memory_space<hbm>>
    tpu.wait_dma2 semaphore(%arg15 : memref<!tpu.dma_semaphore, #tpu.memory_space<semaphore_mem>>) src(%dma_wait3A_857 : memref<40x128xf32, #tpu.memory_space<hbm>>) dst(%dma_wait3A_854 : memref<40x128xf32, #tpu.memory_space<vmem>>)
    %dma_wait3A_858 = arith.constant 2 : i32
    %dma_wait3A_859 = arith.constant 0 : i32
    %dma_wait3A_860 = arith.constant 0 : i32
    %dma_wait3A_861 = tpu.memref_slice %arg11[%dma_wait3A_858, %dma_wait3A_859, %dma_wait3A_860] : memref<4x40x128xf32, #tpu.memory_space<vmem>> -> memref<1x40x128xf32, #tpu.memory_space<vmem>>
    %dma_wait3A_862 = tpu.memref_squeeze %dma_wait3A_861 : memref<1x40x128xf32, #tpu.memory_space<vmem>> -> memref<40x128xf32, #tpu.memory_space<vmem>>
    %dma_wait3A_863 = arith.constant 0 : i32
    %dma_wait3A_864 = arith.constant 0 : i32
    %dma_wait3A_865 = tpu.memref_slice %arg5[%dma_wait3A_863, %dma_wait3A_864] : memref<10000x128xf32, #tpu.memory_space<hbm>> -> memref<40x128xf32, #tpu.memory_space<hbm>>
    %dma_wait3A_866 = arith.constant 0 : i32
    %dma_wait3A_867 = arith.constant 0 : i32
    %dma_wait3A_868 = tpu.memref_slice %arg11[%dma_wait3A_858, %dma_wait3A_866, %dma_wait3A_867] : memref<4x40x128xf32, #tpu.memory_space<vmem>> -> memref<1x40x128xf32, #tpu.memory_space<vmem>>
    %dma_wait3A_869 = tpu.memref_squeeze %dma_wait3A_868 : memref<1x40x128xf32, #tpu.memory_space<vmem>> -> memref<40x128xf32, #tpu.memory_space<vmem>>
    %dma_wait3A_870 = arith.constant 0 : i32
    %dma_wait3A_871 = arith.constant 0 : i32
    %dma_wait3A_872 = tpu.memref_slice %arg5[%dma_wait3A_870, %dma_wait3A_871] : memref<10000x128xf32, #tpu.memory_space<hbm>> -> memref<40x128xf32, #tpu.memory_space<hbm>>
    tpu.wait_dma2 semaphore(%arg15 : memref<!tpu.dma_semaphore, #tpu.memory_space<semaphore_mem>>) src(%dma_wait3A_872 : memref<40x128xf32, #tpu.memory_space<hbm>>) dst(%dma_wait3A_869 : memref<40x128xf32, #tpu.memory_space<vmem>>)
    %dma_wait3A_873 = arith.constant 3 : i32
    %dma_wait3A_874 = arith.constant 0 : i32
    %dma_wait3A_875 = arith.constant 0 : i32
    %dma_wait3A_876 = tpu.memref_slice %arg10[%dma_wait3A_873, %dma_wait3A_874, %dma_wait3A_875] : memref<4x40x128xf32, #tpu.memory_space<vmem>> -> memref<1x40x128xf32, #tpu.memory_space<vmem>>
    %dma_wait3A_877 = tpu.memref_squeeze %dma_wait3A_876 : memref<1x40x128xf32, #tpu.memory_space<vmem>> -> memref<40x128xf32, #tpu.memory_space<vmem>>
    %dma_wait3A_878 = arith.constant 0 : i32
    %dma_wait3A_879 = arith.constant 0 : i32
    %dma_wait3A_880 = tpu.memref_slice %arg5[%dma_wait3A_878, %dma_wait3A_879] : memref<10000x128xf32, #tpu.memory_space<hbm>> -> memref<40x128xf32, #tpu.memory_space<hbm>>
    %dma_wait3A_881 = arith.constant 0 : i32
    %dma_wait3A_882 = arith.constant 0 : i32
    %dma_wait3A_883 = tpu.memref_slice %arg10[%dma_wait3A_873, %dma_wait3A_881, %dma_wait3A_882] : memref<4x40x128xf32, #tpu.memory_space<vmem>> -> memref<1x40x128xf32, #tpu.memory_space<vmem>>
    %dma_wait3A_884 = tpu.memref_squeeze %dma_wait3A_883 : memref<1x40x128xf32, #tpu.memory_space<vmem>> -> memref<40x128xf32, #tpu.memory_space<vmem>>
    %dma_wait3A_885 = arith.constant 0 : i32
    %dma_wait3A_886 = arith.constant 0 : i32
    %dma_wait3A_887 = tpu.memref_slice %arg5[%dma_wait3A_885, %dma_wait3A_886] : memref<10000x128xf32, #tpu.memory_space<hbm>> -> memref<40x128xf32, #tpu.memory_space<hbm>>
    tpu.wait_dma2 semaphore(%arg16 : memref<!tpu.dma_semaphore, #tpu.memory_space<semaphore_mem>>) src(%dma_wait3A_887 : memref<40x128xf32, #tpu.memory_space<hbm>>) dst(%dma_wait3A_884 : memref<40x128xf32, #tpu.memory_space<vmem>>)
    %dma_wait3A_888 = arith.constant 3 : i32
    %dma_wait3A_889 = arith.constant 0 : i32
    %dma_wait3A_890 = arith.constant 0 : i32
    %dma_wait3A_891 = tpu.memref_slice %arg11[%dma_wait3A_888, %dma_wait3A_889, %dma_wait3A_890] : memref<4x40x128xf32, #tpu.memory_space<vmem>> -> memref<1x40x128xf32, #tpu.memory_space<vmem>>
    %dma_wait3A_892 = tpu.memref_squeeze %dma_wait3A_891 : memref<1x40x128xf32, #tpu.memory_space<vmem>> -> memref<40x128xf32, #tpu.memory_space<vmem>>
    %dma_wait3A_893 = arith.constant 0 : i32
    %dma_wait3A_894 = arith.constant 0 : i32
    %dma_wait3A_895 = tpu.memref_slice %arg5[%dma_wait3A_893, %dma_wait3A_894] : memref<10000x128xf32, #tpu.memory_space<hbm>> -> memref<40x128xf32, #tpu.memory_space<hbm>>
    %dma_wait3A_896 = arith.constant 0 : i32
    %dma_wait3A_897 = arith.constant 0 : i32
    %dma_wait3A_898 = tpu.memref_slice %arg11[%dma_wait3A_888, %dma_wait3A_896, %dma_wait3A_897] : memref<4x40x128xf32, #tpu.memory_space<vmem>> -> memref<1x40x128xf32, #tpu.memory_space<vmem>>
    %dma_wait3A_899 = tpu.memref_squeeze %dma_wait3A_898 : memref<1x40x128xf32, #tpu.memory_space<vmem>> -> memref<40x128xf32, #tpu.memory_space<vmem>>
    %dma_wait3A_900 = arith.constant 0 : i32
    %dma_wait3A_901 = arith.constant 0 : i32
    %dma_wait3A_902 = tpu.memref_slice %arg5[%dma_wait3A_900, %dma_wait3A_901] : memref<10000x128xf32, #tpu.memory_space<hbm>> -> memref<40x128xf32, #tpu.memory_space<hbm>>
    tpu.wait_dma2 semaphore(%arg16 : memref<!tpu.dma_semaphore, #tpu.memory_space<semaphore_mem>>) src(%dma_wait3A_902 : memref<40x128xf32, #tpu.memory_space<hbm>>) dst(%dma_wait3A_899 : memref<40x128xf32, #tpu.memory_space<vmem>>)
    %dma_wait3A_903 = arith.constant 0 : i32
    %dma_wait3A_904 = arith.constant 0 : i32
    %dma_wait3A_905 = arith.constant 0 : i32
    %dma_wait3A_906 = tpu.memref_slice %arg7[%dma_wait3A_903, %dma_wait3A_904, %dma_wait3A_905] : memref<4x3x40xi32, #tpu.memory_space<vmem>> -> memref<1x3x40xi32, #tpu.memory_space<vmem>>
    %dma_wait3A_907 = tpu.memref_squeeze %dma_wait3A_906 : memref<1x3x40xi32, #tpu.memory_space<vmem>> -> memref<3x40xi32, #tpu.memory_space<vmem>>
    %dma_wait3A_908 = arith.constant 0 : i32
    %dma_wait3A_909 = arith.constant 0 : i32
    %dma_wait3A_910 = tpu.memref_slice %arg2[%mul3A_8, %dma_wait3A_908, %dma_wait3A_909] : memref<8004x3x40xi32, #tpu.memory_space<hbm>> -> memref<1x3x40xi32, #tpu.memory_space<hbm>>
    %dma_wait3A_911 = tpu.memref_squeeze %dma_wait3A_910 : memref<1x3x40xi32, #tpu.memory_space<hbm>> -> memref<3x40xi32, #tpu.memory_space<hbm>>
    %dma_wait3A_912 = arith.constant 0 : i32
    %dma_wait3A_913 = arith.constant 0 : i32
    %dma_wait3A_914 = tpu.memref_slice %arg7[%dma_wait3A_903, %dma_wait3A_912, %dma_wait3A_913] : memref<4x3x40xi32, #tpu.memory_space<vmem>> -> memref<1x3x40xi32, #tpu.memory_space<vmem>>
    %dma_wait3A_915 = tpu.memref_squeeze %dma_wait3A_914 : memref<1x3x40xi32, #tpu.memory_space<vmem>> -> memref<3x40xi32, #tpu.memory_space<vmem>>
    %dma_wait3A_916 = arith.constant 0 : i32
    %dma_wait3A_917 = arith.constant 0 : i32
    %dma_wait3A_918 = tpu.memref_slice %arg2[%mul3A_8, %dma_wait3A_916, %dma_wait3A_917] : memref<8004x3x40xi32, #tpu.memory_space<hbm>> -> memref<1x3x40xi32, #tpu.memory_space<hbm>>
    %dma_wait3A_919 = tpu.memref_squeeze %dma_wait3A_918 : memref<1x3x40xi32, #tpu.memory_space<hbm>> -> memref<3x40xi32, #tpu.memory_space<hbm>>
    tpu.wait_dma2 semaphore(%arg21 : memref<!tpu.dma_semaphore, #tpu.memory_space<semaphore_mem>>) src(%dma_wait3A_919 : memref<3x40xi32, #tpu.memory_space<hbm>>) dst(%dma_wait3A_915 : memref<3x40xi32, #tpu.memory_space<vmem>>)
    %dma_wait3A_920 = arith.constant 1 : i32
    %dma_wait3A_921 = arith.constant 0 : i32
    %dma_wait3A_922 = arith.constant 0 : i32
    %dma_wait3A_923 = tpu.memref_slice %arg7[%dma_wait3A_920, %dma_wait3A_921, %dma_wait3A_922] : memref<4x3x40xi32, #tpu.memory_space<vmem>> -> memref<1x3x40xi32, #tpu.memory_space<vmem>>
    %dma_wait3A_924 = tpu.memref_squeeze %dma_wait3A_923 : memref<1x3x40xi32, #tpu.memory_space<vmem>> -> memref<3x40xi32, #tpu.memory_space<vmem>>
    %dma_wait3A_925 = arith.constant 0 : i32
    %dma_wait3A_926 = arith.constant 0 : i32
    %dma_wait3A_927 = tpu.memref_slice %arg2[%mul3A_8, %dma_wait3A_925, %dma_wait3A_926] : memref<8004x3x40xi32, #tpu.memory_space<hbm>> -> memref<1x3x40xi32, #tpu.memory_space<hbm>>
    %dma_wait3A_928 = tpu.memref_squeeze %dma_wait3A_927 : memref<1x3x40xi32, #tpu.memory_space<hbm>> -> memref<3x40xi32, #tpu.memory_space<hbm>>
    %dma_wait3A_929 = arith.constant 0 : i32
    %dma_wait3A_930 = arith.constant 0 : i32
    %dma_wait3A_931 = tpu.memref_slice %arg7[%dma_wait3A_920, %dma_wait3A_929, %dma_wait3A_930] : memref<4x3x40xi32, #tpu.memory_space<vmem>> -> memref<1x3x40xi32, #tpu.memory_space<vmem>>
    %dma_wait3A_932 = tpu.memref_squeeze %dma_wait3A_931 : memref<1x3x40xi32, #tpu.memory_space<vmem>> -> memref<3x40xi32, #tpu.memory_space<vmem>>
    %dma_wait3A_933 = arith.constant 0 : i32
    %dma_wait3A_934 = arith.constant 0 : i32
    %dma_wait3A_935 = tpu.memref_slice %arg2[%mul3A_8, %dma_wait3A_933, %dma_wait3A_934] : memref<8004x3x40xi32, #tpu.memory_space<hbm>> -> memref<1x3x40xi32, #tpu.memory_space<hbm>>
    %dma_wait3A_936 = tpu.memref_squeeze %dma_wait3A_935 : memref<1x3x40xi32, #tpu.memory_space<hbm>> -> memref<3x40xi32, #tpu.memory_space<hbm>>
    tpu.wait_dma2 semaphore(%arg22 : memref<!tpu.dma_semaphore, #tpu.memory_space<semaphore_mem>>) src(%dma_wait3A_936 : memref<3x40xi32, #tpu.memory_space<hbm>>) dst(%dma_wait3A_932 : memref<3x40xi32, #tpu.memory_space<vmem>>)
    %dma_wait3A_937 = arith.constant 0 : i32
    %dma_wait3A_938 = arith.constant 0 : i32
    %dma_wait3A_939 = arith.constant 0 : i32
    %dma_wait3A_940 = tpu.memref_slice %arg10[%dma_wait3A_937, %dma_wait3A_938, %dma_wait3A_939] : memref<4x40x128xf32, #tpu.memory_space<vmem>> -> memref<1x40x128xf32, #tpu.memory_space<vmem>>
    %dma_wait3A_941 = tpu.memref_squeeze %dma_wait3A_940 : memref<1x40x128xf32, #tpu.memory_space<vmem>> -> memref<40x128xf32, #tpu.memory_space<vmem>>
    %dma_wait3A_942 = arith.constant 0 : i32
    %dma_wait3A_943 = arith.constant 0 : i32
    %dma_wait3A_944 = tpu.memref_slice %arg12[%dma_wait3A_942, %dma_wait3A_943] : memref<10000x128xf32, #tpu.memory_space<vmem_shared>> -> memref<40x128xf32, #tpu.memory_space<vmem_shared>>
    %dma_wait3A_945 = arith.constant 0 : i32
    %dma_wait3A_946 = arith.constant 0 : i32
    %dma_wait3A_947 = tpu.memref_slice %arg12[%dma_wait3A_945, %dma_wait3A_946] : memref<10000x128xf32, #tpu.memory_space<vmem_shared>> -> memref<40x128xf32, #tpu.memory_space<vmem_shared>>
    %dma_wait3A_948 = arith.constant 0 : i32
    %dma_wait3A_949 = arith.constant 0 : i32
    %dma_wait3A_950 = tpu.memref_slice %arg10[%dma_wait3A_937, %dma_wait3A_948, %dma_wait3A_949] : memref<4x40x128xf32, #tpu.memory_space<vmem>> -> memref<1x40x128xf32, #tpu.memory_space<vmem>>
    %dma_wait3A_951 = tpu.memref_squeeze %dma_wait3A_950 : memref<1x40x128xf32, #tpu.memory_space<vmem>> -> memref<40x128xf32, #tpu.memory_space<vmem>>
    tpu.wait_dma2 semaphore(%arg17 : memref<!tpu.dma_semaphore, #tpu.memory_space<semaphore_mem>>) src(%dma_wait3A_951 : memref<40x128xf32, #tpu.memory_space<vmem>>) dst(%dma_wait3A_947 : memref<40x128xf32, #tpu.memory_space<vmem_shared>>)
    %dma_wait3A_952 = arith.constant 1 : i32
    %dma_wait3A_953 = arith.constant 0 : i32
    %dma_wait3A_954 = arith.constant 0 : i32
    %dma_wait3A_955 = tpu.memref_slice %arg10[%dma_wait3A_952, %dma_wait3A_953, %dma_wait3A_954] : memref<4x40x128xf32, #tpu.memory_space<vmem>> -> memref<1x40x128xf32, #tpu.memory_space<vmem>>
    %dma_wait3A_956 = tpu.memref_squeeze %dma_wait3A_955 : memref<1x40x128xf32, #tpu.memory_space<vmem>> -> memref<40x128xf32, #tpu.memory_space<vmem>>
    %dma_wait3A_957 = arith.constant 0 : i32
    %dma_wait3A_958 = arith.constant 0 : i32
    %dma_wait3A_959 = tpu.memref_slice %arg12[%dma_wait3A_957, %dma_wait3A_958] : memref<10000x128xf32, #tpu.memory_space<vmem_shared>> -> memref<40x128xf32, #tpu.memory_space<vmem_shared>>
    %dma_wait3A_960 = arith.constant 0 : i32
    %dma_wait3A_961 = arith.constant 0 : i32
    %dma_wait3A_962 = tpu.memref_slice %arg12[%dma_wait3A_960, %dma_wait3A_961] : memref<10000x128xf32, #tpu.memory_space<vmem_shared>> -> memref<40x128xf32, #tpu.memory_space<vmem_shared>>
    %dma_wait3A_963 = arith.constant 0 : i32
    %dma_wait3A_964 = arith.constant 0 : i32
    %dma_wait3A_965 = tpu.memref_slice %arg10[%dma_wait3A_952, %dma_wait3A_963, %dma_wait3A_964] : memref<4x40x128xf32, #tpu.memory_space<vmem>> -> memref<1x40x128xf32, #tpu.memory_space<vmem>>
    %dma_wait3A_966 = tpu.memref_squeeze %dma_wait3A_965 : memref<1x40x128xf32, #tpu.memory_space<vmem>> -> memref<40x128xf32, #tpu.memory_space<vmem>>
    tpu.wait_dma2 semaphore(%arg18 : memref<!tpu.dma_semaphore, #tpu.memory_space<semaphore_mem>>) src(%dma_wait3A_966 : memref<40x128xf32, #tpu.memory_space<vmem>>) dst(%dma_wait3A_962 : memref<40x128xf32, #tpu.memory_space<vmem_shared>>)
    %barrier3A_967 = arith.constant 0 : index
    tpu.barrier barrier_id(%barrier3A_967)
    %mul3A_968 = arith.constant 624 : i32
    %mul3A_969 = arith.muli %arg1, %mul3A_968 : i32
    %mul3A_970 = arith.constant 624 : i32
    %mul3A_971 = arith.muli %arg1, %mul3A_970 : i32
    "tpu.region"() ({
      %run_scoped3A = tpu.sem_alloc : memref<!tpu.dma_semaphore, #tpu.memory_space<semaphore_mem>>
      %dma_start3A_977 = arith.constant 0 : i32
      %dma_start3A_978 = tpu.memref_slice %arg6[%arg0, %mul3A_971, %dma_start3A_977] : memref<2x10000x128xf32, #tpu.memory_space<hbm>> -> memref<1x624x128xf32, #tpu.memory_space<hbm>>
      %dma_start3A_979 = tpu.memref_squeeze %dma_start3A_978 : memref<1x624x128xf32, #tpu.memory_space<hbm>> -> memref<624x128xf32, #tpu.memory_space<hbm>>
      %dma_start3A_980 = arith.constant 0 : i32
      %dma_start3A_981 = tpu.memref_slice %arg12[%mul3A_969, %dma_start3A_980] : memref<10000x128xf32, #tpu.memory_space<vmem_shared>> -> memref<624x128xf32, #tpu.memory_space<vmem_shared>>
      tpu.enqueue_dma source(%dma_start3A_981 : memref<624x128xf32, #tpu.memory_space<vmem_shared>>) target(%dma_start3A_979 : memref<624x128xf32, #tpu.memory_space<hbm>>) target_semaphore(%run_scoped3A : memref<!tpu.dma_semaphore, #tpu.memory_space<semaphore_mem>>)
      %dma_wait3A_982 = arith.constant 0 : i32
      %dma_wait3A_983 = tpu.memref_slice %arg6[%arg0, %mul3A_971, %dma_wait3A_982] : memref<2x10000x128xf32, #tpu.memory_space<hbm>> -> memref<1x624x128xf32, #tpu.memory_space<hbm>>
      %dma_wait3A_984 = tpu.memref_squeeze %dma_wait3A_983 : memref<1x624x128xf32, #tpu.memory_space<hbm>> -> memref<624x128xf32, #tpu.memory_space<hbm>>
      %dma_wait3A_985 = arith.constant 0 : i32
      %dma_wait3A_986 = tpu.memref_slice %arg12[%mul3A_969, %dma_wait3A_985] : memref<10000x128xf32, #tpu.memory_space<vmem_shared>> -> memref<624x128xf32, #tpu.memory_space<vmem_shared>>
      tpu.wait_dma2 semaphore(%run_scoped3A : memref<!tpu.dma_semaphore, #tpu.memory_space<semaphore_mem>>) src(%dma_wait3A_986 : memref<624x128xf32, #tpu.memory_space<vmem_shared>>) dst(%dma_wait3A_984 : memref<624x128xf32, #tpu.memory_space<hbm>>)
      tpu.yield
    }) : () -> ()
    %eq3A_972 = arith.constant 15 : i32
    %eq3A_973 = arith.cmpi eq, %arg1, %eq3A_972 : i32
    %convert_element_type3A_974 = arith.extui %eq3A_973 : i1 to i32
    %cond3A_975 = arith.constant 0 : i32
    %cond3A_976 = arith.cmpi ne, %convert_element_type3A_974, %cond3A_975 : i32
    scf.if %cond3A_976 {
      "tpu.region"() ({
        %run_scoped3A = tpu.sem_alloc : memref<!tpu.dma_semaphore, #tpu.memory_space<semaphore_mem>>
        %dma_start3A_977 = arith.constant 9984 : i32
        %dma_start3A_978 = arith.constant 0 : i32
        %dma_start3A_979 = tpu.memref_slice %arg6[%arg0, %dma_start3A_977, %dma_start3A_978] : memref<2x10000x128xf32, #tpu.memory_space<hbm>> -> memref<1x16x128xf32, #tpu.memory_space<hbm>>
        %dma_start3A_980 = tpu.memref_squeeze %dma_start3A_979 : memref<1x16x128xf32, #tpu.memory_space<hbm>> -> memref<16x128xf32, #tpu.memory_space<hbm>>
        %dma_start3A_981 = arith.constant 9984 : i32
        %dma_start3A_982 = arith.constant 0 : i32
        %dma_start3A_983 = tpu.memref_slice %arg12[%dma_start3A_981, %dma_start3A_982] : memref<10000x128xf32, #tpu.memory_space<vmem_shared>> -> memref<16x128xf32, #tpu.memory_space<vmem_shared>>
        tpu.enqueue_dma source(%dma_start3A_983 : memref<16x128xf32, #tpu.memory_space<vmem_shared>>) target(%dma_start3A_980 : memref<16x128xf32, #tpu.memory_space<hbm>>) target_semaphore(%run_scoped3A : memref<!tpu.dma_semaphore, #tpu.memory_space<semaphore_mem>>)
        %dma_wait3A_984 = arith.constant 9984 : i32
        %dma_wait3A_985 = arith.constant 0 : i32
        %dma_wait3A_986 = tpu.memref_slice %arg6[%arg0, %dma_wait3A_984, %dma_wait3A_985] : memref<2x10000x128xf32, #tpu.memory_space<hbm>> -> memref<1x16x128xf32, #tpu.memory_space<hbm>>
        %dma_wait3A_987 = tpu.memref_squeeze %dma_wait3A_986 : memref<1x16x128xf32, #tpu.memory_space<hbm>> -> memref<16x128xf32, #tpu.memory_space<hbm>>
        %dma_wait3A_988 = arith.constant 9984 : i32
        %dma_wait3A_989 = arith.constant 0 : i32
        %dma_wait3A_990 = tpu.memref_slice %arg12[%dma_wait3A_988, %dma_wait3A_989] : memref<10000x128xf32, #tpu.memory_space<vmem_shared>> -> memref<16x128xf32, #tpu.memory_space<vmem_shared>>
        tpu.wait_dma2 semaphore(%run_scoped3A : memref<!tpu.dma_semaphore, #tpu.memory_space<semaphore_mem>>) src(%dma_wait3A_990 : memref<16x128xf32, #tpu.memory_space<vmem_shared>>) dst(%dma_wait3A_987 : memref<16x128xf32, #tpu.memory_space<hbm>>)
        tpu.yield
      }) : () -> ()
    } else {
    }
    return
  }
}

module attributes {stable_mosaic.version = 14 : i64} {
  func.func @_pre_body(%arg0: memref<10000x128xf32, #tpu.memory_space<vmem>>, %arg1: memref<128x128xf32, #tpu.memory_space<vmem>>, %arg2: memref<64x128xf32, #tpu.memory_space<vmem>>, %arg3: memref<1x128xf32, #tpu.memory_space<vmem>>, %arg4: memref<10000x128xf32, #tpu.memory_space<vmem>>, %arg5: memref<8200x128xf32, #tpu.memory_space<vmem>>) attributes {dimension_semantics = [], scalar_prefetch = 0 : i64, scratch_operands = 0 : i64, tpu.core_type = #tpu.core_type<tc>} {
    %get3A = arith.constant 0 : index
    %get3A_0 = arith.constant 0 : index
    %get3A_1 = vector.load %arg0[%get3A, %get3A_0] : memref<10000x128xf32, #tpu.memory_space<vmem>>, vector<10000x128xf32>
    %get3A_2 = arith.constant 0 : index
    %get3A_3 = arith.constant 0 : index
    %get3A_4 = vector.load %arg1[%get3A_2, %get3A_3] : memref<128x128xf32, #tpu.memory_space<vmem>>, vector<128x128xf32>
    %dot_general3A = arith.constant dense<0.000000e+00> : vector<10000x128xf32>
    %dot_general3A_5 = tpu.matmul %get3A_1, %get3A_4, %dot_general3A {dimension_numbers = #tpu.dot_dimension_numbers<[1], [0], [0], [1], [0, 0, 1, 1], [], []>, transpose_lhs_hint = false} : vector<10000x128xf32>, vector<128x128xf32>, vector<10000x128xf32> -> vector<10000x128xf32>
    %swap3A = arith.constant 0 : index
    %swap3A_6 = arith.constant 0 : index
    %swap3A_7 = vector.load %arg4[%swap3A, %swap3A_6] : memref<10000x128xf32, #tpu.memory_space<vmem>>, vector<10000x128xf32>
    tpu.vector_store %arg4[%swap3A, %swap3A_6], %dot_general3A_5 {strides = array<i32>} : memref<10000x128xf32, #tpu.memory_space<vmem>>, vector<10000x128xf32>,
    %iota3A = tpu.iota {dimensions = array<i32: 0>} : vector<8200x64xi32>
    %convert_element_type3A = arith.sitofp %iota3A : vector<8200x64xi32> to vector<8200x64xf32>
    %mul3A = arith.constant 6.10351563E-4 : f32
    %mul3A_8 = vector.broadcast %mul3A : f32 to vector<8200x64xf32>
    %mul3A_9 = arith.mulf %convert_element_type3A, %mul3A_8 : vector<8200x64xf32>
    %iota3A_10 = tpu.iota {dimensions = array<i32: 1>} : vector<8200x64xi32>
    %convert_element_type3A_11 = arith.sitofp %iota3A_10 : vector<8200x64xi32> to vector<8200x64xf32>
    %mul3A_12 = arith.constant 0.10204082 : f32
    %mul3A_13 = vector.broadcast %mul3A_12 : f32 to vector<8200x64xf32>
    %mul3A_14 = arith.mulf %convert_element_type3A_11, %mul3A_13 : vector<8200x64xf32>
    %sub3A = arith.subf %mul3A_9, %mul3A_14 : vector<8200x64xf32>
    %integer_pow3A = arith.mulf %sub3A, %sub3A : vector<8200x64xf32>
    %mul3A_15 = arith.constant -4.802000e+01 : f32
    %mul3A_16 = vector.broadcast %mul3A_15 : f32 to vector<8200x64xf32>
    %mul3A_17 = arith.mulf %mul3A_16, %integer_pow3A : vector<8200x64xf32>
    %exp3A = math.exp %mul3A_17 : vector<8200x64xf32>
    %get3A_18 = arith.constant 0 : index
    %get3A_19 = arith.constant 0 : index
    %get3A_20 = vector.load %arg2[%get3A_18, %get3A_19] : memref<64x128xf32, #tpu.memory_space<vmem>>, vector<64x128xf32>
    %dot_general3A_21 = arith.constant dense<0.000000e+00> : vector<8200x128xf32>
    %dot_general3A_22 = tpu.matmul %exp3A, %get3A_20, %dot_general3A_21 {dimension_numbers = #tpu.dot_dimension_numbers<[1], [0], [0], [1], [0, 0, 1, 1], [], []>, transpose_lhs_hint = false} : vector<8200x64xf32>, vector<64x128xf32>, vector<8200x128xf32> -> vector<8200x128xf32>
    %get3A_23 = arith.constant 0 : index
    %get3A_24 = arith.constant 0 : index
    %get3A_25 = vector.load %arg3[%get3A_23, %get3A_24] : memref<1x128xf32, #tpu.memory_space<vmem>>, vector<1x128xf32>
    %add3A = vector.broadcast %get3A_25 : vector<1x128xf32> to vector<8200x128xf32>
    %add3A_26 = arith.addf %dot_general3A_22, %add3A : vector<8200x128xf32>
    %swap3A_27 = arith.constant 0 : index
    %swap3A_28 = arith.constant 0 : index
    %swap3A_29 = vector.load %arg5[%swap3A_27, %swap3A_28] : memref<8200x128xf32, #tpu.memory_space<vmem>>, vector<8200x128xf32>
    tpu.vector_store %arg5[%swap3A_27, %swap3A_28], %add3A_26 {strides = array<i32>} : memref<8200x128xf32, #tpu.memory_space<vmem>>, vector<8200x128xf32>,
    return
  }
}

module attributes {stable_mosaic.version = 14 : i64} {
  func.func @_post_body(%arg0: memref<10000x128xf32, #tpu.memory_space<vmem>>, %arg1: memref<10000x128xf32, #tpu.memory_space<vmem>>, %arg2: memref<128x128xf32, #tpu.memory_space<vmem>>, %arg3: memref<1x128xf32, #tpu.memory_space<vmem>>, %arg4: memref<128x128xf32, #tpu.memory_space<vmem>>, %arg5: memref<1x128xf32, #tpu.memory_space<vmem>>, %arg6: memref<10000x128xf32, #tpu.memory_space<vmem>>) attributes {dimension_semantics = [], scalar_prefetch = 0 : i64, scratch_operands = 0 : i64, tpu.core_type = #tpu.core_type<tc>} {
    %get3A = arith.constant 0 : index
    %get3A_0 = arith.constant 0 : index
    %get3A_1 = vector.load %arg0[%get3A, %get3A_0] : memref<10000x128xf32, #tpu.memory_space<vmem>>, vector<10000x128xf32>
    %get3A_2 = arith.constant 0 : index
    %get3A_3 = arith.constant 0 : index
    %get3A_4 = vector.load %arg1[%get3A_2, %get3A_3] : memref<10000x128xf32, #tpu.memory_space<vmem>>, vector<10000x128xf32>
    %add3A = arith.addf %get3A_1, %get3A_4 : vector<10000x128xf32>
    %get3A_5 = arith.constant 0 : index
    %get3A_6 = arith.constant 0 : index
    %get3A_7 = vector.load %arg2[%get3A_5, %get3A_6] : memref<128x128xf32, #tpu.memory_space<vmem>>, vector<128x128xf32>
    %dot_general3A = arith.constant dense<0.000000e+00> : vector<10000x128xf32>
    %dot_general3A_8 = tpu.matmul %add3A, %get3A_7, %dot_general3A {dimension_numbers = #tpu.dot_dimension_numbers<[1], [0], [0], [1], [0, 0, 1, 1], [], []>, transpose_lhs_hint = false} : vector<10000x128xf32>, vector<128x128xf32>, vector<10000x128xf32> -> vector<10000x128xf32>
    %get3A_9 = arith.constant 0 : index
    %get3A_10 = arith.constant 0 : index
    %get3A_11 = vector.load %arg3[%get3A_9, %get3A_10] : memref<1x128xf32, #tpu.memory_space<vmem>>, vector<1x128xf32>
    %add3A_12 = vector.broadcast %get3A_11 : vector<1x128xf32> to vector<10000x128xf32>
    %add3A_13 = arith.addf %dot_general3A_8, %add3A_12 : vector<10000x128xf32>
    %max3A = arith.constant 0.000000e+00 : f32
    %max3A_14 = vector.broadcast %max3A : f32 to vector<10000x128xf32>
    %max3A_15 = arith.maximumf %add3A_13, %max3A_14 : vector<10000x128xf32>
    %abs3A = math.absf %add3A_13 : vector<10000x128xf32>
    %neg3A = arith.constant 0.000000e+00 : f32
    %neg3A_16 = vector.broadcast %neg3A : f32 to vector<10000x128xf32>
    %neg3A_17 = arith.subf %neg3A_16, %abs3A : vector<10000x128xf32>
    %exp3A = math.exp %neg3A_17 : vector<10000x128xf32>
    %add3A_18 = arith.constant 1.000000e+00 : f32
    %add3A_19 = vector.broadcast %add3A_18 : f32 to vector<10000x128xf32>
    %add3A_20 = arith.addf %add3A_19, %exp3A : vector<10000x128xf32>
    %log3A = math.log %add3A_20 : vector<10000x128xf32>
    %add3A_21 = arith.addf %max3A_15, %log3A : vector<10000x128xf32>
    %sub3A = arith.constant 0.693147182 : f32
    %sub3A_22 = vector.broadcast %sub3A : f32 to vector<10000x128xf32>
    %sub3A_23 = arith.subf %add3A_21, %sub3A_22 : vector<10000x128xf32>
    %get3A_24 = arith.constant 0 : index
    %get3A_25 = arith.constant 0 : index
    %get3A_26 = vector.load %arg4[%get3A_24, %get3A_25] : memref<128x128xf32, #tpu.memory_space<vmem>>, vector<128x128xf32>
    %dot_general3A_27 = arith.constant dense<0.000000e+00> : vector<10000x128xf32>
    %dot_general3A_28 = tpu.matmul %sub3A_23, %get3A_26, %dot_general3A_27 {dimension_numbers = #tpu.dot_dimension_numbers<[1], [0], [0], [1], [0, 0, 1, 1], [], []>, transpose_lhs_hint = false} : vector<10000x128xf32>, vector<128x128xf32>, vector<10000x128xf32> -> vector<10000x128xf32>
    %get3A_29 = arith.constant 0 : index
    %get3A_30 = arith.constant 0 : index
    %get3A_31 = vector.load %arg5[%get3A_29, %get3A_30] : memref<1x128xf32, #tpu.memory_space<vmem>>, vector<1x128xf32>
    %add3A_32 = vector.broadcast %get3A_31 : vector<1x128xf32> to vector<10000x128xf32>
    %add3A_33 = arith.addf %dot_general3A_28, %add3A_32 : vector<10000x128xf32>
    %swap3A = arith.constant 0 : index
    %swap3A_34 = arith.constant 0 : index
    %swap3A_35 = vector.load %arg6[%swap3A, %swap3A_34] : memref<10000x128xf32, #tpu.memory_space<vmem>>, vector<10000x128xf32>
    tpu.vector_store %arg6[%swap3A, %swap3A_34], %add3A_33 {strides = array<i32>} : memref<10000x128xf32, #tpu.memory_space<vmem>>, vector<10000x128xf32>,
    return
  }
}

</mosaic_0001>

<sc_bundles>
// kernel: kernel.5.cloned.1.call-start
scs
__scs_entry_jumppad:
0x0: {  	(pc) =	sbr.rel $0x88, $3  }
0x1: {  	(tag) =	ssettag $0x0;
	lr =	simm.s32 $0x1  }
0x2: {  	[smem:$0x3F97] =	sst lr;
	_ =	strace $0xD0000000  }
0x3: {  	_ = 	snop  }
0x4: {  	_ = 	snop  }
0x5: {  	_ = 	snop  }
0x6: {  	_ = 	snop  }
0x7: {  	_ = 	snop  }
__scs_overlays_trampoline_lowered:
0x8: {  	[smem:$0x3FA6] =	sst s0  }
0x9: {  	[smem:$0x3FA7] =	sst s1  }
0xa: {  	[smem:$0x3FA8] =	sst s2  }
0xb: {  	[smem:$0x3FA9] =	sst s3  }
0xc: {  	[smem:$0x3FAA] =	sst s4  }
0xd: {  	[smem:$0x3FAB] =	sst s5  }
0xe: {  	[smem:$0x3FAC] =	sst s6  }
0xf: {  	[smem:$0x3FAD] =	sst s7  }
0x10: {  	[smem:$0x3FAE] =	sst s8  }
0x11: {  	[smem:$0x3FAF] =	sst s9;
	s0 =	simm.s32 @!p0 $0x0  }
0x12: {  	s1 =	sld [smem:$0x3F95];
	s0 =	simm.s32 @p0 $0x1  }
0x13: {  	[smem:$0x3FB0] =	sst s0;
	s0 =	simm.s32 @!p1 $0x0  }
0x14: {  	s2 =	sld [smem:$0x3F94];
	s0 =	simm.s32 @p1 $0x1  }
0x15: {  	[smem:$0x3FB1] =	sst s0;
	s0 =	simm.s32 @!p2 $0x0  }
0x16: {  	s3 =	sld [smem:$0x3FDB];
	s0 =	simm.s32 @p2 $0x1  }
0x17: {  	s4 =	simm.s32 $0x1BF5;
	[smem:$0x3FB3] =	sst s0  }
0x18: {  	s0 =	sld [smem:$0x3F96];
	_ =	swait.ge [sflag:s4], $0x0  }
0x19: {  	s7 =	sld [smem:$0x3F97]  }
0x1a: {  	s8 =	sadd.s32 $0xFFFFE003, lr  }
0x1b: {  	s9 =	sadd.s32 $0xFFFFFEF7, lr;
	s5 =	simm.s32 $0xFFFFFFFF;
	p2 =	slt.u32 s8, $0xFFFFF086  }
0x1c: {  	p1 =	slt.u32 s9, $0xF7A;
	s5 =	simm.s32 @!p2 $0x0  }
0x1d: {  	s5 =	simm.s32 @p1 $0x1;
	p0 =	seq.s32 s7, s2  }
0x1e: {  	s7 =	smul.u32 @!p0 $0xF7A, s2;
	p2 =	seq.s32 @!p0 s5, $0x0  }
0x1f: {  	s9 =	smul.u32 $0xF7A, s1;
	s8 =	simm.s32 @!p0 $0x1BF5;
	p2 =	por !p2, p0  }
0x20: {  	[sflag:s8] =	ssyncset.s32 @!p0 $0xFFFFF086;
	s6 =	sadd.s32 @!p0 s3, s7;
	s7 =	simm.s32 @!p0 $0x108  }
0x21: {  	s3 =	sadd.s32 s3, s9;
	s6 =	sadd.s32 @!p0 $0x88, s6;
	s7 =	simm.s32 @p2 $0x1082  }
0x22: {  	[simem:s7], [sflag:s8] =	dma.local @!p0 [hbm:s6], $0xF7A  }
0x23: {  	s9 =	sor.u32 $0xD0000000, s2;
	s6 =	simm.s32 $0x108;
	_ =	swait.ge @!p0 [sflag:s8], $0x0  }
0x24: {  	s3 =	sadd.s32 $0x88, s3;
	s6 =	simm.s32 @!p1 $0x1082;
	[sflag:s4] =	ssyncset.s32 $0xFFFFF086  }
0x25: {  	[simem:s6], [sflag:s4] =	dma.local [hbm:s3], $0xF7A  }
0x26: {  	[smem:$0x3F97] =	sst s1;
	(tag) =	ssettag s2;
	_ =	strace s9  }
0x27: {  	s1 =	sld [smem:$0x3FA7]  }
0x28: {  	s2 =	sld [smem:$0x3FA8]  }
0x29: {  	s4 =	sld [smem:$0x3FAA]  }
0x2a: {  	p0 =	seq.s32 s5, $0x0;
	s5 =	sld [smem:$0x3FAB]  }
0x2b: {  	s6 =	sld [smem:$0x3FAC]  }
0x2c: {  	s7 =	sld [smem:$0x3FAD]  }
0x2d: {  	s3 =	simm.s32 $0x108;
	s8 =	sld [smem:$0x3FAE]  }
0x2e: {  	s3 =	simm.s32 @!p0 $0x1082;
	s9 =	sld [smem:$0x3FAF]  }
0x2f: {  	lr =	sadd.s32 s0, s3;
	s0 =	sld [smem:$0x3FA6]  }
0x30: {  	s3 =	sld [smem:$0x3FA9]  }
0x31: {  	[smem:$0x3FB2] =	sst s10  }
0x32: {  	s10 =	sld [smem:$0x3FB0];
	_ =	sdelay $0x3  }
0x33: {  	p0 =	seq.s32 s10, $0x1;
	s10 =	sld [smem:$0x3FB2];
	_ =	sdelay $0x3  }
0x34: {  	[smem:$0x3FB2] =	sst s10  }
0x35: {  	s10 =	sld [smem:$0x3FB1];
	_ =	sdelay $0x3  }
0x36: {  	p1 =	seq.s32 s10, $0x1;
	s10 =	sld [smem:$0x3FB2];
	_ =	sdelay $0x3  }
0x37: {  	[smem:$0x3FB2] =	sst s10  }
0x38: {  	s10 =	sld [smem:$0x3FB3]  }
0x39: {  	_ = 	snop;
	(pc) =	sbr.ind lr, $3  }
0x3a: {  	_ = 	snop  }
0x3b: {  	_ = 	snop  }
0x3c: {  	p2 =	seq.s32 s10, $0x1;
	s10 =	sld [smem:$0x3FB2]  }
0x3d: {  	_ =	shalt  }
0x3e: {  	_ =	shalt  }
0x3f: {  	_ =	shalt  }
0x40: {  	_ =	shalt  }
0x41: {  	_ =	shalt  }
0x42: {  	_ =	shalt  }
0x43: {  	_ =	shalt  }
0x44: {  	_ =	shalt  }
0x45: {  	_ =	shalt  }
0x46: {  	_ =	shalt  }
0x47: {  	_ =	shalt  }
0x48: {  	_ =	shalt  }
0x49: {  	_ =	shalt  }
0x4a: {  	_ =	shalt  }
0x4b: {  	_ =	shalt  }
0x4c: {  	_ =	shalt  }
0x4d: {  	_ =	shalt  }
0x4e: {  	_ =	shalt  }
0x4f: {  	_ =	shalt  }
0x50: {  	_ =	shalt  }
0x51: {  	_ =	shalt  }
0x52: {  	_ =	shalt  }
0x53: {  	_ =	shalt  }
0x54: {  	_ =	shalt  }
0x55: {  	_ =	shalt  }
0x56: {  	_ =	shalt  }
0x57: {  	_ =	shalt  }
0x58: {  	_ =	shalt  }
0x59: {  	_ =	shalt  }
0x5a: {  	_ =	shalt  }
0x5b: {  	_ =	shalt  }
0x5c: {  	_ =	shalt  }
0x5d: {  	_ =	shalt  }
0x5e: {  	_ =	shalt  }
0x5f: {  	_ =	shalt  }
0x60: {  	_ =	shalt  }
0x61: {  	_ =	shalt  }
0x62: {  	_ =	shalt  }
0x63: {  	_ =	shalt  }
0x64: {  	_ =	shalt  }
0x65: {  	_ =	shalt  }
0x66: {  	_ =	shalt  }
0x67: {  	_ =	shalt  }
0x68: {  	_ =	shalt  }
0x69: {  	_ =	shalt  }
0x6a: {  	_ =	shalt  }
0x6b: {  	_ =	shalt  }
0x6c: {  	_ =	shalt  }
0x6d: {  	_ =	shalt  }
0x6e: {  	_ =	shalt  }
0x6f: {  	_ =	shalt  }
0x70: {  	_ =	shalt  }
0x71: {  	_ =	shalt  }
0x72: {  	_ =	shalt  }
0x73: {  	_ =	shalt  }
0x74: {  	_ =	shalt  }
0x75: {  	_ =	shalt  }
0x76: {  	_ =	shalt  }
0x77: {  	_ =	shalt  }
0x78: {  	_ =	shalt  }
0x79: {  	_ =	shalt  }
0x7a: {  	_ =	shalt  }
0x7b: {  	_ =	shalt  }
0x7c: {  	_ =	shalt  }
0x7d: {  	_ =	shalt  }
0x7e: {  	_ =	shalt  }
0x7f: {  	_ =	shalt  }
0x80: {  	_ =	shalt  }
0x81: {  	_ =	shalt  }
0x82: {  	_ =	shalt  }
0x83: {  	_ =	shalt  }
0x84: {  	_ =	shalt  }
0x85: {  	_ =	shalt  }
0x86: {  	_ =	shalt  }
0x87: {  	_ =	shalt  }
.Lfunc_end0:
.L_simem_size_0:
called_computation_lowered:
.L_overlay_start_0:
0x88: {  	s2 =	sld [smem:$0x3FD9]  }
0x89: {  	s3 =	sld [smem:$0x3FFE];
	_ =	sdelay $0x1  }
0x8a: {  	s1 =	srdreg.scid  }
0x8b: {  	s0 =	sand.u32 $0x1, s1  }
0x8c: {  	s17 =	sshll.u32 s0, $0xA;
	s2 =	sadd.s32 s3, s2  }
0x8d: {  	s2 =	sadd.s32 s2, s17  }
0x8e: {  	[smem:$0x3FBE] =	sst s2  }
0x8f: {  	_ = 	snop  }
0x90: {  	s2 =	sld [smem:$0x3FD0];
	(tm) =	ssettm $0x1  }
0x91: {  	s18 =	sld [smem:$0x3FFB];
	_ =	sdelay $0x3  }
0x92: {  	_ =	strace s18  }
0x93: {  	s3 =	sld [smem:$0x3FFC];
	_ =	sdelay $0x3  }
0x94: {  	_ =	strace s3  }
0x95: {  	s3 =	sld [smem:$0x3FFD];
	_ =	sdelay $0x3  }
0x96: {  	_ =	strace s3  }
0x97: {  	_ =	strace $0x8FFFFFFF  }
0x98: {  	s19 =	sld [smem:$0x3FDB];
	_ =	sdelay $0x1  }
0x99: {  	s4 =	simm.s32 $_scs_section_size  }
0x9a: {  	s5 =	simm.s32 $_size__tile_overlayer_lowered;
	s6 =	simm.s32 $_tile_overlayer_lowered  }
0x9b: {  	s22 =	simm.s32 $0x1BFF;
	s21 =	sshll.u32 s6, $0x1;
	s3 =	sadd.s32 s4, s19  }
0x9c: {  	s7 =	simm.s32 $0x0;
	s20 =	sshll.u32 s5, $0x1;
	s5 =	sadd.s32 s21, s3  }
0x9d: {  	[timem:s7], [sflag:s22] =	dma.local [hbm:s5], s20  }
0x9e: {  	_ =	swait.ge [sflag:s22], s20  }
0x9f: {  	s4 =	ssub.s32 $0x0, s20;
	[sflag:s22] =	ssyncset.done $0x0  }
0xa0: {  	[sflag:s22] =	ssyncadd.s32 s4;
	_ =	sdelay $0x1  }
0xa1: {  	s23 =	simm.s32 $0x1B8B  }
0xa2: {  	_ =	swait.ge [sflag:s23], $0x1  }
0xa3: {  	[sflag:s23] =	ssyncset.done $0x0  }
0xa4: {  	s25 =	simm.s32 $0x1B8E;
	s24 =	sld [smem:$0x3FFE];
	[sflag:s23] =	ssyncadd.s32 $0xFFFFFFFF  }
0xa5: {  	s26 =	simm.s32 $execute0_lowered;
	[smem:$0x3FD2] =	sst s25  }
0xa6: {  	s5 =	sshll.u32 s26, $0x1;
	_ =	strace $0x80000046;
	[dreg:$0x1] =	wrdreg $0xFFFFFFFF  }
0xa7: {  	s28 =	simm.s32 $_size_execute0_lowered;
	s3 =	sadd.s32 s3, s5;
	[dreg:$0x0] =	wrdreg $0x0  }
0xa8: {  	s5 =	sshll.u32 s28, $0x1;
	[dreg:$0x2] =	wrdreg s3  }
0xa9: {  	[dreg:$0x3] =	wrdreg s5  }
0xaa: {  	[dreg:$0x4] =	wrdreg $0xC0  }
0xab: {  	_ =	task [dreg:s7], $0x5FFFF  }
0xac: {  	[dreg:$0x1] =	wrdreg $0xFFFFFFFF  }
0xad: {  	[dreg:$0x0] =	wrdreg $0x60  }
0xae: {  	[dreg:$0x2] =	wrdreg s24  }
0xaf: {  	[dreg:$0x3] =	wrdreg s2  }
0xb0: {  	[dreg:$0x4] =	wrdreg $0xAC000  }
0xb1: {  	[dreg:$0x5] =	wrdreg $0x9  }
0xb2: {  	_ =	task.clear_ibuf [dreg:s7], $0x6FFFF;
	_ =	strace $0x90000046  }
0xb3: {  	s29 =	simm.s32 $0x9;
	_ =	strace $0x80000048  }
0xb4: {  	_ =	swait.ge [sflag:s29], $0x1  }
0xb5: {  	[sflag:s29] =	ssyncadd.s32 $0xFFFFFFFF  }
0xb6: {  	_ =	strace $0x90000048  }
0xb7: {  	_ =	sfence  }
0xb8: {  	s30 =	sld [smem:$0x0];
	_ =	sdelay $0x2  }
0xb9: {  	s31 =	sshll.u32 s1, $0xD;
	s1 =	sshrl.u32 s1, $0x2  }
0xba: {  	s3 =	sand.u32 $0x4000, s31;
	s1 =	sadd.s32 s1, s30  }
0xbb: {  	s0 =	sor.u32 s3, s0;
	s1 =	sshll.u32 s1, $0x11  }
0xbc: {  	s0 =	sor.u32 s1, s0  }
0xbd: {  	s0 =	sadd.s32 $0x8F2B, s0  }
0xbe: {  	[sflag:s0] =	ssyncadd.remote.s32 $0x1  }
0xbf: {  	_ =	sfence.sel $0xFFFF  }
0xc0: {  	[dreg:$0x0] =	wrdreg $0xFFFFFFFF;
	(pc) =	sbr.abs _section_cstart, $3  }
0xc1: {  	[dreg:$0x1] =	wrdreg $0xFFFFFFFF  }
0xc2: {  	_ =	task.clear_ibuf [dreg:s7], $0x2FFFF;
	_ =	strace $0x9FFFFFFF  }
0xc3: {  	(tm) =	ssettm $0x7FFFFFFF  }
tec
execute0_lowered:
.L_overlay_start_1:
0x0: {  	(tag) =	ssettag $0x1  }
0x1: {  	s0 =	rddreg [dreg:$0x0]  }
0x2: {  	s2 =	rddreg [dreg:$0x1]  }
0x3: {  	s3 =	rddreg [dreg:$0x2];
	s1 =	simm.s32 $0x0  }
0x4: {  	s14 =	stileid.u32;
	s7 =	srdreg.scid;
	s28 =	simm.s32 $0x400  }
0x5: {  	s29 =	simm.s32 $0x600;
	s30 =	simm.s32 $0x9;
	s31 =	simm.s32 $0x28  }
0x6: {  	[smem:$0x7FF] =	sst s1;
	s24 =	smul.u32 $0x13800, s14;
	s5 =	sadd.s32 $0x1600, s0  }
0x7: {  	s6 =	sadd.s32 $0x7E800, s0;
	s7 =	sand.u32 $0x1, s7;
	s9 =	smul.u32 $0x4E000, s14  }
0x8: {  	s10 =	sshll.u32 s14, $0x1;
	s11 =	sadd.s32 $0xC5C00, s0;
	s26 =	sshll.u32 s14, $0x6  }
0x9: {  	p0 =	sne.s32 s14, $0xF;
	s14 =	simm.s32 $0xB;
	_ =	strace $0x80000047  }
0xa: {  	s8 =	ssub.s32 $0x2, s7;
	s10 =	sor.u32 s7, s10;
	s7 =	smul.u32 $0x138800, s7  }
0xb: {  	s18 =	sor.u32 $0x1C0D, s26;
	s4 =	sshrl.u32 s24, $0x3;
	s25 =	smul.u32 $0x3E80, s10  }
0xc: {  	s12 =	sshrl.u32 s8, $0x1;
	s9 =	sshrl.u32 s9, $0x2;
	s13 =	smul.u32 $0x1F400, s10  }
0xd: {  	s15 =	smul.u32 $0xFA, s10;
	s10 =	simm.s32 $0x2000;
	[dreg:$0x6] =	wrdreg s18  }
0xe: {  	s4 =	sadd.s32 s4, s0;
	s8 =	ssub.s32 s8, s12;
	s9 =	sadd.s32 s9, s3  }
0xf: {  	s0 =	sadd.s32 $0xC5A00, s0;
	s22 =	sadd.s32 s24, s7;
	[dreg:$0x4] =	wrdreg s9  }
0x10: {  	s23 =	sshrl.u32 s7, $0x3;
	s4 =	sadd.s32 $0x9EA00, s4;
	[dreg:$0x8] =	wrdreg s0  }
0x11: {  	s7 =	simm.s32 $0x5;
	s9 =	sadd.s32 $0x138000, s3;
	[dreg:$0x5] =	wrdreg s4  }
0x12: {  	s12 =	sadd.s32 s5, s25;
	s13 =	sshrl.u32 s13, $0x3;
	[dreg:$0x7] =	wrdreg s9  }
0x13: {  	s20 =	sadd.s32 $0x6, s15;
	s21 =	sadd.s32 $0x7, s15;
	[dreg:$0x9] =	wrdreg s12  }
0x14: {  	s24 =	sadd.s32 $0x8, s15;
	s1 =	sadd.s32 s11, s23;
	[dreg:$0xf] =	wrdreg s20  }
0x15: {  	s26 =	smax.u32 s8, $0x1;
	s8 =	simm.s32 $0xA;
	[dreg:$0x10] =	wrdreg s21  }
0x16: {  	s23 =	simm.s32 $0x4800;
	s9 =	sadd.s32 $0x40, s12;
	[dreg:$0x11] =	wrdreg s24  }
0x17: {  	s0 =	sadd.s32 s5, s13;
	s21 =	sadd.s32 $0x9, s15;
	[dreg:$0x14] =	wrdreg s26  }
0x18: {  	s25 =	sadd.s32 $0x27000, s1;
	s26 =	simm.s32 $0x200;
	[dreg:$0xa] =	wrdreg s9  }
0x19: {  	s15 =	simm.s32 $0x3400;
	s16 =	sadd.s32 $0x80, s0;
	[dreg:$0x13] =	wrdreg s25  }
0x1a: {  	s4 =	simm.s32 $0x1;
	s17 =	sadd.s32 $0xC0, s0;
	[dreg:$0xb] =	wrdreg s16  }
0x1b: {  	s13 =	simm.s32 $0x3;
	s19 =	sadd.s32 $0x100, s0;
	[dreg:$0xc] =	wrdreg s17  }
0x1c: {  	s24 =	simm.s32 $0x8;
	s0 =	sadd.s32 $0x140, s0;
	[dreg:$0xd] =	wrdreg s19  }
0x1d: {  	s20 =	simm.s32 $0x0;
	s9 =	simm.s32 $0x2;
	[dreg:$0xe] =	wrdreg s0  }
0x1e: {  	s0 =	sshrl.u32 s22, $0x3;
	s19 =	simm.s32 $0xD;
	s22 =	simm.s32 $0xC  }
0x1f: {  	s16 =	simm.s32 $0x4;
	s17 =	simm.s32 $0x7;
	s0 =	sadd.s32 s11, s0  }
0x20: {  	s11 =	simm.s32 $0x6;
	[dreg:$0x12] =	wrdreg s0;
	s0 =	simm.s32 $0xC00  }
.LBB2_1:
0x21: {  	s1 =	rddreg [dreg:$0x4]  }
0x22: {  	s25 =	rddreg [dreg:$0x5];
	s12 =	sshrl.u32 s1, $0x3  }
0x23: {  	[dreg:$0x16] =	wrdreg s12  }
0x24: {  	[spmem:s12], [sflag:s18] =	dma.local [hbm:s25], $0x2700  }
0x25: {  	_ =	swait.ge [sflag:s19], $0x2700  }
0x26: {  	s1 =	rddreg [dreg:$0x7]  }
0x27: {  	[sflag:s19] =	ssyncset.done $0x0;
	s12 =	sshrl.u32 @!p0 s1, $0x3;
	s1 =	rddreg [dreg:$0x8]  }
0x28: {  	[sflag:s19] =	ssyncadd.s32 $0xFFFFD900;
	[dreg:$0x17] =	wrdreg s12  }
0x29: {  	[spmem:s12], [sflag:s18] =	dma.local @!p0 [hbm:s1], $0x100  }
0x2a: {  	s1 =	simm.s32 @!p0 $0xD  }
0x2b: {  	_ =	swait.ge @!p0 [sflag:s1], $0x100  }
0x2c: {  	[sflag:s1] =	ssyncset.done @!p0 $0x0  }
0x2d: {  	[sflag:s1] =	ssyncadd.s32 @!p0 $0xFFFFFF00  }
0x2e: {  	[bflag:$0x0] =	sbarrier.arrive $0xFFFF  }
0x2f: {  	s1 =	simm.s32 $0x0;
	s18 =	rddreg [dreg:$0x9]  }
0x30: {  	[tilespmem:s1], [sflag:$0x9] =	stream.linear.gather [hbm4b:s18+s1], $0x180, $0x38;
	[tilespmem:$0x1E480] =	vst v63  }
0x31: {  	s19 =	rddreg [dreg:$0xa]  }
0x32: {  	[tilespmem:s26], [sflag:$0xA] =	stream.linear.gather [hbm4b:s19+s1], $0x180, $0x38;
	[tilespmem:$0x1E480] =	vst v63  }
0x33: {  	s25 =	rddreg [dreg:$0xb]  }
0x34: {  	[tilespmem:s28], [sflag:$0xB] =	stream.linear.gather [hbm4b:s25+s1], $0x180, $0x38;
	[tilespmem:$0x1E480] =	vst v63  }
0x35: {  	s18 =	rddreg [dreg:$0xc]  }
0x36: {  	[tilespmem:s29], [sflag:$0xC] =	stream.linear.gather [hbm4b:s18+s1], $0x180, $0x38;
	[tilespmem:$0x1E480] =	vst v63  }
0x37: {  	_ =	swait.ge [sflag:s30], $0x180  }
0x38: {  	[sflag:s30] =	ssyncset.done $0x0  }
0x39: {  	[sflag:s30] =	ssyncadd.s32 $0xFFFFFE80  }
0x3a: {  	v0 =	vld [tilespmem:$0x100];
	_ =	sdelay $0x2  }
0x3b: {  	v1 =	vld [tilespmem:$0x110]  }
0x3c: {  	v2 =	vld [tilespmem:$0x118]  }
0x3d: {  	v0 =	vmul.f32 $1.638400020e+03, v0;
	_ =	sdelay $0x1  }
0x3e: {  	v0 =	vadd.f32 $5.000000000e-01, v0  }
0x3f: {  	v1 =	vmul.f32 $1.638400020e+03, v1  }
0x40: {  	v2 =	vmul.f32 $1.638400020e+03, v2;
	v0 =	vtrunc.f32 v0  }
0x41: {  	v3 =	vld [tilespmem:$0x80];
	v1 =	vadd.f32 $5.000000000e-01, v1;
	v0 =	vcvt.f32.s32 v0  }
0x42: {  	v4 =	vld [tilespmem:$0x90];
	v2 =	vadd.f32 $5.000000000e-01, v2  }
0x43: {  	v1 =	vtrunc.f32 v1;
	vm0 =	vlt.s32 v0, $0x2007  }
0x44: {  	v2 =	vtrunc.f32 v2;
	v1 =	vcvt.f32.s32 v1;
	v0 =	vnsel vm0, $0x2007, v0  }
0x45: {  	[tilespmem:$0x800] =	vst v0;
	v0 =	vcvt.f32.s32 v2;
	v2 =	vld [tilespmem:$0x98]  }
0x46: {  	[tilespmem:$0xA00] =	vst v3;
	vm5 =	vlt.s32 v1, $0x2007  }
0x47: {  	[tilespmem:$0xA10] =	vst v4;
	v1 =	vnsel vm5, $0x2007, v1;
	vm6 =	vlt.s32 v0, $0x2007  }
0x48: {  	[tilespmem:$0x810] =	vst v1;
	v0 =	vnsel vm6, $0x2007, v0  }
0x49: {  	[tilespmem:$0x818] =	vst v0  }
0x4a: {  	[tilespmem:$0xA18] =	vst v2  }
0x4b: {  	[tilespmem:s0], [sflag:$0x1] =	stream.indirect.gather [hbm4b:s2+s31], $0x80, s1, s31, $0xb8;
	[tilespmem:$0x1E480] =	vst v63  }
0x4c: {  	s19 =	simm.s32 $0x800;
	s25 =	simm.s32 $0x5C00  }
0x4d: {  	[tilespmem:s25], [sflag:$0x1] =	stream.indirect.gather [hbm4b:s6+s31], $0x80, s19, s31, $0xb8;
	[tilespmem:$0x1E480] =	vst v63  }
0x4e: {  	_ =	swait.ge [sflag:s8], $0x180  }
0x4f: {  	[sflag:s8] =	ssyncset.done $0x0  }
0x50: {  	[sflag:s8] =	ssyncadd.s32 $0xFFFFFE80  }
0x51: {  	v0 =	vld [tilespmem:$0x300];
	_ =	sdelay $0x2  }
0x52: {  	v1 =	vld [tilespmem:$0x310]  }
0x53: {  	v2 =	vld [tilespmem:$0x318]  }
0x54: {  	v0 =	vmul.f32 $1.638400020e+03, v0;
	_ =	sdelay $0x1  }
0x55: {  	v0 =	vadd.f32 $5.000000000e-01, v0  }
0x56: {  	v1 =	vmul.f32 $1.638400020e+03, v1  }
0x57: {  	v2 =	vmul.f32 $1.638400020e+03, v2;
	v0 =	vtrunc.f32 v0  }
0x58: {  	v3 =	vld [tilespmem:$0x280];
	v1 =	vadd.f32 $5.000000000e-01, v1;
	v0 =	vcvt.f32.s32 v0  }
0x59: {  	v4 =	vld [tilespmem:$0x290];
	v2 =	vadd.f32 $5.000000000e-01, v2  }
0x5a: {  	v1 =	vtrunc.f32 v1;
	vm7 =	vlt.s32 v0, $0x2007  }
0x5b: {  	v2 =	vtrunc.f32 v2;
	v1 =	vcvt.f32.s32 v1;
	v0 =	vnsel vm7, $0x2007, v0  }
0x5c: {  	[tilespmem:$0x880] =	vst v0;
	v0 =	vcvt.f32.s32 v2;
	v2 =	vld [tilespmem:$0x298]  }
0x5d: {  	[tilespmem:$0xA80] =	vst v3;
	vm8 =	vlt.s32 v1, $0x2007  }
0x5e: {  	[tilespmem:$0xA90] =	vst v4;
	v1 =	vnsel vm8, $0x2007, v1;
	vm9 =	vlt.s32 v0, $0x2007  }
0x5f: {  	[tilespmem:$0x890] =	vst v1;
	v0 =	vnsel vm9, $0x2007, v0  }
0x60: {  	[tilespmem:$0x898] =	vst v0  }
0x61: {  	[tilespmem:$0xA98] =	vst v2  }
0x62: {  	[tilespmem:s10], [sflag:$0x2] =	stream.indirect.gather [hbm4b:s2+s31], $0x80, s26, s31, $0xb8;
	[tilespmem:$0x1E480] =	vst v63  }
0x63: {  	s19 =	simm.s32 $0x880;
	s25 =	simm.s32 $0x7000  }
0x64: {  	[tilespmem:s25], [sflag:$0x2] =	stream.indirect.gather [hbm4b:s6+s31], $0x80, s19, s31, $0xb8;
	[tilespmem:$0x1E480] =	vst v63  }
0x65: {  	_ =	swait.ge [sflag:s14], $0x180  }
0x66: {  	[sflag:s14] =	ssyncset.done $0x0  }
0x67: {  	[sflag:s14] =	ssyncadd.s32 $0xFFFFFE80  }
0x68: {  	v0 =	vld [tilespmem:$0x500];
	_ =	sdelay $0x2  }
0x69: {  	v1 =	vld [tilespmem:$0x510]  }
0x6a: {  	v2 =	vld [tilespmem:$0x518]  }
0x6b: {  	v0 =	vmul.f32 $1.638400020e+03, v0;
	_ =	sdelay $0x1  }
0x6c: {  	v0 =	vadd.f32 $5.000000000e-01, v0  }
0x6d: {  	v1 =	vmul.f32 $1.638400020e+03, v1  }
0x6e: {  	v2 =	vmul.f32 $1.638400020e+03, v2;
	v0 =	vtrunc.f32 v0  }
0x6f: {  	v3 =	vld [tilespmem:$0x480];
	v1 =	vadd.f32 $5.000000000e-01, v1;
	v0 =	vcvt.f32.s32 v0  }
0x70: {  	v4 =	vld [tilespmem:$0x490];
	v2 =	vadd.f32 $5.000000000e-01, v2  }
0x71: {  	v1 =	vtrunc.f32 v1;
	vm10 =	vlt.s32 v0, $0x2007  }
0x72: {  	v2 =	vtrunc.f32 v2;
	v1 =	vcvt.f32.s32 v1;
	v0 =	vnsel vm10, $0x2007, v0  }
0x73: {  	[tilespmem:$0x900] =	vst v0;
	v0 =	vcvt.f32.s32 v2;
	v2 =	vld [tilespmem:$0x498]  }
0x74: {  	[tilespmem:$0xB00] =	vst v3;
	vm11 =	vlt.s32 v1, $0x2007  }
0x75: {  	[tilespmem:$0xB10] =	vst v4;
	v1 =	vnsel vm11, $0x2007, v1;
	vm12 =	vlt.s32 v0, $0x2007  }
0x76: {  	[tilespmem:$0x910] =	vst v1;
	v0 =	vnsel vm12, $0x2007, v0  }
0x77: {  	[tilespmem:$0x918] =	vst v0  }
0x78: {  	[tilespmem:$0xB18] =	vst v2  }
0x79: {  	[tilespmem:s15], [sflag:$0x3] =	stream.indirect.gather [hbm4b:s2+s31], $0x80, s28, s31, $0xb8;
	[tilespmem:$0x1E480] =	vst v63  }
0x7a: {  	s19 =	simm.s32 $0x900;
	s25 =	simm.s32 $0x8400  }
0x7b: {  	[tilespmem:s25], [sflag:$0x3] =	stream.indirect.gather [hbm4b:s6+s31], $0x80, s19, s31, $0xb8;
	[tilespmem:$0x1E480] =	vst v63  }
0x7c: {  	_ =	swait.ge [sflag:s22], $0x180  }
0x7d: {  	[sflag:s22] =	ssyncset.done $0x0  }
0x7e: {  	[sflag:s22] =	ssyncadd.s32 $0xFFFFFE80  }
0x7f: {  	v0 =	vld [tilespmem:$0x700];
	_ =	sdelay $0x2  }
0x80: {  	v1 =	vld [tilespmem:$0x710]  }
0x81: {  	v2 =	vld [tilespmem:$0x718]  }
0x82: {  	v0 =	vmul.f32 $1.638400020e+03, v0;
	_ =	sdelay $0x1  }
0x83: {  	v0 =	vadd.f32 $5.000000000e-01, v0  }
0x84: {  	v1 =	vmul.f32 $1.638400020e+03, v1  }
0x85: {  	v2 =	vmul.f32 $1.638400020e+03, v2;
	v0 =	vtrunc.f32 v0  }
0x86: {  	v3 =	vld [tilespmem:$0x680];
	v1 =	vadd.f32 $5.000000000e-01, v1;
	v0 =	vcvt.f32.s32 v0  }
0x87: {  	v4 =	vld [tilespmem:$0x690];
	v2 =	vadd.f32 $5.000000000e-01, v2  }
0x88: {  	v1 =	vtrunc.f32 v1;
	vm13 =	vlt.s32 v0, $0x2007  }
0x89: {  	v2 =	vtrunc.f32 v2;
	v1 =	vcvt.f32.s32 v1;
	v0 =	vnsel vm13, $0x2007, v0  }
0x8a: {  	[tilespmem:$0x980] =	vst v0;
	v0 =	vcvt.f32.s32 v2;
	v2 =	vld [tilespmem:$0x698]  }
0x8b: {  	[tilespmem:$0xB80] =	vst v3;
	vm14 =	vlt.s32 v1, $0x2007  }
0x8c: {  	[tilespmem:$0xB90] =	vst v4;
	v1 =	vnsel vm14, $0x2007, v1;
	vm15 =	vlt.s32 v0, $0x2007  }
0x8d: {  	[tilespmem:$0x990] =	vst v1;
	v0 =	vnsel vm15, $0x2007, v0  }
0x8e: {  	[tilespmem:$0x998] =	vst v0  }
0x8f: {  	[tilespmem:$0xB98] =	vst v2  }
0x90: {  	[tilespmem:s23], [sflag:$0x4] =	stream.indirect.gather [hbm4b:s2+s31], $0x80, s29, s31, $0xb8;
	[tilespmem:$0x1E480] =	vst v63  }
0x91: {  	s18 =	simm.s32 $0x980;
	s19 =	simm.s32 $0x9800  }
0x92: {  	[tilespmem:s19], [sflag:$0x4] =	stream.indirect.gather [hbm4b:s6+s31], $0x80, s18, s31, $0xb8;
	[tilespmem:$0x1E480] =	vst v63  }
0x93: {  	_ =	swait.ge [sflag:s4], $0x1400  }
0x94: {  	[sflag:s4] =	ssyncset.done $0x0  }
0x95: {  	[sflag:s4] =	ssyncadd.s32 $0xFFFFEC00  }
0x96: {  	_ =	swait.ge [sflag:s4], $0x1400  }
0x97: {  	[sflag:s4] =	ssyncset.done $0x0  }
0x98: {  	s25 =	rddreg [dreg:$0xd];
	[sflag:s4] =	ssyncadd.s32 $0xFFFFEC00  }
0x99: {  	[tilespmem:s1], [sflag:$0x9] =	stream.linear.gather [hbm4b:s25+s1], $0x180, $0x38;
	[tilespmem:$0x1E480] =	vst v63  }
0x9a: {  	s1 =	simm.s32 $0x0  }
0x9b: {  	v7 =	vld [tilespmem:s1+$0x5C00]  }
0x9c: {  	v11 =	vld [tilespmem:s1+$0x5C10]  }
0x9d: {  	v5 =	vld [tilespmem:s1+$0x5C20]  }
0x9e: {  	v4 =	vld [tilespmem:s1+$0x5C30]  }
0x9f: {  	v3 =	vld [tilespmem:s1+$0x5C40]  }
0xa0: {  	v2 =	vld [tilespmem:s1+$0x5C50]  }
0xa1: {  	v1 =	vld [tilespmem:s1+$0x5C60]  }
0xa2: {  	v0 =	vld [tilespmem:s1+$0x5C70]  }
0xa3: {  	v12 =	vld [tilespmem:s1+$0xC00]  }
0xa4: {  	v13 =	vld [tilespmem:s1+$0xC10]  }
0xa5: {  	v10 =	vld [tilespmem:s1+$0xC20]  }
0xa6: {  	v9 =	vld [tilespmem:s1+$0xC30]  }
0xa7: {  	v8 =	vld [tilespmem:s1+$0xC40]  }
0xa8: {  	v6 =	vld [tilespmem:s1+$0xC50];
	v12 =	vmul.f32 v7, v12  }
0xa9: {  	s12 =	simm.s32 $0x200;
	v11 =	vmul.f32 v11, v13;
	v7 =	vld [tilespmem:s1+$0xC60]  }
.LBB2_2:
0xaa: {  	s18 =	sshra.s32 s12, $0x2;
	p1 =	sne.s32 s12, $0x4E00;
	[tilespmem:s1+$0xC00] =	vst v12;
	v5 =	vmul.f32 v5, v10;
	v10 =	vld [tilespmem:s1+$0xC70]  }
0xab: {  	v12 =	vld [tilespmem:s18+$0x5C00];
	[tilespmem:s1+$0xC10] =	vst v11;
	v4 =	vmul.f32 v4, v9  }
0xac: {  	v11 =	vld [tilespmem:s18+$0x5C10];
	[tilespmem:s1+$0xC20] =	vst v5;
	v3 =	vmul.f32 v3, v8  }
0xad: {  	v5 =	vld [tilespmem:s18+$0x5C20];
	[tilespmem:s1+$0xC30] =	vst v4;
	v2 =	vmul.f32 v2, v6  }
0xae: {  	v4 =	vld [tilespmem:s18+$0x5C30];
	[tilespmem:s1+$0xC40] =	vst v3;
	v1 =	vmul.f32 v1, v7  }
0xaf: {  	v3 =	vld [tilespmem:s18+$0x5C40];
	[tilespmem:s1+$0xC50] =	vst v2;
	v0 =	vmul.f32 v0, v10  }
0xb0: {  	v2 =	vld [tilespmem:s18+$0x5C50];
	[tilespmem:s1+$0xC60] =	vst v1  }
0xb1: {  	v1 =	vld [tilespmem:s18+$0x5C60];
	[tilespmem:s1+$0xC70] =	vst v0;
	s1 =	smov.u32 s18  }
0xb2: {  	v0 =	vld [tilespmem:s1+$0x5C70]  }
0xb3: {  	v6 =	vld [tilespmem:s1+$0xC00]  }
0xb4: {  	v7 =	vld [tilespmem:s1+$0xC10]  }
.Ltmp0:
0xb5: {  	v10 =	vld [tilespmem:s1+$0xC20];
	(pc) =	sbr.rel @p1 .LBB2_2-.Ltmp0, $4  }
0xb6: {  	v9 =	vld [tilespmem:s1+$0xC30]  }
0xb7: {  	v8 =	vld [tilespmem:s1+$0xC40]  }
0xb8: {  	v12 =	vmul.f32 v12, v6;
	v6 =	vld [tilespmem:s1+$0xC50]  }
0xb9: {  	s12 =	sadd.s32 $0x200, s12;
	v11 =	vmul.f32 v11, v7;
	v7 =	vld [tilespmem:s1+$0xC60]  }
0xba: {  	[tilespmem:s1+$0xC00] =	vst v12;
	v5 =	vmul.f32 v5, v10;
	v10 =	vld [tilespmem:s1+$0xC70]  }
0xbb: {  	[tilespmem:s1+$0xC10] =	vst v11;
	v4 =	vmul.f32 v4, v9  }
0xbc: {  	[tilespmem:s1+$0xC20] =	vst v5;
	v3 =	vmul.f32 v3, v8  }
0xbd: {  	[tilespmem:s1+$0xC30] =	vst v4;
	v2 =	vmul.f32 v2, v6  }
0xbe: {  	[tilespmem:s1+$0xC40] =	vst v3;
	v1 =	vmul.f32 v1, v7  }
0xbf: {  	[tilespmem:s1+$0xC50] =	vst v2;
	v0 =	vmul.f32 v0, v10  }
0xc0: {  	[tilespmem:s1+$0xC60] =	vst v1  }
0xc1: {  	[dreg:$0x15] =	wrdreg s20;
	s20 =	simm.s32 $0xA00;
	[tilespmem:s1+$0xC70] =	vst v0  }
0xc2: {  	[spmem:s3] =	stream.indirect.scatter.add.f32 [tilespmem:s0], [sflag:$0x5], $0x80, s20, s31, $0xb8;
	[tilespmem:$0x1E480] =	vst v63  }
0xc3: {  	_ =	swait.ge [sflag:s9], $0x1400  }
0xc4: {  	[sflag:s9] =	ssyncset.done $0x0  }
0xc5: {  	[sflag:s9] =	ssyncadd.s32 $0xFFFFEC00  }
0xc6: {  	_ =	swait.ge [sflag:s9], $0x1400  }
0xc7: {  	s25 =	simm.s32 $0x0;
	[sflag:s9] =	ssyncset.done $0x0  }
0xc8: {  	s1 =	simm.s32 $0x0;
	s12 =	rddreg [dreg:$0xe];
	[sflag:s9] =	ssyncadd.s32 $0xFFFFEC00  }
0xc9: {  	[tilespmem:s26], [sflag:$0xA] =	stream.linear.gather [hbm4b:s12+s25], $0x180, $0x38;
	[tilespmem:$0x1E480] =	vst v63  }
0xca: {  	v7 =	vld [tilespmem:s1+$0x7000]  }
0xcb: {  	v11 =	vld [tilespmem:s1+$0x7010]  }
0xcc: {  	v5 =	vld [tilespmem:s1+$0x7020]  }
0xcd: {  	v4 =	vld [tilespmem:s1+$0x7030]  }
0xce: {  	v3 =	vld [tilespmem:s1+$0x7040]  }
0xcf: {  	v2 =	vld [tilespmem:s1+$0x7050]  }
0xd0: {  	v1 =	vld [tilespmem:s1+$0x7060]  }
0xd1: {  	v0 =	vld [tilespmem:s1+$0x7070]  }
0xd2: {  	v12 =	vld [tilespmem:s1+$0x2000]  }
0xd3: {  	v13 =	vld [tilespmem:s1+$0x2010]  }
0xd4: {  	v10 =	vld [tilespmem:s1+$0x2020]  }
0xd5: {  	v9 =	vld [tilespmem:s1+$0x2030]  }
0xd6: {  	v8 =	vld [tilespmem:s1+$0x2040]  }
0xd7: {  	v6 =	vld [tilespmem:s1+$0x2050];
	v12 =	vmul.f32 v7, v12  }
0xd8: {  	s12 =	simm.s32 $0x200;
	v11 =	vmul.f32 v11, v13;
	v7 =	vld [tilespmem:s1+$0x2060]  }
.LBB2_4:
0xd9: {  	s18 =	sshra.s32 s12, $0x2;
	p1 =	sne.s32 s12, $0x4E00;
	[tilespmem:s1+$0x2000] =	vst v12;
	v5 =	vmul.f32 v5, v10;
	v10 =	vld [tilespmem:s1+$0x2070]  }
0xda: {  	v12 =	vld [tilespmem:s18+$0x7000];
	[tilespmem:s1+$0x2010] =	vst v11;
	v4 =	vmul.f32 v4, v9  }
0xdb: {  	v11 =	vld [tilespmem:s18+$0x7010];
	[tilespmem:s1+$0x2020] =	vst v5;
	v3 =	vmul.f32 v3, v8  }
0xdc: {  	v5 =	vld [tilespmem:s18+$0x7020];
	[tilespmem:s1+$0x2030] =	vst v4;
	v2 =	vmul.f32 v2, v6  }
0xdd: {  	v4 =	vld [tilespmem:s18+$0x7030];
	[tilespmem:s1+$0x2040] =	vst v3;
	v1 =	vmul.f32 v1, v7  }
0xde: {  	v3 =	vld [tilespmem:s18+$0x7040];
	[tilespmem:s1+$0x2050] =	vst v2;
	v0 =	vmul.f32 v0, v10  }
0xdf: {  	v2 =	vld [tilespmem:s18+$0x7050];
	[tilespmem:s1+$0x2060] =	vst v1  }
0xe0: {  	v1 =	vld [tilespmem:s18+$0x7060];
	[tilespmem:s1+$0x2070] =	vst v0;
	s1 =	smov.u32 s18  }
0xe1: {  	v0 =	vld [tilespmem:s1+$0x7070]  }
0xe2: {  	v6 =	vld [tilespmem:s1+$0x2000]  }
0xe3: {  	v7 =	vld [tilespmem:s1+$0x2010]  }
.Ltmp1:
0xe4: {  	v10 =	vld [tilespmem:s1+$0x2020];
	(pc) =	sbr.rel @p1 .LBB2_4-.Ltmp1, $4  }
0xe5: {  	v9 =	vld [tilespmem:s1+$0x2030]  }
0xe6: {  	v8 =	vld [tilespmem:s1+$0x2040]  }
0xe7: {  	v12 =	vmul.f32 v12, v6;
	v6 =	vld [tilespmem:s1+$0x2050]  }
0xe8: {  	s12 =	sadd.s32 $0x200, s12;
	v11 =	vmul.f32 v11, v7;
	v7 =	vld [tilespmem:s1+$0x2060]  }
0xe9: {  	[tilespmem:s1+$0x2000] =	vst v12;
	v5 =	vmul.f32 v5, v10;
	v63 =	vld [tilespmem:s1+$0x2070]  }
0xea: {  	[tilespmem:s1+$0x2010] =	vst v11;
	v4 =	vmul.f32 v4, v9  }
0xeb: {  	[tilespmem:s1+$0x2020] =	vst v5;
	v3 =	vmul.f32 v3, v8  }
0xec: {  	[tilespmem:s1+$0x2030] =	vst v4;
	v2 =	vmul.f32 v2, v6  }
0xed: {  	[tilespmem:s1+$0x2040] =	vst v3;
	v1 =	vmul.f32 v1, v7  }
0xee: {  	[tilespmem:s1+$0x2050] =	vst v2;
	v0 =	vmul.f32 v0, v63  }
0xef: {  	[tilespmem:s1+$0x2060] =	vst v1  }
0xf0: {  	s25 =	simm.s32 $0xA80;
	[tilespmem:s1+$0x2070] =	vst v0  }
0xf1: {  	[spmem:s3] =	stream.indirect.scatter.add.f32 [tilespmem:s10], [sflag:$0x6], $0x80, s25, s31, $0xb8;
	[tilespmem:$0x1E480] =	vst v63  }
0xf2: {  	s12 =	simm.s32 $0x0;
	s25 =	simm.s32 $0x0  }
.LBB2_6:
0xf3: {  	_ =	swait.ge [sflag:s30], $0x180  }
0xf4: {  	[sflag:s30] =	ssyncset.done $0x0  }
0xf5: {  	[sflag:s30] =	ssyncadd.s32 $0xFFFFFE80  }
0xf6: {  	_ =	swait.ge [sflag:s7], $0x1400  }
0xf7: {  	[sflag:s7] =	ssyncset.done $0x0  }
0xf8: {  	[sflag:s7] =	ssyncadd.s32 $0xFFFFEC00  }
0xf9: {  	v0 =	vld [tilespmem:$0x100];
	_ =	sdelay $0x2  }
0xfa: {  	v1 =	vld [tilespmem:$0x110]  }
0xfb: {  	v2 =	vld [tilespmem:$0x118]  }
0xfc: {  	v0 =	vmul.f32 $1.638400020e+03, v0;
	_ =	sdelay $0x1  }
0xfd: {  	v0 =	vadd.f32 $5.000000000e-01, v0  }
0xfe: {  	v1 =	vmul.f32 $1.638400020e+03, v1  }
0xff: {  	v2 =	vmul.f32 $1.638400020e+03, v2;
	v0 =	vtrunc.f32 v0  }
0x100: {  	v3 =	vld [tilespmem:$0x80];
	v1 =	vadd.f32 $5.000000000e-01, v1;
	v0 =	vcvt.f32.s32 v0  }
0x101: {  	v4 =	vld [tilespmem:$0x90];
	v2 =	vadd.f32 $5.000000000e-01, v2  }
0x102: {  	v1 =	vtrunc.f32 v1;
	vm0 =	vlt.s32 v0, $0x2007  }
0x103: {  	v2 =	vtrunc.f32 v2;
	v1 =	vcvt.f32.s32 v1;
	v0 =	vnsel vm0, $0x2007, v0  }
0x104: {  	[tilespmem:$0x800] =	vst v0;
	v0 =	vcvt.f32.s32 v2;
	v2 =	vld [tilespmem:$0x98]  }
0x105: {  	[tilespmem:$0xA00] =	vst v3;
	vm11 =	vlt.s32 v1, $0x2007  }
0x106: {  	[tilespmem:$0xA10] =	vst v4;
	v1 =	vnsel vm11, $0x2007, v1;
	vm12 =	vlt.s32 v0, $0x2007  }
0x107: {  	[tilespmem:$0x810] =	vst v1;
	v0 =	vnsel vm12, $0x2007, v0  }
0x108: {  	[tilespmem:$0x818] =	vst v0  }
0x109: {  	[tilespmem:$0xA18] =	vst v2  }
0x10a: {  	[tilespmem:s0], [sflag:$0x1] =	stream.indirect.gather [hbm4b:s2+s31], $0x80, s12, s31, $0xb8;
	[tilespmem:$0x1E480] =	vst v63  }
0x10b: {  	s1 =	simm.s32 $0x800;
	s18 =	simm.s32 $0x5C00  }
0x10c: {  	[tilespmem:s18], [sflag:$0x1] =	stream.indirect.gather [hbm4b:s6+s31], $0x80, s1, s31, $0xb8;
	[tilespmem:$0x1E480] =	vst v63  }
0x10d: {  	_ =	swait.ge [sflag:s8], $0x180  }
0x10e: {  	[sflag:s8] =	ssyncset.done $0x0  }
0x10f: {  	[sflag:s8] =	ssyncadd.s32 $0xFFFFFE80  }
0x110: {  	_ =	swait.ge [sflag:s11], $0x1400  }
0x111: {  	[sflag:s11] =	ssyncset.done $0x0  }
0x112: {  	[sflag:s11] =	ssyncadd.s32 $0xFFFFEC00  }
0x113: {  	v0 =	vld [tilespmem:$0x300];
	_ =	sdelay $0x2  }
0x114: {  	v1 =	vld [tilespmem:$0x310]  }
0x115: {  	v2 =	vld [tilespmem:$0x318]  }
0x116: {  	v0 =	vmul.f32 $1.638400020e+03, v0;
	_ =	sdelay $0x1  }
0x117: {  	v0 =	vadd.f32 $5.000000000e-01, v0  }
0x118: {  	v1 =	vmul.f32 $1.638400020e+03, v1  }
0x119: {  	v2 =	vmul.f32 $1.638400020e+03, v2;
	v0 =	vtrunc.f32 v0  }
0x11a: {  	v3 =	vld [tilespmem:$0x280];
	v1 =	vadd.f32 $5.000000000e-01, v1;
	v0 =	vcvt.f32.s32 v0  }
0x11b: {  	v4 =	vld [tilespmem:$0x290];
	v2 =	vadd.f32 $5.000000000e-01, v2  }
0x11c: {  	v1 =	vtrunc.f32 v1;
	vm13 =	vlt.s32 v0, $0x2007  }
0x11d: {  	v2 =	vtrunc.f32 v2;
	v1 =	vcvt.f32.s32 v1;
	v0 =	vnsel vm13, $0x2007, v0  }
0x11e: {  	[tilespmem:$0x880] =	vst v0;
	v0 =	vcvt.f32.s32 v2;
	v2 =	vld [tilespmem:$0x298]  }
0x11f: {  	[tilespmem:$0xA80] =	vst v3;
	vm14 =	vlt.s32 v1, $0x2007  }
0x120: {  	[tilespmem:$0xA90] =	vst v4;
	v1 =	vnsel vm14, $0x2007, v1;
	vm15 =	vlt.s32 v0, $0x2007  }
0x121: {  	[tilespmem:$0x890] =	vst v1;
	v0 =	vnsel vm15, $0x2007, v0  }
0x122: {  	[tilespmem:$0x898] =	vst v0  }
0x123: {  	[tilespmem:$0xA98] =	vst v2  }
0x124: {  	[tilespmem:s10], [sflag:$0x2] =	stream.indirect.gather [hbm4b:s2+s31], $0x80, s26, s31, $0xb8;
	[tilespmem:$0x1E480] =	vst v63  }
0x125: {  	s19 =	simm.s32 $0x7000;
	s18 =	simm.s32 $0x880  }
0x126: {  	[tilespmem:s19], [sflag:$0x2] =	stream.indirect.gather [hbm4b:s6+s31], $0x80, s18, s31, $0xb8;
	[tilespmem:$0x1E480] =	vst v63  }
0x127: {  	_ =	swait.ge [sflag:s13], $0x1400  }
0x128: {  	s1 =	sshll.u32 s25, $0x2;
	[sflag:s13] =	ssyncset.done $0x0;
	s20 =	rddreg [dreg:$0xf]  }
0x129: {  	[sflag:s13] =	ssyncadd.s32 $0xFFFFEC00;
	s18 =	sadd.s32 s1, s20  }
0x12a: {  	_ =	swait.ge [sflag:s13], $0x1400;
	s18 =	sshll.u32 s18, $0x6  }
0x12b: {  	[sflag:s13] =	ssyncset.done $0x0;
	s18 =	sand.u32 $0x1FFFFF80, s18  }
0x12c: {  	[sflag:s13] =	ssyncadd.s32 $0xFFFFEC00;
	s18 =	sadd.s32 s5, s18  }
0x12d: {  	[tilespmem:s28], [sflag:$0xB] =	stream.linear.gather [hbm4b:s18+s12], $0x180, $0x38;
	[tilespmem:$0x1E480] =	vst v63  }
0x12e: {  	s18 =	simm.s32 $0x0  }
0x12f: {  	v7 =	vld [tilespmem:s18+$0x8400]  }
0x130: {  	v11 =	vld [tilespmem:s18+$0x8410]  }
0x131: {  	v5 =	vld [tilespmem:s18+$0x8420]  }
0x132: {  	v4 =	vld [tilespmem:s18+$0x8430]  }
0x133: {  	v3 =	vld [tilespmem:s18+$0x8440]  }
0x134: {  	v2 =	vld [tilespmem:s18+$0x8450]  }
0x135: {  	v1 =	vld [tilespmem:s18+$0x8460]  }
0x136: {  	v0 =	vld [tilespmem:s18+$0x8470]  }
0x137: {  	v12 =	vld [tilespmem:s18+$0x3400]  }
0x138: {  	v13 =	vld [tilespmem:s18+$0x3410]  }
0x139: {  	v10 =	vld [tilespmem:s18+$0x3420]  }
0x13a: {  	v9 =	vld [tilespmem:s18+$0x3430]  }
0x13b: {  	v8 =	vld [tilespmem:s18+$0x3440]  }
0x13c: {  	v6 =	vld [tilespmem:s18+$0x3450];
	v12 =	vmul.f32 v7, v12  }
0x13d: {  	s19 =	simm.s32 $0x200;
	v11 =	vmul.f32 v11, v13;
	v7 =	vld [tilespmem:s18+$0x3460]  }
.LBB2_7:
0x13e: {  	s20 =	sshra.s32 s19, $0x2;
	p1 =	sne.s32 s19, $0x4E00;
	[tilespmem:s18+$0x3400] =	vst v12;
	v5 =	vmul.f32 v5, v10;
	v10 =	vld [tilespmem:s18+$0x3470]  }
0x13f: {  	v12 =	vld [tilespmem:s20+$0x8400];
	[tilespmem:s18+$0x3410] =	vst v11;
	v4 =	vmul.f32 v4, v9  }
0x140: {  	v11 =	vld [tilespmem:s20+$0x8410];
	[tilespmem:s18+$0x3420] =	vst v5;
	v3 =	vmul.f32 v3, v8  }
0x141: {  	v5 =	vld [tilespmem:s20+$0x8420];
	[tilespmem:s18+$0x3430] =	vst v4;
	v2 =	vmul.f32 v2, v6  }
0x142: {  	v4 =	vld [tilespmem:s20+$0x8430];
	[tilespmem:s18+$0x3440] =	vst v3;
	v1 =	vmul.f32 v1, v7  }
0x143: {  	v3 =	vld [tilespmem:s20+$0x8440];
	[tilespmem:s18+$0x3450] =	vst v2;
	v0 =	vmul.f32 v0, v10  }
0x144: {  	v2 =	vld [tilespmem:s20+$0x8450];
	[tilespmem:s18+$0x3460] =	vst v1  }
0x145: {  	v1 =	vld [tilespmem:s20+$0x8460];
	[tilespmem:s18+$0x3470] =	vst v0;
	s18 =	smov.u32 s20  }
0x146: {  	v0 =	vld [tilespmem:s18+$0x8470]  }
0x147: {  	v6 =	vld [tilespmem:s18+$0x3400]  }
0x148: {  	v7 =	vld [tilespmem:s18+$0x3410]  }
.Ltmp2:
0x149: {  	v10 =	vld [tilespmem:s18+$0x3420];
	(pc) =	sbr.rel @p1 .LBB2_7-.Ltmp2, $4  }
0x14a: {  	v9 =	vld [tilespmem:s18+$0x3430]  }
0x14b: {  	v8 =	vld [tilespmem:s18+$0x3440]  }
0x14c: {  	v12 =	vmul.f32 v12, v6;
	v6 =	vld [tilespmem:s18+$0x3450]  }
0x14d: {  	s19 =	sadd.s32 $0x200, s19;
	v11 =	vmul.f32 v11, v7;
	v7 =	vld [tilespmem:s18+$0x3460]  }
0x14e: {  	[tilespmem:s18+$0x3400] =	vst v12;
	v5 =	vmul.f32 v5, v10;
	v10 =	vld [tilespmem:s18+$0x3470]  }
0x14f: {  	[tilespmem:s18+$0x3410] =	vst v11;
	v4 =	vmul.f32 v4, v9  }
0x150: {  	[tilespmem:s18+$0x3420] =	vst v5;
	v3 =	vmul.f32 v3, v8  }
0x151: {  	[tilespmem:s18+$0x3430] =	vst v4;
	v2 =	vmul.f32 v2, v6  }
0x152: {  	[tilespmem:s18+$0x3440] =	vst v3;
	v1 =	vmul.f32 v1, v7  }
0x153: {  	[tilespmem:s18+$0x3450] =	vst v2;
	v0 =	vmul.f32 v0, v10  }
0x154: {  	[tilespmem:s18+$0x3460] =	vst v1  }
0x155: {  	s19 =	simm.s32 $0xB00;
	[tilespmem:s18+$0x3470] =	vst v0  }
0x156: {  	[spmem:s3] =	stream.indirect.scatter.add.f32 [tilespmem:s15], [sflag:$0x7], $0x80, s19, s31, $0xb8;
	[tilespmem:$0x1E480] =	vst v63  }
0x157: {  	_ =	swait.ge [sflag:s16], $0x1400  }
0x158: {  	[sflag:s16] =	ssyncset.done $0x0;
	s20 =	rddreg [dreg:$0x10]  }
0x159: {  	[sflag:s16] =	ssyncadd.s32 $0xFFFFEC00;
	s18 =	sadd.s32 s1, s20  }
0x15a: {  	_ =	swait.ge [sflag:s16], $0x1400;
	s18 =	sshll.u32 s18, $0x6  }
0x15b: {  	[sflag:s16] =	ssyncset.done $0x0;
	s18 =	sand.u32 $0x1FFFFFC0, s18  }
0x15c: {  	s19 =	simm.s32 $0x0;
	[sflag:s16] =	ssyncadd.s32 $0xFFFFEC00;
	s18 =	sadd.s32 s5, s18  }
0x15d: {  	[tilespmem:s29], [sflag:$0xC] =	stream.linear.gather [hbm4b:s18+s19], $0x180, $0x38;
	[tilespmem:$0x1E480] =	vst v63  }
0x15e: {  	s18 =	simm.s32 $0x0  }
0x15f: {  	v7 =	vld [tilespmem:s18+$0x9800]  }
0x160: {  	v11 =	vld [tilespmem:s18+$0x9810]  }
0x161: {  	v5 =	vld [tilespmem:s18+$0x9820]  }
0x162: {  	v4 =	vld [tilespmem:s18+$0x9830]  }
0x163: {  	v3 =	vld [tilespmem:s18+$0x9840]  }
0x164: {  	v2 =	vld [tilespmem:s18+$0x9850]  }
0x165: {  	v1 =	vld [tilespmem:s18+$0x9860]  }
0x166: {  	v0 =	vld [tilespmem:s18+$0x9870]  }
0x167: {  	v12 =	vld [tilespmem:s18+$0x4800]  }
0x168: {  	v13 =	vld [tilespmem:s18+$0x4810]  }
0x169: {  	v10 =	vld [tilespmem:s18+$0x4820]  }
0x16a: {  	v9 =	vld [tilespmem:s18+$0x4830]  }
0x16b: {  	v8 =	vld [tilespmem:s18+$0x4840]  }
0x16c: {  	v6 =	vld [tilespmem:s18+$0x4850];
	v12 =	vmul.f32 v7, v12  }
0x16d: {  	s19 =	simm.s32 $0x200;
	v11 =	vmul.f32 v11, v13;
	v7 =	vld [tilespmem:s18+$0x4860]  }
.LBB2_9:
0x16e: {  	s20 =	sshra.s32 s19, $0x2;
	p1 =	sne.s32 s19, $0x4E00;
	[tilespmem:s18+$0x4800] =	vst v12;
	v5 =	vmul.f32 v5, v10;
	v10 =	vld [tilespmem:s18+$0x4870]  }
0x16f: {  	v12 =	vld [tilespmem:s20+$0x9800];
	[tilespmem:s18+$0x4810] =	vst v11;
	v4 =	vmul.f32 v4, v9  }
0x170: {  	v11 =	vld [tilespmem:s20+$0x9810];
	[tilespmem:s18+$0x4820] =	vst v5;
	v3 =	vmul.f32 v3, v8  }
0x171: {  	v5 =	vld [tilespmem:s20+$0x9820];
	[tilespmem:s18+$0x4830] =	vst v4;
	v2 =	vmul.f32 v2, v6  }
0x172: {  	v4 =	vld [tilespmem:s20+$0x9830];
	[tilespmem:s18+$0x4840] =	vst v3;
	v1 =	vmul.f32 v1, v7  }
0x173: {  	v3 =	vld [tilespmem:s20+$0x9840];
	[tilespmem:s18+$0x4850] =	vst v2;
	v0 =	vmul.f32 v0, v10  }
0x174: {  	v2 =	vld [tilespmem:s20+$0x9850];
	[tilespmem:s18+$0x4860] =	vst v1  }
0x175: {  	v1 =	vld [tilespmem:s20+$0x9860];
	[tilespmem:s18+$0x4870] =	vst v0;
	s18 =	smov.u32 s20  }
0x176: {  	v0 =	vld [tilespmem:s18+$0x9870]  }
0x177: {  	v6 =	vld [tilespmem:s18+$0x4800]  }
0x178: {  	v7 =	vld [tilespmem:s18+$0x4810]  }
.Ltmp3:
0x179: {  	v10 =	vld [tilespmem:s18+$0x4820];
	(pc) =	sbr.rel @p1 .LBB2_9-.Ltmp3, $4  }
0x17a: {  	v9 =	vld [tilespmem:s18+$0x4830]  }
0x17b: {  	v8 =	vld [tilespmem:s18+$0x4840]  }
0x17c: {  	v12 =	vmul.f32 v12, v6;
	v6 =	vld [tilespmem:s18+$0x4850]  }
0x17d: {  	s19 =	sadd.s32 $0x200, s19;
	v11 =	vmul.f32 v11, v7;
	v7 =	vld [tilespmem:s18+$0x4860]  }
0x17e: {  	[tilespmem:s18+$0x4800] =	vst v12;
	v5 =	vmul.f32 v5, v10;
	v10 =	vld [tilespmem:s18+$0x4870]  }
0x17f: {  	[tilespmem:s18+$0x4810] =	vst v11;
	v4 =	vmul.f32 v4, v9  }
0x180: {  	[tilespmem:s18+$0x4820] =	vst v5;
	v3 =	vmul.f32 v3, v8  }
0x181: {  	[tilespmem:s18+$0x4830] =	vst v4;
	v2 =	vmul.f32 v2, v6  }
0x182: {  	[tilespmem:s18+$0x4840] =	vst v3;
	v1 =	vmul.f32 v1, v7  }
0x183: {  	[tilespmem:s18+$0x4850] =	vst v2;
	v0 =	vmul.f32 v0, v10  }
0x184: {  	[tilespmem:s18+$0x4860] =	vst v1  }
0x185: {  	s19 =	simm.s32 $0xB80;
	[tilespmem:s18+$0x4870] =	vst v0  }
0x186: {  	[spmem:s3] =	stream.indirect.scatter.add.f32 [tilespmem:s23], [sflag:$0x8], $0x80, s19, s31, $0xb8;
	[tilespmem:$0x1E480] =	vst v63  }
0x187: {  	_ =	swait.ge [sflag:s14], $0x180  }
0x188: {  	[sflag:s14] =	ssyncset.done $0x0  }
0x189: {  	[sflag:s14] =	ssyncadd.s32 $0xFFFFFE80  }
0x18a: {  	_ =	swait.ge [sflag:s17], $0x1400  }
0x18b: {  	[sflag:s17] =	ssyncset.done $0x0  }
0x18c: {  	[sflag:s17] =	ssyncadd.s32 $0xFFFFEC00  }
0x18d: {  	v0 =	vld [tilespmem:$0x500];
	_ =	sdelay $0x2  }
0x18e: {  	v1 =	vld [tilespmem:$0x510]  }
0x18f: {  	v2 =	vld [tilespmem:$0x518]  }
0x190: {  	v0 =	vmul.f32 $1.638400020e+03, v0;
	_ =	sdelay $0x1  }
0x191: {  	v0 =	vadd.f32 $5.000000000e-01, v0  }
0x192: {  	v1 =	vmul.f32 $1.638400020e+03, v1  }
0x193: {  	v2 =	vmul.f32 $1.638400020e+03, v2;
	v0 =	vtrunc.f32 v0  }
0x194: {  	v3 =	vld [tilespmem:$0x480];
	v1 =	vadd.f32 $5.000000000e-01, v1;
	v0 =	vcvt.f32.s32 v0  }
0x195: {  	v4 =	vld [tilespmem:$0x490];
	v2 =	vadd.f32 $5.000000000e-01, v2  }
0x196: {  	v1 =	vtrunc.f32 v1;
	vm0 =	vlt.s32 v0, $0x2007  }
0x197: {  	v2 =	vtrunc.f32 v2;
	v1 =	vcvt.f32.s32 v1;
	v0 =	vnsel vm0, $0x2007, v0  }
0x198: {  	[tilespmem:$0x900] =	vst v0;
	v0 =	vcvt.f32.s32 v2;
	v2 =	vld [tilespmem:$0x498]  }
0x199: {  	[tilespmem:$0xB00] =	vst v3;
	vm11 =	vlt.s32 v1, $0x2007  }
0x19a: {  	[tilespmem:$0xB10] =	vst v4;
	v1 =	vnsel vm11, $0x2007, v1;
	vm12 =	vlt.s32 v0, $0x2007  }
0x19b: {  	[tilespmem:$0x910] =	vst v1;
	v0 =	vnsel vm12, $0x2007, v0  }
0x19c: {  	[tilespmem:$0x918] =	vst v0  }
0x19d: {  	[tilespmem:$0xB18] =	vst v2  }
0x19e: {  	[tilespmem:s15], [sflag:$0x3] =	stream.indirect.gather [hbm4b:s2+s31], $0x80, s28, s31, $0xb8;
	[tilespmem:$0x1E480] =	vst v63  }
0x19f: {  	s20 =	simm.s32 $0x900;
	s19 =	simm.s32 $0x8400  }
0x1a0: {  	[tilespmem:s19], [sflag:$0x3] =	stream.indirect.gather [hbm4b:s6+s31], $0x80, s20, s31, $0xb8;
	[tilespmem:$0x1E480] =	vst v63  }
0x1a1: {  	_ =	swait.ge [sflag:s22], $0x180  }
0x1a2: {  	[sflag:s22] =	ssyncset.done $0x0  }
0x1a3: {  	[sflag:s22] =	ssyncadd.s32 $0xFFFFFE80  }
0x1a4: {  	_ =	swait.ge [sflag:s24], $0x1400  }
0x1a5: {  	[sflag:s24] =	ssyncset.done $0x0  }
0x1a6: {  	[sflag:s24] =	ssyncadd.s32 $0xFFFFEC00  }
0x1a7: {  	v0 =	vld [tilespmem:$0x700];
	_ =	sdelay $0x2  }
0x1a8: {  	v1 =	vld [tilespmem:$0x710]  }
0x1a9: {  	v2 =	vld [tilespmem:$0x718]  }
0x1aa: {  	v0 =	vmul.f32 $1.638400020e+03, v0;
	_ =	sdelay $0x1  }
0x1ab: {  	v0 =	vadd.f32 $5.000000000e-01, v0  }
0x1ac: {  	v1 =	vmul.f32 $1.638400020e+03, v1  }
0x1ad: {  	v2 =	vmul.f32 $1.638400020e+03, v2;
	v0 =	vtrunc.f32 v0  }
0x1ae: {  	v3 =	vld [tilespmem:$0x680];
	v1 =	vadd.f32 $5.000000000e-01, v1;
	v0 =	vcvt.f32.s32 v0  }
0x1af: {  	v4 =	vld [tilespmem:$0x690];
	v2 =	vadd.f32 $5.000000000e-01, v2  }
0x1b0: {  	v1 =	vtrunc.f32 v1;
	vm13 =	vlt.s32 v0, $0x2007  }
0x1b1: {  	v2 =	vtrunc.f32 v2;
	v1 =	vcvt.f32.s32 v1;
	v0 =	vnsel vm13, $0x2007, v0  }
0x1b2: {  	[tilespmem:$0x980] =	vst v0;
	v0 =	vcvt.f32.s32 v2;
	v2 =	vld [tilespmem:$0x698]  }
0x1b3: {  	[tilespmem:$0xB80] =	vst v3;
	vm14 =	vlt.s32 v1, $0x2007  }
0x1b4: {  	[tilespmem:$0xB90] =	vst v4;
	v1 =	vnsel vm14, $0x2007, v1;
	vm15 =	vlt.s32 v0, $0x2007  }
0x1b5: {  	[tilespmem:$0x990] =	vst v1;
	v0 =	vnsel vm15, $0x2007, v0  }
0x1b6: {  	[tilespmem:$0x998] =	vst v0  }
0x1b7: {  	[tilespmem:$0xB98] =	vst v2  }
0x1b8: {  	[tilespmem:s23], [sflag:$0x4] =	stream.indirect.gather [hbm4b:s2+s31], $0x80, s29, s31, $0xb8;
	[tilespmem:$0x1E480] =	vst v63  }
0x1b9: {  	s19 =	simm.s32 $0x980;
	s20 =	simm.s32 $0x9800  }
0x1ba: {  	[tilespmem:s20], [sflag:$0x4] =	stream.indirect.gather [hbm4b:s6+s31], $0x80, s19, s31, $0xb8;
	[tilespmem:$0x1E480] =	vst v63  }
0x1bb: {  	_ =	swait.ge [sflag:s4], $0x1400  }
0x1bc: {  	[sflag:s4] =	ssyncset.done $0x0;
	s19 =	rddreg [dreg:$0x11]  }
0x1bd: {  	[sflag:s4] =	ssyncadd.s32 $0xFFFFEC00;
	s18 =	sadd.s32 s1, s19  }
0x1be: {  	_ =	swait.ge [sflag:s4], $0x1400;
	s18 =	sshll.u32 s18, $0x6  }
0x1bf: {  	[sflag:s4] =	ssyncset.done $0x0;
	s18 =	sand.u32 $0x1FFFFF80, s18  }
0x1c0: {  	s20 =	simm.s32 $0x0;
	[sflag:s4] =	ssyncadd.s32 $0xFFFFEC00;
	s18 =	sadd.s32 s5, s18  }
0x1c1: {  	[tilespmem:s20], [sflag:$0x9] =	stream.linear.gather [hbm4b:s18+s20], $0x180, $0x38;
	[tilespmem:$0x1E480] =	vst v63  }
0x1c2: {  	s18 =	simm.s32 $0x0  }
0x1c3: {  	v7 =	vld [tilespmem:s18+$0x5C00]  }
0x1c4: {  	v11 =	vld [tilespmem:s18+$0x5C10]  }
0x1c5: {  	v5 =	vld [tilespmem:s18+$0x5C20]  }
0x1c6: {  	v4 =	vld [tilespmem:s18+$0x5C30]  }
0x1c7: {  	v3 =	vld [tilespmem:s18+$0x5C40]  }
0x1c8: {  	v2 =	vld [tilespmem:s18+$0x5C50]  }
0x1c9: {  	v1 =	vld [tilespmem:s18+$0x5C60]  }
0x1ca: {  	v0 =	vld [tilespmem:s18+$0x5C70]  }
0x1cb: {  	v12 =	vld [tilespmem:s18+$0xC00]  }
0x1cc: {  	v13 =	vld [tilespmem:s18+$0xC10]  }
0x1cd: {  	v10 =	vld [tilespmem:s18+$0xC20]  }
0x1ce: {  	v9 =	vld [tilespmem:s18+$0xC30]  }
0x1cf: {  	v8 =	vld [tilespmem:s18+$0xC40]  }
0x1d0: {  	v6 =	vld [tilespmem:s18+$0xC50];
	v12 =	vmul.f32 v7, v12  }
0x1d1: {  	s19 =	simm.s32 $0x200;
	v11 =	vmul.f32 v11, v13;
	v7 =	vld [tilespmem:s18+$0xC60]  }
.LBB2_11:
0x1d2: {  	s20 =	sshra.s32 s19, $0x2;
	p1 =	sne.s32 s19, $0x4E00;
	[tilespmem:s18+$0xC00] =	vst v12;
	v5 =	vmul.f32 v5, v10;
	v10 =	vld [tilespmem:s18+$0xC70]  }
0x1d3: {  	v12 =	vld [tilespmem:s20+$0x5C00];
	[tilespmem:s18+$0xC10] =	vst v11;
	v4 =	vmul.f32 v4, v9  }
0x1d4: {  	v11 =	vld [tilespmem:s20+$0x5C10];
	[tilespmem:s18+$0xC20] =	vst v5;
	v3 =	vmul.f32 v3, v8  }
0x1d5: {  	v5 =	vld [tilespmem:s20+$0x5C20];
	[tilespmem:s18+$0xC30] =	vst v4;
	v2 =	vmul.f32 v2, v6  }
0x1d6: {  	v4 =	vld [tilespmem:s20+$0x5C30];
	[tilespmem:s18+$0xC40] =	vst v3;
	v1 =	vmul.f32 v1, v7  }
0x1d7: {  	v3 =	vld [tilespmem:s20+$0x5C40];
	[tilespmem:s18+$0xC50] =	vst v2;
	v0 =	vmul.f32 v0, v10  }
0x1d8: {  	v2 =	vld [tilespmem:s20+$0x5C50];
	[tilespmem:s18+$0xC60] =	vst v1  }
0x1d9: {  	v1 =	vld [tilespmem:s20+$0x5C60];
	[tilespmem:s18+$0xC70] =	vst v0;
	s18 =	smov.u32 s20  }
0x1da: {  	v0 =	vld [tilespmem:s18+$0x5C70]  }
0x1db: {  	v6 =	vld [tilespmem:s18+$0xC00]  }
0x1dc: {  	v7 =	vld [tilespmem:s18+$0xC10]  }
.Ltmp4:
0x1dd: {  	v10 =	vld [tilespmem:s18+$0xC20];
	(pc) =	sbr.rel @p1 .LBB2_11-.Ltmp4, $4  }
0x1de: {  	v9 =	vld [tilespmem:s18+$0xC30]  }
0x1df: {  	v8 =	vld [tilespmem:s18+$0xC40]  }
0x1e0: {  	v12 =	vmul.f32 v12, v6;
	v6 =	vld [tilespmem:s18+$0xC50]  }
0x1e1: {  	s19 =	sadd.s32 $0x200, s19;
	v11 =	vmul.f32 v11, v7;
	v7 =	vld [tilespmem:s18+$0xC60]  }
0x1e2: {  	[tilespmem:s18+$0xC00] =	vst v12;
	v5 =	vmul.f32 v5, v10;
	v10 =	vld [tilespmem:s18+$0xC70]  }
0x1e3: {  	[tilespmem:s18+$0xC10] =	vst v11;
	v4 =	vmul.f32 v4, v9  }
0x1e4: {  	[tilespmem:s18+$0xC20] =	vst v5;
	v3 =	vmul.f32 v3, v8  }
0x1e5: {  	[tilespmem:s18+$0xC30] =	vst v4;
	v2 =	vmul.f32 v2, v6  }
0x1e6: {  	[tilespmem:s18+$0xC40] =	vst v3;
	v1 =	vmul.f32 v1, v7  }
0x1e7: {  	[tilespmem:s18+$0xC50] =	vst v2;
	v0 =	vmul.f32 v0, v10  }
0x1e8: {  	[tilespmem:s18+$0xC60] =	vst v1  }
0x1e9: {  	s19 =	simm.s32 $0xA00;
	[tilespmem:s18+$0xC70] =	vst v0  }
0x1ea: {  	[spmem:s3] =	stream.indirect.scatter.add.f32 [tilespmem:s0], [sflag:$0x5], $0x80, s19, s31, $0xb8;
	[tilespmem:$0x1E480] =	vst v63  }
0x1eb: {  	_ =	swait.ge [sflag:s9], $0x1400  }
0x1ec: {  	[sflag:s9] =	ssyncset.done $0x0  }
0x1ed: {  	s1 =	sadd.s32 s1, s21;
	[sflag:s9] =	ssyncadd.s32 $0xFFFFEC00  }
0x1ee: {  	s1 =	sshll.u32 s1, $0x6;
	_ =	swait.ge [sflag:s9], $0x1400  }
0x1ef: {  	s1 =	sand.u32 $0x1FFFFFC0, s1;
	[sflag:s9] =	ssyncset.done $0x0  }
0x1f0: {  	s20 =	simm.s32 $0x0;
	s1 =	sadd.s32 s5, s1;
	[sflag:s9] =	ssyncadd.s32 $0xFFFFEC00  }
0x1f1: {  	[tilespmem:s26], [sflag:$0xA] =	stream.linear.gather [hbm4b:s1+s20], $0x180, $0x38;
	[tilespmem:$0x1E480] =	vst v63  }
0x1f2: {  	s1 =	simm.s32 $0x0  }
0x1f3: {  	v7 =	vld [tilespmem:s1+$0x7000]  }
0x1f4: {  	v11 =	vld [tilespmem:s1+$0x7010]  }
0x1f5: {  	v5 =	vld [tilespmem:s1+$0x7020]  }
0x1f6: {  	v4 =	vld [tilespmem:s1+$0x7030]  }
0x1f7: {  	v3 =	vld [tilespmem:s1+$0x7040]  }
0x1f8: {  	v2 =	vld [tilespmem:s1+$0x7050]  }
0x1f9: {  	v1 =	vld [tilespmem:s1+$0x7060]  }
0x1fa: {  	v0 =	vld [tilespmem:s1+$0x7070]  }
0x1fb: {  	v12 =	vld [tilespmem:s1+$0x2000]  }
0x1fc: {  	v13 =	vld [tilespmem:s1+$0x2010]  }
0x1fd: {  	v10 =	vld [tilespmem:s1+$0x2020]  }
0x1fe: {  	v9 =	vld [tilespmem:s1+$0x2030]  }
0x1ff: {  	v8 =	vld [tilespmem:s1+$0x2040]  }
0x200: {  	v6 =	vld [tilespmem:s1+$0x2050];
	v12 =	vmul.f32 v7, v12  }
0x201: {  	s18 =	simm.s32 $0x200;
	v11 =	vmul.f32 v11, v13;
	v7 =	vld [tilespmem:s1+$0x2060]  }
.LBB2_13:
0x202: {  	s19 =	sshra.s32 s18, $0x2;
	p1 =	sne.s32 s18, $0x4E00;
	[tilespmem:s1+$0x2000] =	vst v12;
	v5 =	vmul.f32 v5, v10;
	v10 =	vld [tilespmem:s1+$0x2070]  }
0x203: {  	v12 =	vld [tilespmem:s19+$0x7000];
	[tilespmem:s1+$0x2010] =	vst v11;
	v4 =	vmul.f32 v4, v9  }
0x204: {  	v11 =	vld [tilespmem:s19+$0x7010];
	[tilespmem:s1+$0x2020] =	vst v5;
	v3 =	vmul.f32 v3, v8  }
0x205: {  	v5 =	vld [tilespmem:s19+$0x7020];
	[tilespmem:s1+$0x2030] =	vst v4;
	v2 =	vmul.f32 v2, v6  }
0x206: {  	v4 =	vld [tilespmem:s19+$0x7030];
	[tilespmem:s1+$0x2040] =	vst v3;
	v1 =	vmul.f32 v1, v7  }
0x207: {  	v3 =	vld [tilespmem:s19+$0x7040];
	[tilespmem:s1+$0x2050] =	vst v2;
	v0 =	vmul.f32 v0, v10  }
0x208: {  	v2 =	vld [tilespmem:s19+$0x7050];
	[tilespmem:s1+$0x2060] =	vst v1  }
0x209: {  	v1 =	vld [tilespmem:s19+$0x7060];
	[tilespmem:s1+$0x2070] =	vst v0;
	s1 =	smov.u32 s19  }
0x20a: {  	v0 =	vld [tilespmem:s1+$0x7070]  }
0x20b: {  	v6 =	vld [tilespmem:s1+$0x2000]  }
0x20c: {  	v7 =	vld [tilespmem:s1+$0x2010]  }
.Ltmp5:
0x20d: {  	v10 =	vld [tilespmem:s1+$0x2020];
	(pc) =	sbr.rel @p1 .LBB2_13-.Ltmp5, $4  }
0x20e: {  	v9 =	vld [tilespmem:s1+$0x2030]  }
0x20f: {  	v8 =	vld [tilespmem:s1+$0x2040]  }
0x210: {  	v12 =	vmul.f32 v12, v6;
	v6 =	vld [tilespmem:s1+$0x2050]  }
0x211: {  	s18 =	sadd.s32 $0x200, s18;
	v11 =	vmul.f32 v11, v7;
	v7 =	vld [tilespmem:s1+$0x2060]  }
0x212: {  	[tilespmem:s1+$0x2000] =	vst v12;
	v5 =	vmul.f32 v5, v10;
	v63 =	vld [tilespmem:s1+$0x2070]  }
0x213: {  	[tilespmem:s1+$0x2010] =	vst v11;
	v4 =	vmul.f32 v4, v9  }
0x214: {  	s25 =	sadd.s32 $0x1, s25;
	[tilespmem:s1+$0x2020] =	vst v5;
	v3 =	vmul.f32 v3, v8  }
0x215: {  	p1 =	sne.s32 s25, $0x3E;
	[tilespmem:s1+$0x2030] =	vst v4;
	v2 =	vmul.f32 v2, v6  }
.Ltmp6:
0x216: {  	[tilespmem:s1+$0x2040] =	vst v3;
	v1 =	vmul.f32 v1, v7;
	(pc) =	sbr.rel @p1 .LBB2_6-.Ltmp6, $4  }
0x217: {  	[tilespmem:s1+$0x2050] =	vst v2;
	v0 =	vmul.f32 v0, v63  }
0x218: {  	[tilespmem:s1+$0x2060] =	vst v1  }
0x219: {  	s20 =	simm.s32 $0xA80;
	[tilespmem:s1+$0x2070] =	vst v0  }
0x21a: {  	[spmem:s3] =	stream.indirect.scatter.add.f32 [tilespmem:s10], [sflag:$0x6], $0x80, s20, s31, $0xb8;
	[tilespmem:$0x1E480] =	vst v63  }
0x21b: {  	_ =	swait.ge [sflag:s13], $0x1400  }
0x21c: {  	[sflag:s13] =	ssyncset.done $0x0  }
0x21d: {  	[sflag:s13] =	ssyncadd.s32 $0xFFFFEC00  }
0x21e: {  	_ =	swait.ge [sflag:s13], $0x1400  }
0x21f: {  	[sflag:s13] =	ssyncset.done $0x0  }
0x220: {  	[sflag:s13] =	ssyncadd.s32 $0xFFFFEC00  }
0x221: {  	_ =	swait.ge [sflag:s16], $0x1400  }
0x222: {  	[sflag:s16] =	ssyncset.done $0x0  }
0x223: {  	[sflag:s16] =	ssyncadd.s32 $0xFFFFEC00  }
0x224: {  	_ =	swait.ge [sflag:s16], $0x1400  }
0x225: {  	[sflag:s16] =	ssyncset.done $0x0  }
0x226: {  	[sflag:s16] =	ssyncadd.s32 $0xFFFFEC00  }
0x227: {  	_ =	swait.ge [sflag:s30], $0x180  }
0x228: {  	[sflag:s30] =	ssyncset.done $0x0  }
0x229: {  	[sflag:s30] =	ssyncadd.s32 $0xFFFFFE80  }
0x22a: {  	_ =	swait.ge [sflag:s8], $0x180  }
0x22b: {  	[sflag:s8] =	ssyncset.done $0x0  }
0x22c: {  	[sflag:s8] =	ssyncadd.s32 $0xFFFFFE80  }
0x22d: {  	_ =	swait.ge [sflag:s7], $0x1400  }
0x22e: {  	[sflag:s7] =	ssyncset.done $0x0  }
0x22f: {  	[sflag:s7] =	ssyncadd.s32 $0xFFFFEC00  }
0x230: {  	_ =	swait.ge [sflag:s11], $0x1400  }
0x231: {  	[sflag:s11] =	ssyncset.done $0x0  }
0x232: {  	[sflag:s11] =	ssyncadd.s32 $0xFFFFEC00  }
0x233: {  	[bflag:$0x0] =	sbarrier.arrive $0xFFFF  }
0x234: {  	s18 =	rddreg [dreg:$0x6]  }
0x235: {  	s1 =	rddreg [dreg:$0x12]  }
0x236: {  	s19 =	simm.s32 $0xD;
	s12 =	rddreg [dreg:$0x16]  }
0x237: {  	[hbm:s1], [sflag:s18] =	dma.local [spmem:s12], $0x2700  }
0x238: {  	_ =	swait.ge [sflag:s19], $0x2700  }
0x239: {  	[sflag:s19] =	ssyncset.done $0x0;
	s1 =	rddreg [dreg:$0x13]  }
0x23a: {  	s12 =	rddreg [dreg:$0x17];
	[sflag:s19] =	ssyncadd.s32 $0xFFFFD900  }
0x23b: {  	[hbm:s1], [sflag:s18] =	dma.local @!p0 [spmem:s12], $0x100  }
0x23c: {  	s1 =	simm.s32 @!p0 $0xD  }
0x23d: {  	_ =	swait.ge @!p0 [sflag:s1], $0x100  }
0x23e: {  	s20 =	rddreg [dreg:$0x15]  }
0x23f: {  	s25 =	rddreg [dreg:$0x14];
	s20 =	sadd.s32 $0x1, s20  }
0x240: {  	p1 =	sne.s32 s20, s25  }
.Ltmp7:
0x241: {  	_ = 	snop;
	(pc) =	sbr.rel @p1 .LBB2_1-.Ltmp7, $3  }
0x242: {  	_ =	sdelay $0x1  }
0x243: {  	[sflag:s1] =	ssyncset.done @!p0 $0x0  }
0x244: {  	[sflag:s1] =	ssyncadd.s32 @!p0 $0xFFFFFF00  }
0x245: {  	_ =	sfence.sel $0x180000  }
0x246: {  	[bflag:$0x0] =	sbarrier.arrive $0xFFFF  }
0x247: {  	_ =	strace $0x90000047  }
0x248: {  	s0 =	stileid.u32;
	[bflag:$0x2] =	sbarrier.arrive $0xFFFF  }
0x249: {  	p0 =	sne.s32 s0, $0x0;
	s0 =	rddreg [dreg:$0x3]  }
0x24a: {  	s0 =	sadd.s32 @!p0 $0x100000, s0  }
0x24b: {  	[sflag:s0] =	ssyncadd.tile.s32 @!p0 $0x1;
	_ =	shalt  }
.Lfunc_end2:
_tile_overlayer_lowered:
.L_overlay_start_2:
0x24c: {  	(tag) =	ssettag $0x2  }
0x24d: {  	s0 =	rddreg [dreg:$0x0];
	s2 =	stileid.u32  }
0x24e: {  	s1 =	rddreg [dreg:$0x1];
	p0 =	sne.s32 s2, $0x0  }
0x24f: {  	s3 =	rddreg [dreg:$0x2];
	[bflag:$0x3] =	sbarrier.arrive $0xFFFF;
	s2 =	simm.s32 @!p0 $0x1C0D  }
0x250: {  	[timem:s3], [sflag:s2] =	dma.local @!p0 [hbm:s0], s1  }
0x251: {  	s0 =	simm.s32 @!p0 $0xD  }
0x252: {  	_ =	swait.ge @!p0 [sflag:s0], s1  }
0x253: {  	s1 =	ssub.s32 @!p0 $0x0, s1;
	[sflag:s0] =	ssyncset.done @!p0 $0x0  }
0x254: {  	[sflag:s0] =	ssyncadd.s32 @!p0 s1  }
0x255: {  	[bflag:$0x3] =	sbarrier.arrive $0xFFFF  }
0x256: {  	_ =	shalt  }

</sc_bundles>
